<compile_context>
chip_gen: v7x
topology: tpu7x:2x2x1
jax: 0.10.2.dev20260603
libtpu: 0.0.44.dev20260713+nightly
codegen_flags: <defaults>
</compile_context>

<pallas_src>
import functools

import jax
import jax.numpy as jnp
from jax import lax
from jax.experimental import pallas as pl
from jax.experimental.pallas import tpu as pltpu
from jax.experimental.pallas import tpu_sc as plsc

NB_CLASS = 100000
DIM = 128
BATCH = 16384
LOSS_WEIGHT = 0.01
ALPHA = 0.05
EPS = 1e-6

NC = 2
NS = 16
NW = NC * NS
BW = BATCH // NW
BS = BATCH // NS
HALF = BATCH // 2
ROWS_PER_TILE = NB_CLASS // NS

_mesh = plsc.VectorSubcoreMesh(core_axis_name="c", subcore_axis_name="s")
_f32 = jnp.float32
_i32 = jnp.int32


@functools.partial(
    pl.kernel,
    mesh=_mesh,
    out_type=(
        jax.ShapeDtypeStruct((BATCH, DIM), _f32),
        jax.ShapeDtypeStruct((128, 128), _i32),
        jax.ShapeDtypeStruct((128, 128), _f32),
    ),
    scratch_types=[
        pltpu.VMEM((4, 128), _i32),
        pltpu.VMEM((BW, DIM), _f32),
        pltpu.VMEM((8, 128), _i32),
        pltpu.VMEM((8, 128), _i32),
        pltpu.VMEM((128,), _f32),
        pltpu.VMEM((128,), _f32),
        pltpu.VMEM((8, 128), _f32),
        pltpu.VMEM_SHARED((NB_CLASS,), _i32),
        pltpu.VMEM_SHARED((NB_CLASS,), _f32),
        pltpu.SemaphoreType.DMA,
        pltpu.SemaphoreType.DMA,
    ],
)
def _k1(centers_hbm, y_hbm, sids_hbm, ones_hbm, zeros_hbm,
        cb_hbm, slots_hbm, appear_hbm,
        yg_v, rows_v, ys_v, sid_v, ones_v, zeros_v, app_v, f_sh, cnt_sh,
        sem_g, sem_p):
    c = lax.axis_index("c")
    s = lax.axis_index("s")
    wid = s * NC + c
    gbase = wid * BW
    sbase = s * BS

    for j in range(4):
        pltpu.sync_copy(y_hbm.at[pl.ds(gbase + j * 128, 128)], yg_v.at[j])
    gds = [pltpu.async_copy(centers_hbm.at[yg_v.at[j]],
                            rows_v.at[pl.ds(j * 128, 128)], sem_g)
           for j in range(4)]
    for j in range(8):
        pltpu.sync_copy(y_hbm.at[pl.ds(sbase + j * 128, 128)], ys_v.at[j])

    @pl.when(c == 0)
    def _():
        for j in range(8):
            pltpu.sync_copy(sids_hbm.at[pl.ds(sbase + j * 128, 128)], sid_v.at[j])
        ds_ = [pltpu.async_copy(sid_v.at[j], f_sh.at[ys_v.at[j]], sem_p)
               for j in range(8)]
        for d in ds_:
            d.wait()

    @pl.when(c == 1)
    def _():
        pltpu.sync_copy(ones_hbm, ones_v)
        pltpu.sync_copy(zeros_hbm, zeros_v)
        ds_ = [pltpu.async_copy(zeros_v, cnt_sh.at[ys_v.at[j]], sem_p)
               for j in range(8)]
        for d in ds_:
            d.wait()

    plsc.subcore_barrier()

    @pl.when(c == 1)
    def _():
        ds_ = [pltpu.async_copy(ones_v, cnt_sh.at[ys_v.at[j]], sem_p, add=True)
               for j in range(8)]
        for d in ds_:
            d.wait()

    plsc.subcore_barrier()

    @pl.when(c == 0)
    def _():
        ds_ = [pltpu.async_copy(f_sh.at[ys_v.at[j]], sid_v.at[j], sem_p)
               for j in range(8)]
        for d in ds_:
            d.wait()
        pltpu.sync_copy(sid_v, slots_hbm.at[pl.ds(s * 8, 8)])

    @pl.when(c == 1)
    def _():
        ds_ = [pltpu.async_copy(cnt_sh.at[ys_v.at[j]], app_v.at[j], sem_p)
               for j in range(8)]
        for d in ds_:
            d.wait()
        pltpu.sync_copy(app_v, appear_hbm.at[pl.ds(s * 8, 8)])

    for d in gds:
        d.wait()
    pltpu.sync_copy(rows_v, cb_hbm.at[pl.ds(gbase, BW)])


_NBLK = 8
_BB = BATCH // _NBLK


def _k2_body(x_ref, cb_ref, ap_ref, u_ref, loss_ref):
    i = pl.program_id(0)
    d = x_ref[...] - cb_ref[...]
    u_ref[...] = ALPHA * d / (ap_ref[...] + EPS)
    part = jnp.sum(d * d)

    @pl.when(i == 0)
    def _():
        loss_ref[0, 0] = 0.0

    loss_ref[0, 0] += part * (LOSS_WEIGHT / (BATCH * DIM))


_k2 = pl.pallas_call(
    _k2_body,
    grid=(_NBLK,),
    in_specs=[
        pl.BlockSpec((_BB, DIM), lambda i: (i, 0)),
        pl.BlockSpec((_BB, DIM), lambda i: (i, 0)),
        pl.BlockSpec((_BB, 1), lambda i: (i, 0)),
    ],
    out_specs=[
        pl.BlockSpec((_BB, DIM), lambda i: (i, 0)),
        pl.BlockSpec((1, 1), lambda i: (0, 0), memory_space=pltpu.SMEM),
    ],
    out_shape=[
        jax.ShapeDtypeStruct((BATCH, DIM), _f32),
        jax.ShapeDtypeStruct((1, 1), _f32),
    ],
)


@functools.partial(
    pl.kernel,
    mesh=_mesh,
    out_type=jax.ShapeDtypeStruct((BATCH, DIM), _f32),
    scratch_types=[
        pltpu.VMEM((8, 128), _i32),
        pltpu.VMEM((8, 128), _i32),
        pltpu.VMEM((128, DIM), _f32),
        pltpu.VMEM((2, 128, DIM), _f32),
        pltpu.VMEM_SHARED((HALF + 128, DIM), _f32),
        pltpu.SemaphoreType.DMA,
        pltpu.SemaphoreType.DMA,
        pltpu.SemaphoreType.DMA,
    ],
)
def _k3(u_hbm, slots_hbm, zrows_hbm, a_hbm,
        sl_v, li_v, z_v, u2_v, a_sh, sem_z, sem_u, sem_a):
    c = lax.axis_index("c")
    s = lax.axis_index("s")
    sbase = s * BS
    lo = c * HALF

    zd = pltpu.async_copy(zrows_hbm, z_v, sem_z)
    for j in range(8):
        pltpu.sync_copy(slots_hbm.at[pl.ds(sbase + j * 128, 128)], sl_v.at[j])

    dummy = HALF + lax.iota(_i32, 16) * 8
    @pl.loop(0, 8)
    def _(j):
        @pl.loop(0, 8)
        def _(k):
            sl = sl_v[j, pl.ds(k * 16, 16)]
            l = sl - lo
            ok = (l >= 0) & (l < HALF)
            li_v[j, pl.ds(k * 16, 16)] = jnp.where(ok, l, dummy)

    zd.wait()
    uds = [pltpu.async_copy(u_hbm.at[pl.ds(sbase + j * 128, 128)],
                            u2_v.at[j % 2], sem_u) for j in range(2)]
    zds = [pltpu.async_copy(z_v, a_sh.at[pl.ds(s * 512 + j * 128, 128)], sem_z)
           for j in range(4)]
    for d in zds:
        d.wait()
    plsc.subcore_barrier()

    ads = []
    for j in range(8):
        uds[j].wait()
        ads.append(pltpu.async_copy(u2_v.at[j % 2], a_sh.at[li_v.at[j]],
                                    sem_a, add=True))
        if j + 2 < 8:
            ads[j].wait()
            uds.append(pltpu.async_copy(
                u_hbm.at[pl.ds(sbase + (j + 2) * 128, 128)],
                u2_v.at[j % 2], sem_u))
    ads[6].wait()
    ads[7].wait()
    plsc.subcore_barrier()

    pltpu.sync_copy(a_sh.at[pl.ds(s * (HALF // NS), HALF // NS)],
                    a_hbm.at[pl.ds(lo + s * (HALF // NS), HALF // NS)])


_CPROWS = 4000


def _copy_body(src_ref, dst_ref):
    dst_ref[...] = src_ref[...]


_tc_copy = pl.pallas_call(
    _copy_body,
    grid=(NB_CLASS // _CPROWS,),
    in_specs=[pl.BlockSpec((_CPROWS, DIM), lambda i: (i, 0))],
    out_specs=pl.BlockSpec((_CPROWS, DIM), lambda i: (i, 0)),
    out_shape=jax.ShapeDtypeStruct((NB_CLASS, DIM), _f32),
)


def _scatter_rows(newc, cb, a, slots, y):
    def body(refs):
        out_ref, cb_ref, a_ref, slots_ref, y_ref = refs

        @pl.core_map(
            _mesh,
            scratch_shapes=[
                pltpu.VMEM((4, 128), _i32),
                pltpu.VMEM((4, 128), _i32),
                pltpu.VMEM((2, 128, DIM), _f32),
                pltpu.VMEM((2, 128, DIM), _f32),
                pltpu.SemaphoreType.DMA,
                pltpu.SemaphoreType.DMA,
            ],
        )
        def _(sl_v, y_v, cbr_v, ar_v, sem_i, sem_o):
            c = lax.axis_index("c")
            s = lax.axis_index("s")
            base = (s * NC + c) * BW
            for j in range(4):
                pltpu.sync_copy(slots_ref.at[pl.ds(base + j * 128, 128)], sl_v.at[j])
                pltpu.sync_copy(y_ref.at[pl.ds(base + j * 128, 128)], y_v.at[j])

            def fire(j):
                return (
                    pltpu.async_copy(cb_ref.at[pl.ds(base + j * 128, 128)],
                                     cbr_v.at[j % 2], sem_i),
                    pltpu.async_copy(a_ref.at[sl_v.at[j]], ar_v.at[j % 2], sem_i),
                )

            loads = [fire(0), fire(1)]
            outs = []
            for j in range(4):
                for d in loads[j]:
                    d.wait()

                @pl.loop(0, 128)
                def _(r):
                    for k in range(8):
                        ar_v[j % 2, r, pl.ds(k * 16, 16)] += (
                            cbr_v[j % 2, r, pl.ds(k * 16, 16)])

                outs.append(pltpu.async_copy(ar_v.at[j % 2],
                                             out_ref.at[y_v.at[j]], sem_o))
                if j + 2 < 4:
                    outs[j].wait()
                    loads.append(fire(j + 2))
            outs[2].wait()
            outs[3].wait()

    out, _, _, _, _ = pl.run_state(body)((newc, cb, a, slots, y))
    return out


def kernel(x, y, centers):
    sids = jnp.arange(BATCH, dtype=_i32)
    ones = jnp.ones((128,), _f32)
    zeros = jnp.zeros((128,), _f32)
    zrows = jnp.zeros((128, DIM), _f32)

    newc0 = _tc_copy(centers)
    c_batch, slots2, appear2 = _k1(centers, y, sids, ones, zeros)
    slots = slots2.reshape(BATCH)
    u, loss = _k2(x, c_batch, appear2.reshape(BATCH, 1))
    a = _k3(u, slots, zrows)
    new_centers = _scatter_rows(newc0, c_batch, a, slots, y)
    return (loss[0, 0], new_centers)

# --- scband reference (transcript-rebuilt; emitter-appended) ---
"""Pipeline reference for scband-center-loss2-40965398069571 (READ-ONLY COPY).

The authoritative reference and input builder live on the scoring server;
editing this copy changes nothing except your own understanding.
"""

import jax, jax.numpy as jnp
import numpy as np

NB_CLASS = 100000
DIM = 128
BATCH = 16384
LOSS_WEIGHT = 0.01
ALPHA = 0.05


def setup_inputs(seed: int = 0) -> dict:
    key = jax.random.key(seed)
    k1, k2 = jax.random.split(key)
    x = jax.random.normal(k1, (BATCH, DIM), dtype=jnp.float32)
    y = jax.random.randint(k2, (BATCH,), 0, NB_CLASS, dtype=jnp.int32)
    # registered buffer: centers initialized to zeros, per the torch module
    centers = jnp.zeros((NB_CLASS, DIM), dtype=jnp.float32)
    return {"x": x, "y": y, "centers": centers}


def reference(x, y, centers):
    batch_size = y.shape[0]
    # gather: centers_batch = centers.gather(0, y_expand)
    centers_batch = jnp.take(centers, y, axis=0)
    # MSELoss (mean reduction)
    loss = jnp.mean((x - centers_batch) ** 2)
    diff = centers_batch - x
    # np.unique(return_inverse, return_counts) -> appear_times = counts[inverse]
    counts = jnp.bincount(y, length=NB_CLASS)
    appear_times = counts[y].astype(jnp.float32)
    # diff_cpu = alpha * diff / (appear_times + 1e-6)
    diff_scaled = ALPHA * (diff / (appear_times[:, None] + 1e-6))
    # sequential loop `self.centers[y[i]] -= diff_cpu[i]` accumulates over
    # duplicate labels == scatter-add
    new_centers = centers.at[y].add(-diff_scaled)
    return (LOSS_WEIGHT * loss, new_centers)

if __name__ == "__main__":
    import jax
    _d = setup_inputs()
    print(jax.jit(kernel)(*tuple(_d.values())))

</pallas_src>

<mosaic_0001>
#map = affine_map<(d0, d1) -> (0)>
#map1 = affine_map<(d0, d1) -> (0, 0)>
module attributes {stable_mosaic.version = 14 : i64} {
  func.func @_(%arg0: i32, %arg1: i32, %arg2: memref<16384xi32, #tpu.memory_space<hbm>>, %arg3: memref<16384xi32, #tpu.memory_space<hbm>>, %arg4: memref<16384x128xf32, #tpu.memory_space<hbm>>, %arg5: memref<16384x128xf32, #tpu.memory_space<hbm>>, %arg6: memref<100000x128xf32, #tpu.memory_space<hbm>>, %arg7: memref<100000x128xf32, #tpu.memory_space<hbm>>, %arg8: memref<4x128xi32, #tpu.memory_space<vmem>>, %arg9: memref<4x128xi32, #tpu.memory_space<vmem>>, %arg10: memref<2x128x128xf32, #tpu.memory_space<vmem>>, %arg11: memref<2x128x128xf32, #tpu.memory_space<vmem>>, %arg12: memref<!tpu.dma_semaphore, #tpu.memory_space<semaphore_mem>>, %arg13: memref<!tpu.dma_semaphore, #tpu.memory_space<semaphore_mem>>) attributes {dimension_semantics = [#tpu.dimension_semantics<core_parallel>, #tpu.dimension_semantics<subcore_parallel>], iteration_bounds = array<i64: 2, 16>, scalar_prefetch = 0 : i64, scratch_operands = 6 : i64, tpu.core_type = #tpu.core_type<sc_vector_subcore>, window_params = [{transform_indices = #map}, {transform_indices = #map}, {transform_indices = #map1}, {transform_indices = #map1}, {transform_indices = #map1}, {transform_indices = #map1}]} {
    %mul3A = arith.constant 2 : i32
    %mul3A_0 = arith.muli %arg1, %mul3A : i32
    %add3A = arith.addi %mul3A_0, %arg0 : i32
    %mul3A_1 = arith.constant 512 : i32
    %mul3A_2 = arith.muli %add3A, %mul3A_1 : i32
    %add3A_3 = arith.constant 0 : i32
    %add3A_4 = arith.addi %mul3A_2, %add3A_3 : i32
    %run_scoped3A = arith.constant 0 : i32
    "tpu.region"() ({
      %run_scoped3A_347 = tpu.sem_alloc : memref<!tpu.dma_semaphore, #tpu.memory_space<semaphore_mem>>
      %dma_start3A_348 = arith.constant 0 : i32
      %dma_start3A_349 = tpu.memref_slice %arg8[%run_scoped3A, %dma_start3A_348] : memref<4x128xi32, #tpu.memory_space<vmem>> -> memref<1x128xi32, #tpu.memory_space<vmem>>
      %dma_start3A_350 = tpu.memref_squeeze %dma_start3A_349 : memref<1x128xi32, #tpu.memory_space<vmem>> -> memref<128xi32, #tpu.memory_space<vmem>>
      %dma_start3A_351 = tpu.memref_slice %arg2[%add3A_4] : memref<16384xi32, #tpu.memory_space<hbm>> -> memref<128xi32, #tpu.memory_space<hbm>>
      %dma_start3A_352 = arith.constant 0 : i32
      %dma_start3A_353 = tpu.memref_slice %arg8[%run_scoped3A, %dma_start3A_352] : memref<4x128xi32, #tpu.memory_space<vmem>> -> memref<1x128xi32, #tpu.memory_space<vmem>>
      %dma_start3A_354 = tpu.memref_squeeze %dma_start3A_353 : memref<1x128xi32, #tpu.memory_space<vmem>> -> memref<128xi32, #tpu.memory_space<vmem>>
      %dma_start3A_355 = tpu.memref_slice %arg2[%add3A_4] : memref<16384xi32, #tpu.memory_space<hbm>> -> memref<128xi32, #tpu.memory_space<hbm>>
      tpu.enqueue_dma source(%dma_start3A_355 : memref<128xi32, #tpu.memory_space<hbm>>) target(%dma_start3A_354 : memref<128xi32, #tpu.memory_space<vmem>>) target_semaphore(%run_scoped3A_347 : memref<!tpu.dma_semaphore, #tpu.memory_space<semaphore_mem>>)
      %dma_wait3A_356 = arith.constant 0 : i32
      %dma_wait3A_357 = tpu.memref_slice %arg8[%run_scoped3A, %dma_wait3A_356] : memref<4x128xi32, #tpu.memory_space<vmem>> -> memref<1x128xi32, #tpu.memory_space<vmem>>
      %dma_wait3A_358 = tpu.memref_squeeze %dma_wait3A_357 : memref<1x128xi32, #tpu.memory_space<vmem>> -> memref<128xi32, #tpu.memory_space<vmem>>
      %dma_wait3A_359 = tpu.memref_slice %arg2[%add3A_4] : memref<16384xi32, #tpu.memory_space<hbm>> -> memref<128xi32, #tpu.memory_space<hbm>>
      %dma_wait3A_360 = arith.constant 0 : i32
      %dma_wait3A_361 = tpu.memref_slice %arg8[%run_scoped3A, %dma_wait3A_360] : memref<4x128xi32, #tpu.memory_space<vmem>> -> memref<1x128xi32, #tpu.memory_space<vmem>>
      %dma_wait3A_362 = tpu.memref_squeeze %dma_wait3A_361 : memref<1x128xi32, #tpu.memory_space<vmem>> -> memref<128xi32, #tpu.memory_space<vmem>>
      %dma_wait3A_363 = tpu.memref_slice %arg2[%add3A_4] : memref<16384xi32, #tpu.memory_space<hbm>> -> memref<128xi32, #tpu.memory_space<hbm>>
      tpu.wait_dma2 semaphore(%run_scoped3A_347 : memref<!tpu.dma_semaphore, #tpu.memory_space<semaphore_mem>>) src(%dma_wait3A_363 : memref<128xi32, #tpu.memory_space<hbm>>) dst(%dma_wait3A_362 : memref<128xi32, #tpu.memory_space<vmem>>)
      tpu.yield
    }) : () -> ()
    %add3A_5 = arith.constant 0 : i32
    %add3A_6 = arith.addi %mul3A_2, %add3A_5 : i32
    %run_scoped3A_7 = arith.constant 0 : i32
    "tpu.region"() ({
      %run_scoped3A_347 = tpu.sem_alloc : memref<!tpu.dma_semaphore, #tpu.memory_space<semaphore_mem>>
      %dma_start3A_348 = arith.constant 0 : i32
      %dma_start3A_349 = tpu.memref_slice %arg9[%run_scoped3A_7, %dma_start3A_348] : memref<4x128xi32, #tpu.memory_space<vmem>> -> memref<1x128xi32, #tpu.memory_space<vmem>>
      %dma_start3A_350 = tpu.memref_squeeze %dma_start3A_349 : memref<1x128xi32, #tpu.memory_space<vmem>> -> memref<128xi32, #tpu.memory_space<vmem>>
      %dma_start3A_351 = tpu.memref_slice %arg3[%add3A_6] : memref<16384xi32, #tpu.memory_space<hbm>> -> memref<128xi32, #tpu.memory_space<hbm>>
      %dma_start3A_352 = arith.constant 0 : i32
      %dma_start3A_353 = tpu.memref_slice %arg9[%run_scoped3A_7, %dma_start3A_352] : memref<4x128xi32, #tpu.memory_space<vmem>> -> memref<1x128xi32, #tpu.memory_space<vmem>>
      %dma_start3A_354 = tpu.memref_squeeze %dma_start3A_353 : memref<1x128xi32, #tpu.memory_space<vmem>> -> memref<128xi32, #tpu.memory_space<vmem>>
      %dma_start3A_355 = tpu.memref_slice %arg3[%add3A_6] : memref<16384xi32, #tpu.memory_space<hbm>> -> memref<128xi32, #tpu.memory_space<hbm>>
      tpu.enqueue_dma source(%dma_start3A_355 : memref<128xi32, #tpu.memory_space<hbm>>) target(%dma_start3A_354 : memref<128xi32, #tpu.memory_space<vmem>>) target_semaphore(%run_scoped3A_347 : memref<!tpu.dma_semaphore, #tpu.memory_space<semaphore_mem>>)
      %dma_wait3A_356 = arith.constant 0 : i32
      %dma_wait3A_357 = tpu.memref_slice %arg9[%run_scoped3A_7, %dma_wait3A_356] : memref<4x128xi32, #tpu.memory_space<vmem>> -> memref<1x128xi32, #tpu.memory_space<vmem>>
      %dma_wait3A_358 = tpu.memref_squeeze %dma_wait3A_357 : memref<1x128xi32, #tpu.memory_space<vmem>> -> memref<128xi32, #tpu.memory_space<vmem>>
      %dma_wait3A_359 = tpu.memref_slice %arg3[%add3A_6] : memref<16384xi32, #tpu.memory_space<hbm>> -> memref<128xi32, #tpu.memory_space<hbm>>
      %dma_wait3A_360 = arith.constant 0 : i32
      %dma_wait3A_361 = tpu.memref_slice %arg9[%run_scoped3A_7, %dma_wait3A_360] : memref<4x128xi32, #tpu.memory_space<vmem>> -> memref<1x128xi32, #tpu.memory_space<vmem>>
      %dma_wait3A_362 = tpu.memref_squeeze %dma_wait3A_361 : memref<1x128xi32, #tpu.memory_space<vmem>> -> memref<128xi32, #tpu.memory_space<vmem>>
      %dma_wait3A_363 = tpu.memref_slice %arg3[%add3A_6] : memref<16384xi32, #tpu.memory_space<hbm>> -> memref<128xi32, #tpu.memory_space<hbm>>
      tpu.wait_dma2 semaphore(%run_scoped3A_347 : memref<!tpu.dma_semaphore, #tpu.memory_space<semaphore_mem>>) src(%dma_wait3A_363 : memref<128xi32, #tpu.memory_space<hbm>>) dst(%dma_wait3A_362 : memref<128xi32, #tpu.memory_space<vmem>>)
      tpu.yield
    }) : () -> ()
    %add3A_8 = arith.constant 128 : i32
    %add3A_9 = arith.addi %mul3A_2, %add3A_8 : i32
    %run_scoped3A_10 = arith.constant 1 : i32
    "tpu.region"() ({
      %run_scoped3A_347 = tpu.sem_alloc : memref<!tpu.dma_semaphore, #tpu.memory_space<semaphore_mem>>
      %dma_start3A_348 = arith.constant 0 : i32
      %dma_start3A_349 = tpu.memref_slice %arg8[%run_scoped3A_10, %dma_start3A_348] : memref<4x128xi32, #tpu.memory_space<vmem>> -> memref<1x128xi32, #tpu.memory_space<vmem>>
      %dma_start3A_350 = tpu.memref_squeeze %dma_start3A_349 : memref<1x128xi32, #tpu.memory_space<vmem>> -> memref<128xi32, #tpu.memory_space<vmem>>
      %dma_start3A_351 = tpu.memref_slice %arg2[%add3A_9] : memref<16384xi32, #tpu.memory_space<hbm>> -> memref<128xi32, #tpu.memory_space<hbm>>
      %dma_start3A_352 = arith.constant 0 : i32
      %dma_start3A_353 = tpu.memref_slice %arg8[%run_scoped3A_10, %dma_start3A_352] : memref<4x128xi32, #tpu.memory_space<vmem>> -> memref<1x128xi32, #tpu.memory_space<vmem>>
      %dma_start3A_354 = tpu.memref_squeeze %dma_start3A_353 : memref<1x128xi32, #tpu.memory_space<vmem>> -> memref<128xi32, #tpu.memory_space<vmem>>
      %dma_start3A_355 = tpu.memref_slice %arg2[%add3A_9] : memref<16384xi32, #tpu.memory_space<hbm>> -> memref<128xi32, #tpu.memory_space<hbm>>
      tpu.enqueue_dma source(%dma_start3A_355 : memref<128xi32, #tpu.memory_space<hbm>>) target(%dma_start3A_354 : memref<128xi32, #tpu.memory_space<vmem>>) target_semaphore(%run_scoped3A_347 : memref<!tpu.dma_semaphore, #tpu.memory_space<semaphore_mem>>)
      %dma_wait3A_356 = arith.constant 0 : i32
      %dma_wait3A_357 = tpu.memref_slice %arg8[%run_scoped3A_10, %dma_wait3A_356] : memref<4x128xi32, #tpu.memory_space<vmem>> -> memref<1x128xi32, #tpu.memory_space<vmem>>
      %dma_wait3A_358 = tpu.memref_squeeze %dma_wait3A_357 : memref<1x128xi32, #tpu.memory_space<vmem>> -> memref<128xi32, #tpu.memory_space<vmem>>
      %dma_wait3A_359 = tpu.memref_slice %arg2[%add3A_9] : memref<16384xi32, #tpu.memory_space<hbm>> -> memref<128xi32, #tpu.memory_space<hbm>>
      %dma_wait3A_360 = arith.constant 0 : i32
      %dma_wait3A_361 = tpu.memref_slice %arg8[%run_scoped3A_10, %dma_wait3A_360] : memref<4x128xi32, #tpu.memory_space<vmem>> -> memref<1x128xi32, #tpu.memory_space<vmem>>
      %dma_wait3A_362 = tpu.memref_squeeze %dma_wait3A_361 : memref<1x128xi32, #tpu.memory_space<vmem>> -> memref<128xi32, #tpu.memory_space<vmem>>
      %dma_wait3A_363 = tpu.memref_slice %arg2[%add3A_9] : memref<16384xi32, #tpu.memory_space<hbm>> -> memref<128xi32, #tpu.memory_space<hbm>>
      tpu.wait_dma2 semaphore(%run_scoped3A_347 : memref<!tpu.dma_semaphore, #tpu.memory_space<semaphore_mem>>) src(%dma_wait3A_363 : memref<128xi32, #tpu.memory_space<hbm>>) dst(%dma_wait3A_362 : memref<128xi32, #tpu.memory_space<vmem>>)
      tpu.yield
    }) : () -> ()
    %add3A_11 = arith.constant 128 : i32
    %add3A_12 = arith.addi %mul3A_2, %add3A_11 : i32
    %run_scoped3A_13 = arith.constant 1 : i32
    "tpu.region"() ({
      %run_scoped3A_347 = tpu.sem_alloc : memref<!tpu.dma_semaphore, #tpu.memory_space<semaphore_mem>>
      %dma_start3A_348 = arith.constant 0 : i32
      %dma_start3A_349 = tpu.memref_slice %arg9[%run_scoped3A_13, %dma_start3A_348] : memref<4x128xi32, #tpu.memory_space<vmem>> -> memref<1x128xi32, #tpu.memory_space<vmem>>
      %dma_start3A_350 = tpu.memref_squeeze %dma_start3A_349 : memref<1x128xi32, #tpu.memory_space<vmem>> -> memref<128xi32, #tpu.memory_space<vmem>>
      %dma_start3A_351 = tpu.memref_slice %arg3[%add3A_12] : memref<16384xi32, #tpu.memory_space<hbm>> -> memref<128xi32, #tpu.memory_space<hbm>>
      %dma_start3A_352 = arith.constant 0 : i32
      %dma_start3A_353 = tpu.memref_slice %arg9[%run_scoped3A_13, %dma_start3A_352] : memref<4x128xi32, #tpu.memory_space<vmem>> -> memref<1x128xi32, #tpu.memory_space<vmem>>
      %dma_start3A_354 = tpu.memref_squeeze %dma_start3A_353 : memref<1x128xi32, #tpu.memory_space<vmem>> -> memref<128xi32, #tpu.memory_space<vmem>>
      %dma_start3A_355 = tpu.memref_slice %arg3[%add3A_12] : memref<16384xi32, #tpu.memory_space<hbm>> -> memref<128xi32, #tpu.memory_space<hbm>>
      tpu.enqueue_dma source(%dma_start3A_355 : memref<128xi32, #tpu.memory_space<hbm>>) target(%dma_start3A_354 : memref<128xi32, #tpu.memory_space<vmem>>) target_semaphore(%run_scoped3A_347 : memref<!tpu.dma_semaphore, #tpu.memory_space<semaphore_mem>>)
      %dma_wait3A_356 = arith.constant 0 : i32
      %dma_wait3A_357 = tpu.memref_slice %arg9[%run_scoped3A_13, %dma_wait3A_356] : memref<4x128xi32, #tpu.memory_space<vmem>> -> memref<1x128xi32, #tpu.memory_space<vmem>>
      %dma_wait3A_358 = tpu.memref_squeeze %dma_wait3A_357 : memref<1x128xi32, #tpu.memory_space<vmem>> -> memref<128xi32, #tpu.memory_space<vmem>>
      %dma_wait3A_359 = tpu.memref_slice %arg3[%add3A_12] : memref<16384xi32, #tpu.memory_space<hbm>> -> memref<128xi32, #tpu.memory_space<hbm>>
      %dma_wait3A_360 = arith.constant 0 : i32
      %dma_wait3A_361 = tpu.memref_slice %arg9[%run_scoped3A_13, %dma_wait3A_360] : memref<4x128xi32, #tpu.memory_space<vmem>> -> memref<1x128xi32, #tpu.memory_space<vmem>>
      %dma_wait3A_362 = tpu.memref_squeeze %dma_wait3A_361 : memref<1x128xi32, #tpu.memory_space<vmem>> -> memref<128xi32, #tpu.memory_space<vmem>>
      %dma_wait3A_363 = tpu.memref_slice %arg3[%add3A_12] : memref<16384xi32, #tpu.memory_space<hbm>> -> memref<128xi32, #tpu.memory_space<hbm>>
      tpu.wait_dma2 semaphore(%run_scoped3A_347 : memref<!tpu.dma_semaphore, #tpu.memory_space<semaphore_mem>>) src(%dma_wait3A_363 : memref<128xi32, #tpu.memory_space<hbm>>) dst(%dma_wait3A_362 : memref<128xi32, #tpu.memory_space<vmem>>)
      tpu.yield
    }) : () -> ()
    %add3A_14 = arith.constant 256 : i32
    %add3A_15 = arith.addi %mul3A_2, %add3A_14 : i32
    %run_scoped3A_16 = arith.constant 2 : i32
    "tpu.region"() ({
      %run_scoped3A_347 = tpu.sem_alloc : memref<!tpu.dma_semaphore, #tpu.memory_space<semaphore_mem>>
      %dma_start3A_348 = arith.constant 0 : i32
      %dma_start3A_349 = tpu.memref_slice %arg8[%run_scoped3A_16, %dma_start3A_348] : memref<4x128xi32, #tpu.memory_space<vmem>> -> memref<1x128xi32, #tpu.memory_space<vmem>>
      %dma_start3A_350 = tpu.memref_squeeze %dma_start3A_349 : memref<1x128xi32, #tpu.memory_space<vmem>> -> memref<128xi32, #tpu.memory_space<vmem>>
      %dma_start3A_351 = tpu.memref_slice %arg2[%add3A_15] : memref<16384xi32, #tpu.memory_space<hbm>> -> memref<128xi32, #tpu.memory_space<hbm>>
      %dma_start3A_352 = arith.constant 0 : i32
      %dma_start3A_353 = tpu.memref_slice %arg8[%run_scoped3A_16, %dma_start3A_352] : memref<4x128xi32, #tpu.memory_space<vmem>> -> memref<1x128xi32, #tpu.memory_space<vmem>>
      %dma_start3A_354 = tpu.memref_squeeze %dma_start3A_353 : memref<1x128xi32, #tpu.memory_space<vmem>> -> memref<128xi32, #tpu.memory_space<vmem>>
      %dma_start3A_355 = tpu.memref_slice %arg2[%add3A_15] : memref<16384xi32, #tpu.memory_space<hbm>> -> memref<128xi32, #tpu.memory_space<hbm>>
      tpu.enqueue_dma source(%dma_start3A_355 : memref<128xi32, #tpu.memory_space<hbm>>) target(%dma_start3A_354 : memref<128xi32, #tpu.memory_space<vmem>>) target_semaphore(%run_scoped3A_347 : memref<!tpu.dma_semaphore, #tpu.memory_space<semaphore_mem>>)
      %dma_wait3A_356 = arith.constant 0 : i32
      %dma_wait3A_357 = tpu.memref_slice %arg8[%run_scoped3A_16, %dma_wait3A_356] : memref<4x128xi32, #tpu.memory_space<vmem>> -> memref<1x128xi32, #tpu.memory_space<vmem>>
      %dma_wait3A_358 = tpu.memref_squeeze %dma_wait3A_357 : memref<1x128xi32, #tpu.memory_space<vmem>> -> memref<128xi32, #tpu.memory_space<vmem>>
      %dma_wait3A_359 = tpu.memref_slice %arg2[%add3A_15] : memref<16384xi32, #tpu.memory_space<hbm>> -> memref<128xi32, #tpu.memory_space<hbm>>
      %dma_wait3A_360 = arith.constant 0 : i32
      %dma_wait3A_361 = tpu.memref_slice %arg8[%run_scoped3A_16, %dma_wait3A_360] : memref<4x128xi32, #tpu.memory_space<vmem>> -> memref<1x128xi32, #tpu.memory_space<vmem>>
      %dma_wait3A_362 = tpu.memref_squeeze %dma_wait3A_361 : memref<1x128xi32, #tpu.memory_space<vmem>> -> memref<128xi32, #tpu.memory_space<vmem>>
      %dma_wait3A_363 = tpu.memref_slice %arg2[%add3A_15] : memref<16384xi32, #tpu.memory_space<hbm>> -> memref<128xi32, #tpu.memory_space<hbm>>
      tpu.wait_dma2 semaphore(%run_scoped3A_347 : memref<!tpu.dma_semaphore, #tpu.memory_space<semaphore_mem>>) src(%dma_wait3A_363 : memref<128xi32, #tpu.memory_space<hbm>>) dst(%dma_wait3A_362 : memref<128xi32, #tpu.memory_space<vmem>>)
      tpu.yield
    }) : () -> ()
    %add3A_17 = arith.constant 256 : i32
    %add3A_18 = arith.addi %mul3A_2, %add3A_17 : i32
    %run_scoped3A_19 = arith.constant 2 : i32
    "tpu.region"() ({
      %run_scoped3A_347 = tpu.sem_alloc : memref<!tpu.dma_semaphore, #tpu.memory_space<semaphore_mem>>
      %dma_start3A_348 = arith.constant 0 : i32
      %dma_start3A_349 = tpu.memref_slice %arg9[%run_scoped3A_19, %dma_start3A_348] : memref<4x128xi32, #tpu.memory_space<vmem>> -> memref<1x128xi32, #tpu.memory_space<vmem>>
      %dma_start3A_350 = tpu.memref_squeeze %dma_start3A_349 : memref<1x128xi32, #tpu.memory_space<vmem>> -> memref<128xi32, #tpu.memory_space<vmem>>
      %dma_start3A_351 = tpu.memref_slice %arg3[%add3A_18] : memref<16384xi32, #tpu.memory_space<hbm>> -> memref<128xi32, #tpu.memory_space<hbm>>
      %dma_start3A_352 = arith.constant 0 : i32
      %dma_start3A_353 = tpu.memref_slice %arg9[%run_scoped3A_19, %dma_start3A_352] : memref<4x128xi32, #tpu.memory_space<vmem>> -> memref<1x128xi32, #tpu.memory_space<vmem>>
      %dma_start3A_354 = tpu.memref_squeeze %dma_start3A_353 : memref<1x128xi32, #tpu.memory_space<vmem>> -> memref<128xi32, #tpu.memory_space<vmem>>
      %dma_start3A_355 = tpu.memref_slice %arg3[%add3A_18] : memref<16384xi32, #tpu.memory_space<hbm>> -> memref<128xi32, #tpu.memory_space<hbm>>
      tpu.enqueue_dma source(%dma_start3A_355 : memref<128xi32, #tpu.memory_space<hbm>>) target(%dma_start3A_354 : memref<128xi32, #tpu.memory_space<vmem>>) target_semaphore(%run_scoped3A_347 : memref<!tpu.dma_semaphore, #tpu.memory_space<semaphore_mem>>)
      %dma_wait3A_356 = arith.constant 0 : i32
      %dma_wait3A_357 = tpu.memref_slice %arg9[%run_scoped3A_19, %dma_wait3A_356] : memref<4x128xi32, #tpu.memory_space<vmem>> -> memref<1x128xi32, #tpu.memory_space<vmem>>
      %dma_wait3A_358 = tpu.memref_squeeze %dma_wait3A_357 : memref<1x128xi32, #tpu.memory_space<vmem>> -> memref<128xi32, #tpu.memory_space<vmem>>
      %dma_wait3A_359 = tpu.memref_slice %arg3[%add3A_18] : memref<16384xi32, #tpu.memory_space<hbm>> -> memref<128xi32, #tpu.memory_space<hbm>>
      %dma_wait3A_360 = arith.constant 0 : i32
      %dma_wait3A_361 = tpu.memref_slice %arg9[%run_scoped3A_19, %dma_wait3A_360] : memref<4x128xi32, #tpu.memory_space<vmem>> -> memref<1x128xi32, #tpu.memory_space<vmem>>
      %dma_wait3A_362 = tpu.memref_squeeze %dma_wait3A_361 : memref<1x128xi32, #tpu.memory_space<vmem>> -> memref<128xi32, #tpu.memory_space<vmem>>
      %dma_wait3A_363 = tpu.memref_slice %arg3[%add3A_18] : memref<16384xi32, #tpu.memory_space<hbm>> -> memref<128xi32, #tpu.memory_space<hbm>>
      tpu.wait_dma2 semaphore(%run_scoped3A_347 : memref<!tpu.dma_semaphore, #tpu.memory_space<semaphore_mem>>) src(%dma_wait3A_363 : memref<128xi32, #tpu.memory_space<hbm>>) dst(%dma_wait3A_362 : memref<128xi32, #tpu.memory_space<vmem>>)
      tpu.yield
    }) : () -> ()
    %add3A_20 = arith.constant 384 : i32
    %add3A_21 = arith.addi %mul3A_2, %add3A_20 : i32
    %run_scoped3A_22 = arith.constant 3 : i32
    "tpu.region"() ({
      %run_scoped3A_347 = tpu.sem_alloc : memref<!tpu.dma_semaphore, #tpu.memory_space<semaphore_mem>>
      %dma_start3A_348 = arith.constant 0 : i32
      %dma_start3A_349 = tpu.memref_slice %arg8[%run_scoped3A_22, %dma_start3A_348] : memref<4x128xi32, #tpu.memory_space<vmem>> -> memref<1x128xi32, #tpu.memory_space<vmem>>
      %dma_start3A_350 = tpu.memref_squeeze %dma_start3A_349 : memref<1x128xi32, #tpu.memory_space<vmem>> -> memref<128xi32, #tpu.memory_space<vmem>>
      %dma_start3A_351 = tpu.memref_slice %arg2[%add3A_21] : memref<16384xi32, #tpu.memory_space<hbm>> -> memref<128xi32, #tpu.memory_space<hbm>>
      %dma_start3A_352 = arith.constant 0 : i32
      %dma_start3A_353 = tpu.memref_slice %arg8[%run_scoped3A_22, %dma_start3A_352] : memref<4x128xi32, #tpu.memory_space<vmem>> -> memref<1x128xi32, #tpu.memory_space<vmem>>
      %dma_start3A_354 = tpu.memref_squeeze %dma_start3A_353 : memref<1x128xi32, #tpu.memory_space<vmem>> -> memref<128xi32, #tpu.memory_space<vmem>>
      %dma_start3A_355 = tpu.memref_slice %arg2[%add3A_21] : memref<16384xi32, #tpu.memory_space<hbm>> -> memref<128xi32, #tpu.memory_space<hbm>>
      tpu.enqueue_dma source(%dma_start3A_355 : memref<128xi32, #tpu.memory_space<hbm>>) target(%dma_start3A_354 : memref<128xi32, #tpu.memory_space<vmem>>) target_semaphore(%run_scoped3A_347 : memref<!tpu.dma_semaphore, #tpu.memory_space<semaphore_mem>>)
      %dma_wait3A_356 = arith.constant 0 : i32
      %dma_wait3A_357 = tpu.memref_slice %arg8[%run_scoped3A_22, %dma_wait3A_356] : memref<4x128xi32, #tpu.memory_space<vmem>> -> memref<1x128xi32, #tpu.memory_space<vmem>>
      %dma_wait3A_358 = tpu.memref_squeeze %dma_wait3A_357 : memref<1x128xi32, #tpu.memory_space<vmem>> -> memref<128xi32, #tpu.memory_space<vmem>>
      %dma_wait3A_359 = tpu.memref_slice %arg2[%add3A_21] : memref<16384xi32, #tpu.memory_space<hbm>> -> memref<128xi32, #tpu.memory_space<hbm>>
      %dma_wait3A_360 = arith.constant 0 : i32
      %dma_wait3A_361 = tpu.memref_slice %arg8[%run_scoped3A_22, %dma_wait3A_360] : memref<4x128xi32, #tpu.memory_space<vmem>> -> memref<1x128xi32, #tpu.memory_space<vmem>>
      %dma_wait3A_362 = tpu.memref_squeeze %dma_wait3A_361 : memref<1x128xi32, #tpu.memory_space<vmem>> -> memref<128xi32, #tpu.memory_space<vmem>>
      %dma_wait3A_363 = tpu.memref_slice %arg2[%add3A_21] : memref<16384xi32, #tpu.memory_space<hbm>> -> memref<128xi32, #tpu.memory_space<hbm>>
      tpu.wait_dma2 semaphore(%run_scoped3A_347 : memref<!tpu.dma_semaphore, #tpu.memory_space<semaphore_mem>>) src(%dma_wait3A_363 : memref<128xi32, #tpu.memory_space<hbm>>) dst(%dma_wait3A_362 : memref<128xi32, #tpu.memory_space<vmem>>)
      tpu.yield
    }) : () -> ()
    %add3A_23 = arith.constant 384 : i32
    %add3A_24 = arith.addi %mul3A_2, %add3A_23 : i32
    %run_scoped3A_25 = arith.constant 3 : i32
    "tpu.region"() ({
      %run_scoped3A_347 = tpu.sem_alloc : memref<!tpu.dma_semaphore, #tpu.memory_space<semaphore_mem>>
      %dma_start3A_348 = arith.constant 0 : i32
      %dma_start3A_349 = tpu.memref_slice %arg9[%run_scoped3A_25, %dma_start3A_348] : memref<4x128xi32, #tpu.memory_space<vmem>> -> memref<1x128xi32, #tpu.memory_space<vmem>>
      %dma_start3A_350 = tpu.memref_squeeze %dma_start3A_349 : memref<1x128xi32, #tpu.memory_space<vmem>> -> memref<128xi32, #tpu.memory_space<vmem>>
      %dma_start3A_351 = tpu.memref_slice %arg3[%add3A_24] : memref<16384xi32, #tpu.memory_space<hbm>> -> memref<128xi32, #tpu.memory_space<hbm>>
      %dma_start3A_352 = arith.constant 0 : i32
      %dma_start3A_353 = tpu.memref_slice %arg9[%run_scoped3A_25, %dma_start3A_352] : memref<4x128xi32, #tpu.memory_space<vmem>> -> memref<1x128xi32, #tpu.memory_space<vmem>>
      %dma_start3A_354 = tpu.memref_squeeze %dma_start3A_353 : memref<1x128xi32, #tpu.memory_space<vmem>> -> memref<128xi32, #tpu.memory_space<vmem>>
      %dma_start3A_355 = tpu.memref_slice %arg3[%add3A_24] : memref<16384xi32, #tpu.memory_space<hbm>> -> memref<128xi32, #tpu.memory_space<hbm>>
      tpu.enqueue_dma source(%dma_start3A_355 : memref<128xi32, #tpu.memory_space<hbm>>) target(%dma_start3A_354 : memref<128xi32, #tpu.memory_space<vmem>>) target_semaphore(%run_scoped3A_347 : memref<!tpu.dma_semaphore, #tpu.memory_space<semaphore_mem>>)
      %dma_wait3A_356 = arith.constant 0 : i32
      %dma_wait3A_357 = tpu.memref_slice %arg9[%run_scoped3A_25, %dma_wait3A_356] : memref<4x128xi32, #tpu.memory_space<vmem>> -> memref<1x128xi32, #tpu.memory_space<vmem>>
      %dma_wait3A_358 = tpu.memref_squeeze %dma_wait3A_357 : memref<1x128xi32, #tpu.memory_space<vmem>> -> memref<128xi32, #tpu.memory_space<vmem>>
      %dma_wait3A_359 = tpu.memref_slice %arg3[%add3A_24] : memref<16384xi32, #tpu.memory_space<hbm>> -> memref<128xi32, #tpu.memory_space<hbm>>
      %dma_wait3A_360 = arith.constant 0 : i32
      %dma_wait3A_361 = tpu.memref_slice %arg9[%run_scoped3A_25, %dma_wait3A_360] : memref<4x128xi32, #tpu.memory_space<vmem>> -> memref<1x128xi32, #tpu.memory_space<vmem>>
      %dma_wait3A_362 = tpu.memref_squeeze %dma_wait3A_361 : memref<1x128xi32, #tpu.memory_space<vmem>> -> memref<128xi32, #tpu.memory_space<vmem>>
      %dma_wait3A_363 = tpu.memref_slice %arg3[%add3A_24] : memref<16384xi32, #tpu.memory_space<hbm>> -> memref<128xi32, #tpu.memory_space<hbm>>
      tpu.wait_dma2 semaphore(%run_scoped3A_347 : memref<!tpu.dma_semaphore, #tpu.memory_space<semaphore_mem>>) src(%dma_wait3A_363 : memref<128xi32, #tpu.memory_space<hbm>>) dst(%dma_wait3A_362 : memref<128xi32, #tpu.memory_space<vmem>>)
      tpu.yield
    }) : () -> ()
    %add3A_26 = arith.constant 0 : i32
    %add3A_27 = arith.addi %mul3A_2, %add3A_26 : i32
    %dma_start3A = arith.constant 0 : i32
    %dma_start3A_28 = arith.constant 0 : i32
    %dma_start3A_29 = arith.constant 0 : i32
    %dma_start3A_30 = tpu.memref_slice %arg10[%dma_start3A, %dma_start3A_28, %dma_start3A_29] : memref<2x128x128xf32, #tpu.memory_space<vmem>> -> memref<1x128x128xf32, #tpu.memory_space<vmem>>
    %dma_start3A_31 = tpu.memref_squeeze %dma_start3A_30 : memref<1x128x128xf32, #tpu.memory_space<vmem>> -> memref<128x128xf32, #tpu.memory_space<vmem>>
    %dma_start3A_32 = arith.constant 0 : i32
    %dma_start3A_33 = tpu.memref_slice %arg4[%add3A_27, %dma_start3A_32] : memref<16384x128xf32, #tpu.memory_space<hbm>> -> memref<128x128xf32, #tpu.memory_space<hbm>>
    %dma_start3A_34 = arith.constant 0 : i32
    %dma_start3A_35 = arith.constant 0 : i32
    %dma_start3A_36 = tpu.memref_slice %arg10[%dma_start3A, %dma_start3A_34, %dma_start3A_35] : memref<2x128x128xf32, #tpu.memory_space<vmem>> -> memref<1x128x128xf32, #tpu.memory_space<vmem>>
    %dma_start3A_37 = tpu.memref_squeeze %dma_start3A_36 : memref<1x128x128xf32, #tpu.memory_space<vmem>> -> memref<128x128xf32, #tpu.memory_space<vmem>>
    %dma_start3A_38 = arith.constant 0 : i32
    %dma_start3A_39 = tpu.memref_slice %arg4[%add3A_27, %dma_start3A_38] : memref<16384x128xf32, #tpu.memory_space<hbm>> -> memref<128x128xf32, #tpu.memory_space<hbm>>
    tpu.enqueue_dma source(%dma_start3A_39 : memref<128x128xf32, #tpu.memory_space<hbm>>) target(%dma_start3A_37 : memref<128x128xf32, #tpu.memory_space<vmem>>) target_semaphore(%arg12 : memref<!tpu.dma_semaphore, #tpu.memory_space<semaphore_mem>>)
    %dma_start3A_40 = arith.constant 0 : i32
    %dma_start3A_41 = arith.constant 0 : i32
    %dma_start3A_42 = arith.constant 0 : i32
    %dma_start3A_43 = arith.constant 0 : i32
    %dma_start3A_44 = tpu.memref_slice %arg11[%dma_start3A_41, %dma_start3A_42, %dma_start3A_43] : memref<2x128x128xf32, #tpu.memory_space<vmem>> -> memref<1x128x128xf32, #tpu.memory_space<vmem>>
    %dma_start3A_45 = tpu.memref_squeeze %dma_start3A_44 : memref<1x128x128xf32, #tpu.memory_space<vmem>> -> memref<128x128xf32, #tpu.memory_space<vmem>>
    %dma_start3A_46 = arith.constant 0 : i32
    %dma_start3A_47 = tpu.memref_slice %arg8[%dma_start3A_40, %dma_start3A_46] : memref<4x128xi32, #tpu.memory_space<vmem>> -> memref<1x128xi32, #tpu.memory_space<vmem>>
    %dma_start3A_48 = tpu.memref_squeeze %dma_start3A_47 : memref<1x128xi32, #tpu.memory_space<vmem>> -> memref<128xi32, #tpu.memory_space<vmem>>
    %dma_start3A_49 = arith.constant 0 : i32
    %dma_start3A_50 = arith.constant 0 : i32
    %dma_start3A_51 = tpu.memref_slice %arg5[%dma_start3A_49, %dma_start3A_50] : memref<16384x128xf32, #tpu.memory_space<hbm>> -> memref<16384x128xf32, #tpu.memory_space<hbm>>
    tpu.enqueue_indirect_dma source(%dma_start3A_51 : memref<16384x128xf32, #tpu.memory_space<hbm>>) target(%dma_start3A_45 : memref<128x128xf32, #tpu.memory_space<vmem>>) offsets(%dma_start3A_48 : memref<128xi32, #tpu.memory_space<vmem>>) semaphore(%arg12 : memref<!tpu.dma_semaphore, #tpu.memory_space<semaphore_mem>>)
    %add3A_52 = arith.constant 128 : i32
    %add3A_53 = arith.addi %mul3A_2, %add3A_52 : i32
    %dma_start3A_54 = arith.constant 1 : i32
    %dma_start3A_55 = arith.constant 0 : i32
    %dma_start3A_56 = arith.constant 0 : i32
    %dma_start3A_57 = tpu.memref_slice %arg10[%dma_start3A_54, %dma_start3A_55, %dma_start3A_56] : memref<2x128x128xf32, #tpu.memory_space<vmem>> -> memref<1x128x128xf32, #tpu.memory_space<vmem>>
    %dma_start3A_58 = tpu.memref_squeeze %dma_start3A_57 : memref<1x128x128xf32, #tpu.memory_space<vmem>> -> memref<128x128xf32, #tpu.memory_space<vmem>>
    %dma_start3A_59 = arith.constant 0 : i32
    %dma_start3A_60 = tpu.memref_slice %arg4[%add3A_53, %dma_start3A_59] : memref<16384x128xf32, #tpu.memory_space<hbm>> -> memref<128x128xf32, #tpu.memory_space<hbm>>
    %dma_start3A_61 = arith.constant 0 : i32
    %dma_start3A_62 = arith.constant 0 : i32
    %dma_start3A_63 = tpu.memref_slice %arg10[%dma_start3A_54, %dma_start3A_61, %dma_start3A_62] : memref<2x128x128xf32, #tpu.memory_space<vmem>> -> memref<1x128x128xf32, #tpu.memory_space<vmem>>
    %dma_start3A_64 = tpu.memref_squeeze %dma_start3A_63 : memref<1x128x128xf32, #tpu.memory_space<vmem>> -> memref<128x128xf32, #tpu.memory_space<vmem>>
    %dma_start3A_65 = arith.constant 0 : i32
    %dma_start3A_66 = tpu.memref_slice %arg4[%add3A_53, %dma_start3A_65] : memref<16384x128xf32, #tpu.memory_space<hbm>> -> memref<128x128xf32, #tpu.memory_space<hbm>>
    tpu.enqueue_dma source(%dma_start3A_66 : memref<128x128xf32, #tpu.memory_space<hbm>>) target(%dma_start3A_64 : memref<128x128xf32, #tpu.memory_space<vmem>>) target_semaphore(%arg12 : memref<!tpu.dma_semaphore, #tpu.memory_space<semaphore_mem>>)
    %dma_start3A_67 = arith.constant 1 : i32
    %dma_start3A_68 = arith.constant 1 : i32
    %dma_start3A_69 = arith.constant 0 : i32
    %dma_start3A_70 = arith.constant 0 : i32
    %dma_start3A_71 = tpu.memref_slice %arg11[%dma_start3A_68, %dma_start3A_69, %dma_start3A_70] : memref<2x128x128xf32, #tpu.memory_space<vmem>> -> memref<1x128x128xf32, #tpu.memory_space<vmem>>
    %dma_start3A_72 = tpu.memref_squeeze %dma_start3A_71 : memref<1x128x128xf32, #tpu.memory_space<vmem>> -> memref<128x128xf32, #tpu.memory_space<vmem>>
    %dma_start3A_73 = arith.constant 0 : i32
    %dma_start3A_74 = tpu.memref_slice %arg8[%dma_start3A_67, %dma_start3A_73] : memref<4x128xi32, #tpu.memory_space<vmem>> -> memref<1x128xi32, #tpu.memory_space<vmem>>
    %dma_start3A_75 = tpu.memref_squeeze %dma_start3A_74 : memref<1x128xi32, #tpu.memory_space<vmem>> -> memref<128xi32, #tpu.memory_space<vmem>>
    %dma_start3A_76 = arith.constant 0 : i32
    %dma_start3A_77 = arith.constant 0 : i32
    %dma_start3A_78 = tpu.memref_slice %arg5[%dma_start3A_76, %dma_start3A_77] : memref<16384x128xf32, #tpu.memory_space<hbm>> -> memref<16384x128xf32, #tpu.memory_space<hbm>>
    tpu.enqueue_indirect_dma source(%dma_start3A_78 : memref<16384x128xf32, #tpu.memory_space<hbm>>) target(%dma_start3A_72 : memref<128x128xf32, #tpu.memory_space<vmem>>) offsets(%dma_start3A_75 : memref<128xi32, #tpu.memory_space<vmem>>) semaphore(%arg12 : memref<!tpu.dma_semaphore, #tpu.memory_space<semaphore_mem>>)
    %dma_wait3A = arith.constant 0 : i32
    %dma_wait3A_79 = arith.constant 0 : i32
    %dma_wait3A_80 = arith.constant 0 : i32
    %dma_wait3A_81 = tpu.memref_slice %arg10[%dma_wait3A, %dma_wait3A_79, %dma_wait3A_80] : memref<2x128x128xf32, #tpu.memory_space<vmem>> -> memref<1x128x128xf32, #tpu.memory_space<vmem>>
    %dma_wait3A_82 = tpu.memref_squeeze %dma_wait3A_81 : memref<1x128x128xf32, #tpu.memory_space<vmem>> -> memref<128x128xf32, #tpu.memory_space<vmem>>
    %dma_wait3A_83 = arith.constant 0 : i32
    %dma_wait3A_84 = tpu.memref_slice %arg4[%add3A_27, %dma_wait3A_83] : memref<16384x128xf32, #tpu.memory_space<hbm>> -> memref<128x128xf32, #tpu.memory_space<hbm>>
    %dma_wait3A_85 = arith.constant 0 : i32
    %dma_wait3A_86 = arith.constant 0 : i32
    %dma_wait3A_87 = tpu.memref_slice %arg10[%dma_wait3A, %dma_wait3A_85, %dma_wait3A_86] : memref<2x128x128xf32, #tpu.memory_space<vmem>> -> memref<1x128x128xf32, #tpu.memory_space<vmem>>
    %dma_wait3A_88 = tpu.memref_squeeze %dma_wait3A_87 : memref<1x128x128xf32, #tpu.memory_space<vmem>> -> memref<128x128xf32, #tpu.memory_space<vmem>>
    %dma_wait3A_89 = arith.constant 0 : i32
    %dma_wait3A_90 = tpu.memref_slice %arg4[%add3A_27, %dma_wait3A_89] : memref<16384x128xf32, #tpu.memory_space<hbm>> -> memref<128x128xf32, #tpu.memory_space<hbm>>
    tpu.wait_dma2 semaphore(%arg12 : memref<!tpu.dma_semaphore, #tpu.memory_space<semaphore_mem>>) src(%dma_wait3A_90 : memref<128x128xf32, #tpu.memory_space<hbm>>) dst(%dma_wait3A_88 : memref<128x128xf32, #tpu.memory_space<vmem>>)
    %dma_wait3A_91 = arith.constant 0 : i32
    %dma_wait3A_92 = arith.constant 0 : i32
    %dma_wait3A_93 = arith.constant 0 : i32
    %dma_wait3A_94 = arith.constant 0 : i32
    %dma_wait3A_95 = tpu.memref_slice %arg11[%dma_wait3A_92, %dma_wait3A_93, %dma_wait3A_94] : memref<2x128x128xf32, #tpu.memory_space<vmem>> -> memref<1x128x128xf32, #tpu.memory_space<vmem>>
    %dma_wait3A_96 = tpu.memref_squeeze %dma_wait3A_95 : memref<1x128x128xf32, #tpu.memory_space<vmem>> -> memref<128x128xf32, #tpu.memory_space<vmem>>
    %dma_wait3A_97 = arith.constant 0 : i32
    %dma_wait3A_98 = tpu.memref_slice %arg8[%dma_wait3A_91, %dma_wait3A_97] : memref<4x128xi32, #tpu.memory_space<vmem>> -> memref<1x128xi32, #tpu.memory_space<vmem>>
    %dma_wait3A_99 = tpu.memref_squeeze %dma_wait3A_98 : memref<1x128xi32, #tpu.memory_space<vmem>> -> memref<128xi32, #tpu.memory_space<vmem>>
    %dma_wait3A_100 = arith.constant 0 : i32
    %dma_wait3A_101 = arith.constant 0 : i32
    %dma_wait3A_102 = tpu.memref_slice %arg5[%dma_wait3A_100, %dma_wait3A_101] : memref<16384x128xf32, #tpu.memory_space<hbm>> -> memref<16384x128xf32, #tpu.memory_space<hbm>>
    tpu.wait_indirect_dma semaphore(%arg12 : memref<!tpu.dma_semaphore, #tpu.memory_space<semaphore_mem>>) src(%dma_wait3A_102 : memref<16384x128xf32, #tpu.memory_space<hbm>>) dst(%dma_wait3A_96 : memref<128x128xf32, #tpu.memory_space<vmem>>)
    %scan3A = arith.constant 0 : i32
    %scan3A_103 = arith.constant 128 : i32
    %scan3A_104 = arith.addi %scan3A, %scan3A_103 : i32
    %scan3A_105 = arith.constant 1 : i32
    scf.for %scan3A_347 = %scan3A to %scan3A_104 step %scan3A_105  : i32 {
      %mul3A_348 = arith.constant 1 : i32
      %mul3A_349 = arith.muli %scan3A_347, %mul3A_348 : i32
      %add3A_350 = arith.constant 0 : i32
      %add3A_351 = arith.addi %add3A_350, %mul3A_349 : i32
      %get3A = arith.constant 0 : i32
      %get3A_352 = arith.index_cast %get3A : i32 to index
      %get3A_353 = arith.index_cast %add3A_351 : i32 to index
      %get3A_354 = arith.constant 0 : index
      %get3A_355 = tpu.vector_load %arg11[%get3A_352, %get3A_353, %get3A_354] {strides = array<i32>} : memref<2x128x128xf32, #tpu.memory_space<vmem>>, vector<1x1x16xf32>,
      %get3A_356 = vector.shape_cast %get3A_355 : vector<1x1x16xf32> to vector<16xf32>
      %get3A_357 = arith.constant 0 : i32
      %get3A_358 = arith.index_cast %get3A_357 : i32 to index
      %get3A_359 = arith.index_cast %add3A_351 : i32 to index
      %get3A_360 = arith.constant 0 : index
      %get3A_361 = tpu.vector_load %arg10[%get3A_358, %get3A_359, %get3A_360] {strides = array<i32>} : memref<2x128x128xf32, #tpu.memory_space<vmem>>, vector<1x1x16xf32>,
      %get3A_362 = vector.shape_cast %get3A_361 : vector<1x1x16xf32> to vector<16xf32>
      %add3A_363 = arith.addf %get3A_356, %get3A_362 : vector<16xf32>
      %swap3A = arith.constant 0 : i32
      %swap3A_364 = arith.index_cast %swap3A : i32 to index
      %swap3A_365 = arith.index_cast %add3A_351 : i32 to index
      %swap3A_366 = arith.constant 0 : index
      %swap3A_367 = tpu.vector_load %arg11[%swap3A_364, %swap3A_365, %swap3A_366] {strides = array<i32>} : memref<2x128x128xf32, #tpu.memory_space<vmem>>, vector<1x1x16xf32>,
      %swap3A_368 = vector.shape_cast %swap3A_367 : vector<1x1x16xf32> to vector<16xf32>
      %swap3A_369 = vector.shape_cast %add3A_363 : vector<16xf32> to vector<1x1x16xf32>
      tpu.vector_store %arg11[%swap3A_364, %swap3A_365, %swap3A_366], %swap3A_369 {strides = array<i32>} : memref<2x128x128xf32, #tpu.memory_space<vmem>>, vector<1x1x16xf32>,
      %get3A_370 = arith.constant 0 : i32
      %get3A_371 = arith.index_cast %get3A_370 : i32 to index
      %get3A_372 = arith.index_cast %add3A_351 : i32 to index
      %get3A_373 = arith.constant 16 : index
      %get3A_374 = tpu.vector_load %arg11[%get3A_371, %get3A_372, %get3A_373] {strides = array<i32>} : memref<2x128x128xf32, #tpu.memory_space<vmem>>, vector<1x1x16xf32>,
      %get3A_375 = vector.shape_cast %get3A_374 : vector<1x1x16xf32> to vector<16xf32>
      %get3A_376 = arith.constant 0 : i32
      %get3A_377 = arith.index_cast %get3A_376 : i32 to index
      %get3A_378 = arith.index_cast %add3A_351 : i32 to index
      %get3A_379 = arith.constant 16 : index
      %get3A_380 = tpu.vector_load %arg10[%get3A_377, %get3A_378, %get3A_379] {strides = array<i32>} : memref<2x128x128xf32, #tpu.memory_space<vmem>>, vector<1x1x16xf32>,
      %get3A_381 = vector.shape_cast %get3A_380 : vector<1x1x16xf32> to vector<16xf32>
      %add3A_382 = arith.addf %get3A_375, %get3A_381 : vector<16xf32>
      %swap3A_383 = arith.constant 0 : i32
      %swap3A_384 = arith.index_cast %swap3A_383 : i32 to index
      %swap3A_385 = arith.index_cast %add3A_351 : i32 to index
      %swap3A_386 = arith.constant 16 : index
      %swap3A_387 = tpu.vector_load %arg11[%swap3A_384, %swap3A_385, %swap3A_386] {strides = array<i32>} : memref<2x128x128xf32, #tpu.memory_space<vmem>>, vector<1x1x16xf32>,
      %swap3A_388 = vector.shape_cast %swap3A_387 : vector<1x1x16xf32> to vector<16xf32>
      %swap3A_389 = vector.shape_cast %add3A_382 : vector<16xf32> to vector<1x1x16xf32>
      tpu.vector_store %arg11[%swap3A_384, %swap3A_385, %swap3A_386], %swap3A_389 {strides = array<i32>} : memref<2x128x128xf32, #tpu.memory_space<vmem>>, vector<1x1x16xf32>,
      %get3A_390 = arith.constant 0 : i32
      %get3A_391 = arith.index_cast %get3A_390 : i32 to index
      %get3A_392 = arith.index_cast %add3A_351 : i32 to index
      %get3A_393 = arith.constant 32 : index
      %get3A_394 = tpu.vector_load %arg11[%get3A_391, %get3A_392, %get3A_393] {strides = array<i32>} : memref<2x128x128xf32, #tpu.memory_space<vmem>>, vector<1x1x16xf32>,
      %get3A_395 = vector.shape_cast %get3A_394 : vector<1x1x16xf32> to vector<16xf32>
      %get3A_396 = arith.constant 0 : i32
      %get3A_397 = arith.index_cast %get3A_396 : i32 to index
      %get3A_398 = arith.index_cast %add3A_351 : i32 to index
      %get3A_399 = arith.constant 32 : index
      %get3A_400 = tpu.vector_load %arg10[%get3A_397, %get3A_398, %get3A_399] {strides = array<i32>} : memref<2x128x128xf32, #tpu.memory_space<vmem>>, vector<1x1x16xf32>,
      %get3A_401 = vector.shape_cast %get3A_400 : vector<1x1x16xf32> to vector<16xf32>
      %add3A_402 = arith.addf %get3A_395, %get3A_401 : vector<16xf32>
      %swap3A_403 = arith.constant 0 : i32
      %swap3A_404 = arith.index_cast %swap3A_403 : i32 to index
      %swap3A_405 = arith.index_cast %add3A_351 : i32 to index
      %swap3A_406 = arith.constant 32 : index
      %swap3A_407 = tpu.vector_load %arg11[%swap3A_404, %swap3A_405, %swap3A_406] {strides = array<i32>} : memref<2x128x128xf32, #tpu.memory_space<vmem>>, vector<1x1x16xf32>,
      %swap3A_408 = vector.shape_cast %swap3A_407 : vector<1x1x16xf32> to vector<16xf32>
      %swap3A_409 = vector.shape_cast %add3A_402 : vector<16xf32> to vector<1x1x16xf32>
      tpu.vector_store %arg11[%swap3A_404, %swap3A_405, %swap3A_406], %swap3A_409 {strides = array<i32>} : memref<2x128x128xf32, #tpu.memory_space<vmem>>, vector<1x1x16xf32>,
      %get3A_410 = arith.constant 0 : i32
      %get3A_411 = arith.index_cast %get3A_410 : i32 to index
      %get3A_412 = arith.index_cast %add3A_351 : i32 to index
      %get3A_413 = arith.constant 48 : index
      %get3A_414 = tpu.vector_load %arg11[%get3A_411, %get3A_412, %get3A_413] {strides = array<i32>} : memref<2x128x128xf32, #tpu.memory_space<vmem>>, vector<1x1x16xf32>,
      %get3A_415 = vector.shape_cast %get3A_414 : vector<1x1x16xf32> to vector<16xf32>
      %get3A_416 = arith.constant 0 : i32
      %get3A_417 = arith.index_cast %get3A_416 : i32 to index
      %get3A_418 = arith.index_cast %add3A_351 : i32 to index
      %get3A_419 = arith.constant 48 : index
      %get3A_420 = tpu.vector_load %arg10[%get3A_417, %get3A_418, %get3A_419] {strides = array<i32>} : memref<2x128x128xf32, #tpu.memory_space<vmem>>, vector<1x1x16xf32>,
      %get3A_421 = vector.shape_cast %get3A_420 : vector<1x1x16xf32> to vector<16xf32>
      %add3A_422 = arith.addf %get3A_415, %get3A_421 : vector<16xf32>
      %swap3A_423 = arith.constant 0 : i32
      %swap3A_424 = arith.index_cast %swap3A_423 : i32 to index
      %swap3A_425 = arith.index_cast %add3A_351 : i32 to index
      %swap3A_426 = arith.constant 48 : index
      %swap3A_427 = tpu.vector_load %arg11[%swap3A_424, %swap3A_425, %swap3A_426] {strides = array<i32>} : memref<2x128x128xf32, #tpu.memory_space<vmem>>, vector<1x1x16xf32>,
      %swap3A_428 = vector.shape_cast %swap3A_427 : vector<1x1x16xf32> to vector<16xf32>
      %swap3A_429 = vector.shape_cast %add3A_422 : vector<16xf32> to vector<1x1x16xf32>
      tpu.vector_store %arg11[%swap3A_424, %swap3A_425, %swap3A_426], %swap3A_429 {strides = array<i32>} : memref<2x128x128xf32, #tpu.memory_space<vmem>>, vector<1x1x16xf32>,
      %get3A_430 = arith.constant 0 : i32
      %get3A_431 = arith.index_cast %get3A_430 : i32 to index
      %get3A_432 = arith.index_cast %add3A_351 : i32 to index
      %get3A_433 = arith.constant 64 : index
      %get3A_434 = tpu.vector_load %arg11[%get3A_431, %get3A_432, %get3A_433] {strides = array<i32>} : memref<2x128x128xf32, #tpu.memory_space<vmem>>, vector<1x1x16xf32>,
      %get3A_435 = vector.shape_cast %get3A_434 : vector<1x1x16xf32> to vector<16xf32>
      %get3A_436 = arith.constant 0 : i32
      %get3A_437 = arith.index_cast %get3A_436 : i32 to index
      %get3A_438 = arith.index_cast %add3A_351 : i32 to index
      %get3A_439 = arith.constant 64 : index
      %get3A_440 = tpu.vector_load %arg10[%get3A_437, %get3A_438, %get3A_439] {strides = array<i32>} : memref<2x128x128xf32, #tpu.memory_space<vmem>>, vector<1x1x16xf32>,
      %get3A_441 = vector.shape_cast %get3A_440 : vector<1x1x16xf32> to vector<16xf32>
      %add3A_442 = arith.addf %get3A_435, %get3A_441 : vector<16xf32>
      %swap3A_443 = arith.constant 0 : i32
      %swap3A_444 = arith.index_cast %swap3A_443 : i32 to index
      %swap3A_445 = arith.index_cast %add3A_351 : i32 to index
      %swap3A_446 = arith.constant 64 : index
      %swap3A_447 = tpu.vector_load %arg11[%swap3A_444, %swap3A_445, %swap3A_446] {strides = array<i32>} : memref<2x128x128xf32, #tpu.memory_space<vmem>>, vector<1x1x16xf32>,
      %swap3A_448 = vector.shape_cast %swap3A_447 : vector<1x1x16xf32> to vector<16xf32>
      %swap3A_449 = vector.shape_cast %add3A_442 : vector<16xf32> to vector<1x1x16xf32>
      tpu.vector_store %arg11[%swap3A_444, %swap3A_445, %swap3A_446], %swap3A_449 {strides = array<i32>} : memref<2x128x128xf32, #tpu.memory_space<vmem>>, vector<1x1x16xf32>,
      %get3A_450 = arith.constant 0 : i32
      %get3A_451 = arith.index_cast %get3A_450 : i32 to index
      %get3A_452 = arith.index_cast %add3A_351 : i32 to index
      %get3A_453 = arith.constant 80 : index
      %get3A_454 = tpu.vector_load %arg11[%get3A_451, %get3A_452, %get3A_453] {strides = array<i32>} : memref<2x128x128xf32, #tpu.memory_space<vmem>>, vector<1x1x16xf32>,
      %get3A_455 = vector.shape_cast %get3A_454 : vector<1x1x16xf32> to vector<16xf32>
      %get3A_456 = arith.constant 0 : i32
      %get3A_457 = arith.index_cast %get3A_456 : i32 to index
      %get3A_458 = arith.index_cast %add3A_351 : i32 to index
      %get3A_459 = arith.constant 80 : index
      %get3A_460 = tpu.vector_load %arg10[%get3A_457, %get3A_458, %get3A_459] {strides = array<i32>} : memref<2x128x128xf32, #tpu.memory_space<vmem>>, vector<1x1x16xf32>,
      %get3A_461 = vector.shape_cast %get3A_460 : vector<1x1x16xf32> to vector<16xf32>
      %add3A_462 = arith.addf %get3A_455, %get3A_461 : vector<16xf32>
      %swap3A_463 = arith.constant 0 : i32
      %swap3A_464 = arith.index_cast %swap3A_463 : i32 to index
      %swap3A_465 = arith.index_cast %add3A_351 : i32 to index
      %swap3A_466 = arith.constant 80 : index
      %swap3A_467 = tpu.vector_load %arg11[%swap3A_464, %swap3A_465, %swap3A_466] {strides = array<i32>} : memref<2x128x128xf32, #tpu.memory_space<vmem>>, vector<1x1x16xf32>,
      %swap3A_468 = vector.shape_cast %swap3A_467 : vector<1x1x16xf32> to vector<16xf32>
      %swap3A_469 = vector.shape_cast %add3A_462 : vector<16xf32> to vector<1x1x16xf32>
      tpu.vector_store %arg11[%swap3A_464, %swap3A_465, %swap3A_466], %swap3A_469 {strides = array<i32>} : memref<2x128x128xf32, #tpu.memory_space<vmem>>, vector<1x1x16xf32>,
      %get3A_470 = arith.constant 0 : i32
      %get3A_471 = arith.index_cast %get3A_470 : i32 to index
      %get3A_472 = arith.index_cast %add3A_351 : i32 to index
      %get3A_473 = arith.constant 96 : index
      %get3A_474 = tpu.vector_load %arg11[%get3A_471, %get3A_472, %get3A_473] {strides = array<i32>} : memref<2x128x128xf32, #tpu.memory_space<vmem>>, vector<1x1x16xf32>,
      %get3A_475 = vector.shape_cast %get3A_474 : vector<1x1x16xf32> to vector<16xf32>
      %get3A_476 = arith.constant 0 : i32
      %get3A_477 = arith.index_cast %get3A_476 : i32 to index
      %get3A_478 = arith.index_cast %add3A_351 : i32 to index
      %get3A_479 = arith.constant 96 : index
      %get3A_480 = tpu.vector_load %arg10[%get3A_477, %get3A_478, %get3A_479] {strides = array<i32>} : memref<2x128x128xf32, #tpu.memory_space<vmem>>, vector<1x1x16xf32>,
      %get3A_481 = vector.shape_cast %get3A_480 : vector<1x1x16xf32> to vector<16xf32>
      %add3A_482 = arith.addf %get3A_475, %get3A_481 : vector<16xf32>
      %swap3A_483 = arith.constant 0 : i32
      %swap3A_484 = arith.index_cast %swap3A_483 : i32 to index
      %swap3A_485 = arith.index_cast %add3A_351 : i32 to index
      %swap3A_486 = arith.constant 96 : index
      %swap3A_487 = tpu.vector_load %arg11[%swap3A_484, %swap3A_485, %swap3A_486] {strides = array<i32>} : memref<2x128x128xf32, #tpu.memory_space<vmem>>, vector<1x1x16xf32>,
      %swap3A_488 = vector.shape_cast %swap3A_487 : vector<1x1x16xf32> to vector<16xf32>
      %swap3A_489 = vector.shape_cast %add3A_482 : vector<16xf32> to vector<1x1x16xf32>
      tpu.vector_store %arg11[%swap3A_484, %swap3A_485, %swap3A_486], %swap3A_489 {strides = array<i32>} : memref<2x128x128xf32, #tpu.memory_space<vmem>>, vector<1x1x16xf32>,
      %get3A_490 = arith.constant 0 : i32
      %get3A_491 = arith.index_cast %get3A_490 : i32 to index
      %get3A_492 = arith.index_cast %add3A_351 : i32 to index
      %get3A_493 = arith.constant 112 : index
      %get3A_494 = tpu.vector_load %arg11[%get3A_491, %get3A_492, %get3A_493] {strides = array<i32>} : memref<2x128x128xf32, #tpu.memory_space<vmem>>, vector<1x1x16xf32>,
      %get3A_495 = vector.shape_cast %get3A_494 : vector<1x1x16xf32> to vector<16xf32>
      %get3A_496 = arith.constant 0 : i32
      %get3A_497 = arith.index_cast %get3A_496 : i32 to index
      %get3A_498 = arith.index_cast %add3A_351 : i32 to index
      %get3A_499 = arith.constant 112 : index
      %get3A_500 = tpu.vector_load %arg10[%get3A_497, %get3A_498, %get3A_499] {strides = array<i32>} : memref<2x128x128xf32, #tpu.memory_space<vmem>>, vector<1x1x16xf32>,
      %get3A_501 = vector.shape_cast %get3A_500 : vector<1x1x16xf32> to vector<16xf32>
      %add3A_502 = arith.addf %get3A_495, %get3A_501 : vector<16xf32>
      %swap3A_503 = arith.constant 0 : i32
      %swap3A_504 = arith.index_cast %swap3A_503 : i32 to index
      %swap3A_505 = arith.index_cast %add3A_351 : i32 to index
      %swap3A_506 = arith.constant 112 : index
      %swap3A_507 = tpu.vector_load %arg11[%swap3A_504, %swap3A_505, %swap3A_506] {strides = array<i32>} : memref<2x128x128xf32, #tpu.memory_space<vmem>>, vector<1x1x16xf32>,
      %swap3A_508 = vector.shape_cast %swap3A_507 : vector<1x1x16xf32> to vector<16xf32>
      %swap3A_509 = vector.shape_cast %add3A_502 : vector<16xf32> to vector<1x1x16xf32>
      tpu.vector_store %arg11[%swap3A_504, %swap3A_505, %swap3A_506], %swap3A_509 {strides = array<i32>} : memref<2x128x128xf32, #tpu.memory_space<vmem>>, vector<1x1x16xf32>,
    }
    %scan3A_106 = arith.constant 128 : i32
    %dma_start3A_107 = arith.constant 0 : i32
    %dma_start3A_108 = arith.constant 0 : i32
    %dma_start3A_109 = arith.constant 0 : i32
    %dma_start3A_110 = arith.constant 0 : i32
    %dma_start3A_111 = tpu.memref_slice %arg11[%dma_start3A_107, %dma_start3A_109, %dma_start3A_110] : memref<2x128x128xf32, #tpu.memory_space<vmem>> -> memref<1x128x128xf32, #tpu.memory_space<vmem>>
    %dma_start3A_112 = tpu.memref_squeeze %dma_start3A_111 : memref<1x128x128xf32, #tpu.memory_space<vmem>> -> memref<128x128xf32, #tpu.memory_space<vmem>>
    %dma_start3A_113 = arith.constant 0 : i32
    %dma_start3A_114 = tpu.memref_slice %arg9[%dma_start3A_108, %dma_start3A_113] : memref<4x128xi32, #tpu.memory_space<vmem>> -> memref<1x128xi32, #tpu.memory_space<vmem>>
    %dma_start3A_115 = tpu.memref_squeeze %dma_start3A_114 : memref<1x128xi32, #tpu.memory_space<vmem>> -> memref<128xi32, #tpu.memory_space<vmem>>
    %dma_start3A_116 = arith.constant 0 : i32
    %dma_start3A_117 = arith.constant 0 : i32
    %dma_start3A_118 = tpu.memref_slice %arg6[%dma_start3A_116, %dma_start3A_117] : memref<100000x128xf32, #tpu.memory_space<hbm>> -> memref<100000x128xf32, #tpu.memory_space<hbm>>
    tpu.enqueue_indirect_dma source(%dma_start3A_112 : memref<128x128xf32, #tpu.memory_space<vmem>>) target(%dma_start3A_118 : memref<100000x128xf32, #tpu.memory_space<hbm>>) offsets(%dma_start3A_115 : memref<128xi32, #tpu.memory_space<vmem>>) semaphore(%arg13 : memref<!tpu.dma_semaphore, #tpu.memory_space<semaphore_mem>>)
    %dma_wait3A_119 = arith.constant 0 : i32
    %dma_wait3A_120 = arith.constant 0 : i32
    %dma_wait3A_121 = arith.constant 0 : i32
    %dma_wait3A_122 = arith.constant 0 : i32
    %dma_wait3A_123 = tpu.memref_slice %arg11[%dma_wait3A_119, %dma_wait3A_121, %dma_wait3A_122] : memref<2x128x128xf32, #tpu.memory_space<vmem>> -> memref<1x128x128xf32, #tpu.memory_space<vmem>>
    %dma_wait3A_124 = tpu.memref_squeeze %dma_wait3A_123 : memref<1x128x128xf32, #tpu.memory_space<vmem>> -> memref<128x128xf32, #tpu.memory_space<vmem>>
    %dma_wait3A_125 = arith.constant 0 : i32
    %dma_wait3A_126 = tpu.memref_slice %arg9[%dma_wait3A_120, %dma_wait3A_125] : memref<4x128xi32, #tpu.memory_space<vmem>> -> memref<1x128xi32, #tpu.memory_space<vmem>>
    %dma_wait3A_127 = tpu.memref_squeeze %dma_wait3A_126 : memref<1x128xi32, #tpu.memory_space<vmem>> -> memref<128xi32, #tpu.memory_space<vmem>>
    %dma_wait3A_128 = arith.constant 0 : i32
    %dma_wait3A_129 = arith.constant 0 : i32
    %dma_wait3A_130 = tpu.memref_slice %arg6[%dma_wait3A_128, %dma_wait3A_129] : memref<100000x128xf32, #tpu.memory_space<hbm>> -> memref<100000x128xf32, #tpu.memory_space<hbm>>
    tpu.wait_indirect_dma semaphore(%arg13 : memref<!tpu.dma_semaphore, #tpu.memory_space<semaphore_mem>>) src(%dma_wait3A_124 : memref<128x128xf32, #tpu.memory_space<vmem>>) dst(%dma_wait3A_130 : memref<100000x128xf32, #tpu.memory_space<hbm>>)
    %add3A_131 = arith.constant 256 : i32
    %add3A_132 = arith.addi %mul3A_2, %add3A_131 : i32
    %dma_start3A_133 = arith.constant 0 : i32
    %dma_start3A_134 = arith.constant 0 : i32
    %dma_start3A_135 = arith.constant 0 : i32
    %dma_start3A_136 = tpu.memref_slice %arg10[%dma_start3A_133, %dma_start3A_134, %dma_start3A_135] : memref<2x128x128xf32, #tpu.memory_space<vmem>> -> memref<1x128x128xf32, #tpu.memory_space<vmem>>
    %dma_start3A_137 = tpu.memref_squeeze %dma_start3A_136 : memref<1x128x128xf32, #tpu.memory_space<vmem>> -> memref<128x128xf32, #tpu.memory_space<vmem>>
    %dma_start3A_138 = arith.constant 0 : i32
    %dma_start3A_139 = tpu.memref_slice %arg4[%add3A_132, %dma_start3A_138] : memref<16384x128xf32, #tpu.memory_space<hbm>> -> memref<128x128xf32, #tpu.memory_space<hbm>>
    %dma_start3A_140 = arith.constant 0 : i32
    %dma_start3A_141 = arith.constant 0 : i32
    %dma_start3A_142 = tpu.memref_slice %arg10[%dma_start3A_133, %dma_start3A_140, %dma_start3A_141] : memref<2x128x128xf32, #tpu.memory_space<vmem>> -> memref<1x128x128xf32, #tpu.memory_space<vmem>>
    %dma_start3A_143 = tpu.memref_squeeze %dma_start3A_142 : memref<1x128x128xf32, #tpu.memory_space<vmem>> -> memref<128x128xf32, #tpu.memory_space<vmem>>
    %dma_start3A_144 = arith.constant 0 : i32
    %dma_start3A_145 = tpu.memref_slice %arg4[%add3A_132, %dma_start3A_144] : memref<16384x128xf32, #tpu.memory_space<hbm>> -> memref<128x128xf32, #tpu.memory_space<hbm>>
    tpu.enqueue_dma source(%dma_start3A_145 : memref<128x128xf32, #tpu.memory_space<hbm>>) target(%dma_start3A_143 : memref<128x128xf32, #tpu.memory_space<vmem>>) target_semaphore(%arg12 : memref<!tpu.dma_semaphore, #tpu.memory_space<semaphore_mem>>)
    %dma_start3A_146 = arith.constant 2 : i32
    %dma_start3A_147 = arith.constant 0 : i32
    %dma_start3A_148 = arith.constant 0 : i32
    %dma_start3A_149 = arith.constant 0 : i32
    %dma_start3A_150 = tpu.memref_slice %arg11[%dma_start3A_147, %dma_start3A_148, %dma_start3A_149] : memref<2x128x128xf32, #tpu.memory_space<vmem>> -> memref<1x128x128xf32, #tpu.memory_space<vmem>>
    %dma_start3A_151 = tpu.memref_squeeze %dma_start3A_150 : memref<1x128x128xf32, #tpu.memory_space<vmem>> -> memref<128x128xf32, #tpu.memory_space<vmem>>
    %dma_start3A_152 = arith.constant 0 : i32
    %dma_start3A_153 = tpu.memref_slice %arg8[%dma_start3A_146, %dma_start3A_152] : memref<4x128xi32, #tpu.memory_space<vmem>> -> memref<1x128xi32, #tpu.memory_space<vmem>>
    %dma_start3A_154 = tpu.memref_squeeze %dma_start3A_153 : memref<1x128xi32, #tpu.memory_space<vmem>> -> memref<128xi32, #tpu.memory_space<vmem>>
    %dma_start3A_155 = arith.constant 0 : i32
    %dma_start3A_156 = arith.constant 0 : i32
    %dma_start3A_157 = tpu.memref_slice %arg5[%dma_start3A_155, %dma_start3A_156] : memref<16384x128xf32, #tpu.memory_space<hbm>> -> memref<16384x128xf32, #tpu.memory_space<hbm>>
    tpu.enqueue_indirect_dma source(%dma_start3A_157 : memref<16384x128xf32, #tpu.memory_space<hbm>>) target(%dma_start3A_151 : memref<128x128xf32, #tpu.memory_space<vmem>>) offsets(%dma_start3A_154 : memref<128xi32, #tpu.memory_space<vmem>>) semaphore(%arg12 : memref<!tpu.dma_semaphore, #tpu.memory_space<semaphore_mem>>)
    %dma_wait3A_158 = arith.constant 1 : i32
    %dma_wait3A_159 = arith.constant 0 : i32
    %dma_wait3A_160 = arith.constant 0 : i32
    %dma_wait3A_161 = tpu.memref_slice %arg10[%dma_wait3A_158, %dma_wait3A_159, %dma_wait3A_160] : memref<2x128x128xf32, #tpu.memory_space<vmem>> -> memref<1x128x128xf32, #tpu.memory_space<vmem>>
    %dma_wait3A_162 = tpu.memref_squeeze %dma_wait3A_161 : memref<1x128x128xf32, #tpu.memory_space<vmem>> -> memref<128x128xf32, #tpu.memory_space<vmem>>
    %dma_wait3A_163 = arith.constant 0 : i32
    %dma_wait3A_164 = tpu.memref_slice %arg4[%add3A_53, %dma_wait3A_163] : memref<16384x128xf32, #tpu.memory_space<hbm>> -> memref<128x128xf32, #tpu.memory_space<hbm>>
    %dma_wait3A_165 = arith.constant 0 : i32
    %dma_wait3A_166 = arith.constant 0 : i32
    %dma_wait3A_167 = tpu.memref_slice %arg10[%dma_wait3A_158, %dma_wait3A_165, %dma_wait3A_166] : memref<2x128x128xf32, #tpu.memory_space<vmem>> -> memref<1x128x128xf32, #tpu.memory_space<vmem>>
    %dma_wait3A_168 = tpu.memref_squeeze %dma_wait3A_167 : memref<1x128x128xf32, #tpu.memory_space<vmem>> -> memref<128x128xf32, #tpu.memory_space<vmem>>
    %dma_wait3A_169 = arith.constant 0 : i32
    %dma_wait3A_170 = tpu.memref_slice %arg4[%add3A_53, %dma_wait3A_169] : memref<16384x128xf32, #tpu.memory_space<hbm>> -> memref<128x128xf32, #tpu.memory_space<hbm>>
    tpu.wait_dma2 semaphore(%arg12 : memref<!tpu.dma_semaphore, #tpu.memory_space<semaphore_mem>>) src(%dma_wait3A_170 : memref<128x128xf32, #tpu.memory_space<hbm>>) dst(%dma_wait3A_168 : memref<128x128xf32, #tpu.memory_space<vmem>>)
    %dma_wait3A_171 = arith.constant 1 : i32
    %dma_wait3A_172 = arith.constant 1 : i32
    %dma_wait3A_173 = arith.constant 0 : i32
    %dma_wait3A_174 = arith.constant 0 : i32
    %dma_wait3A_175 = tpu.memref_slice %arg11[%dma_wait3A_172, %dma_wait3A_173, %dma_wait3A_174] : memref<2x128x128xf32, #tpu.memory_space<vmem>> -> memref<1x128x128xf32, #tpu.memory_space<vmem>>
    %dma_wait3A_176 = tpu.memref_squeeze %dma_wait3A_175 : memref<1x128x128xf32, #tpu.memory_space<vmem>> -> memref<128x128xf32, #tpu.memory_space<vmem>>
    %dma_wait3A_177 = arith.constant 0 : i32
    %dma_wait3A_178 = tpu.memref_slice %arg8[%dma_wait3A_171, %dma_wait3A_177] : memref<4x128xi32, #tpu.memory_space<vmem>> -> memref<1x128xi32, #tpu.memory_space<vmem>>
    %dma_wait3A_179 = tpu.memref_squeeze %dma_wait3A_178 : memref<1x128xi32, #tpu.memory_space<vmem>> -> memref<128xi32, #tpu.memory_space<vmem>>
    %dma_wait3A_180 = arith.constant 0 : i32
    %dma_wait3A_181 = arith.constant 0 : i32
    %dma_wait3A_182 = tpu.memref_slice %arg5[%dma_wait3A_180, %dma_wait3A_181] : memref<16384x128xf32, #tpu.memory_space<hbm>> -> memref<16384x128xf32, #tpu.memory_space<hbm>>
    tpu.wait_indirect_dma semaphore(%arg12 : memref<!tpu.dma_semaphore, #tpu.memory_space<semaphore_mem>>) src(%dma_wait3A_182 : memref<16384x128xf32, #tpu.memory_space<hbm>>) dst(%dma_wait3A_176 : memref<128x128xf32, #tpu.memory_space<vmem>>)
    %scan3A_183 = arith.constant 0 : i32
    %scan3A_184 = arith.constant 128 : i32
    %scan3A_185 = arith.addi %scan3A_183, %scan3A_184 : i32
    %scan3A_186 = arith.constant 1 : i32
    scf.for %scan3A_347 = %scan3A_183 to %scan3A_185 step %scan3A_186  : i32 {
      %mul3A_348 = arith.constant 1 : i32
      %mul3A_349 = arith.muli %scan3A_347, %mul3A_348 : i32
      %add3A_350 = arith.constant 0 : i32
      %add3A_351 = arith.addi %add3A_350, %mul3A_349 : i32
      %get3A = arith.constant 1 : i32
      %get3A_352 = arith.index_cast %get3A : i32 to index
      %get3A_353 = arith.index_cast %add3A_351 : i32 to index
      %get3A_354 = arith.constant 0 : index
      %get3A_355 = tpu.vector_load %arg11[%get3A_352, %get3A_353, %get3A_354] {strides = array<i32>} : memref<2x128x128xf32, #tpu.memory_space<vmem>>, vector<1x1x16xf32>,
      %get3A_356 = vector.shape_cast %get3A_355 : vector<1x1x16xf32> to vector<16xf32>
      %get3A_357 = arith.constant 1 : i32
      %get3A_358 = arith.index_cast %get3A_357 : i32 to index
      %get3A_359 = arith.index_cast %add3A_351 : i32 to index
      %get3A_360 = arith.constant 0 : index
      %get3A_361 = tpu.vector_load %arg10[%get3A_358, %get3A_359, %get3A_360] {strides = array<i32>} : memref<2x128x128xf32, #tpu.memory_space<vmem>>, vector<1x1x16xf32>,
      %get3A_362 = vector.shape_cast %get3A_361 : vector<1x1x16xf32> to vector<16xf32>
      %add3A_363 = arith.addf %get3A_356, %get3A_362 : vector<16xf32>
      %swap3A = arith.constant 1 : i32
      %swap3A_364 = arith.index_cast %swap3A : i32 to index
      %swap3A_365 = arith.index_cast %add3A_351 : i32 to index
      %swap3A_366 = arith.constant 0 : index
      %swap3A_367 = tpu.vector_load %arg11[%swap3A_364, %swap3A_365, %swap3A_366] {strides = array<i32>} : memref<2x128x128xf32, #tpu.memory_space<vmem>>, vector<1x1x16xf32>,
      %swap3A_368 = vector.shape_cast %swap3A_367 : vector<1x1x16xf32> to vector<16xf32>
      %swap3A_369 = vector.shape_cast %add3A_363 : vector<16xf32> to vector<1x1x16xf32>
      tpu.vector_store %arg11[%swap3A_364, %swap3A_365, %swap3A_366], %swap3A_369 {strides = array<i32>} : memref<2x128x128xf32, #tpu.memory_space<vmem>>, vector<1x1x16xf32>,
      %get3A_370 = arith.constant 1 : i32
      %get3A_371 = arith.index_cast %get3A_370 : i32 to index
      %get3A_372 = arith.index_cast %add3A_351 : i32 to index
      %get3A_373 = arith.constant 16 : index
      %get3A_374 = tpu.vector_load %arg11[%get3A_371, %get3A_372, %get3A_373] {strides = array<i32>} : memref<2x128x128xf32, #tpu.memory_space<vmem>>, vector<1x1x16xf32>,
      %get3A_375 = vector.shape_cast %get3A_374 : vector<1x1x16xf32> to vector<16xf32>
      %get3A_376 = arith.constant 1 : i32
      %get3A_377 = arith.index_cast %get3A_376 : i32 to index
      %get3A_378 = arith.index_cast %add3A_351 : i32 to index
      %get3A_379 = arith.constant 16 : index
      %get3A_380 = tpu.vector_load %arg10[%get3A_377, %get3A_378, %get3A_379] {strides = array<i32>} : memref<2x128x128xf32, #tpu.memory_space<vmem>>, vector<1x1x16xf32>,
      %get3A_381 = vector.shape_cast %get3A_380 : vector<1x1x16xf32> to vector<16xf32>
      %add3A_382 = arith.addf %get3A_375, %get3A_381 : vector<16xf32>
      %swap3A_383 = arith.constant 1 : i32
      %swap3A_384 = arith.index_cast %swap3A_383 : i32 to index
      %swap3A_385 = arith.index_cast %add3A_351 : i32 to index
      %swap3A_386 = arith.constant 16 : index
      %swap3A_387 = tpu.vector_load %arg11[%swap3A_384, %swap3A_385, %swap3A_386] {strides = array<i32>} : memref<2x128x128xf32, #tpu.memory_space<vmem>>, vector<1x1x16xf32>,
      %swap3A_388 = vector.shape_cast %swap3A_387 : vector<1x1x16xf32> to vector<16xf32>
      %swap3A_389 = vector.shape_cast %add3A_382 : vector<16xf32> to vector<1x1x16xf32>
      tpu.vector_store %arg11[%swap3A_384, %swap3A_385, %swap3A_386], %swap3A_389 {strides = array<i32>} : memref<2x128x128xf32, #tpu.memory_space<vmem>>, vector<1x1x16xf32>,
      %get3A_390 = arith.constant 1 : i32
      %get3A_391 = arith.index_cast %get3A_390 : i32 to index
      %get3A_392 = arith.index_cast %add3A_351 : i32 to index
      %get3A_393 = arith.constant 32 : index
      %get3A_394 = tpu.vector_load %arg11[%get3A_391, %get3A_392, %get3A_393] {strides = array<i32>} : memref<2x128x128xf32, #tpu.memory_space<vmem>>, vector<1x1x16xf32>,
      %get3A_395 = vector.shape_cast %get3A_394 : vector<1x1x16xf32> to vector<16xf32>
      %get3A_396 = arith.constant 1 : i32
      %get3A_397 = arith.index_cast %get3A_396 : i32 to index
      %get3A_398 = arith.index_cast %add3A_351 : i32 to index
      %get3A_399 = arith.constant 32 : index
      %get3A_400 = tpu.vector_load %arg10[%get3A_397, %get3A_398, %get3A_399] {strides = array<i32>} : memref<2x128x128xf32, #tpu.memory_space<vmem>>, vector<1x1x16xf32>,
      %get3A_401 = vector.shape_cast %get3A_400 : vector<1x1x16xf32> to vector<16xf32>
      %add3A_402 = arith.addf %get3A_395, %get3A_401 : vector<16xf32>
      %swap3A_403 = arith.constant 1 : i32
      %swap3A_404 = arith.index_cast %swap3A_403 : i32 to index
      %swap3A_405 = arith.index_cast %add3A_351 : i32 to index
      %swap3A_406 = arith.constant 32 : index
      %swap3A_407 = tpu.vector_load %arg11[%swap3A_404, %swap3A_405, %swap3A_406] {strides = array<i32>} : memref<2x128x128xf32, #tpu.memory_space<vmem>>, vector<1x1x16xf32>,
      %swap3A_408 = vector.shape_cast %swap3A_407 : vector<1x1x16xf32> to vector<16xf32>
      %swap3A_409 = vector.shape_cast %add3A_402 : vector<16xf32> to vector<1x1x16xf32>
      tpu.vector_store %arg11[%swap3A_404, %swap3A_405, %swap3A_406], %swap3A_409 {strides = array<i32>} : memref<2x128x128xf32, #tpu.memory_space<vmem>>, vector<1x1x16xf32>,
      %get3A_410 = arith.constant 1 : i32
      %get3A_411 = arith.index_cast %get3A_410 : i32 to index
      %get3A_412 = arith.index_cast %add3A_351 : i32 to index
      %get3A_413 = arith.constant 48 : index
      %get3A_414 = tpu.vector_load %arg11[%get3A_411, %get3A_412, %get3A_413] {strides = array<i32>} : memref<2x128x128xf32, #tpu.memory_space<vmem>>, vector<1x1x16xf32>,
      %get3A_415 = vector.shape_cast %get3A_414 : vector<1x1x16xf32> to vector<16xf32>
      %get3A_416 = arith.constant 1 : i32
      %get3A_417 = arith.index_cast %get3A_416 : i32 to index
      %get3A_418 = arith.index_cast %add3A_351 : i32 to index
      %get3A_419 = arith.constant 48 : index
      %get3A_420 = tpu.vector_load %arg10[%get3A_417, %get3A_418, %get3A_419] {strides = array<i32>} : memref<2x128x128xf32, #tpu.memory_space<vmem>>, vector<1x1x16xf32>,
      %get3A_421 = vector.shape_cast %get3A_420 : vector<1x1x16xf32> to vector<16xf32>
      %add3A_422 = arith.addf %get3A_415, %get3A_421 : vector<16xf32>
      %swap3A_423 = arith.constant 1 : i32
      %swap3A_424 = arith.index_cast %swap3A_423 : i32 to index
      %swap3A_425 = arith.index_cast %add3A_351 : i32 to index
      %swap3A_426 = arith.constant 48 : index
      %swap3A_427 = tpu.vector_load %arg11[%swap3A_424, %swap3A_425, %swap3A_426] {strides = array<i32>} : memref<2x128x128xf32, #tpu.memory_space<vmem>>, vector<1x1x16xf32>,
      %swap3A_428 = vector.shape_cast %swap3A_427 : vector<1x1x16xf32> to vector<16xf32>
      %swap3A_429 = vector.shape_cast %add3A_422 : vector<16xf32> to vector<1x1x16xf32>
      tpu.vector_store %arg11[%swap3A_424, %swap3A_425, %swap3A_426], %swap3A_429 {strides = array<i32>} : memref<2x128x128xf32, #tpu.memory_space<vmem>>, vector<1x1x16xf32>,
      %get3A_430 = arith.constant 1 : i32
      %get3A_431 = arith.index_cast %get3A_430 : i32 to index
      %get3A_432 = arith.index_cast %add3A_351 : i32 to index
      %get3A_433 = arith.constant 64 : index
      %get3A_434 = tpu.vector_load %arg11[%get3A_431, %get3A_432, %get3A_433] {strides = array<i32>} : memref<2x128x128xf32, #tpu.memory_space<vmem>>, vector<1x1x16xf32>,
      %get3A_435 = vector.shape_cast %get3A_434 : vector<1x1x16xf32> to vector<16xf32>
      %get3A_436 = arith.constant 1 : i32
      %get3A_437 = arith.index_cast %get3A_436 : i32 to index
      %get3A_438 = arith.index_cast %add3A_351 : i32 to index
      %get3A_439 = arith.constant 64 : index
      %get3A_440 = tpu.vector_load %arg10[%get3A_437, %get3A_438, %get3A_439] {strides = array<i32>} : memref<2x128x128xf32, #tpu.memory_space<vmem>>, vector<1x1x16xf32>,
      %get3A_441 = vector.shape_cast %get3A_440 : vector<1x1x16xf32> to vector<16xf32>
      %add3A_442 = arith.addf %get3A_435, %get3A_441 : vector<16xf32>
      %swap3A_443 = arith.constant 1 : i32
      %swap3A_444 = arith.index_cast %swap3A_443 : i32 to index
      %swap3A_445 = arith.index_cast %add3A_351 : i32 to index
      %swap3A_446 = arith.constant 64 : index
      %swap3A_447 = tpu.vector_load %arg11[%swap3A_444, %swap3A_445, %swap3A_446] {strides = array<i32>} : memref<2x128x128xf32, #tpu.memory_space<vmem>>, vector<1x1x16xf32>,
      %swap3A_448 = vector.shape_cast %swap3A_447 : vector<1x1x16xf32> to vector<16xf32>
      %swap3A_449 = vector.shape_cast %add3A_442 : vector<16xf32> to vector<1x1x16xf32>
      tpu.vector_store %arg11[%swap3A_444, %swap3A_445, %swap3A_446], %swap3A_449 {strides = array<i32>} : memref<2x128x128xf32, #tpu.memory_space<vmem>>, vector<1x1x16xf32>,
      %get3A_450 = arith.constant 1 : i32
      %get3A_451 = arith.index_cast %get3A_450 : i32 to index
      %get3A_452 = arith.index_cast %add3A_351 : i32 to index
      %get3A_453 = arith.constant 80 : index
      %get3A_454 = tpu.vector_load %arg11[%get3A_451, %get3A_452, %get3A_453] {strides = array<i32>} : memref<2x128x128xf32, #tpu.memory_space<vmem>>, vector<1x1x16xf32>,
      %get3A_455 = vector.shape_cast %get3A_454 : vector<1x1x16xf32> to vector<16xf32>
      %get3A_456 = arith.constant 1 : i32
      %get3A_457 = arith.index_cast %get3A_456 : i32 to index
      %get3A_458 = arith.index_cast %add3A_351 : i32 to index
      %get3A_459 = arith.constant 80 : index
      %get3A_460 = tpu.vector_load %arg10[%get3A_457, %get3A_458, %get3A_459] {strides = array<i32>} : memref<2x128x128xf32, #tpu.memory_space<vmem>>, vector<1x1x16xf32>,
      %get3A_461 = vector.shape_cast %get3A_460 : vector<1x1x16xf32> to vector<16xf32>
      %add3A_462 = arith.addf %get3A_455, %get3A_461 : vector<16xf32>
      %swap3A_463 = arith.constant 1 : i32
      %swap3A_464 = arith.index_cast %swap3A_463 : i32 to index
      %swap3A_465 = arith.index_cast %add3A_351 : i32 to index
      %swap3A_466 = arith.constant 80 : index
      %swap3A_467 = tpu.vector_load %arg11[%swap3A_464, %swap3A_465, %swap3A_466] {strides = array<i32>} : memref<2x128x128xf32, #tpu.memory_space<vmem>>, vector<1x1x16xf32>,
      %swap3A_468 = vector.shape_cast %swap3A_467 : vector<1x1x16xf32> to vector<16xf32>
      %swap3A_469 = vector.shape_cast %add3A_462 : vector<16xf32> to vector<1x1x16xf32>
      tpu.vector_store %arg11[%swap3A_464, %swap3A_465, %swap3A_466], %swap3A_469 {strides = array<i32>} : memref<2x128x128xf32, #tpu.memory_space<vmem>>, vector<1x1x16xf32>,
      %get3A_470 = arith.constant 1 : i32
      %get3A_471 = arith.index_cast %get3A_470 : i32 to index
      %get3A_472 = arith.index_cast %add3A_351 : i32 to index
      %get3A_473 = arith.constant 96 : index
      %get3A_474 = tpu.vector_load %arg11[%get3A_471, %get3A_472, %get3A_473] {strides = array<i32>} : memref<2x128x128xf32, #tpu.memory_space<vmem>>, vector<1x1x16xf32>,
      %get3A_475 = vector.shape_cast %get3A_474 : vector<1x1x16xf32> to vector<16xf32>
      %get3A_476 = arith.constant 1 : i32
      %get3A_477 = arith.index_cast %get3A_476 : i32 to index
      %get3A_478 = arith.index_cast %add3A_351 : i32 to index
      %get3A_479 = arith.constant 96 : index
      %get3A_480 = tpu.vector_load %arg10[%get3A_477, %get3A_478, %get3A_479] {strides = array<i32>} : memref<2x128x128xf32, #tpu.memory_space<vmem>>, vector<1x1x16xf32>,
      %get3A_481 = vector.shape_cast %get3A_480 : vector<1x1x16xf32> to vector<16xf32>
      %add3A_482 = arith.addf %get3A_475, %get3A_481 : vector<16xf32>
      %swap3A_483 = arith.constant 1 : i32
      %swap3A_484 = arith.index_cast %swap3A_483 : i32 to index
      %swap3A_485 = arith.index_cast %add3A_351 : i32 to index
      %swap3A_486 = arith.constant 96 : index
      %swap3A_487 = tpu.vector_load %arg11[%swap3A_484, %swap3A_485, %swap3A_486] {strides = array<i32>} : memref<2x128x128xf32, #tpu.memory_space<vmem>>, vector<1x1x16xf32>,
      %swap3A_488 = vector.shape_cast %swap3A_487 : vector<1x1x16xf32> to vector<16xf32>
      %swap3A_489 = vector.shape_cast %add3A_482 : vector<16xf32> to vector<1x1x16xf32>
      tpu.vector_store %arg11[%swap3A_484, %swap3A_485, %swap3A_486], %swap3A_489 {strides = array<i32>} : memref<2x128x128xf32, #tpu.memory_space<vmem>>, vector<1x1x16xf32>,
      %get3A_490 = arith.constant 1 : i32
      %get3A_491 = arith.index_cast %get3A_490 : i32 to index
      %get3A_492 = arith.index_cast %add3A_351 : i32 to index
      %get3A_493 = arith.constant 112 : index
      %get3A_494 = tpu.vector_load %arg11[%get3A_491, %get3A_492, %get3A_493] {strides = array<i32>} : memref<2x128x128xf32, #tpu.memory_space<vmem>>, vector<1x1x16xf32>,
      %get3A_495 = vector.shape_cast %get3A_494 : vector<1x1x16xf32> to vector<16xf32>
      %get3A_496 = arith.constant 1 : i32
      %get3A_497 = arith.index_cast %get3A_496 : i32 to index
      %get3A_498 = arith.index_cast %add3A_351 : i32 to index
      %get3A_499 = arith.constant 112 : index
      %get3A_500 = tpu.vector_load %arg10[%get3A_497, %get3A_498, %get3A_499] {strides = array<i32>} : memref<2x128x128xf32, #tpu.memory_space<vmem>>, vector<1x1x16xf32>,
      %get3A_501 = vector.shape_cast %get3A_500 : vector<1x1x16xf32> to vector<16xf32>
      %add3A_502 = arith.addf %get3A_495, %get3A_501 : vector<16xf32>
      %swap3A_503 = arith.constant 1 : i32
      %swap3A_504 = arith.index_cast %swap3A_503 : i32 to index
      %swap3A_505 = arith.index_cast %add3A_351 : i32 to index
      %swap3A_506 = arith.constant 112 : index
      %swap3A_507 = tpu.vector_load %arg11[%swap3A_504, %swap3A_505, %swap3A_506] {strides = array<i32>} : memref<2x128x128xf32, #tpu.memory_space<vmem>>, vector<1x1x16xf32>,
      %swap3A_508 = vector.shape_cast %swap3A_507 : vector<1x1x16xf32> to vector<16xf32>
      %swap3A_509 = vector.shape_cast %add3A_502 : vector<16xf32> to vector<1x1x16xf32>
      tpu.vector_store %arg11[%swap3A_504, %swap3A_505, %swap3A_506], %swap3A_509 {strides = array<i32>} : memref<2x128x128xf32, #tpu.memory_space<vmem>>, vector<1x1x16xf32>,
    }
    %scan3A_187 = arith.constant 128 : i32
    %dma_start3A_188 = arith.constant 1 : i32
    %dma_start3A_189 = arith.constant 1 : i32
    %dma_start3A_190 = arith.constant 0 : i32
    %dma_start3A_191 = arith.constant 0 : i32
    %dma_start3A_192 = tpu.memref_slice %arg11[%dma_start3A_188, %dma_start3A_190, %dma_start3A_191] : memref<2x128x128xf32, #tpu.memory_space<vmem>> -> memref<1x128x128xf32, #tpu.memory_space<vmem>>
    %dma_start3A_193 = tpu.memref_squeeze %dma_start3A_192 : memref<1x128x128xf32, #tpu.memory_space<vmem>> -> memref<128x128xf32, #tpu.memory_space<vmem>>
    %dma_start3A_194 = arith.constant 0 : i32
    %dma_start3A_195 = tpu.memref_slice %arg9[%dma_start3A_189, %dma_start3A_194] : memref<4x128xi32, #tpu.memory_space<vmem>> -> memref<1x128xi32, #tpu.memory_space<vmem>>
    %dma_start3A_196 = tpu.memref_squeeze %dma_start3A_195 : memref<1x128xi32, #tpu.memory_space<vmem>> -> memref<128xi32, #tpu.memory_space<vmem>>
    %dma_start3A_197 = arith.constant 0 : i32
    %dma_start3A_198 = arith.constant 0 : i32
    %dma_start3A_199 = tpu.memref_slice %arg6[%dma_start3A_197, %dma_start3A_198] : memref<100000x128xf32, #tpu.memory_space<hbm>> -> memref<100000x128xf32, #tpu.memory_space<hbm>>
    tpu.enqueue_indirect_dma source(%dma_start3A_193 : memref<128x128xf32, #tpu.memory_space<vmem>>) target(%dma_start3A_199 : memref<100000x128xf32, #tpu.memory_space<hbm>>) offsets(%dma_start3A_196 : memref<128xi32, #tpu.memory_space<vmem>>) semaphore(%arg13 : memref<!tpu.dma_semaphore, #tpu.memory_space<semaphore_mem>>)
    %dma_wait3A_200 = arith.constant 1 : i32
    %dma_wait3A_201 = arith.constant 1 : i32
    %dma_wait3A_202 = arith.constant 0 : i32
    %dma_wait3A_203 = arith.constant 0 : i32
    %dma_wait3A_204 = tpu.memref_slice %arg11[%dma_wait3A_200, %dma_wait3A_202, %dma_wait3A_203] : memref<2x128x128xf32, #tpu.memory_space<vmem>> -> memref<1x128x128xf32, #tpu.memory_space<vmem>>
    %dma_wait3A_205 = tpu.memref_squeeze %dma_wait3A_204 : memref<1x128x128xf32, #tpu.memory_space<vmem>> -> memref<128x128xf32, #tpu.memory_space<vmem>>
    %dma_wait3A_206 = arith.constant 0 : i32
    %dma_wait3A_207 = tpu.memref_slice %arg9[%dma_wait3A_201, %dma_wait3A_206] : memref<4x128xi32, #tpu.memory_space<vmem>> -> memref<1x128xi32, #tpu.memory_space<vmem>>
    %dma_wait3A_208 = tpu.memref_squeeze %dma_wait3A_207 : memref<1x128xi32, #tpu.memory_space<vmem>> -> memref<128xi32, #tpu.memory_space<vmem>>
    %dma_wait3A_209 = arith.constant 0 : i32
    %dma_wait3A_210 = arith.constant 0 : i32
    %dma_wait3A_211 = tpu.memref_slice %arg6[%dma_wait3A_209, %dma_wait3A_210] : memref<100000x128xf32, #tpu.memory_space<hbm>> -> memref<100000x128xf32, #tpu.memory_space<hbm>>
    tpu.wait_indirect_dma semaphore(%arg13 : memref<!tpu.dma_semaphore, #tpu.memory_space<semaphore_mem>>) src(%dma_wait3A_205 : memref<128x128xf32, #tpu.memory_space<vmem>>) dst(%dma_wait3A_211 : memref<100000x128xf32, #tpu.memory_space<hbm>>)
    %add3A_212 = arith.constant 384 : i32
    %add3A_213 = arith.addi %mul3A_2, %add3A_212 : i32
    %dma_start3A_214 = arith.constant 1 : i32
    %dma_start3A_215 = arith.constant 0 : i32
    %dma_start3A_216 = arith.constant 0 : i32
    %dma_start3A_217 = tpu.memref_slice %arg10[%dma_start3A_214, %dma_start3A_215, %dma_start3A_216] : memref<2x128x128xf32, #tpu.memory_space<vmem>> -> memref<1x128x128xf32, #tpu.memory_space<vmem>>
    %dma_start3A_218 = tpu.memref_squeeze %dma_start3A_217 : memref<1x128x128xf32, #tpu.memory_space<vmem>> -> memref<128x128xf32, #tpu.memory_space<vmem>>
    %dma_start3A_219 = arith.constant 0 : i32
    %dma_start3A_220 = tpu.memref_slice %arg4[%add3A_213, %dma_start3A_219] : memref<16384x128xf32, #tpu.memory_space<hbm>> -> memref<128x128xf32, #tpu.memory_space<hbm>>
    %dma_start3A_221 = arith.constant 0 : i32
    %dma_start3A_222 = arith.constant 0 : i32
    %dma_start3A_223 = tpu.memref_slice %arg10[%dma_start3A_214, %dma_start3A_221, %dma_start3A_222] : memref<2x128x128xf32, #tpu.memory_space<vmem>> -> memref<1x128x128xf32, #tpu.memory_space<vmem>>
    %dma_start3A_224 = tpu.memref_squeeze %dma_start3A_223 : memref<1x128x128xf32, #tpu.memory_space<vmem>> -> memref<128x128xf32, #tpu.memory_space<vmem>>
    %dma_start3A_225 = arith.constant 0 : i32
    %dma_start3A_226 = tpu.memref_slice %arg4[%add3A_213, %dma_start3A_225] : memref<16384x128xf32, #tpu.memory_space<hbm>> -> memref<128x128xf32, #tpu.memory_space<hbm>>
    tpu.enqueue_dma source(%dma_start3A_226 : memref<128x128xf32, #tpu.memory_space<hbm>>) target(%dma_start3A_224 : memref<128x128xf32, #tpu.memory_space<vmem>>) target_semaphore(%arg12 : memref<!tpu.dma_semaphore, #tpu.memory_space<semaphore_mem>>)
    %dma_start3A_227 = arith.constant 3 : i32
    %dma_start3A_228 = arith.constant 1 : i32
    %dma_start3A_229 = arith.constant 0 : i32
    %dma_start3A_230 = arith.constant 0 : i32
    %dma_start3A_231 = tpu.memref_slice %arg11[%dma_start3A_228, %dma_start3A_229, %dma_start3A_230] : memref<2x128x128xf32, #tpu.memory_space<vmem>> -> memref<1x128x128xf32, #tpu.memory_space<vmem>>
    %dma_start3A_232 = tpu.memref_squeeze %dma_start3A_231 : memref<1x128x128xf32, #tpu.memory_space<vmem>> -> memref<128x128xf32, #tpu.memory_space<vmem>>
    %dma_start3A_233 = arith.constant 0 : i32
    %dma_start3A_234 = tpu.memref_slice %arg8[%dma_start3A_227, %dma_start3A_233] : memref<4x128xi32, #tpu.memory_space<vmem>> -> memref<1x128xi32, #tpu.memory_space<vmem>>
    %dma_start3A_235 = tpu.memref_squeeze %dma_start3A_234 : memref<1x128xi32, #tpu.memory_space<vmem>> -> memref<128xi32, #tpu.memory_space<vmem>>
    %dma_start3A_236 = arith.constant 0 : i32
    %dma_start3A_237 = arith.constant 0 : i32
    %dma_start3A_238 = tpu.memref_slice %arg5[%dma_start3A_236, %dma_start3A_237] : memref<16384x128xf32, #tpu.memory_space<hbm>> -> memref<16384x128xf32, #tpu.memory_space<hbm>>
    tpu.enqueue_indirect_dma source(%dma_start3A_238 : memref<16384x128xf32, #tpu.memory_space<hbm>>) target(%dma_start3A_232 : memref<128x128xf32, #tpu.memory_space<vmem>>) offsets(%dma_start3A_235 : memref<128xi32, #tpu.memory_space<vmem>>) semaphore(%arg12 : memref<!tpu.dma_semaphore, #tpu.memory_space<semaphore_mem>>)
    %dma_wait3A_239 = arith.constant 0 : i32
    %dma_wait3A_240 = arith.constant 0 : i32
    %dma_wait3A_241 = arith.constant 0 : i32
    %dma_wait3A_242 = tpu.memref_slice %arg10[%dma_wait3A_239, %dma_wait3A_240, %dma_wait3A_241] : memref<2x128x128xf32, #tpu.memory_space<vmem>> -> memref<1x128x128xf32, #tpu.memory_space<vmem>>
    %dma_wait3A_243 = tpu.memref_squeeze %dma_wait3A_242 : memref<1x128x128xf32, #tpu.memory_space<vmem>> -> memref<128x128xf32, #tpu.memory_space<vmem>>
    %dma_wait3A_244 = arith.constant 0 : i32
    %dma_wait3A_245 = tpu.memref_slice %arg4[%add3A_132, %dma_wait3A_244] : memref<16384x128xf32, #tpu.memory_space<hbm>> -> memref<128x128xf32, #tpu.memory_space<hbm>>
    %dma_wait3A_246 = arith.constant 0 : i32
    %dma_wait3A_247 = arith.constant 0 : i32
    %dma_wait3A_248 = tpu.memref_slice %arg10[%dma_wait3A_239, %dma_wait3A_246, %dma_wait3A_247] : memref<2x128x128xf32, #tpu.memory_space<vmem>> -> memref<1x128x128xf32, #tpu.memory_space<vmem>>
    %dma_wait3A_249 = tpu.memref_squeeze %dma_wait3A_248 : memref<1x128x128xf32, #tpu.memory_space<vmem>> -> memref<128x128xf32, #tpu.memory_space<vmem>>
    %dma_wait3A_250 = arith.constant 0 : i32
    %dma_wait3A_251 = tpu.memref_slice %arg4[%add3A_132, %dma_wait3A_250] : memref<16384x128xf32, #tpu.memory_space<hbm>> -> memref<128x128xf32, #tpu.memory_space<hbm>>
    tpu.wait_dma2 semaphore(%arg12 : memref<!tpu.dma_semaphore, #tpu.memory_space<semaphore_mem>>) src(%dma_wait3A_251 : memref<128x128xf32, #tpu.memory_space<hbm>>) dst(%dma_wait3A_249 : memref<128x128xf32, #tpu.memory_space<vmem>>)
    %dma_wait3A_252 = arith.constant 2 : i32
    %dma_wait3A_253 = arith.constant 0 : i32
    %dma_wait3A_254 = arith.constant 0 : i32
    %dma_wait3A_255 = arith.constant 0 : i32
    %dma_wait3A_256 = tpu.memref_slice %arg11[%dma_wait3A_253, %dma_wait3A_254, %dma_wait3A_255] : memref<2x128x128xf32, #tpu.memory_space<vmem>> -> memref<1x128x128xf32, #tpu.memory_space<vmem>>
    %dma_wait3A_257 = tpu.memref_squeeze %dma_wait3A_256 : memref<1x128x128xf32, #tpu.memory_space<vmem>> -> memref<128x128xf32, #tpu.memory_space<vmem>>
    %dma_wait3A_258 = arith.constant 0 : i32
    %dma_wait3A_259 = tpu.memref_slice %arg8[%dma_wait3A_252, %dma_wait3A_258] : memref<4x128xi32, #tpu.memory_space<vmem>> -> memref<1x128xi32, #tpu.memory_space<vmem>>
    %dma_wait3A_260 = tpu.memref_squeeze %dma_wait3A_259 : memref<1x128xi32, #tpu.memory_space<vmem>> -> memref<128xi32, #tpu.memory_space<vmem>>
    %dma_wait3A_261 = arith.constant 0 : i32
    %dma_wait3A_262 = arith.constant 0 : i32
    %dma_wait3A_263 = tpu.memref_slice %arg5[%dma_wait3A_261, %dma_wait3A_262] : memref<16384x128xf32, #tpu.memory_space<hbm>> -> memref<16384x128xf32, #tpu.memory_space<hbm>>
    tpu.wait_indirect_dma semaphore(%arg12 : memref<!tpu.dma_semaphore, #tpu.memory_space<semaphore_mem>>) src(%dma_wait3A_263 : memref<16384x128xf32, #tpu.memory_space<hbm>>) dst(%dma_wait3A_257 : memref<128x128xf32, #tpu.memory_space<vmem>>)
    %scan3A_264 = arith.constant 0 : i32
    %scan3A_265 = arith.constant 128 : i32
    %scan3A_266 = arith.addi %scan3A_264, %scan3A_265 : i32
    %scan3A_267 = arith.constant 1 : i32
    scf.for %scan3A_347 = %scan3A_264 to %scan3A_266 step %scan3A_267  : i32 {
      %mul3A_348 = arith.constant 1 : i32
      %mul3A_349 = arith.muli %scan3A_347, %mul3A_348 : i32
      %add3A_350 = arith.constant 0 : i32
      %add3A_351 = arith.addi %add3A_350, %mul3A_349 : i32
      %get3A = arith.constant 0 : i32
      %get3A_352 = arith.index_cast %get3A : i32 to index
      %get3A_353 = arith.index_cast %add3A_351 : i32 to index
      %get3A_354 = arith.constant 0 : index
      %get3A_355 = tpu.vector_load %arg11[%get3A_352, %get3A_353, %get3A_354] {strides = array<i32>} : memref<2x128x128xf32, #tpu.memory_space<vmem>>, vector<1x1x16xf32>,
      %get3A_356 = vector.shape_cast %get3A_355 : vector<1x1x16xf32> to vector<16xf32>
      %get3A_357 = arith.constant 0 : i32
      %get3A_358 = arith.index_cast %get3A_357 : i32 to index
      %get3A_359 = arith.index_cast %add3A_351 : i32 to index
      %get3A_360 = arith.constant 0 : index
      %get3A_361 = tpu.vector_load %arg10[%get3A_358, %get3A_359, %get3A_360] {strides = array<i32>} : memref<2x128x128xf32, #tpu.memory_space<vmem>>, vector<1x1x16xf32>,
      %get3A_362 = vector.shape_cast %get3A_361 : vector<1x1x16xf32> to vector<16xf32>
      %add3A_363 = arith.addf %get3A_356, %get3A_362 : vector<16xf32>
      %swap3A = arith.constant 0 : i32
      %swap3A_364 = arith.index_cast %swap3A : i32 to index
      %swap3A_365 = arith.index_cast %add3A_351 : i32 to index
      %swap3A_366 = arith.constant 0 : index
      %swap3A_367 = tpu.vector_load %arg11[%swap3A_364, %swap3A_365, %swap3A_366] {strides = array<i32>} : memref<2x128x128xf32, #tpu.memory_space<vmem>>, vector<1x1x16xf32>,
      %swap3A_368 = vector.shape_cast %swap3A_367 : vector<1x1x16xf32> to vector<16xf32>
      %swap3A_369 = vector.shape_cast %add3A_363 : vector<16xf32> to vector<1x1x16xf32>
      tpu.vector_store %arg11[%swap3A_364, %swap3A_365, %swap3A_366], %swap3A_369 {strides = array<i32>} : memref<2x128x128xf32, #tpu.memory_space<vmem>>, vector<1x1x16xf32>,
      %get3A_370 = arith.constant 0 : i32
      %get3A_371 = arith.index_cast %get3A_370 : i32 to index
      %get3A_372 = arith.index_cast %add3A_351 : i32 to index
      %get3A_373 = arith.constant 16 : index
      %get3A_374 = tpu.vector_load %arg11[%get3A_371, %get3A_372, %get3A_373] {strides = array<i32>} : memref<2x128x128xf32, #tpu.memory_space<vmem>>, vector<1x1x16xf32>,
      %get3A_375 = vector.shape_cast %get3A_374 : vector<1x1x16xf32> to vector<16xf32>
      %get3A_376 = arith.constant 0 : i32
      %get3A_377 = arith.index_cast %get3A_376 : i32 to index
      %get3A_378 = arith.index_cast %add3A_351 : i32 to index
      %get3A_379 = arith.constant 16 : index
      %get3A_380 = tpu.vector_load %arg10[%get3A_377, %get3A_378, %get3A_379] {strides = array<i32>} : memref<2x128x128xf32, #tpu.memory_space<vmem>>, vector<1x1x16xf32>,
      %get3A_381 = vector.shape_cast %get3A_380 : vector<1x1x16xf32> to vector<16xf32>
      %add3A_382 = arith.addf %get3A_375, %get3A_381 : vector<16xf32>
      %swap3A_383 = arith.constant 0 : i32
      %swap3A_384 = arith.index_cast %swap3A_383 : i32 to index
      %swap3A_385 = arith.index_cast %add3A_351 : i32 to index
      %swap3A_386 = arith.constant 16 : index
      %swap3A_387 = tpu.vector_load %arg11[%swap3A_384, %swap3A_385, %swap3A_386] {strides = array<i32>} : memref<2x128x128xf32, #tpu.memory_space<vmem>>, vector<1x1x16xf32>,
      %swap3A_388 = vector.shape_cast %swap3A_387 : vector<1x1x16xf32> to vector<16xf32>
      %swap3A_389 = vector.shape_cast %add3A_382 : vector<16xf32> to vector<1x1x16xf32>
      tpu.vector_store %arg11[%swap3A_384, %swap3A_385, %swap3A_386], %swap3A_389 {strides = array<i32>} : memref<2x128x128xf32, #tpu.memory_space<vmem>>, vector<1x1x16xf32>,
      %get3A_390 = arith.constant 0 : i32
      %get3A_391 = arith.index_cast %get3A_390 : i32 to index
      %get3A_392 = arith.index_cast %add3A_351 : i32 to index
      %get3A_393 = arith.constant 32 : index
      %get3A_394 = tpu.vector_load %arg11[%get3A_391, %get3A_392, %get3A_393] {strides = array<i32>} : memref<2x128x128xf32, #tpu.memory_space<vmem>>, vector<1x1x16xf32>,
      %get3A_395 = vector.shape_cast %get3A_394 : vector<1x1x16xf32> to vector<16xf32>
      %get3A_396 = arith.constant 0 : i32
      %get3A_397 = arith.index_cast %get3A_396 : i32 to index
      %get3A_398 = arith.index_cast %add3A_351 : i32 to index
      %get3A_399 = arith.constant 32 : index
      %get3A_400 = tpu.vector_load %arg10[%get3A_397, %get3A_398, %get3A_399] {strides = array<i32>} : memref<2x128x128xf32, #tpu.memory_space<vmem>>, vector<1x1x16xf32>,
      %get3A_401 = vector.shape_cast %get3A_400 : vector<1x1x16xf32> to vector<16xf32>
      %add3A_402 = arith.addf %get3A_395, %get3A_401 : vector<16xf32>
      %swap3A_403 = arith.constant 0 : i32
      %swap3A_404 = arith.index_cast %swap3A_403 : i32 to index
      %swap3A_405 = arith.index_cast %add3A_351 : i32 to index
      %swap3A_406 = arith.constant 32 : index
      %swap3A_407 = tpu.vector_load %arg11[%swap3A_404, %swap3A_405, %swap3A_406] {strides = array<i32>} : memref<2x128x128xf32, #tpu.memory_space<vmem>>, vector<1x1x16xf32>,
      %swap3A_408 = vector.shape_cast %swap3A_407 : vector<1x1x16xf32> to vector<16xf32>
      %swap3A_409 = vector.shape_cast %add3A_402 : vector<16xf32> to vector<1x1x16xf32>
      tpu.vector_store %arg11[%swap3A_404, %swap3A_405, %swap3A_406], %swap3A_409 {strides = array<i32>} : memref<2x128x128xf32, #tpu.memory_space<vmem>>, vector<1x1x16xf32>,
      %get3A_410 = arith.constant 0 : i32
      %get3A_411 = arith.index_cast %get3A_410 : i32 to index
      %get3A_412 = arith.index_cast %add3A_351 : i32 to index
      %get3A_413 = arith.constant 48 : index
      %get3A_414 = tpu.vector_load %arg11[%get3A_411, %get3A_412, %get3A_413] {strides = array<i32>} : memref<2x128x128xf32, #tpu.memory_space<vmem>>, vector<1x1x16xf32>,
      %get3A_415 = vector.shape_cast %get3A_414 : vector<1x1x16xf32> to vector<16xf32>
      %get3A_416 = arith.constant 0 : i32
      %get3A_417 = arith.index_cast %get3A_416 : i32 to index
      %get3A_418 = arith.index_cast %add3A_351 : i32 to index
      %get3A_419 = arith.constant 48 : index
      %get3A_420 = tpu.vector_load %arg10[%get3A_417, %get3A_418, %get3A_419] {strides = array<i32>} : memref<2x128x128xf32, #tpu.memory_space<vmem>>, vector<1x1x16xf32>,
      %get3A_421 = vector.shape_cast %get3A_420 : vector<1x1x16xf32> to vector<16xf32>
      %add3A_422 = arith.addf %get3A_415, %get3A_421 : vector<16xf32>
      %swap3A_423 = arith.constant 0 : i32
      %swap3A_424 = arith.index_cast %swap3A_423 : i32 to index
      %swap3A_425 = arith.index_cast %add3A_351 : i32 to index
      %swap3A_426 = arith.constant 48 : index
      %swap3A_427 = tpu.vector_load %arg11[%swap3A_424, %swap3A_425, %swap3A_426] {strides = array<i32>} : memref<2x128x128xf32, #tpu.memory_space<vmem>>, vector<1x1x16xf32>,
      %swap3A_428 = vector.shape_cast %swap3A_427 : vector<1x1x16xf32> to vector<16xf32>
      %swap3A_429 = vector.shape_cast %add3A_422 : vector<16xf32> to vector<1x1x16xf32>
      tpu.vector_store %arg11[%swap3A_424, %swap3A_425, %swap3A_426], %swap3A_429 {strides = array<i32>} : memref<2x128x128xf32, #tpu.memory_space<vmem>>, vector<1x1x16xf32>,
      %get3A_430 = arith.constant 0 : i32
      %get3A_431 = arith.index_cast %get3A_430 : i32 to index
      %get3A_432 = arith.index_cast %add3A_351 : i32 to index
      %get3A_433 = arith.constant 64 : index
      %get3A_434 = tpu.vector_load %arg11[%get3A_431, %get3A_432, %get3A_433] {strides = array<i32>} : memref<2x128x128xf32, #tpu.memory_space<vmem>>, vector<1x1x16xf32>,
      %get3A_435 = vector.shape_cast %get3A_434 : vector<1x1x16xf32> to vector<16xf32>
      %get3A_436 = arith.constant 0 : i32
      %get3A_437 = arith.index_cast %get3A_436 : i32 to index
      %get3A_438 = arith.index_cast %add3A_351 : i32 to index
      %get3A_439 = arith.constant 64 : index
      %get3A_440 = tpu.vector_load %arg10[%get3A_437, %get3A_438, %get3A_439] {strides = array<i32>} : memref<2x128x128xf32, #tpu.memory_space<vmem>>, vector<1x1x16xf32>,
      %get3A_441 = vector.shape_cast %get3A_440 : vector<1x1x16xf32> to vector<16xf32>
      %add3A_442 = arith.addf %get3A_435, %get3A_441 : vector<16xf32>
      %swap3A_443 = arith.constant 0 : i32
      %swap3A_444 = arith.index_cast %swap3A_443 : i32 to index
      %swap3A_445 = arith.index_cast %add3A_351 : i32 to index
      %swap3A_446 = arith.constant 64 : index
      %swap3A_447 = tpu.vector_load %arg11[%swap3A_444, %swap3A_445, %swap3A_446] {strides = array<i32>} : memref<2x128x128xf32, #tpu.memory_space<vmem>>, vector<1x1x16xf32>,
      %swap3A_448 = vector.shape_cast %swap3A_447 : vector<1x1x16xf32> to vector<16xf32>
      %swap3A_449 = vector.shape_cast %add3A_442 : vector<16xf32> to vector<1x1x16xf32>
      tpu.vector_store %arg11[%swap3A_444, %swap3A_445, %swap3A_446], %swap3A_449 {strides = array<i32>} : memref<2x128x128xf32, #tpu.memory_space<vmem>>, vector<1x1x16xf32>,
      %get3A_450 = arith.constant 0 : i32
      %get3A_451 = arith.index_cast %get3A_450 : i32 to index
      %get3A_452 = arith.index_cast %add3A_351 : i32 to index
      %get3A_453 = arith.constant 80 : index
      %get3A_454 = tpu.vector_load %arg11[%get3A_451, %get3A_452, %get3A_453] {strides = array<i32>} : memref<2x128x128xf32, #tpu.memory_space<vmem>>, vector<1x1x16xf32>,
      %get3A_455 = vector.shape_cast %get3A_454 : vector<1x1x16xf32> to vector<16xf32>
      %get3A_456 = arith.constant 0 : i32
      %get3A_457 = arith.index_cast %get3A_456 : i32 to index
      %get3A_458 = arith.index_cast %add3A_351 : i32 to index
      %get3A_459 = arith.constant 80 : index
      %get3A_460 = tpu.vector_load %arg10[%get3A_457, %get3A_458, %get3A_459] {strides = array<i32>} : memref<2x128x128xf32, #tpu.memory_space<vmem>>, vector<1x1x16xf32>,
      %get3A_461 = vector.shape_cast %get3A_460 : vector<1x1x16xf32> to vector<16xf32>
      %add3A_462 = arith.addf %get3A_455, %get3A_461 : vector<16xf32>
      %swap3A_463 = arith.constant 0 : i32
      %swap3A_464 = arith.index_cast %swap3A_463 : i32 to index
      %swap3A_465 = arith.index_cast %add3A_351 : i32 to index
      %swap3A_466 = arith.constant 80 : index
      %swap3A_467 = tpu.vector_load %arg11[%swap3A_464, %swap3A_465, %swap3A_466] {strides = array<i32>} : memref<2x128x128xf32, #tpu.memory_space<vmem>>, vector<1x1x16xf32>,
      %swap3A_468 = vector.shape_cast %swap3A_467 : vector<1x1x16xf32> to vector<16xf32>
      %swap3A_469 = vector.shape_cast %add3A_462 : vector<16xf32> to vector<1x1x16xf32>
      tpu.vector_store %arg11[%swap3A_464, %swap3A_465, %swap3A_466], %swap3A_469 {strides = array<i32>} : memref<2x128x128xf32, #tpu.memory_space<vmem>>, vector<1x1x16xf32>,
      %get3A_470 = arith.constant 0 : i32
      %get3A_471 = arith.index_cast %get3A_470 : i32 to index
      %get3A_472 = arith.index_cast %add3A_351 : i32 to index
      %get3A_473 = arith.constant 96 : index
      %get3A_474 = tpu.vector_load %arg11[%get3A_471, %get3A_472, %get3A_473] {strides = array<i32>} : memref<2x128x128xf32, #tpu.memory_space<vmem>>, vector<1x1x16xf32>,
      %get3A_475 = vector.shape_cast %get3A_474 : vector<1x1x16xf32> to vector<16xf32>
      %get3A_476 = arith.constant 0 : i32
      %get3A_477 = arith.index_cast %get3A_476 : i32 to index
      %get3A_478 = arith.index_cast %add3A_351 : i32 to index
      %get3A_479 = arith.constant 96 : index
      %get3A_480 = tpu.vector_load %arg10[%get3A_477, %get3A_478, %get3A_479] {strides = array<i32>} : memref<2x128x128xf32, #tpu.memory_space<vmem>>, vector<1x1x16xf32>,
      %get3A_481 = vector.shape_cast %get3A_480 : vector<1x1x16xf32> to vector<16xf32>
      %add3A_482 = arith.addf %get3A_475, %get3A_481 : vector<16xf32>
      %swap3A_483 = arith.constant 0 : i32
      %swap3A_484 = arith.index_cast %swap3A_483 : i32 to index
      %swap3A_485 = arith.index_cast %add3A_351 : i32 to index
      %swap3A_486 = arith.constant 96 : index
      %swap3A_487 = tpu.vector_load %arg11[%swap3A_484, %swap3A_485, %swap3A_486] {strides = array<i32>} : memref<2x128x128xf32, #tpu.memory_space<vmem>>, vector<1x1x16xf32>,
      %swap3A_488 = vector.shape_cast %swap3A_487 : vector<1x1x16xf32> to vector<16xf32>
      %swap3A_489 = vector.shape_cast %add3A_482 : vector<16xf32> to vector<1x1x16xf32>
      tpu.vector_store %arg11[%swap3A_484, %swap3A_485, %swap3A_486], %swap3A_489 {strides = array<i32>} : memref<2x128x128xf32, #tpu.memory_space<vmem>>, vector<1x1x16xf32>,
      %get3A_490 = arith.constant 0 : i32
      %get3A_491 = arith.index_cast %get3A_490 : i32 to index
      %get3A_492 = arith.index_cast %add3A_351 : i32 to index
      %get3A_493 = arith.constant 112 : index
      %get3A_494 = tpu.vector_load %arg11[%get3A_491, %get3A_492, %get3A_493] {strides = array<i32>} : memref<2x128x128xf32, #tpu.memory_space<vmem>>, vector<1x1x16xf32>,
      %get3A_495 = vector.shape_cast %get3A_494 : vector<1x1x16xf32> to vector<16xf32>
      %get3A_496 = arith.constant 0 : i32
      %get3A_497 = arith.index_cast %get3A_496 : i32 to index
      %get3A_498 = arith.index_cast %add3A_351 : i32 to index
      %get3A_499 = arith.constant 112 : index
      %get3A_500 = tpu.vector_load %arg10[%get3A_497, %get3A_498, %get3A_499] {strides = array<i32>} : memref<2x128x128xf32, #tpu.memory_space<vmem>>, vector<1x1x16xf32>,
      %get3A_501 = vector.shape_cast %get3A_500 : vector<1x1x16xf32> to vector<16xf32>
      %add3A_502 = arith.addf %get3A_495, %get3A_501 : vector<16xf32>
      %swap3A_503 = arith.constant 0 : i32
      %swap3A_504 = arith.index_cast %swap3A_503 : i32 to index
      %swap3A_505 = arith.index_cast %add3A_351 : i32 to index
      %swap3A_506 = arith.constant 112 : index
      %swap3A_507 = tpu.vector_load %arg11[%swap3A_504, %swap3A_505, %swap3A_506] {strides = array<i32>} : memref<2x128x128xf32, #tpu.memory_space<vmem>>, vector<1x1x16xf32>,
      %swap3A_508 = vector.shape_cast %swap3A_507 : vector<1x1x16xf32> to vector<16xf32>
      %swap3A_509 = vector.shape_cast %add3A_502 : vector<16xf32> to vector<1x1x16xf32>
      tpu.vector_store %arg11[%swap3A_504, %swap3A_505, %swap3A_506], %swap3A_509 {strides = array<i32>} : memref<2x128x128xf32, #tpu.memory_space<vmem>>, vector<1x1x16xf32>,
    }
    %scan3A_268 = arith.constant 128 : i32
    %dma_start3A_269 = arith.constant 0 : i32
    %dma_start3A_270 = arith.constant 2 : i32
    %dma_start3A_271 = arith.constant 0 : i32
    %dma_start3A_272 = arith.constant 0 : i32
    %dma_start3A_273 = tpu.memref_slice %arg11[%dma_start3A_269, %dma_start3A_271, %dma_start3A_272] : memref<2x128x128xf32, #tpu.memory_space<vmem>> -> memref<1x128x128xf32, #tpu.memory_space<vmem>>
    %dma_start3A_274 = tpu.memref_squeeze %dma_start3A_273 : memref<1x128x128xf32, #tpu.memory_space<vmem>> -> memref<128x128xf32, #tpu.memory_space<vmem>>
    %dma_start3A_275 = arith.constant 0 : i32
    %dma_start3A_276 = tpu.memref_slice %arg9[%dma_start3A_270, %dma_start3A_275] : memref<4x128xi32, #tpu.memory_space<vmem>> -> memref<1x128xi32, #tpu.memory_space<vmem>>
    %dma_start3A_277 = tpu.memref_squeeze %dma_start3A_276 : memref<1x128xi32, #tpu.memory_space<vmem>> -> memref<128xi32, #tpu.memory_space<vmem>>
    %dma_start3A_278 = arith.constant 0 : i32
    %dma_start3A_279 = arith.constant 0 : i32
    %dma_start3A_280 = tpu.memref_slice %arg6[%dma_start3A_278, %dma_start3A_279] : memref<100000x128xf32, #tpu.memory_space<hbm>> -> memref<100000x128xf32, #tpu.memory_space<hbm>>
    tpu.enqueue_indirect_dma source(%dma_start3A_274 : memref<128x128xf32, #tpu.memory_space<vmem>>) target(%dma_start3A_280 : memref<100000x128xf32, #tpu.memory_space<hbm>>) offsets(%dma_start3A_277 : memref<128xi32, #tpu.memory_space<vmem>>) semaphore(%arg13 : memref<!tpu.dma_semaphore, #tpu.memory_space<semaphore_mem>>)
    %dma_wait3A_281 = arith.constant 1 : i32
    %dma_wait3A_282 = arith.constant 0 : i32
    %dma_wait3A_283 = arith.constant 0 : i32
    %dma_wait3A_284 = tpu.memref_slice %arg10[%dma_wait3A_281, %dma_wait3A_282, %dma_wait3A_283] : memref<2x128x128xf32, #tpu.memory_space<vmem>> -> memref<1x128x128xf32, #tpu.memory_space<vmem>>
    %dma_wait3A_285 = tpu.memref_squeeze %dma_wait3A_284 : memref<1x128x128xf32, #tpu.memory_space<vmem>> -> memref<128x128xf32, #tpu.memory_space<vmem>>
    %dma_wait3A_286 = arith.constant 0 : i32
    %dma_wait3A_287 = tpu.memref_slice %arg4[%add3A_213, %dma_wait3A_286] : memref<16384x128xf32, #tpu.memory_space<hbm>> -> memref<128x128xf32, #tpu.memory_space<hbm>>
    %dma_wait3A_288 = arith.constant 0 : i32
    %dma_wait3A_289 = arith.constant 0 : i32
    %dma_wait3A_290 = tpu.memref_slice %arg10[%dma_wait3A_281, %dma_wait3A_288, %dma_wait3A_289] : memref<2x128x128xf32, #tpu.memory_space<vmem>> -> memref<1x128x128xf32, #tpu.memory_space<vmem>>
    %dma_wait3A_291 = tpu.memref_squeeze %dma_wait3A_290 : memref<1x128x128xf32, #tpu.memory_space<vmem>> -> memref<128x128xf32, #tpu.memory_space<vmem>>
    %dma_wait3A_292 = arith.constant 0 : i32
    %dma_wait3A_293 = tpu.memref_slice %arg4[%add3A_213, %dma_wait3A_292] : memref<16384x128xf32, #tpu.memory_space<hbm>> -> memref<128x128xf32, #tpu.memory_space<hbm>>
    tpu.wait_dma2 semaphore(%arg12 : memref<!tpu.dma_semaphore, #tpu.memory_space<semaphore_mem>>) src(%dma_wait3A_293 : memref<128x128xf32, #tpu.memory_space<hbm>>) dst(%dma_wait3A_291 : memref<128x128xf32, #tpu.memory_space<vmem>>)
    %dma_wait3A_294 = arith.constant 3 : i32
    %dma_wait3A_295 = arith.constant 1 : i32
    %dma_wait3A_296 = arith.constant 0 : i32
    %dma_wait3A_297 = arith.constant 0 : i32
    %dma_wait3A_298 = tpu.memref_slice %arg11[%dma_wait3A_295, %dma_wait3A_296, %dma_wait3A_297] : memref<2x128x128xf32, #tpu.memory_space<vmem>> -> memref<1x128x128xf32, #tpu.memory_space<vmem>>
    %dma_wait3A_299 = tpu.memref_squeeze %dma_wait3A_298 : memref<1x128x128xf32, #tpu.memory_space<vmem>> -> memref<128x128xf32, #tpu.memory_space<vmem>>
    %dma_wait3A_300 = arith.constant 0 : i32
    %dma_wait3A_301 = tpu.memref_slice %arg8[%dma_wait3A_294, %dma_wait3A_300] : memref<4x128xi32, #tpu.memory_space<vmem>> -> memref<1x128xi32, #tpu.memory_space<vmem>>
    %dma_wait3A_302 = tpu.memref_squeeze %dma_wait3A_301 : memref<1x128xi32, #tpu.memory_space<vmem>> -> memref<128xi32, #tpu.memory_space<vmem>>
    %dma_wait3A_303 = arith.constant 0 : i32
    %dma_wait3A_304 = arith.constant 0 : i32
    %dma_wait3A_305 = tpu.memref_slice %arg5[%dma_wait3A_303, %dma_wait3A_304] : memref<16384x128xf32, #tpu.memory_space<hbm>> -> memref<16384x128xf32, #tpu.memory_space<hbm>>
    tpu.wait_indirect_dma semaphore(%arg12 : memref<!tpu.dma_semaphore, #tpu.memory_space<semaphore_mem>>) src(%dma_wait3A_305 : memref<16384x128xf32, #tpu.memory_space<hbm>>) dst(%dma_wait3A_299 : memref<128x128xf32, #tpu.memory_space<vmem>>)
    %scan3A_306 = arith.constant 0 : i32
    %scan3A_307 = arith.constant 128 : i32
    %scan3A_308 = arith.addi %scan3A_306, %scan3A_307 : i32
    %scan3A_309 = arith.constant 1 : i32
    scf.for %scan3A_347 = %scan3A_306 to %scan3A_308 step %scan3A_309  : i32 {
      %mul3A_348 = arith.constant 1 : i32
      %mul3A_349 = arith.muli %scan3A_347, %mul3A_348 : i32
      %add3A_350 = arith.constant 0 : i32
      %add3A_351 = arith.addi %add3A_350, %mul3A_349 : i32
      %get3A = arith.constant 1 : i32
      %get3A_352 = arith.index_cast %get3A : i32 to index
      %get3A_353 = arith.index_cast %add3A_351 : i32 to index
      %get3A_354 = arith.constant 0 : index
      %get3A_355 = tpu.vector_load %arg11[%get3A_352, %get3A_353, %get3A_354] {strides = array<i32>} : memref<2x128x128xf32, #tpu.memory_space<vmem>>, vector<1x1x16xf32>,
      %get3A_356 = vector.shape_cast %get3A_355 : vector<1x1x16xf32> to vector<16xf32>
      %get3A_357 = arith.constant 1 : i32
      %get3A_358 = arith.index_cast %get3A_357 : i32 to index
      %get3A_359 = arith.index_cast %add3A_351 : i32 to index
      %get3A_360 = arith.constant 0 : index
      %get3A_361 = tpu.vector_load %arg10[%get3A_358, %get3A_359, %get3A_360] {strides = array<i32>} : memref<2x128x128xf32, #tpu.memory_space<vmem>>, vector<1x1x16xf32>,
      %get3A_362 = vector.shape_cast %get3A_361 : vector<1x1x16xf32> to vector<16xf32>
      %add3A_363 = arith.addf %get3A_356, %get3A_362 : vector<16xf32>
      %swap3A = arith.constant 1 : i32
      %swap3A_364 = arith.index_cast %swap3A : i32 to index
      %swap3A_365 = arith.index_cast %add3A_351 : i32 to index
      %swap3A_366 = arith.constant 0 : index
      %swap3A_367 = tpu.vector_load %arg11[%swap3A_364, %swap3A_365, %swap3A_366] {strides = array<i32>} : memref<2x128x128xf32, #tpu.memory_space<vmem>>, vector<1x1x16xf32>,
      %swap3A_368 = vector.shape_cast %swap3A_367 : vector<1x1x16xf32> to vector<16xf32>
      %swap3A_369 = vector.shape_cast %add3A_363 : vector<16xf32> to vector<1x1x16xf32>
      tpu.vector_store %arg11[%swap3A_364, %swap3A_365, %swap3A_366], %swap3A_369 {strides = array<i32>} : memref<2x128x128xf32, #tpu.memory_space<vmem>>, vector<1x1x16xf32>,
      %get3A_370 = arith.constant 1 : i32
      %get3A_371 = arith.index_cast %get3A_370 : i32 to index
      %get3A_372 = arith.index_cast %add3A_351 : i32 to index
      %get3A_373 = arith.constant 16 : index
      %get3A_374 = tpu.vector_load %arg11[%get3A_371, %get3A_372, %get3A_373] {strides = array<i32>} : memref<2x128x128xf32, #tpu.memory_space<vmem>>, vector<1x1x16xf32>,
      %get3A_375 = vector.shape_cast %get3A_374 : vector<1x1x16xf32> to vector<16xf32>
      %get3A_376 = arith.constant 1 : i32
      %get3A_377 = arith.index_cast %get3A_376 : i32 to index
      %get3A_378 = arith.index_cast %add3A_351 : i32 to index
      %get3A_379 = arith.constant 16 : index
      %get3A_380 = tpu.vector_load %arg10[%get3A_377, %get3A_378, %get3A_379] {strides = array<i32>} : memref<2x128x128xf32, #tpu.memory_space<vmem>>, vector<1x1x16xf32>,
      %get3A_381 = vector.shape_cast %get3A_380 : vector<1x1x16xf32> to vector<16xf32>
      %add3A_382 = arith.addf %get3A_375, %get3A_381 : vector<16xf32>
      %swap3A_383 = arith.constant 1 : i32
      %swap3A_384 = arith.index_cast %swap3A_383 : i32 to index
      %swap3A_385 = arith.index_cast %add3A_351 : i32 to index
      %swap3A_386 = arith.constant 16 : index
      %swap3A_387 = tpu.vector_load %arg11[%swap3A_384, %swap3A_385, %swap3A_386] {strides = array<i32>} : memref<2x128x128xf32, #tpu.memory_space<vmem>>, vector<1x1x16xf32>,
      %swap3A_388 = vector.shape_cast %swap3A_387 : vector<1x1x16xf32> to vector<16xf32>
      %swap3A_389 = vector.shape_cast %add3A_382 : vector<16xf32> to vector<1x1x16xf32>
      tpu.vector_store %arg11[%swap3A_384, %swap3A_385, %swap3A_386], %swap3A_389 {strides = array<i32>} : memref<2x128x128xf32, #tpu.memory_space<vmem>>, vector<1x1x16xf32>,
      %get3A_390 = arith.constant 1 : i32
      %get3A_391 = arith.index_cast %get3A_390 : i32 to index
      %get3A_392 = arith.index_cast %add3A_351 : i32 to index
      %get3A_393 = arith.constant 32 : index
      %get3A_394 = tpu.vector_load %arg11[%get3A_391, %get3A_392, %get3A_393] {strides = array<i32>} : memref<2x128x128xf32, #tpu.memory_space<vmem>>, vector<1x1x16xf32>,
      %get3A_395 = vector.shape_cast %get3A_394 : vector<1x1x16xf32> to vector<16xf32>
      %get3A_396 = arith.constant 1 : i32
      %get3A_397 = arith.index_cast %get3A_396 : i32 to index
      %get3A_398 = arith.index_cast %add3A_351 : i32 to index
      %get3A_399 = arith.constant 32 : index
      %get3A_400 = tpu.vector_load %arg10[%get3A_397, %get3A_398, %get3A_399] {strides = array<i32>} : memref<2x128x128xf32, #tpu.memory_space<vmem>>, vector<1x1x16xf32>,
      %get3A_401 = vector.shape_cast %get3A_400 : vector<1x1x16xf32> to vector<16xf32>
      %add3A_402 = arith.addf %get3A_395, %get3A_401 : vector<16xf32>
      %swap3A_403 = arith.constant 1 : i32
      %swap3A_404 = arith.index_cast %swap3A_403 : i32 to index
      %swap3A_405 = arith.index_cast %add3A_351 : i32 to index
      %swap3A_406 = arith.constant 32 : index
      %swap3A_407 = tpu.vector_load %arg11[%swap3A_404, %swap3A_405, %swap3A_406] {strides = array<i32>} : memref<2x128x128xf32, #tpu.memory_space<vmem>>, vector<1x1x16xf32>,
      %swap3A_408 = vector.shape_cast %swap3A_407 : vector<1x1x16xf32> to vector<16xf32>
      %swap3A_409 = vector.shape_cast %add3A_402 : vector<16xf32> to vector<1x1x16xf32>
      tpu.vector_store %arg11[%swap3A_404, %swap3A_405, %swap3A_406], %swap3A_409 {strides = array<i32>} : memref<2x128x128xf32, #tpu.memory_space<vmem>>, vector<1x1x16xf32>,
      %get3A_410 = arith.constant 1 : i32
      %get3A_411 = arith.index_cast %get3A_410 : i32 to index
      %get3A_412 = arith.index_cast %add3A_351 : i32 to index
      %get3A_413 = arith.constant 48 : index
      %get3A_414 = tpu.vector_load %arg11[%get3A_411, %get3A_412, %get3A_413] {strides = array<i32>} : memref<2x128x128xf32, #tpu.memory_space<vmem>>, vector<1x1x16xf32>,
      %get3A_415 = vector.shape_cast %get3A_414 : vector<1x1x16xf32> to vector<16xf32>
      %get3A_416 = arith.constant 1 : i32
      %get3A_417 = arith.index_cast %get3A_416 : i32 to index
      %get3A_418 = arith.index_cast %add3A_351 : i32 to index
      %get3A_419 = arith.constant 48 : index
      %get3A_420 = tpu.vector_load %arg10[%get3A_417, %get3A_418, %get3A_419] {strides = array<i32>} : memref<2x128x128xf32, #tpu.memory_space<vmem>>, vector<1x1x16xf32>,
      %get3A_421 = vector.shape_cast %get3A_420 : vector<1x1x16xf32> to vector<16xf32>
      %add3A_422 = arith.addf %get3A_415, %get3A_421 : vector<16xf32>
      %swap3A_423 = arith.constant 1 : i32
      %swap3A_424 = arith.index_cast %swap3A_423 : i32 to index
      %swap3A_425 = arith.index_cast %add3A_351 : i32 to index
      %swap3A_426 = arith.constant 48 : index
      %swap3A_427 = tpu.vector_load %arg11[%swap3A_424, %swap3A_425, %swap3A_426] {strides = array<i32>} : memref<2x128x128xf32, #tpu.memory_space<vmem>>, vector<1x1x16xf32>,
      %swap3A_428 = vector.shape_cast %swap3A_427 : vector<1x1x16xf32> to vector<16xf32>
      %swap3A_429 = vector.shape_cast %add3A_422 : vector<16xf32> to vector<1x1x16xf32>
      tpu.vector_store %arg11[%swap3A_424, %swap3A_425, %swap3A_426], %swap3A_429 {strides = array<i32>} : memref<2x128x128xf32, #tpu.memory_space<vmem>>, vector<1x1x16xf32>,
      %get3A_430 = arith.constant 1 : i32
      %get3A_431 = arith.index_cast %get3A_430 : i32 to index
      %get3A_432 = arith.index_cast %add3A_351 : i32 to index
      %get3A_433 = arith.constant 64 : index
      %get3A_434 = tpu.vector_load %arg11[%get3A_431, %get3A_432, %get3A_433] {strides = array<i32>} : memref<2x128x128xf32, #tpu.memory_space<vmem>>, vector<1x1x16xf32>,
      %get3A_435 = vector.shape_cast %get3A_434 : vector<1x1x16xf32> to vector<16xf32>
      %get3A_436 = arith.constant 1 : i32
      %get3A_437 = arith.index_cast %get3A_436 : i32 to index
      %get3A_438 = arith.index_cast %add3A_351 : i32 to index
      %get3A_439 = arith.constant 64 : index
      %get3A_440 = tpu.vector_load %arg10[%get3A_437, %get3A_438, %get3A_439] {strides = array<i32>} : memref<2x128x128xf32, #tpu.memory_space<vmem>>, vector<1x1x16xf32>,
      %get3A_441 = vector.shape_cast %get3A_440 : vector<1x1x16xf32> to vector<16xf32>
      %add3A_442 = arith.addf %get3A_435, %get3A_441 : vector<16xf32>
      %swap3A_443 = arith.constant 1 : i32
      %swap3A_444 = arith.index_cast %swap3A_443 : i32 to index
      %swap3A_445 = arith.index_cast %add3A_351 : i32 to index
      %swap3A_446 = arith.constant 64 : index
      %swap3A_447 = tpu.vector_load %arg11[%swap3A_444, %swap3A_445, %swap3A_446] {strides = array<i32>} : memref<2x128x128xf32, #tpu.memory_space<vmem>>, vector<1x1x16xf32>,
      %swap3A_448 = vector.shape_cast %swap3A_447 : vector<1x1x16xf32> to vector<16xf32>
      %swap3A_449 = vector.shape_cast %add3A_442 : vector<16xf32> to vector<1x1x16xf32>
      tpu.vector_store %arg11[%swap3A_444, %swap3A_445, %swap3A_446], %swap3A_449 {strides = array<i32>} : memref<2x128x128xf32, #tpu.memory_space<vmem>>, vector<1x1x16xf32>,
      %get3A_450 = arith.constant 1 : i32
      %get3A_451 = arith.index_cast %get3A_450 : i32 to index
      %get3A_452 = arith.index_cast %add3A_351 : i32 to index
      %get3A_453 = arith.constant 80 : index
      %get3A_454 = tpu.vector_load %arg11[%get3A_451, %get3A_452, %get3A_453] {strides = array<i32>} : memref<2x128x128xf32, #tpu.memory_space<vmem>>, vector<1x1x16xf32>,
      %get3A_455 = vector.shape_cast %get3A_454 : vector<1x1x16xf32> to vector<16xf32>
      %get3A_456 = arith.constant 1 : i32
      %get3A_457 = arith.index_cast %get3A_456 : i32 to index
      %get3A_458 = arith.index_cast %add3A_351 : i32 to index
      %get3A_459 = arith.constant 80 : index
      %get3A_460 = tpu.vector_load %arg10[%get3A_457, %get3A_458, %get3A_459] {strides = array<i32>} : memref<2x128x128xf32, #tpu.memory_space<vmem>>, vector<1x1x16xf32>,
      %get3A_461 = vector.shape_cast %get3A_460 : vector<1x1x16xf32> to vector<16xf32>
      %add3A_462 = arith.addf %get3A_455, %get3A_461 : vector<16xf32>
      %swap3A_463 = arith.constant 1 : i32
      %swap3A_464 = arith.index_cast %swap3A_463 : i32 to index
      %swap3A_465 = arith.index_cast %add3A_351 : i32 to index
      %swap3A_466 = arith.constant 80 : index
      %swap3A_467 = tpu.vector_load %arg11[%swap3A_464, %swap3A_465, %swap3A_466] {strides = array<i32>} : memref<2x128x128xf32, #tpu.memory_space<vmem>>, vector<1x1x16xf32>,
      %swap3A_468 = vector.shape_cast %swap3A_467 : vector<1x1x16xf32> to vector<16xf32>
      %swap3A_469 = vector.shape_cast %add3A_462 : vector<16xf32> to vector<1x1x16xf32>
      tpu.vector_store %arg11[%swap3A_464, %swap3A_465, %swap3A_466], %swap3A_469 {strides = array<i32>} : memref<2x128x128xf32, #tpu.memory_space<vmem>>, vector<1x1x16xf32>,
      %get3A_470 = arith.constant 1 : i32
      %get3A_471 = arith.index_cast %get3A_470 : i32 to index
      %get3A_472 = arith.index_cast %add3A_351 : i32 to index
      %get3A_473 = arith.constant 96 : index
      %get3A_474 = tpu.vector_load %arg11[%get3A_471, %get3A_472, %get3A_473] {strides = array<i32>} : memref<2x128x128xf32, #tpu.memory_space<vmem>>, vector<1x1x16xf32>,
      %get3A_475 = vector.shape_cast %get3A_474 : vector<1x1x16xf32> to vector<16xf32>
      %get3A_476 = arith.constant 1 : i32
      %get3A_477 = arith.index_cast %get3A_476 : i32 to index
      %get3A_478 = arith.index_cast %add3A_351 : i32 to index
      %get3A_479 = arith.constant 96 : index
      %get3A_480 = tpu.vector_load %arg10[%get3A_477, %get3A_478, %get3A_479] {strides = array<i32>} : memref<2x128x128xf32, #tpu.memory_space<vmem>>, vector<1x1x16xf32>,
      %get3A_481 = vector.shape_cast %get3A_480 : vector<1x1x16xf32> to vector<16xf32>
      %add3A_482 = arith.addf %get3A_475, %get3A_481 : vector<16xf32>
      %swap3A_483 = arith.constant 1 : i32
      %swap3A_484 = arith.index_cast %swap3A_483 : i32 to index
      %swap3A_485 = arith.index_cast %add3A_351 : i32 to index
      %swap3A_486 = arith.constant 96 : index
      %swap3A_487 = tpu.vector_load %arg11[%swap3A_484, %swap3A_485, %swap3A_486] {strides = array<i32>} : memref<2x128x128xf32, #tpu.memory_space<vmem>>, vector<1x1x16xf32>,
      %swap3A_488 = vector.shape_cast %swap3A_487 : vector<1x1x16xf32> to vector<16xf32>
      %swap3A_489 = vector.shape_cast %add3A_482 : vector<16xf32> to vector<1x1x16xf32>
      tpu.vector_store %arg11[%swap3A_484, %swap3A_485, %swap3A_486], %swap3A_489 {strides = array<i32>} : memref<2x128x128xf32, #tpu.memory_space<vmem>>, vector<1x1x16xf32>,
      %get3A_490 = arith.constant 1 : i32
      %get3A_491 = arith.index_cast %get3A_490 : i32 to index
      %get3A_492 = arith.index_cast %add3A_351 : i32 to index
      %get3A_493 = arith.constant 112 : index
      %get3A_494 = tpu.vector_load %arg11[%get3A_491, %get3A_492, %get3A_493] {strides = array<i32>} : memref<2x128x128xf32, #tpu.memory_space<vmem>>, vector<1x1x16xf32>,
      %get3A_495 = vector.shape_cast %get3A_494 : vector<1x1x16xf32> to vector<16xf32>
      %get3A_496 = arith.constant 1 : i32
      %get3A_497 = arith.index_cast %get3A_496 : i32 to index
      %get3A_498 = arith.index_cast %add3A_351 : i32 to index
      %get3A_499 = arith.constant 112 : index
      %get3A_500 = tpu.vector_load %arg10[%get3A_497, %get3A_498, %get3A_499] {strides = array<i32>} : memref<2x128x128xf32, #tpu.memory_space<vmem>>, vector<1x1x16xf32>,
      %get3A_501 = vector.shape_cast %get3A_500 : vector<1x1x16xf32> to vector<16xf32>
      %add3A_502 = arith.addf %get3A_495, %get3A_501 : vector<16xf32>
      %swap3A_503 = arith.constant 1 : i32
      %swap3A_504 = arith.index_cast %swap3A_503 : i32 to index
      %swap3A_505 = arith.index_cast %add3A_351 : i32 to index
      %swap3A_506 = arith.constant 112 : index
      %swap3A_507 = tpu.vector_load %arg11[%swap3A_504, %swap3A_505, %swap3A_506] {strides = array<i32>} : memref<2x128x128xf32, #tpu.memory_space<vmem>>, vector<1x1x16xf32>,
      %swap3A_508 = vector.shape_cast %swap3A_507 : vector<1x1x16xf32> to vector<16xf32>
      %swap3A_509 = vector.shape_cast %add3A_502 : vector<16xf32> to vector<1x1x16xf32>
      tpu.vector_store %arg11[%swap3A_504, %swap3A_505, %swap3A_506], %swap3A_509 {strides = array<i32>} : memref<2x128x128xf32, #tpu.memory_space<vmem>>, vector<1x1x16xf32>,
    }
    %scan3A_310 = arith.constant 128 : i32
    %dma_start3A_311 = arith.constant 1 : i32
    %dma_start3A_312 = arith.constant 3 : i32
    %dma_start3A_313 = arith.constant 0 : i32
    %dma_start3A_314 = arith.constant 0 : i32
    %dma_start3A_315 = tpu.memref_slice %arg11[%dma_start3A_311, %dma_start3A_313, %dma_start3A_314] : memref<2x128x128xf32, #tpu.memory_space<vmem>> -> memref<1x128x128xf32, #tpu.memory_space<vmem>>
    %dma_start3A_316 = tpu.memref_squeeze %dma_start3A_315 : memref<1x128x128xf32, #tpu.memory_space<vmem>> -> memref<128x128xf32, #tpu.memory_space<vmem>>
    %dma_start3A_317 = arith.constant 0 : i32
    %dma_start3A_318 = tpu.memref_slice %arg9[%dma_start3A_312, %dma_start3A_317] : memref<4x128xi32, #tpu.memory_space<vmem>> -> memref<1x128xi32, #tpu.memory_space<vmem>>
    %dma_start3A_319 = tpu.memref_squeeze %dma_start3A_318 : memref<1x128xi32, #tpu.memory_space<vmem>> -> memref<128xi32, #tpu.memory_space<vmem>>
    %dma_start3A_320 = arith.constant 0 : i32
    %dma_start3A_321 = arith.constant 0 : i32
    %dma_start3A_322 = tpu.memref_slice %arg6[%dma_start3A_320, %dma_start3A_321] : memref<100000x128xf32, #tpu.memory_space<hbm>> -> memref<100000x128xf32, #tpu.memory_space<hbm>>
    tpu.enqueue_indirect_dma source(%dma_start3A_316 : memref<128x128xf32, #tpu.memory_space<vmem>>) target(%dma_start3A_322 : memref<100000x128xf32, #tpu.memory_space<hbm>>) offsets(%dma_start3A_319 : memref<128xi32, #tpu.memory_space<vmem>>) semaphore(%arg13 : memref<!tpu.dma_semaphore, #tpu.memory_space<semaphore_mem>>)
    %dma_wait3A_323 = arith.constant 0 : i32
    %dma_wait3A_324 = arith.constant 2 : i32
    %dma_wait3A_325 = arith.constant 0 : i32
    %dma_wait3A_326 = arith.constant 0 : i32
    %dma_wait3A_327 = tpu.memref_slice %arg11[%dma_wait3A_323, %dma_wait3A_325, %dma_wait3A_326] : memref<2x128x128xf32, #tpu.memory_space<vmem>> -> memref<1x128x128xf32, #tpu.memory_space<vmem>>
    %dma_wait3A_328 = tpu.memref_squeeze %dma_wait3A_327 : memref<1x128x128xf32, #tpu.memory_space<vmem>> -> memref<128x128xf32, #tpu.memory_space<vmem>>
    %dma_wait3A_329 = arith.constant 0 : i32
    %dma_wait3A_330 = tpu.memref_slice %arg9[%dma_wait3A_324, %dma_wait3A_329] : memref<4x128xi32, #tpu.memory_space<vmem>> -> memref<1x128xi32, #tpu.memory_space<vmem>>
    %dma_wait3A_331 = tpu.memref_squeeze %dma_wait3A_330 : memref<1x128xi32, #tpu.memory_space<vmem>> -> memref<128xi32, #tpu.memory_space<vmem>>
    %dma_wait3A_332 = arith.constant 0 : i32
    %dma_wait3A_333 = arith.constant 0 : i32
    %dma_wait3A_334 = tpu.memref_slice %arg6[%dma_wait3A_332, %dma_wait3A_333] : memref<100000x128xf32, #tpu.memory_space<hbm>> -> memref<100000x128xf32, #tpu.memory_space<hbm>>
    tpu.wait_indirect_dma semaphore(%arg13 : memref<!tpu.dma_semaphore, #tpu.memory_space<semaphore_mem>>) src(%dma_wait3A_328 : memref<128x128xf32, #tpu.memory_space<vmem>>) dst(%dma_wait3A_334 : memref<100000x128xf32, #tpu.memory_space<hbm>>)
    %dma_wait3A_335 = arith.constant 1 : i32
    %dma_wait3A_336 = arith.constant 3 : i32
    %dma_wait3A_337 = arith.constant 0 : i32
    %dma_wait3A_338 = arith.constant 0 : i32
    %dma_wait3A_339 = tpu.memref_slice %arg11[%dma_wait3A_335, %dma_wait3A_337, %dma_wait3A_338] : memref<2x128x128xf32, #tpu.memory_space<vmem>> -> memref<1x128x128xf32, #tpu.memory_space<vmem>>
    %dma_wait3A_340 = tpu.memref_squeeze %dma_wait3A_339 : memref<1x128x128xf32, #tpu.memory_space<vmem>> -> memref<128x128xf32, #tpu.memory_space<vmem>>
    %dma_wait3A_341 = arith.constant 0 : i32
    %dma_wait3A_342 = tpu.memref_slice %arg9[%dma_wait3A_336, %dma_wait3A_341] : memref<4x128xi32, #tpu.memory_space<vmem>> -> memref<1x128xi32, #tpu.memory_space<vmem>>
    %dma_wait3A_343 = tpu.memref_squeeze %dma_wait3A_342 : memref<1x128xi32, #tpu.memory_space<vmem>> -> memref<128xi32, #tpu.memory_space<vmem>>
    %dma_wait3A_344 = arith.constant 0 : i32
    %dma_wait3A_345 = arith.constant 0 : i32
    %dma_wait3A_346 = tpu.memref_slice %arg6[%dma_wait3A_344, %dma_wait3A_345] : memref<100000x128xf32, #tpu.memory_space<hbm>> -> memref<100000x128xf32, #tpu.memory_space<hbm>>
    tpu.wait_indirect_dma semaphore(%arg13 : memref<!tpu.dma_semaphore, #tpu.memory_space<semaphore_mem>>) src(%dma_wait3A_340 : memref<128x128xf32, #tpu.memory_space<vmem>>) dst(%dma_wait3A_346 : memref<100000x128xf32, #tpu.memory_space<hbm>>)
    return
  }
}

#map = affine_map<(d0, d1) -> (0, 0)>
#map1 = affine_map<(d0, d1) -> (0)>
module attributes {stable_mosaic.version = 14 : i64} {
  func.func @_k1(%arg0: i32, %arg1: i32, %arg2: memref<100000x128xf32, #tpu.memory_space<hbm>>, %arg3: memref<16384xi32, #tpu.memory_space<hbm>>, %arg4: memref<16384xi32, #tpu.memory_space<hbm>>, %arg5: memref<128xf32, #tpu.memory_space<hbm>>, %arg6: memref<128xf32, #tpu.memory_space<hbm>>, %arg7: memref<16384x128xf32, #tpu.memory_space<hbm>>, %arg8: memref<128x128xi32, #tpu.memory_space<hbm>>, %arg9: memref<128x128xf32, #tpu.memory_space<hbm>>, %arg10: memref<4x128xi32, #tpu.memory_space<vmem>>, %arg11: memref<512x128xf32, #tpu.memory_space<vmem>>, %arg12: memref<8x128xi32, #tpu.memory_space<vmem>>, %arg13: memref<8x128xi32, #tpu.memory_space<vmem>>, %arg14: memref<128xf32, #tpu.memory_space<vmem>>, %arg15: memref<128xf32, #tpu.memory_space<vmem>>, %arg16: memref<8x128xf32, #tpu.memory_space<vmem>>, %arg17: memref<100000xi32, #tpu.memory_space<vmem_shared>>, %arg18: memref<100000xf32, #tpu.memory_space<vmem_shared>>, %arg19: memref<!tpu.dma_semaphore, #tpu.memory_space<semaphore_mem>>, %arg20: memref<!tpu.dma_semaphore, #tpu.memory_space<semaphore_mem>>) attributes {dimension_semantics = [#tpu.dimension_semantics<core_parallel>, #tpu.dimension_semantics<subcore_parallel>], iteration_bounds = array<i64: 2, 16>, scalar_prefetch = 0 : i64, scratch_operands = 11 : i64, tpu.core_type = #tpu.core_type<sc_vector_subcore>, window_params = [{transform_indices = #map}, {transform_indices = #map1}, {transform_indices = #map1}, {transform_indices = #map1}, {transform_indices = #map1}, {transform_indices = #map}, {transform_indices = #map}, {transform_indices = #map}]} {
    %mul3A = arith.constant 2 : i32
    %mul3A_0 = arith.muli %arg1, %mul3A : i32
    %add3A = arith.addi %mul3A_0, %arg0 : i32
    %mul3A_1 = arith.constant 512 : i32
    %mul3A_2 = arith.muli %add3A, %mul3A_1 : i32
    %mul3A_3 = arith.constant 1024 : i32
    %mul3A_4 = arith.muli %arg1, %mul3A_3 : i32
    %add3A_5 = arith.constant 0 : i32
    %add3A_6 = arith.addi %mul3A_2, %add3A_5 : i32
    %run_scoped3A = arith.constant 0 : i32
    "tpu.region"() ({
      %run_scoped3A_141 = tpu.sem_alloc : memref<!tpu.dma_semaphore, #tpu.memory_space<semaphore_mem>>
      %dma_start3A_142 = arith.constant 0 : i32
      %dma_start3A_143 = tpu.memref_slice %arg10[%run_scoped3A, %dma_start3A_142] : memref<4x128xi32, #tpu.memory_space<vmem>> -> memref<1x128xi32, #tpu.memory_space<vmem>>
      %dma_start3A_144 = tpu.memref_squeeze %dma_start3A_143 : memref<1x128xi32, #tpu.memory_space<vmem>> -> memref<128xi32, #tpu.memory_space<vmem>>
      %dma_start3A_145 = tpu.memref_slice %arg3[%add3A_6] : memref<16384xi32, #tpu.memory_space<hbm>> -> memref<128xi32, #tpu.memory_space<hbm>>
      %dma_start3A_146 = arith.constant 0 : i32
      %dma_start3A_147 = tpu.memref_slice %arg10[%run_scoped3A, %dma_start3A_146] : memref<4x128xi32, #tpu.memory_space<vmem>> -> memref<1x128xi32, #tpu.memory_space<vmem>>
      %dma_start3A_148 = tpu.memref_squeeze %dma_start3A_147 : memref<1x128xi32, #tpu.memory_space<vmem>> -> memref<128xi32, #tpu.memory_space<vmem>>
      %dma_start3A_149 = tpu.memref_slice %arg3[%add3A_6] : memref<16384xi32, #tpu.memory_space<hbm>> -> memref<128xi32, #tpu.memory_space<hbm>>
      tpu.enqueue_dma source(%dma_start3A_149 : memref<128xi32, #tpu.memory_space<hbm>>) target(%dma_start3A_148 : memref<128xi32, #tpu.memory_space<vmem>>) target_semaphore(%run_scoped3A_141 : memref<!tpu.dma_semaphore, #tpu.memory_space<semaphore_mem>>)
      %dma_wait3A_150 = arith.constant 0 : i32
      %dma_wait3A_151 = tpu.memref_slice %arg10[%run_scoped3A, %dma_wait3A_150] : memref<4x128xi32, #tpu.memory_space<vmem>> -> memref<1x128xi32, #tpu.memory_space<vmem>>
      %dma_wait3A_152 = tpu.memref_squeeze %dma_wait3A_151 : memref<1x128xi32, #tpu.memory_space<vmem>> -> memref<128xi32, #tpu.memory_space<vmem>>
      %dma_wait3A_153 = tpu.memref_slice %arg3[%add3A_6] : memref<16384xi32, #tpu.memory_space<hbm>> -> memref<128xi32, #tpu.memory_space<hbm>>
      %dma_wait3A_154 = arith.constant 0 : i32
      %dma_wait3A_155 = tpu.memref_slice %arg10[%run_scoped3A, %dma_wait3A_154] : memref<4x128xi32, #tpu.memory_space<vmem>> -> memref<1x128xi32, #tpu.memory_space<vmem>>
      %dma_wait3A_156 = tpu.memref_squeeze %dma_wait3A_155 : memref<1x128xi32, #tpu.memory_space<vmem>> -> memref<128xi32, #tpu.memory_space<vmem>>
      %dma_wait3A_157 = tpu.memref_slice %arg3[%add3A_6] : memref<16384xi32, #tpu.memory_space<hbm>> -> memref<128xi32, #tpu.memory_space<hbm>>
      tpu.wait_dma2 semaphore(%run_scoped3A_141 : memref<!tpu.dma_semaphore, #tpu.memory_space<semaphore_mem>>) src(%dma_wait3A_157 : memref<128xi32, #tpu.memory_space<hbm>>) dst(%dma_wait3A_156 : memref<128xi32, #tpu.memory_space<vmem>>)
      tpu.yield
    }) : () -> ()
    %add3A_7 = arith.constant 128 : i32
    %add3A_8 = arith.addi %mul3A_2, %add3A_7 : i32
    %run_scoped3A_9 = arith.constant 1 : i32
    "tpu.region"() ({
      %run_scoped3A_141 = tpu.sem_alloc : memref<!tpu.dma_semaphore, #tpu.memory_space<semaphore_mem>>
      %dma_start3A_142 = arith.constant 0 : i32
      %dma_start3A_143 = tpu.memref_slice %arg10[%run_scoped3A_9, %dma_start3A_142] : memref<4x128xi32, #tpu.memory_space<vmem>> -> memref<1x128xi32, #tpu.memory_space<vmem>>
      %dma_start3A_144 = tpu.memref_squeeze %dma_start3A_143 : memref<1x128xi32, #tpu.memory_space<vmem>> -> memref<128xi32, #tpu.memory_space<vmem>>
      %dma_start3A_145 = tpu.memref_slice %arg3[%add3A_8] : memref<16384xi32, #tpu.memory_space<hbm>> -> memref<128xi32, #tpu.memory_space<hbm>>
      %dma_start3A_146 = arith.constant 0 : i32
      %dma_start3A_147 = tpu.memref_slice %arg10[%run_scoped3A_9, %dma_start3A_146] : memref<4x128xi32, #tpu.memory_space<vmem>> -> memref<1x128xi32, #tpu.memory_space<vmem>>
      %dma_start3A_148 = tpu.memref_squeeze %dma_start3A_147 : memref<1x128xi32, #tpu.memory_space<vmem>> -> memref<128xi32, #tpu.memory_space<vmem>>
      %dma_start3A_149 = tpu.memref_slice %arg3[%add3A_8] : memref<16384xi32, #tpu.memory_space<hbm>> -> memref<128xi32, #tpu.memory_space<hbm>>
      tpu.enqueue_dma source(%dma_start3A_149 : memref<128xi32, #tpu.memory_space<hbm>>) target(%dma_start3A_148 : memref<128xi32, #tpu.memory_space<vmem>>) target_semaphore(%run_scoped3A_141 : memref<!tpu.dma_semaphore, #tpu.memory_space<semaphore_mem>>)
      %dma_wait3A_150 = arith.constant 0 : i32
      %dma_wait3A_151 = tpu.memref_slice %arg10[%run_scoped3A_9, %dma_wait3A_150] : memref<4x128xi32, #tpu.memory_space<vmem>> -> memref<1x128xi32, #tpu.memory_space<vmem>>
      %dma_wait3A_152 = tpu.memref_squeeze %dma_wait3A_151 : memref<1x128xi32, #tpu.memory_space<vmem>> -> memref<128xi32, #tpu.memory_space<vmem>>
      %dma_wait3A_153 = tpu.memref_slice %arg3[%add3A_8] : memref<16384xi32, #tpu.memory_space<hbm>> -> memref<128xi32, #tpu.memory_space<hbm>>
      %dma_wait3A_154 = arith.constant 0 : i32
      %dma_wait3A_155 = tpu.memref_slice %arg10[%run_scoped3A_9, %dma_wait3A_154] : memref<4x128xi32, #tpu.memory_space<vmem>> -> memref<1x128xi32, #tpu.memory_space<vmem>>
      %dma_wait3A_156 = tpu.memref_squeeze %dma_wait3A_155 : memref<1x128xi32, #tpu.memory_space<vmem>> -> memref<128xi32, #tpu.memory_space<vmem>>
      %dma_wait3A_157 = tpu.memref_slice %arg3[%add3A_8] : memref<16384xi32, #tpu.memory_space<hbm>> -> memref<128xi32, #tpu.memory_space<hbm>>
      tpu.wait_dma2 semaphore(%run_scoped3A_141 : memref<!tpu.dma_semaphore, #tpu.memory_space<semaphore_mem>>) src(%dma_wait3A_157 : memref<128xi32, #tpu.memory_space<hbm>>) dst(%dma_wait3A_156 : memref<128xi32, #tpu.memory_space<vmem>>)
      tpu.yield
    }) : () -> ()
    %add3A_10 = arith.constant 256 : i32
    %add3A_11 = arith.addi %mul3A_2, %add3A_10 : i32
    %run_scoped3A_12 = arith.constant 2 : i32
    "tpu.region"() ({
      %run_scoped3A_141 = tpu.sem_alloc : memref<!tpu.dma_semaphore, #tpu.memory_space<semaphore_mem>>
      %dma_start3A_142 = arith.constant 0 : i32
      %dma_start3A_143 = tpu.memref_slice %arg10[%run_scoped3A_12, %dma_start3A_142] : memref<4x128xi32, #tpu.memory_space<vmem>> -> memref<1x128xi32, #tpu.memory_space<vmem>>
      %dma_start3A_144 = tpu.memref_squeeze %dma_start3A_143 : memref<1x128xi32, #tpu.memory_space<vmem>> -> memref<128xi32, #tpu.memory_space<vmem>>
      %dma_start3A_145 = tpu.memref_slice %arg3[%add3A_11] : memref<16384xi32, #tpu.memory_space<hbm>> -> memref<128xi32, #tpu.memory_space<hbm>>
      %dma_start3A_146 = arith.constant 0 : i32
      %dma_start3A_147 = tpu.memref_slice %arg10[%run_scoped3A_12, %dma_start3A_146] : memref<4x128xi32, #tpu.memory_space<vmem>> -> memref<1x128xi32, #tpu.memory_space<vmem>>
      %dma_start3A_148 = tpu.memref_squeeze %dma_start3A_147 : memref<1x128xi32, #tpu.memory_space<vmem>> -> memref<128xi32, #tpu.memory_space<vmem>>
      %dma_start3A_149 = tpu.memref_slice %arg3[%add3A_11] : memref<16384xi32, #tpu.memory_space<hbm>> -> memref<128xi32, #tpu.memory_space<hbm>>
      tpu.enqueue_dma source(%dma_start3A_149 : memref<128xi32, #tpu.memory_space<hbm>>) target(%dma_start3A_148 : memref<128xi32, #tpu.memory_space<vmem>>) target_semaphore(%run_scoped3A_141 : memref<!tpu.dma_semaphore, #tpu.memory_space<semaphore_mem>>)
      %dma_wait3A_150 = arith.constant 0 : i32
      %dma_wait3A_151 = tpu.memref_slice %arg10[%run_scoped3A_12, %dma_wait3A_150] : memref<4x128xi32, #tpu.memory_space<vmem>> -> memref<1x128xi32, #tpu.memory_space<vmem>>
      %dma_wait3A_152 = tpu.memref_squeeze %dma_wait3A_151 : memref<1x128xi32, #tpu.memory_space<vmem>> -> memref<128xi32, #tpu.memory_space<vmem>>
      %dma_wait3A_153 = tpu.memref_slice %arg3[%add3A_11] : memref<16384xi32, #tpu.memory_space<hbm>> -> memref<128xi32, #tpu.memory_space<hbm>>
      %dma_wait3A_154 = arith.constant 0 : i32
      %dma_wait3A_155 = tpu.memref_slice %arg10[%run_scoped3A_12, %dma_wait3A_154] : memref<4x128xi32, #tpu.memory_space<vmem>> -> memref<1x128xi32, #tpu.memory_space<vmem>>
      %dma_wait3A_156 = tpu.memref_squeeze %dma_wait3A_155 : memref<1x128xi32, #tpu.memory_space<vmem>> -> memref<128xi32, #tpu.memory_space<vmem>>
      %dma_wait3A_157 = tpu.memref_slice %arg3[%add3A_11] : memref<16384xi32, #tpu.memory_space<hbm>> -> memref<128xi32, #tpu.memory_space<hbm>>
      tpu.wait_dma2 semaphore(%run_scoped3A_141 : memref<!tpu.dma_semaphore, #tpu.memory_space<semaphore_mem>>) src(%dma_wait3A_157 : memref<128xi32, #tpu.memory_space<hbm>>) dst(%dma_wait3A_156 : memref<128xi32, #tpu.memory_space<vmem>>)
      tpu.yield
    }) : () -> ()
    %add3A_13 = arith.constant 384 : i32
    %add3A_14 = arith.addi %mul3A_2, %add3A_13 : i32
    %run_scoped3A_15 = arith.constant 3 : i32
    "tpu.region"() ({
      %run_scoped3A_141 = tpu.sem_alloc : memref<!tpu.dma_semaphore, #tpu.memory_space<semaphore_mem>>
      %dma_start3A_142 = arith.constant 0 : i32
      %dma_start3A_143 = tpu.memref_slice %arg10[%run_scoped3A_15, %dma_start3A_142] : memref<4x128xi32, #tpu.memory_space<vmem>> -> memref<1x128xi32, #tpu.memory_space<vmem>>
      %dma_start3A_144 = tpu.memref_squeeze %dma_start3A_143 : memref<1x128xi32, #tpu.memory_space<vmem>> -> memref<128xi32, #tpu.memory_space<vmem>>
      %dma_start3A_145 = tpu.memref_slice %arg3[%add3A_14] : memref<16384xi32, #tpu.memory_space<hbm>> -> memref<128xi32, #tpu.memory_space<hbm>>
      %dma_start3A_146 = arith.constant 0 : i32
      %dma_start3A_147 = tpu.memref_slice %arg10[%run_scoped3A_15, %dma_start3A_146] : memref<4x128xi32, #tpu.memory_space<vmem>> -> memref<1x128xi32, #tpu.memory_space<vmem>>
      %dma_start3A_148 = tpu.memref_squeeze %dma_start3A_147 : memref<1x128xi32, #tpu.memory_space<vmem>> -> memref<128xi32, #tpu.memory_space<vmem>>
      %dma_start3A_149 = tpu.memref_slice %arg3[%add3A_14] : memref<16384xi32, #tpu.memory_space<hbm>> -> memref<128xi32, #tpu.memory_space<hbm>>
      tpu.enqueue_dma source(%dma_start3A_149 : memref<128xi32, #tpu.memory_space<hbm>>) target(%dma_start3A_148 : memref<128xi32, #tpu.memory_space<vmem>>) target_semaphore(%run_scoped3A_141 : memref<!tpu.dma_semaphore, #tpu.memory_space<semaphore_mem>>)
      %dma_wait3A_150 = arith.constant 0 : i32
      %dma_wait3A_151 = tpu.memref_slice %arg10[%run_scoped3A_15, %dma_wait3A_150] : memref<4x128xi32, #tpu.memory_space<vmem>> -> memref<1x128xi32, #tpu.memory_space<vmem>>
      %dma_wait3A_152 = tpu.memref_squeeze %dma_wait3A_151 : memref<1x128xi32, #tpu.memory_space<vmem>> -> memref<128xi32, #tpu.memory_space<vmem>>
      %dma_wait3A_153 = tpu.memref_slice %arg3[%add3A_14] : memref<16384xi32, #tpu.memory_space<hbm>> -> memref<128xi32, #tpu.memory_space<hbm>>
      %dma_wait3A_154 = arith.constant 0 : i32
      %dma_wait3A_155 = tpu.memref_slice %arg10[%run_scoped3A_15, %dma_wait3A_154] : memref<4x128xi32, #tpu.memory_space<vmem>> -> memref<1x128xi32, #tpu.memory_space<vmem>>
      %dma_wait3A_156 = tpu.memref_squeeze %dma_wait3A_155 : memref<1x128xi32, #tpu.memory_space<vmem>> -> memref<128xi32, #tpu.memory_space<vmem>>
      %dma_wait3A_157 = tpu.memref_slice %arg3[%add3A_14] : memref<16384xi32, #tpu.memory_space<hbm>> -> memref<128xi32, #tpu.memory_space<hbm>>
      tpu.wait_dma2 semaphore(%run_scoped3A_141 : memref<!tpu.dma_semaphore, #tpu.memory_space<semaphore_mem>>) src(%dma_wait3A_157 : memref<128xi32, #tpu.memory_space<hbm>>) dst(%dma_wait3A_156 : memref<128xi32, #tpu.memory_space<vmem>>)
      tpu.yield
    }) : () -> ()
    %dma_start3A = arith.constant 0 : i32
    %dma_start3A_16 = arith.constant 0 : i32
    %dma_start3A_17 = arith.constant 0 : i32
    %dma_start3A_18 = tpu.memref_slice %arg11[%dma_start3A_16, %dma_start3A_17] : memref<512x128xf32, #tpu.memory_space<vmem>> -> memref<128x128xf32, #tpu.memory_space<vmem>>
    %dma_start3A_19 = arith.constant 0 : i32
    %dma_start3A_20 = tpu.memref_slice %arg10[%dma_start3A, %dma_start3A_19] : memref<4x128xi32, #tpu.memory_space<vmem>> -> memref<1x128xi32, #tpu.memory_space<vmem>>
    %dma_start3A_21 = tpu.memref_squeeze %dma_start3A_20 : memref<1x128xi32, #tpu.memory_space<vmem>> -> memref<128xi32, #tpu.memory_space<vmem>>
    %dma_start3A_22 = arith.constant 0 : i32
    %dma_start3A_23 = arith.constant 0 : i32
    %dma_start3A_24 = tpu.memref_slice %arg2[%dma_start3A_22, %dma_start3A_23] : memref<100000x128xf32, #tpu.memory_space<hbm>> -> memref<100000x128xf32, #tpu.memory_space<hbm>>
    tpu.enqueue_indirect_dma source(%dma_start3A_24 : memref<100000x128xf32, #tpu.memory_space<hbm>>) target(%dma_start3A_18 : memref<128x128xf32, #tpu.memory_space<vmem>>) offsets(%dma_start3A_21 : memref<128xi32, #tpu.memory_space<vmem>>) semaphore(%arg19 : memref<!tpu.dma_semaphore, #tpu.memory_space<semaphore_mem>>)
    %dma_start3A_25 = arith.constant 1 : i32
    %dma_start3A_26 = arith.constant 128 : i32
    %dma_start3A_27 = arith.constant 0 : i32
    %dma_start3A_28 = tpu.memref_slice %arg11[%dma_start3A_26, %dma_start3A_27] : memref<512x128xf32, #tpu.memory_space<vmem>> -> memref<128x128xf32, #tpu.memory_space<vmem>>
    %dma_start3A_29 = arith.constant 0 : i32
    %dma_start3A_30 = tpu.memref_slice %arg10[%dma_start3A_25, %dma_start3A_29] : memref<4x128xi32, #tpu.memory_space<vmem>> -> memref<1x128xi32, #tpu.memory_space<vmem>>
    %dma_start3A_31 = tpu.memref_squeeze %dma_start3A_30 : memref<1x128xi32, #tpu.memory_space<vmem>> -> memref<128xi32, #tpu.memory_space<vmem>>
    %dma_start3A_32 = arith.constant 0 : i32
    %dma_start3A_33 = arith.constant 0 : i32
    %dma_start3A_34 = tpu.memref_slice %arg2[%dma_start3A_32, %dma_start3A_33] : memref<100000x128xf32, #tpu.memory_space<hbm>> -> memref<100000x128xf32, #tpu.memory_space<hbm>>
    tpu.enqueue_indirect_dma source(%dma_start3A_34 : memref<100000x128xf32, #tpu.memory_space<hbm>>) target(%dma_start3A_28 : memref<128x128xf32, #tpu.memory_space<vmem>>) offsets(%dma_start3A_31 : memref<128xi32, #tpu.memory_space<vmem>>) semaphore(%arg19 : memref<!tpu.dma_semaphore, #tpu.memory_space<semaphore_mem>>)
    %dma_start3A_35 = arith.constant 2 : i32
    %dma_start3A_36 = arith.constant 256 : i32
    %dma_start3A_37 = arith.constant 0 : i32
    %dma_start3A_38 = tpu.memref_slice %arg11[%dma_start3A_36, %dma_start3A_37] : memref<512x128xf32, #tpu.memory_space<vmem>> -> memref<128x128xf32, #tpu.memory_space<vmem>>
    %dma_start3A_39 = arith.constant 0 : i32
    %dma_start3A_40 = tpu.memref_slice %arg10[%dma_start3A_35, %dma_start3A_39] : memref<4x128xi32, #tpu.memory_space<vmem>> -> memref<1x128xi32, #tpu.memory_space<vmem>>
    %dma_start3A_41 = tpu.memref_squeeze %dma_start3A_40 : memref<1x128xi32, #tpu.memory_space<vmem>> -> memref<128xi32, #tpu.memory_space<vmem>>
    %dma_start3A_42 = arith.constant 0 : i32
    %dma_start3A_43 = arith.constant 0 : i32
    %dma_start3A_44 = tpu.memref_slice %arg2[%dma_start3A_42, %dma_start3A_43] : memref<100000x128xf32, #tpu.memory_space<hbm>> -> memref<100000x128xf32, #tpu.memory_space<hbm>>
    tpu.enqueue_indirect_dma source(%dma_start3A_44 : memref<100000x128xf32, #tpu.memory_space<hbm>>) target(%dma_start3A_38 : memref<128x128xf32, #tpu.memory_space<vmem>>) offsets(%dma_start3A_41 : memref<128xi32, #tpu.memory_space<vmem>>) semaphore(%arg19 : memref<!tpu.dma_semaphore, #tpu.memory_space<semaphore_mem>>)
    %dma_start3A_45 = arith.constant 3 : i32
    %dma_start3A_46 = arith.constant 384 : i32
    %dma_start3A_47 = arith.constant 0 : i32
    %dma_start3A_48 = tpu.memref_slice %arg11[%dma_start3A_46, %dma_start3A_47] : memref<512x128xf32, #tpu.memory_space<vmem>> -> memref<128x128xf32, #tpu.memory_space<vmem>>
    %dma_start3A_49 = arith.constant 0 : i32
    %dma_start3A_50 = tpu.memref_slice %arg10[%dma_start3A_45, %dma_start3A_49] : memref<4x128xi32, #tpu.memory_space<vmem>> -> memref<1x128xi32, #tpu.memory_space<vmem>>
    %dma_start3A_51 = tpu.memref_squeeze %dma_start3A_50 : memref<1x128xi32, #tpu.memory_space<vmem>> -> memref<128xi32, #tpu.memory_space<vmem>>
    %dma_start3A_52 = arith.constant 0 : i32
    %dma_start3A_53 = arith.constant 0 : i32
    %dma_start3A_54 = tpu.memref_slice %arg2[%dma_start3A_52, %dma_start3A_53] : memref<100000x128xf32, #tpu.memory_space<hbm>> -> memref<100000x128xf32, #tpu.memory_space<hbm>>
    tpu.enqueue_indirect_dma source(%dma_start3A_54 : memref<100000x128xf32, #tpu.memory_space<hbm>>) target(%dma_start3A_48 : memref<128x128xf32, #tpu.memory_space<vmem>>) offsets(%dma_start3A_51 : memref<128xi32, #tpu.memory_space<vmem>>) semaphore(%arg19 : memref<!tpu.dma_semaphore, #tpu.memory_space<semaphore_mem>>)
    %add3A_55 = arith.constant 0 : i32
    %add3A_56 = arith.addi %mul3A_4, %add3A_55 : i32
    %run_scoped3A_57 = arith.constant 0 : i32
    "tpu.region"() ({
      %run_scoped3A_141 = tpu.sem_alloc : memref<!tpu.dma_semaphore, #tpu.memory_space<semaphore_mem>>
      %dma_start3A_142 = arith.constant 0 : i32
      %dma_start3A_143 = tpu.memref_slice %arg12[%run_scoped3A_57, %dma_start3A_142] : memref<8x128xi32, #tpu.memory_space<vmem>> -> memref<1x128xi32, #tpu.memory_space<vmem>>
      %dma_start3A_144 = tpu.memref_squeeze %dma_start3A_143 : memref<1x128xi32, #tpu.memory_space<vmem>> -> memref<128xi32, #tpu.memory_space<vmem>>
      %dma_start3A_145 = tpu.memref_slice %arg3[%add3A_56] : memref<16384xi32, #tpu.memory_space<hbm>> -> memref<128xi32, #tpu.memory_space<hbm>>
      %dma_start3A_146 = arith.constant 0 : i32
      %dma_start3A_147 = tpu.memref_slice %arg12[%run_scoped3A_57, %dma_start3A_146] : memref<8x128xi32, #tpu.memory_space<vmem>> -> memref<1x128xi32, #tpu.memory_space<vmem>>
      %dma_start3A_148 = tpu.memref_squeeze %dma_start3A_147 : memref<1x128xi32, #tpu.memory_space<vmem>> -> memref<128xi32, #tpu.memory_space<vmem>>
      %dma_start3A_149 = tpu.memref_slice %arg3[%add3A_56] : memref<16384xi32, #tpu.memory_space<hbm>> -> memref<128xi32, #tpu.memory_space<hbm>>
      tpu.enqueue_dma source(%dma_start3A_149 : memref<128xi32, #tpu.memory_space<hbm>>) target(%dma_start3A_148 : memref<128xi32, #tpu.memory_space<vmem>>) target_semaphore(%run_scoped3A_141 : memref<!tpu.dma_semaphore, #tpu.memory_space<semaphore_mem>>)
      %dma_wait3A_150 = arith.constant 0 : i32
      %dma_wait3A_151 = tpu.memref_slice %arg12[%run_scoped3A_57, %dma_wait3A_150] : memref<8x128xi32, #tpu.memory_space<vmem>> -> memref<1x128xi32, #tpu.memory_space<vmem>>
      %dma_wait3A_152 = tpu.memref_squeeze %dma_wait3A_151 : memref<1x128xi32, #tpu.memory_space<vmem>> -> memref<128xi32, #tpu.memory_space<vmem>>
      %dma_wait3A_153 = tpu.memref_slice %arg3[%add3A_56] : memref<16384xi32, #tpu.memory_space<hbm>> -> memref<128xi32, #tpu.memory_space<hbm>>
      %dma_wait3A_154 = arith.constant 0 : i32
      %dma_wait3A_155 = tpu.memref_slice %arg12[%run_scoped3A_57, %dma_wait3A_154] : memref<8x128xi32, #tpu.memory_space<vmem>> -> memref<1x128xi32, #tpu.memory_space<vmem>>
      %dma_wait3A_156 = tpu.memref_squeeze %dma_wait3A_155 : memref<1x128xi32, #tpu.memory_space<vmem>> -> memref<128xi32, #tpu.memory_space<vmem>>
      %dma_wait3A_157 = tpu.memref_slice %arg3[%add3A_56] : memref<16384xi32, #tpu.memory_space<hbm>> -> memref<128xi32, #tpu.memory_space<hbm>>
      tpu.wait_dma2 semaphore(%run_scoped3A_141 : memref<!tpu.dma_semaphore, #tpu.memory_space<semaphore_mem>>) src(%dma_wait3A_157 : memref<128xi32, #tpu.memory_space<hbm>>) dst(%dma_wait3A_156 : memref<128xi32, #tpu.memory_space<vmem>>)
      tpu.yield
    }) : () -> ()
    %add3A_58 = arith.constant 128 : i32
    %add3A_59 = arith.addi %mul3A_4, %add3A_58 : i32
    %run_scoped3A_60 = arith.constant 1 : i32
    "tpu.region"() ({
      %run_scoped3A_141 = tpu.sem_alloc : memref<!tpu.dma_semaphore, #tpu.memory_space<semaphore_mem>>
      %dma_start3A_142 = arith.constant 0 : i32
      %dma_start3A_143 = tpu.memref_slice %arg12[%run_scoped3A_60, %dma_start3A_142] : memref<8x128xi32, #tpu.memory_space<vmem>> -> memref<1x128xi32, #tpu.memory_space<vmem>>
      %dma_start3A_144 = tpu.memref_squeeze %dma_start3A_143 : memref<1x128xi32, #tpu.memory_space<vmem>> -> memref<128xi32, #tpu.memory_space<vmem>>
      %dma_start3A_145 = tpu.memref_slice %arg3[%add3A_59] : memref<16384xi32, #tpu.memory_space<hbm>> -> memref<128xi32, #tpu.memory_space<hbm>>
      %dma_start3A_146 = arith.constant 0 : i32
      %dma_start3A_147 = tpu.memref_slice %arg12[%run_scoped3A_60, %dma_start3A_146] : memref<8x128xi32, #tpu.memory_space<vmem>> -> memref<1x128xi32, #tpu.memory_space<vmem>>
      %dma_start3A_148 = tpu.memref_squeeze %dma_start3A_147 : memref<1x128xi32, #tpu.memory_space<vmem>> -> memref<128xi32, #tpu.memory_space<vmem>>
      %dma_start3A_149 = tpu.memref_slice %arg3[%add3A_59] : memref<16384xi32, #tpu.memory_space<hbm>> -> memref<128xi32, #tpu.memory_space<hbm>>
      tpu.enqueue_dma source(%dma_start3A_149 : memref<128xi32, #tpu.memory_space<hbm>>) target(%dma_start3A_148 : memref<128xi32, #tpu.memory_space<vmem>>) target_semaphore(%run_scoped3A_141 : memref<!tpu.dma_semaphore, #tpu.memory_space<semaphore_mem>>)
      %dma_wait3A_150 = arith.constant 0 : i32
      %dma_wait3A_151 = tpu.memref_slice %arg12[%run_scoped3A_60, %dma_wait3A_150] : memref<8x128xi32, #tpu.memory_space<vmem>> -> memref<1x128xi32, #tpu.memory_space<vmem>>
      %dma_wait3A_152 = tpu.memref_squeeze %dma_wait3A_151 : memref<1x128xi32, #tpu.memory_space<vmem>> -> memref<128xi32, #tpu.memory_space<vmem>>
      %dma_wait3A_153 = tpu.memref_slice %arg3[%add3A_59] : memref<16384xi32, #tpu.memory_space<hbm>> -> memref<128xi32, #tpu.memory_space<hbm>>
      %dma_wait3A_154 = arith.constant 0 : i32
      %dma_wait3A_155 = tpu.memref_slice %arg12[%run_scoped3A_60, %dma_wait3A_154] : memref<8x128xi32, #tpu.memory_space<vmem>> -> memref<1x128xi32, #tpu.memory_space<vmem>>
      %dma_wait3A_156 = tpu.memref_squeeze %dma_wait3A_155 : memref<1x128xi32, #tpu.memory_space<vmem>> -> memref<128xi32, #tpu.memory_space<vmem>>
      %dma_wait3A_157 = tpu.memref_slice %arg3[%add3A_59] : memref<16384xi32, #tpu.memory_space<hbm>> -> memref<128xi32, #tpu.memory_space<hbm>>
      tpu.wait_dma2 semaphore(%run_scoped3A_141 : memref<!tpu.dma_semaphore, #tpu.memory_space<semaphore_mem>>) src(%dma_wait3A_157 : memref<128xi32, #tpu.memory_space<hbm>>) dst(%dma_wait3A_156 : memref<128xi32, #tpu.memory_space<vmem>>)
      tpu.yield
    }) : () -> ()
    %add3A_61 = arith.constant 256 : i32
    %add3A_62 = arith.addi %mul3A_4, %add3A_61 : i32
    %run_scoped3A_63 = arith.constant 2 : i32
    "tpu.region"() ({
      %run_scoped3A_141 = tpu.sem_alloc : memref<!tpu.dma_semaphore, #tpu.memory_space<semaphore_mem>>
      %dma_start3A_142 = arith.constant 0 : i32
      %dma_start3A_143 = tpu.memref_slice %arg12[%run_scoped3A_63, %dma_start3A_142] : memref<8x128xi32, #tpu.memory_space<vmem>> -> memref<1x128xi32, #tpu.memory_space<vmem>>
      %dma_start3A_144 = tpu.memref_squeeze %dma_start3A_143 : memref<1x128xi32, #tpu.memory_space<vmem>> -> memref<128xi32, #tpu.memory_space<vmem>>
      %dma_start3A_145 = tpu.memref_slice %arg3[%add3A_62] : memref<16384xi32, #tpu.memory_space<hbm>> -> memref<128xi32, #tpu.memory_space<hbm>>
      %dma_start3A_146 = arith.constant 0 : i32
      %dma_start3A_147 = tpu.memref_slice %arg12[%run_scoped3A_63, %dma_start3A_146] : memref<8x128xi32, #tpu.memory_space<vmem>> -> memref<1x128xi32, #tpu.memory_space<vmem>>
      %dma_start3A_148 = tpu.memref_squeeze %dma_start3A_147 : memref<1x128xi32, #tpu.memory_space<vmem>> -> memref<128xi32, #tpu.memory_space<vmem>>
      %dma_start3A_149 = tpu.memref_slice %arg3[%add3A_62] : memref<16384xi32, #tpu.memory_space<hbm>> -> memref<128xi32, #tpu.memory_space<hbm>>
      tpu.enqueue_dma source(%dma_start3A_149 : memref<128xi32, #tpu.memory_space<hbm>>) target(%dma_start3A_148 : memref<128xi32, #tpu.memory_space<vmem>>) target_semaphore(%run_scoped3A_141 : memref<!tpu.dma_semaphore, #tpu.memory_space<semaphore_mem>>)
      %dma_wait3A_150 = arith.constant 0 : i32
      %dma_wait3A_151 = tpu.memref_slice %arg12[%run_scoped3A_63, %dma_wait3A_150] : memref<8x128xi32, #tpu.memory_space<vmem>> -> memref<1x128xi32, #tpu.memory_space<vmem>>
      %dma_wait3A_152 = tpu.memref_squeeze %dma_wait3A_151 : memref<1x128xi32, #tpu.memory_space<vmem>> -> memref<128xi32, #tpu.memory_space<vmem>>
      %dma_wait3A_153 = tpu.memref_slice %arg3[%add3A_62] : memref<16384xi32, #tpu.memory_space<hbm>> -> memref<128xi32, #tpu.memory_space<hbm>>
      %dma_wait3A_154 = arith.constant 0 : i32
      %dma_wait3A_155 = tpu.memref_slice %arg12[%run_scoped3A_63, %dma_wait3A_154] : memref<8x128xi32, #tpu.memory_space<vmem>> -> memref<1x128xi32, #tpu.memory_space<vmem>>
      %dma_wait3A_156 = tpu.memref_squeeze %dma_wait3A_155 : memref<1x128xi32, #tpu.memory_space<vmem>> -> memref<128xi32, #tpu.memory_space<vmem>>
      %dma_wait3A_157 = tpu.memref_slice %arg3[%add3A_62] : memref<16384xi32, #tpu.memory_space<hbm>> -> memref<128xi32, #tpu.memory_space<hbm>>
      tpu.wait_dma2 semaphore(%run_scoped3A_141 : memref<!tpu.dma_semaphore, #tpu.memory_space<semaphore_mem>>) src(%dma_wait3A_157 : memref<128xi32, #tpu.memory_space<hbm>>) dst(%dma_wait3A_156 : memref<128xi32, #tpu.memory_space<vmem>>)
      tpu.yield
    }) : () -> ()
    %add3A_64 = arith.constant 384 : i32
    %add3A_65 = arith.addi %mul3A_4, %add3A_64 : i32
    %run_scoped3A_66 = arith.constant 3 : i32
    "tpu.region"() ({
      %run_scoped3A_141 = tpu.sem_alloc : memref<!tpu.dma_semaphore, #tpu.memory_space<semaphore_mem>>
      %dma_start3A_142 = arith.constant 0 : i32
      %dma_start3A_143 = tpu.memref_slice %arg12[%run_scoped3A_66, %dma_start3A_142] : memref<8x128xi32, #tpu.memory_space<vmem>> -> memref<1x128xi32, #tpu.memory_space<vmem>>
      %dma_start3A_144 = tpu.memref_squeeze %dma_start3A_143 : memref<1x128xi32, #tpu.memory_space<vmem>> -> memref<128xi32, #tpu.memory_space<vmem>>
      %dma_start3A_145 = tpu.memref_slice %arg3[%add3A_65] : memref<16384xi32, #tpu.memory_space<hbm>> -> memref<128xi32, #tpu.memory_space<hbm>>
      %dma_start3A_146 = arith.constant 0 : i32
      %dma_start3A_147 = tpu.memref_slice %arg12[%run_scoped3A_66, %dma_start3A_146] : memref<8x128xi32, #tpu.memory_space<vmem>> -> memref<1x128xi32, #tpu.memory_space<vmem>>
      %dma_start3A_148 = tpu.memref_squeeze %dma_start3A_147 : memref<1x128xi32, #tpu.memory_space<vmem>> -> memref<128xi32, #tpu.memory_space<vmem>>
      %dma_start3A_149 = tpu.memref_slice %arg3[%add3A_65] : memref<16384xi32, #tpu.memory_space<hbm>> -> memref<128xi32, #tpu.memory_space<hbm>>
      tpu.enqueue_dma source(%dma_start3A_149 : memref<128xi32, #tpu.memory_space<hbm>>) target(%dma_start3A_148 : memref<128xi32, #tpu.memory_space<vmem>>) target_semaphore(%run_scoped3A_141 : memref<!tpu.dma_semaphore, #tpu.memory_space<semaphore_mem>>)
      %dma_wait3A_150 = arith.constant 0 : i32
      %dma_wait3A_151 = tpu.memref_slice %arg12[%run_scoped3A_66, %dma_wait3A_150] : memref<8x128xi32, #tpu.memory_space<vmem>> -> memref<1x128xi32, #tpu.memory_space<vmem>>
      %dma_wait3A_152 = tpu.memref_squeeze %dma_wait3A_151 : memref<1x128xi32, #tpu.memory_space<vmem>> -> memref<128xi32, #tpu.memory_space<vmem>>
      %dma_wait3A_153 = tpu.memref_slice %arg3[%add3A_65] : memref<16384xi32, #tpu.memory_space<hbm>> -> memref<128xi32, #tpu.memory_space<hbm>>
      %dma_wait3A_154 = arith.constant 0 : i32
      %dma_wait3A_155 = tpu.memref_slice %arg12[%run_scoped3A_66, %dma_wait3A_154] : memref<8x128xi32, #tpu.memory_space<vmem>> -> memref<1x128xi32, #tpu.memory_space<vmem>>
      %dma_wait3A_156 = tpu.memref_squeeze %dma_wait3A_155 : memref<1x128xi32, #tpu.memory_space<vmem>> -> memref<128xi32, #tpu.memory_space<vmem>>
      %dma_wait3A_157 = tpu.memref_slice %arg3[%add3A_65] : memref<16384xi32, #tpu.memory_space<hbm>> -> memref<128xi32, #tpu.memory_space<hbm>>
      tpu.wait_dma2 semaphore(%run_scoped3A_141 : memref<!tpu.dma_semaphore, #tpu.memory_space<semaphore_mem>>) src(%dma_wait3A_157 : memref<128xi32, #tpu.memory_space<hbm>>) dst(%dma_wait3A_156 : memref<128xi32, #tpu.memory_space<vmem>>)
      tpu.yield
    }) : () -> ()
    %add3A_67 = arith.constant 512 : i32
    %add3A_68 = arith.addi %mul3A_4, %add3A_67 : i32
    %run_scoped3A_69 = arith.constant 4 : i32
    "tpu.region"() ({
      %run_scoped3A_141 = tpu.sem_alloc : memref<!tpu.dma_semaphore, #tpu.memory_space<semaphore_mem>>
      %dma_start3A_142 = arith.constant 0 : i32
      %dma_start3A_143 = tpu.memref_slice %arg12[%run_scoped3A_69, %dma_start3A_142] : memref<8x128xi32, #tpu.memory_space<vmem>> -> memref<1x128xi32, #tpu.memory_space<vmem>>
      %dma_start3A_144 = tpu.memref_squeeze %dma_start3A_143 : memref<1x128xi32, #tpu.memory_space<vmem>> -> memref<128xi32, #tpu.memory_space<vmem>>
      %dma_start3A_145 = tpu.memref_slice %arg3[%add3A_68] : memref<16384xi32, #tpu.memory_space<hbm>> -> memref<128xi32, #tpu.memory_space<hbm>>
      %dma_start3A_146 = arith.constant 0 : i32
      %dma_start3A_147 = tpu.memref_slice %arg12[%run_scoped3A_69, %dma_start3A_146] : memref<8x128xi32, #tpu.memory_space<vmem>> -> memref<1x128xi32, #tpu.memory_space<vmem>>
      %dma_start3A_148 = tpu.memref_squeeze %dma_start3A_147 : memref<1x128xi32, #tpu.memory_space<vmem>> -> memref<128xi32, #tpu.memory_space<vmem>>
      %dma_start3A_149 = tpu.memref_slice %arg3[%add3A_68] : memref<16384xi32, #tpu.memory_space<hbm>> -> memref<128xi32, #tpu.memory_space<hbm>>
      tpu.enqueue_dma source(%dma_start3A_149 : memref<128xi32, #tpu.memory_space<hbm>>) target(%dma_start3A_148 : memref<128xi32, #tpu.memory_space<vmem>>) target_semaphore(%run_scoped3A_141 : memref<!tpu.dma_semaphore, #tpu.memory_space<semaphore_mem>>)
      %dma_wait3A_150 = arith.constant 0 : i32
      %dma_wait3A_151 = tpu.memref_slice %arg12[%run_scoped3A_69, %dma_wait3A_150] : memref<8x128xi32, #tpu.memory_space<vmem>> -> memref<1x128xi32, #tpu.memory_space<vmem>>
      %dma_wait3A_152 = tpu.memref_squeeze %dma_wait3A_151 : memref<1x128xi32, #tpu.memory_space<vmem>> -> memref<128xi32, #tpu.memory_space<vmem>>
      %dma_wait3A_153 = tpu.memref_slice %arg3[%add3A_68] : memref<16384xi32, #tpu.memory_space<hbm>> -> memref<128xi32, #tpu.memory_space<hbm>>
      %dma_wait3A_154 = arith.constant 0 : i32
      %dma_wait3A_155 = tpu.memref_slice %arg12[%run_scoped3A_69, %dma_wait3A_154] : memref<8x128xi32, #tpu.memory_space<vmem>> -> memref<1x128xi32, #tpu.memory_space<vmem>>
      %dma_wait3A_156 = tpu.memref_squeeze %dma_wait3A_155 : memref<1x128xi32, #tpu.memory_space<vmem>> -> memref<128xi32, #tpu.memory_space<vmem>>
      %dma_wait3A_157 = tpu.memref_slice %arg3[%add3A_68] : memref<16384xi32, #tpu.memory_space<hbm>> -> memref<128xi32, #tpu.memory_space<hbm>>
      tpu.wait_dma2 semaphore(%run_scoped3A_141 : memref<!tpu.dma_semaphore, #tpu.memory_space<semaphore_mem>>) src(%dma_wait3A_157 : memref<128xi32, #tpu.memory_space<hbm>>) dst(%dma_wait3A_156 : memref<128xi32, #tpu.memory_space<vmem>>)
      tpu.yield
    }) : () -> ()
    %add3A_70 = arith.constant 640 : i32
    %add3A_71 = arith.addi %mul3A_4, %add3A_70 : i32
    %run_scoped3A_72 = arith.constant 5 : i32
    "tpu.region"() ({
      %run_scoped3A_141 = tpu.sem_alloc : memref<!tpu.dma_semaphore, #tpu.memory_space<semaphore_mem>>
      %dma_start3A_142 = arith.constant 0 : i32
      %dma_start3A_143 = tpu.memref_slice %arg12[%run_scoped3A_72, %dma_start3A_142] : memref<8x128xi32, #tpu.memory_space<vmem>> -> memref<1x128xi32, #tpu.memory_space<vmem>>
      %dma_start3A_144 = tpu.memref_squeeze %dma_start3A_143 : memref<1x128xi32, #tpu.memory_space<vmem>> -> memref<128xi32, #tpu.memory_space<vmem>>
      %dma_start3A_145 = tpu.memref_slice %arg3[%add3A_71] : memref<16384xi32, #tpu.memory_space<hbm>> -> memref<128xi32, #tpu.memory_space<hbm>>
      %dma_start3A_146 = arith.constant 0 : i32
      %dma_start3A_147 = tpu.memref_slice %arg12[%run_scoped3A_72, %dma_start3A_146] : memref<8x128xi32, #tpu.memory_space<vmem>> -> memref<1x128xi32, #tpu.memory_space<vmem>>
      %dma_start3A_148 = tpu.memref_squeeze %dma_start3A_147 : memref<1x128xi32, #tpu.memory_space<vmem>> -> memref<128xi32, #tpu.memory_space<vmem>>
      %dma_start3A_149 = tpu.memref_slice %arg3[%add3A_71] : memref<16384xi32, #tpu.memory_space<hbm>> -> memref<128xi32, #tpu.memory_space<hbm>>
      tpu.enqueue_dma source(%dma_start3A_149 : memref<128xi32, #tpu.memory_space<hbm>>) target(%dma_start3A_148 : memref<128xi32, #tpu.memory_space<vmem>>) target_semaphore(%run_scoped3A_141 : memref<!tpu.dma_semaphore, #tpu.memory_space<semaphore_mem>>)
      %dma_wait3A_150 = arith.constant 0 : i32
      %dma_wait3A_151 = tpu.memref_slice %arg12[%run_scoped3A_72, %dma_wait3A_150] : memref<8x128xi32, #tpu.memory_space<vmem>> -> memref<1x128xi32, #tpu.memory_space<vmem>>
      %dma_wait3A_152 = tpu.memref_squeeze %dma_wait3A_151 : memref<1x128xi32, #tpu.memory_space<vmem>> -> memref<128xi32, #tpu.memory_space<vmem>>
      %dma_wait3A_153 = tpu.memref_slice %arg3[%add3A_71] : memref<16384xi32, #tpu.memory_space<hbm>> -> memref<128xi32, #tpu.memory_space<hbm>>
      %dma_wait3A_154 = arith.constant 0 : i32
      %dma_wait3A_155 = tpu.memref_slice %arg12[%run_scoped3A_72, %dma_wait3A_154] : memref<8x128xi32, #tpu.memory_space<vmem>> -> memref<1x128xi32, #tpu.memory_space<vmem>>
      %dma_wait3A_156 = tpu.memref_squeeze %dma_wait3A_155 : memref<1x128xi32, #tpu.memory_space<vmem>> -> memref<128xi32, #tpu.memory_space<vmem>>
      %dma_wait3A_157 = tpu.memref_slice %arg3[%add3A_71] : memref<16384xi32, #tpu.memory_space<hbm>> -> memref<128xi32, #tpu.memory_space<hbm>>
      tpu.wait_dma2 semaphore(%run_scoped3A_141 : memref<!tpu.dma_semaphore, #tpu.memory_space<semaphore_mem>>) src(%dma_wait3A_157 : memref<128xi32, #tpu.memory_space<hbm>>) dst(%dma_wait3A_156 : memref<128xi32, #tpu.memory_space<vmem>>)
      tpu.yield
    }) : () -> ()
    %add3A_73 = arith.constant 768 : i32
    %add3A_74 = arith.addi %mul3A_4, %add3A_73 : i32
    %run_scoped3A_75 = arith.constant 6 : i32
    "tpu.region"() ({
      %run_scoped3A_141 = tpu.sem_alloc : memref<!tpu.dma_semaphore, #tpu.memory_space<semaphore_mem>>
      %dma_start3A_142 = arith.constant 0 : i32
      %dma_start3A_143 = tpu.memref_slice %arg12[%run_scoped3A_75, %dma_start3A_142] : memref<8x128xi32, #tpu.memory_space<vmem>> -> memref<1x128xi32, #tpu.memory_space<vmem>>
      %dma_start3A_144 = tpu.memref_squeeze %dma_start3A_143 : memref<1x128xi32, #tpu.memory_space<vmem>> -> memref<128xi32, #tpu.memory_space<vmem>>
      %dma_start3A_145 = tpu.memref_slice %arg3[%add3A_74] : memref<16384xi32, #tpu.memory_space<hbm>> -> memref<128xi32, #tpu.memory_space<hbm>>
      %dma_start3A_146 = arith.constant 0 : i32
      %dma_start3A_147 = tpu.memref_slice %arg12[%run_scoped3A_75, %dma_start3A_146] : memref<8x128xi32, #tpu.memory_space<vmem>> -> memref<1x128xi32, #tpu.memory_space<vmem>>
      %dma_start3A_148 = tpu.memref_squeeze %dma_start3A_147 : memref<1x128xi32, #tpu.memory_space<vmem>> -> memref<128xi32, #tpu.memory_space<vmem>>
      %dma_start3A_149 = tpu.memref_slice %arg3[%add3A_74] : memref<16384xi32, #tpu.memory_space<hbm>> -> memref<128xi32, #tpu.memory_space<hbm>>
      tpu.enqueue_dma source(%dma_start3A_149 : memref<128xi32, #tpu.memory_space<hbm>>) target(%dma_start3A_148 : memref<128xi32, #tpu.memory_space<vmem>>) target_semaphore(%run_scoped3A_141 : memref<!tpu.dma_semaphore, #tpu.memory_space<semaphore_mem>>)
      %dma_wait3A_150 = arith.constant 0 : i32
      %dma_wait3A_151 = tpu.memref_slice %arg12[%run_scoped3A_75, %dma_wait3A_150] : memref<8x128xi32, #tpu.memory_space<vmem>> -> memref<1x128xi32, #tpu.memory_space<vmem>>
      %dma_wait3A_152 = tpu.memref_squeeze %dma_wait3A_151 : memref<1x128xi32, #tpu.memory_space<vmem>> -> memref<128xi32, #tpu.memory_space<vmem>>
      %dma_wait3A_153 = tpu.memref_slice %arg3[%add3A_74] : memref<16384xi32, #tpu.memory_space<hbm>> -> memref<128xi32, #tpu.memory_space<hbm>>
      %dma_wait3A_154 = arith.constant 0 : i32
      %dma_wait3A_155 = tpu.memref_slice %arg12[%run_scoped3A_75, %dma_wait3A_154] : memref<8x128xi32, #tpu.memory_space<vmem>> -> memref<1x128xi32, #tpu.memory_space<vmem>>
      %dma_wait3A_156 = tpu.memref_squeeze %dma_wait3A_155 : memref<1x128xi32, #tpu.memory_space<vmem>> -> memref<128xi32, #tpu.memory_space<vmem>>
      %dma_wait3A_157 = tpu.memref_slice %arg3[%add3A_74] : memref<16384xi32, #tpu.memory_space<hbm>> -> memref<128xi32, #tpu.memory_space<hbm>>
      tpu.wait_dma2 semaphore(%run_scoped3A_141 : memref<!tpu.dma_semaphore, #tpu.memory_space<semaphore_mem>>) src(%dma_wait3A_157 : memref<128xi32, #tpu.memory_space<hbm>>) dst(%dma_wait3A_156 : memref<128xi32, #tpu.memory_space<vmem>>)
      tpu.yield
    }) : () -> ()
    %add3A_76 = arith.constant 896 : i32
    %add3A_77 = arith.addi %mul3A_4, %add3A_76 : i32
    %run_scoped3A_78 = arith.constant 7 : i32
    "tpu.region"() ({
      %run_scoped3A_141 = tpu.sem_alloc : memref<!tpu.dma_semaphore, #tpu.memory_space<semaphore_mem>>
      %dma_start3A_142 = arith.constant 0 : i32
      %dma_start3A_143 = tpu.memref_slice %arg12[%run_scoped3A_78, %dma_start3A_142] : memref<8x128xi32, #tpu.memory_space<vmem>> -> memref<1x128xi32, #tpu.memory_space<vmem>>
      %dma_start3A_144 = tpu.memref_squeeze %dma_start3A_143 : memref<1x128xi32, #tpu.memory_space<vmem>> -> memref<128xi32, #tpu.memory_space<vmem>>
      %dma_start3A_145 = tpu.memref_slice %arg3[%add3A_77] : memref<16384xi32, #tpu.memory_space<hbm>> -> memref<128xi32, #tpu.memory_space<hbm>>
      %dma_start3A_146 = arith.constant 0 : i32
      %dma_start3A_147 = tpu.memref_slice %arg12[%run_scoped3A_78, %dma_start3A_146] : memref<8x128xi32, #tpu.memory_space<vmem>> -> memref<1x128xi32, #tpu.memory_space<vmem>>
      %dma_start3A_148 = tpu.memref_squeeze %dma_start3A_147 : memref<1x128xi32, #tpu.memory_space<vmem>> -> memref<128xi32, #tpu.memory_space<vmem>>
      %dma_start3A_149 = tpu.memref_slice %arg3[%add3A_77] : memref<16384xi32, #tpu.memory_space<hbm>> -> memref<128xi32, #tpu.memory_space<hbm>>
      tpu.enqueue_dma source(%dma_start3A_149 : memref<128xi32, #tpu.memory_space<hbm>>) target(%dma_start3A_148 : memref<128xi32, #tpu.memory_space<vmem>>) target_semaphore(%run_scoped3A_141 : memref<!tpu.dma_semaphore, #tpu.memory_space<semaphore_mem>>)
      %dma_wait3A_150 = arith.constant 0 : i32
      %dma_wait3A_151 = tpu.memref_slice %arg12[%run_scoped3A_78, %dma_wait3A_150] : memref<8x128xi32, #tpu.memory_space<vmem>> -> memref<1x128xi32, #tpu.memory_space<vmem>>
      %dma_wait3A_152 = tpu.memref_squeeze %dma_wait3A_151 : memref<1x128xi32, #tpu.memory_space<vmem>> -> memref<128xi32, #tpu.memory_space<vmem>>
      %dma_wait3A_153 = tpu.memref_slice %arg3[%add3A_77] : memref<16384xi32, #tpu.memory_space<hbm>> -> memref<128xi32, #tpu.memory_space<hbm>>
      %dma_wait3A_154 = arith.constant 0 : i32
      %dma_wait3A_155 = tpu.memref_slice %arg12[%run_scoped3A_78, %dma_wait3A_154] : memref<8x128xi32, #tpu.memory_space<vmem>> -> memref<1x128xi32, #tpu.memory_space<vmem>>
      %dma_wait3A_156 = tpu.memref_squeeze %dma_wait3A_155 : memref<1x128xi32, #tpu.memory_space<vmem>> -> memref<128xi32, #tpu.memory_space<vmem>>
      %dma_wait3A_157 = tpu.memref_slice %arg3[%add3A_77] : memref<16384xi32, #tpu.memory_space<hbm>> -> memref<128xi32, #tpu.memory_space<hbm>>
      tpu.wait_dma2 semaphore(%run_scoped3A_141 : memref<!tpu.dma_semaphore, #tpu.memory_space<semaphore_mem>>) src(%dma_wait3A_157 : memref<128xi32, #tpu.memory_space<hbm>>) dst(%dma_wait3A_156 : memref<128xi32, #tpu.memory_space<vmem>>)
      tpu.yield
    }) : () -> ()
    %eq3A = arith.constant 0 : i32
    %eq3A_79 = arith.cmpi eq, %arg0, %eq3A : i32
    %convert_element_type3A = arith.extui %eq3A_79 : i1 to i32
    %cond3A = arith.constant 0 : i32
    %cond3A_80 = arith.cmpi ne, %convert_element_type3A, %cond3A : i32
    scf.if %cond3A_80 {
      %add3A_141 = arith.constant 0 : i32
      %add3A_142 = arith.addi %mul3A_4, %add3A_141 : i32
      %run_scoped3A_143 = arith.constant 0 : i32
      "tpu.region"() ({
        %run_scoped3A_325 = tpu.sem_alloc : memref<!tpu.dma_semaphore, #tpu.memory_space<semaphore_mem>>
        %dma_start3A_326 = arith.constant 0 : i32
        %dma_start3A_327 = tpu.memref_slice %arg13[%run_scoped3A_143, %dma_start3A_326] : memref<8x128xi32, #tpu.memory_space<vmem>> -> memref<1x128xi32, #tpu.memory_space<vmem>>
        %dma_start3A_328 = tpu.memref_squeeze %dma_start3A_327 : memref<1x128xi32, #tpu.memory_space<vmem>> -> memref<128xi32, #tpu.memory_space<vmem>>
        %dma_start3A_329 = tpu.memref_slice %arg4[%add3A_142] : memref<16384xi32, #tpu.memory_space<hbm>> -> memref<128xi32, #tpu.memory_space<hbm>>
        %dma_start3A_330 = arith.constant 0 : i32
        %dma_start3A_331 = tpu.memref_slice %arg13[%run_scoped3A_143, %dma_start3A_330] : memref<8x128xi32, #tpu.memory_space<vmem>> -> memref<1x128xi32, #tpu.memory_space<vmem>>
        %dma_start3A_332 = tpu.memref_squeeze %dma_start3A_331 : memref<1x128xi32, #tpu.memory_space<vmem>> -> memref<128xi32, #tpu.memory_space<vmem>>
        %dma_start3A_333 = tpu.memref_slice %arg4[%add3A_142] : memref<16384xi32, #tpu.memory_space<hbm>> -> memref<128xi32, #tpu.memory_space<hbm>>
        tpu.enqueue_dma source(%dma_start3A_333 : memref<128xi32, #tpu.memory_space<hbm>>) target(%dma_start3A_332 : memref<128xi32, #tpu.memory_space<vmem>>) target_semaphore(%run_scoped3A_325 : memref<!tpu.dma_semaphore, #tpu.memory_space<semaphore_mem>>)
        %dma_wait3A_334 = arith.constant 0 : i32
        %dma_wait3A_335 = tpu.memref_slice %arg13[%run_scoped3A_143, %dma_wait3A_334] : memref<8x128xi32, #tpu.memory_space<vmem>> -> memref<1x128xi32, #tpu.memory_space<vmem>>
        %dma_wait3A_336 = tpu.memref_squeeze %dma_wait3A_335 : memref<1x128xi32, #tpu.memory_space<vmem>> -> memref<128xi32, #tpu.memory_space<vmem>>
        %dma_wait3A_337 = tpu.memref_slice %arg4[%add3A_142] : memref<16384xi32, #tpu.memory_space<hbm>> -> memref<128xi32, #tpu.memory_space<hbm>>
        %dma_wait3A_338 = arith.constant 0 : i32
        %dma_wait3A_339 = tpu.memref_slice %arg13[%run_scoped3A_143, %dma_wait3A_338] : memref<8x128xi32, #tpu.memory_space<vmem>> -> memref<1x128xi32, #tpu.memory_space<vmem>>
        %dma_wait3A_340 = tpu.memref_squeeze %dma_wait3A_339 : memref<1x128xi32, #tpu.memory_space<vmem>> -> memref<128xi32, #tpu.memory_space<vmem>>
        %dma_wait3A_341 = tpu.memref_slice %arg4[%add3A_142] : memref<16384xi32, #tpu.memory_space<hbm>> -> memref<128xi32, #tpu.memory_space<hbm>>
        tpu.wait_dma2 semaphore(%run_scoped3A_325 : memref<!tpu.dma_semaphore, #tpu.memory_space<semaphore_mem>>) src(%dma_wait3A_341 : memref<128xi32, #tpu.memory_space<hbm>>) dst(%dma_wait3A_340 : memref<128xi32, #tpu.memory_space<vmem>>)
        tpu.yield
      }) : () -> ()
      %add3A_144 = arith.constant 128 : i32
      %add3A_145 = arith.addi %mul3A_4, %add3A_144 : i32
      %run_scoped3A_146 = arith.constant 1 : i32
      "tpu.region"() ({
        %run_scoped3A_325 = tpu.sem_alloc : memref<!tpu.dma_semaphore, #tpu.memory_space<semaphore_mem>>
        %dma_start3A_326 = arith.constant 0 : i32
        %dma_start3A_327 = tpu.memref_slice %arg13[%run_scoped3A_146, %dma_start3A_326] : memref<8x128xi32, #tpu.memory_space<vmem>> -> memref<1x128xi32, #tpu.memory_space<vmem>>
        %dma_start3A_328 = tpu.memref_squeeze %dma_start3A_327 : memref<1x128xi32, #tpu.memory_space<vmem>> -> memref<128xi32, #tpu.memory_space<vmem>>
        %dma_start3A_329 = tpu.memref_slice %arg4[%add3A_145] : memref<16384xi32, #tpu.memory_space<hbm>> -> memref<128xi32, #tpu.memory_space<hbm>>
        %dma_start3A_330 = arith.constant 0 : i32
        %dma_start3A_331 = tpu.memref_slice %arg13[%run_scoped3A_146, %dma_start3A_330] : memref<8x128xi32, #tpu.memory_space<vmem>> -> memref<1x128xi32, #tpu.memory_space<vmem>>
        %dma_start3A_332 = tpu.memref_squeeze %dma_start3A_331 : memref<1x128xi32, #tpu.memory_space<vmem>> -> memref<128xi32, #tpu.memory_space<vmem>>
        %dma_start3A_333 = tpu.memref_slice %arg4[%add3A_145] : memref<16384xi32, #tpu.memory_space<hbm>> -> memref<128xi32, #tpu.memory_space<hbm>>
        tpu.enqueue_dma source(%dma_start3A_333 : memref<128xi32, #tpu.memory_space<hbm>>) target(%dma_start3A_332 : memref<128xi32, #tpu.memory_space<vmem>>) target_semaphore(%run_scoped3A_325 : memref<!tpu.dma_semaphore, #tpu.memory_space<semaphore_mem>>)
        %dma_wait3A_334 = arith.constant 0 : i32
        %dma_wait3A_335 = tpu.memref_slice %arg13[%run_scoped3A_146, %dma_wait3A_334] : memref<8x128xi32, #tpu.memory_space<vmem>> -> memref<1x128xi32, #tpu.memory_space<vmem>>
        %dma_wait3A_336 = tpu.memref_squeeze %dma_wait3A_335 : memref<1x128xi32, #tpu.memory_space<vmem>> -> memref<128xi32, #tpu.memory_space<vmem>>
        %dma_wait3A_337 = tpu.memref_slice %arg4[%add3A_145] : memref<16384xi32, #tpu.memory_space<hbm>> -> memref<128xi32, #tpu.memory_space<hbm>>
        %dma_wait3A_338 = arith.constant 0 : i32
        %dma_wait3A_339 = tpu.memref_slice %arg13[%run_scoped3A_146, %dma_wait3A_338] : memref<8x128xi32, #tpu.memory_space<vmem>> -> memref<1x128xi32, #tpu.memory_space<vmem>>
        %dma_wait3A_340 = tpu.memref_squeeze %dma_wait3A_339 : memref<1x128xi32, #tpu.memory_space<vmem>> -> memref<128xi32, #tpu.memory_space<vmem>>
        %dma_wait3A_341 = tpu.memref_slice %arg4[%add3A_145] : memref<16384xi32, #tpu.memory_space<hbm>> -> memref<128xi32, #tpu.memory_space<hbm>>
        tpu.wait_dma2 semaphore(%run_scoped3A_325 : memref<!tpu.dma_semaphore, #tpu.memory_space<semaphore_mem>>) src(%dma_wait3A_341 : memref<128xi32, #tpu.memory_space<hbm>>) dst(%dma_wait3A_340 : memref<128xi32, #tpu.memory_space<vmem>>)
        tpu.yield
      }) : () -> ()
      %add3A_147 = arith.constant 256 : i32
      %add3A_148 = arith.addi %mul3A_4, %add3A_147 : i32
      %run_scoped3A_149 = arith.constant 2 : i32
      "tpu.region"() ({
        %run_scoped3A_325 = tpu.sem_alloc : memref<!tpu.dma_semaphore, #tpu.memory_space<semaphore_mem>>
        %dma_start3A_326 = arith.constant 0 : i32
        %dma_start3A_327 = tpu.memref_slice %arg13[%run_scoped3A_149, %dma_start3A_326] : memref<8x128xi32, #tpu.memory_space<vmem>> -> memref<1x128xi32, #tpu.memory_space<vmem>>
        %dma_start3A_328 = tpu.memref_squeeze %dma_start3A_327 : memref<1x128xi32, #tpu.memory_space<vmem>> -> memref<128xi32, #tpu.memory_space<vmem>>
        %dma_start3A_329 = tpu.memref_slice %arg4[%add3A_148] : memref<16384xi32, #tpu.memory_space<hbm>> -> memref<128xi32, #tpu.memory_space<hbm>>
        %dma_start3A_330 = arith.constant 0 : i32
        %dma_start3A_331 = tpu.memref_slice %arg13[%run_scoped3A_149, %dma_start3A_330] : memref<8x128xi32, #tpu.memory_space<vmem>> -> memref<1x128xi32, #tpu.memory_space<vmem>>
        %dma_start3A_332 = tpu.memref_squeeze %dma_start3A_331 : memref<1x128xi32, #tpu.memory_space<vmem>> -> memref<128xi32, #tpu.memory_space<vmem>>
        %dma_start3A_333 = tpu.memref_slice %arg4[%add3A_148] : memref<16384xi32, #tpu.memory_space<hbm>> -> memref<128xi32, #tpu.memory_space<hbm>>
        tpu.enqueue_dma source(%dma_start3A_333 : memref<128xi32, #tpu.memory_space<hbm>>) target(%dma_start3A_332 : memref<128xi32, #tpu.memory_space<vmem>>) target_semaphore(%run_scoped3A_325 : memref<!tpu.dma_semaphore, #tpu.memory_space<semaphore_mem>>)
        %dma_wait3A_334 = arith.constant 0 : i32
        %dma_wait3A_335 = tpu.memref_slice %arg13[%run_scoped3A_149, %dma_wait3A_334] : memref<8x128xi32, #tpu.memory_space<vmem>> -> memref<1x128xi32, #tpu.memory_space<vmem>>
        %dma_wait3A_336 = tpu.memref_squeeze %dma_wait3A_335 : memref<1x128xi32, #tpu.memory_space<vmem>> -> memref<128xi32, #tpu.memory_space<vmem>>
        %dma_wait3A_337 = tpu.memref_slice %arg4[%add3A_148] : memref<16384xi32, #tpu.memory_space<hbm>> -> memref<128xi32, #tpu.memory_space<hbm>>
        %dma_wait3A_338 = arith.constant 0 : i32
        %dma_wait3A_339 = tpu.memref_slice %arg13[%run_scoped3A_149, %dma_wait3A_338] : memref<8x128xi32, #tpu.memory_space<vmem>> -> memref<1x128xi32, #tpu.memory_space<vmem>>
        %dma_wait3A_340 = tpu.memref_squeeze %dma_wait3A_339 : memref<1x128xi32, #tpu.memory_space<vmem>> -> memref<128xi32, #tpu.memory_space<vmem>>
        %dma_wait3A_341 = tpu.memref_slice %arg4[%add3A_148] : memref<16384xi32, #tpu.memory_space<hbm>> -> memref<128xi32, #tpu.memory_space<hbm>>
        tpu.wait_dma2 semaphore(%run_scoped3A_325 : memref<!tpu.dma_semaphore, #tpu.memory_space<semaphore_mem>>) src(%dma_wait3A_341 : memref<128xi32, #tpu.memory_space<hbm>>) dst(%dma_wait3A_340 : memref<128xi32, #tpu.memory_space<vmem>>)
        tpu.yield
      }) : () -> ()
      %add3A_150 = arith.constant 384 : i32
      %add3A_151 = arith.addi %mul3A_4, %add3A_150 : i32
      %run_scoped3A_152 = arith.constant 3 : i32
      "tpu.region"() ({
        %run_scoped3A_325 = tpu.sem_alloc : memref<!tpu.dma_semaphore, #tpu.memory_space<semaphore_mem>>
        %dma_start3A_326 = arith.constant 0 : i32
        %dma_start3A_327 = tpu.memref_slice %arg13[%run_scoped3A_152, %dma_start3A_326] : memref<8x128xi32, #tpu.memory_space<vmem>> -> memref<1x128xi32, #tpu.memory_space<vmem>>
        %dma_start3A_328 = tpu.memref_squeeze %dma_start3A_327 : memref<1x128xi32, #tpu.memory_space<vmem>> -> memref<128xi32, #tpu.memory_space<vmem>>
        %dma_start3A_329 = tpu.memref_slice %arg4[%add3A_151] : memref<16384xi32, #tpu.memory_space<hbm>> -> memref<128xi32, #tpu.memory_space<hbm>>
        %dma_start3A_330 = arith.constant 0 : i32
        %dma_start3A_331 = tpu.memref_slice %arg13[%run_scoped3A_152, %dma_start3A_330] : memref<8x128xi32, #tpu.memory_space<vmem>> -> memref<1x128xi32, #tpu.memory_space<vmem>>
        %dma_start3A_332 = tpu.memref_squeeze %dma_start3A_331 : memref<1x128xi32, #tpu.memory_space<vmem>> -> memref<128xi32, #tpu.memory_space<vmem>>
        %dma_start3A_333 = tpu.memref_slice %arg4[%add3A_151] : memref<16384xi32, #tpu.memory_space<hbm>> -> memref<128xi32, #tpu.memory_space<hbm>>
        tpu.enqueue_dma source(%dma_start3A_333 : memref<128xi32, #tpu.memory_space<hbm>>) target(%dma_start3A_332 : memref<128xi32, #tpu.memory_space<vmem>>) target_semaphore(%run_scoped3A_325 : memref<!tpu.dma_semaphore, #tpu.memory_space<semaphore_mem>>)
        %dma_wait3A_334 = arith.constant 0 : i32
        %dma_wait3A_335 = tpu.memref_slice %arg13[%run_scoped3A_152, %dma_wait3A_334] : memref<8x128xi32, #tpu.memory_space<vmem>> -> memref<1x128xi32, #tpu.memory_space<vmem>>
        %dma_wait3A_336 = tpu.memref_squeeze %dma_wait3A_335 : memref<1x128xi32, #tpu.memory_space<vmem>> -> memref<128xi32, #tpu.memory_space<vmem>>
        %dma_wait3A_337 = tpu.memref_slice %arg4[%add3A_151] : memref<16384xi32, #tpu.memory_space<hbm>> -> memref<128xi32, #tpu.memory_space<hbm>>
        %dma_wait3A_338 = arith.constant 0 : i32
        %dma_wait3A_339 = tpu.memref_slice %arg13[%run_scoped3A_152, %dma_wait3A_338] : memref<8x128xi32, #tpu.memory_space<vmem>> -> memref<1x128xi32, #tpu.memory_space<vmem>>
        %dma_wait3A_340 = tpu.memref_squeeze %dma_wait3A_339 : memref<1x128xi32, #tpu.memory_space<vmem>> -> memref<128xi32, #tpu.memory_space<vmem>>
        %dma_wait3A_341 = tpu.memref_slice %arg4[%add3A_151] : memref<16384xi32, #tpu.memory_space<hbm>> -> memref<128xi32, #tpu.memory_space<hbm>>
        tpu.wait_dma2 semaphore(%run_scoped3A_325 : memref<!tpu.dma_semaphore, #tpu.memory_space<semaphore_mem>>) src(%dma_wait3A_341 : memref<128xi32, #tpu.memory_space<hbm>>) dst(%dma_wait3A_340 : memref<128xi32, #tpu.memory_space<vmem>>)
        tpu.yield
      }) : () -> ()
      %add3A_153 = arith.constant 512 : i32
      %add3A_154 = arith.addi %mul3A_4, %add3A_153 : i32
      %run_scoped3A_155 = arith.constant 4 : i32
      "tpu.region"() ({
        %run_scoped3A_325 = tpu.sem_alloc : memref<!tpu.dma_semaphore, #tpu.memory_space<semaphore_mem>>
        %dma_start3A_326 = arith.constant 0 : i32
        %dma_start3A_327 = tpu.memref_slice %arg13[%run_scoped3A_155, %dma_start3A_326] : memref<8x128xi32, #tpu.memory_space<vmem>> -> memref<1x128xi32, #tpu.memory_space<vmem>>
        %dma_start3A_328 = tpu.memref_squeeze %dma_start3A_327 : memref<1x128xi32, #tpu.memory_space<vmem>> -> memref<128xi32, #tpu.memory_space<vmem>>
        %dma_start3A_329 = tpu.memref_slice %arg4[%add3A_154] : memref<16384xi32, #tpu.memory_space<hbm>> -> memref<128xi32, #tpu.memory_space<hbm>>
        %dma_start3A_330 = arith.constant 0 : i32
        %dma_start3A_331 = tpu.memref_slice %arg13[%run_scoped3A_155, %dma_start3A_330] : memref<8x128xi32, #tpu.memory_space<vmem>> -> memref<1x128xi32, #tpu.memory_space<vmem>>
        %dma_start3A_332 = tpu.memref_squeeze %dma_start3A_331 : memref<1x128xi32, #tpu.memory_space<vmem>> -> memref<128xi32, #tpu.memory_space<vmem>>
        %dma_start3A_333 = tpu.memref_slice %arg4[%add3A_154] : memref<16384xi32, #tpu.memory_space<hbm>> -> memref<128xi32, #tpu.memory_space<hbm>>
        tpu.enqueue_dma source(%dma_start3A_333 : memref<128xi32, #tpu.memory_space<hbm>>) target(%dma_start3A_332 : memref<128xi32, #tpu.memory_space<vmem>>) target_semaphore(%run_scoped3A_325 : memref<!tpu.dma_semaphore, #tpu.memory_space<semaphore_mem>>)
        %dma_wait3A_334 = arith.constant 0 : i32
        %dma_wait3A_335 = tpu.memref_slice %arg13[%run_scoped3A_155, %dma_wait3A_334] : memref<8x128xi32, #tpu.memory_space<vmem>> -> memref<1x128xi32, #tpu.memory_space<vmem>>
        %dma_wait3A_336 = tpu.memref_squeeze %dma_wait3A_335 : memref<1x128xi32, #tpu.memory_space<vmem>> -> memref<128xi32, #tpu.memory_space<vmem>>
        %dma_wait3A_337 = tpu.memref_slice %arg4[%add3A_154] : memref<16384xi32, #tpu.memory_space<hbm>> -> memref<128xi32, #tpu.memory_space<hbm>>
        %dma_wait3A_338 = arith.constant 0 : i32
        %dma_wait3A_339 = tpu.memref_slice %arg13[%run_scoped3A_155, %dma_wait3A_338] : memref<8x128xi32, #tpu.memory_space<vmem>> -> memref<1x128xi32, #tpu.memory_space<vmem>>
        %dma_wait3A_340 = tpu.memref_squeeze %dma_wait3A_339 : memref<1x128xi32, #tpu.memory_space<vmem>> -> memref<128xi32, #tpu.memory_space<vmem>>
        %dma_wait3A_341 = tpu.memref_slice %arg4[%add3A_154] : memref<16384xi32, #tpu.memory_space<hbm>> -> memref<128xi32, #tpu.memory_space<hbm>>
        tpu.wait_dma2 semaphore(%run_scoped3A_325 : memref<!tpu.dma_semaphore, #tpu.memory_space<semaphore_mem>>) src(%dma_wait3A_341 : memref<128xi32, #tpu.memory_space<hbm>>) dst(%dma_wait3A_340 : memref<128xi32, #tpu.memory_space<vmem>>)
        tpu.yield
      }) : () -> ()
      %add3A_156 = arith.constant 640 : i32
      %add3A_157 = arith.addi %mul3A_4, %add3A_156 : i32
      %run_scoped3A_158 = arith.constant 5 : i32
      "tpu.region"() ({
        %run_scoped3A_325 = tpu.sem_alloc : memref<!tpu.dma_semaphore, #tpu.memory_space<semaphore_mem>>
        %dma_start3A_326 = arith.constant 0 : i32
        %dma_start3A_327 = tpu.memref_slice %arg13[%run_scoped3A_158, %dma_start3A_326] : memref<8x128xi32, #tpu.memory_space<vmem>> -> memref<1x128xi32, #tpu.memory_space<vmem>>
        %dma_start3A_328 = tpu.memref_squeeze %dma_start3A_327 : memref<1x128xi32, #tpu.memory_space<vmem>> -> memref<128xi32, #tpu.memory_space<vmem>>
        %dma_start3A_329 = tpu.memref_slice %arg4[%add3A_157] : memref<16384xi32, #tpu.memory_space<hbm>> -> memref<128xi32, #tpu.memory_space<hbm>>
        %dma_start3A_330 = arith.constant 0 : i32
        %dma_start3A_331 = tpu.memref_slice %arg13[%run_scoped3A_158, %dma_start3A_330] : memref<8x128xi32, #tpu.memory_space<vmem>> -> memref<1x128xi32, #tpu.memory_space<vmem>>
        %dma_start3A_332 = tpu.memref_squeeze %dma_start3A_331 : memref<1x128xi32, #tpu.memory_space<vmem>> -> memref<128xi32, #tpu.memory_space<vmem>>
        %dma_start3A_333 = tpu.memref_slice %arg4[%add3A_157] : memref<16384xi32, #tpu.memory_space<hbm>> -> memref<128xi32, #tpu.memory_space<hbm>>
        tpu.enqueue_dma source(%dma_start3A_333 : memref<128xi32, #tpu.memory_space<hbm>>) target(%dma_start3A_332 : memref<128xi32, #tpu.memory_space<vmem>>) target_semaphore(%run_scoped3A_325 : memref<!tpu.dma_semaphore, #tpu.memory_space<semaphore_mem>>)
        %dma_wait3A_334 = arith.constant 0 : i32
        %dma_wait3A_335 = tpu.memref_slice %arg13[%run_scoped3A_158, %dma_wait3A_334] : memref<8x128xi32, #tpu.memory_space<vmem>> -> memref<1x128xi32, #tpu.memory_space<vmem>>
        %dma_wait3A_336 = tpu.memref_squeeze %dma_wait3A_335 : memref<1x128xi32, #tpu.memory_space<vmem>> -> memref<128xi32, #tpu.memory_space<vmem>>
        %dma_wait3A_337 = tpu.memref_slice %arg4[%add3A_157] : memref<16384xi32, #tpu.memory_space<hbm>> -> memref<128xi32, #tpu.memory_space<hbm>>
        %dma_wait3A_338 = arith.constant 0 : i32
        %dma_wait3A_339 = tpu.memref_slice %arg13[%run_scoped3A_158, %dma_wait3A_338] : memref<8x128xi32, #tpu.memory_space<vmem>> -> memref<1x128xi32, #tpu.memory_space<vmem>>
        %dma_wait3A_340 = tpu.memref_squeeze %dma_wait3A_339 : memref<1x128xi32, #tpu.memory_space<vmem>> -> memref<128xi32, #tpu.memory_space<vmem>>
        %dma_wait3A_341 = tpu.memref_slice %arg4[%add3A_157] : memref<16384xi32, #tpu.memory_space<hbm>> -> memref<128xi32, #tpu.memory_space<hbm>>
        tpu.wait_dma2 semaphore(%run_scoped3A_325 : memref<!tpu.dma_semaphore, #tpu.memory_space<semaphore_mem>>) src(%dma_wait3A_341 : memref<128xi32, #tpu.memory_space<hbm>>) dst(%dma_wait3A_340 : memref<128xi32, #tpu.memory_space<vmem>>)
        tpu.yield
      }) : () -> ()
      %add3A_159 = arith.constant 768 : i32
      %add3A_160 = arith.addi %mul3A_4, %add3A_159 : i32
      %run_scoped3A_161 = arith.constant 6 : i32
      "tpu.region"() ({
        %run_scoped3A_325 = tpu.sem_alloc : memref<!tpu.dma_semaphore, #tpu.memory_space<semaphore_mem>>
        %dma_start3A_326 = arith.constant 0 : i32
        %dma_start3A_327 = tpu.memref_slice %arg13[%run_scoped3A_161, %dma_start3A_326] : memref<8x128xi32, #tpu.memory_space<vmem>> -> memref<1x128xi32, #tpu.memory_space<vmem>>
        %dma_start3A_328 = tpu.memref_squeeze %dma_start3A_327 : memref<1x128xi32, #tpu.memory_space<vmem>> -> memref<128xi32, #tpu.memory_space<vmem>>
        %dma_start3A_329 = tpu.memref_slice %arg4[%add3A_160] : memref<16384xi32, #tpu.memory_space<hbm>> -> memref<128xi32, #tpu.memory_space<hbm>>
        %dma_start3A_330 = arith.constant 0 : i32
        %dma_start3A_331 = tpu.memref_slice %arg13[%run_scoped3A_161, %dma_start3A_330] : memref<8x128xi32, #tpu.memory_space<vmem>> -> memref<1x128xi32, #tpu.memory_space<vmem>>
        %dma_start3A_332 = tpu.memref_squeeze %dma_start3A_331 : memref<1x128xi32, #tpu.memory_space<vmem>> -> memref<128xi32, #tpu.memory_space<vmem>>
        %dma_start3A_333 = tpu.memref_slice %arg4[%add3A_160] : memref<16384xi32, #tpu.memory_space<hbm>> -> memref<128xi32, #tpu.memory_space<hbm>>
        tpu.enqueue_dma source(%dma_start3A_333 : memref<128xi32, #tpu.memory_space<hbm>>) target(%dma_start3A_332 : memref<128xi32, #tpu.memory_space<vmem>>) target_semaphore(%run_scoped3A_325 : memref<!tpu.dma_semaphore, #tpu.memory_space<semaphore_mem>>)
        %dma_wait3A_334 = arith.constant 0 : i32
        %dma_wait3A_335 = tpu.memref_slice %arg13[%run_scoped3A_161, %dma_wait3A_334] : memref<8x128xi32, #tpu.memory_space<vmem>> -> memref<1x128xi32, #tpu.memory_space<vmem>>
        %dma_wait3A_336 = tpu.memref_squeeze %dma_wait3A_335 : memref<1x128xi32, #tpu.memory_space<vmem>> -> memref<128xi32, #tpu.memory_space<vmem>>
        %dma_wait3A_337 = tpu.memref_slice %arg4[%add3A_160] : memref<16384xi32, #tpu.memory_space<hbm>> -> memref<128xi32, #tpu.memory_space<hbm>>
        %dma_wait3A_338 = arith.constant 0 : i32
        %dma_wait3A_339 = tpu.memref_slice %arg13[%run_scoped3A_161, %dma_wait3A_338] : memref<8x128xi32, #tpu.memory_space<vmem>> -> memref<1x128xi32, #tpu.memory_space<vmem>>
        %dma_wait3A_340 = tpu.memref_squeeze %dma_wait3A_339 : memref<1x128xi32, #tpu.memory_space<vmem>> -> memref<128xi32, #tpu.memory_space<vmem>>
        %dma_wait3A_341 = tpu.memref_slice %arg4[%add3A_160] : memref<16384xi32, #tpu.memory_space<hbm>> -> memref<128xi32, #tpu.memory_space<hbm>>
        tpu.wait_dma2 semaphore(%run_scoped3A_325 : memref<!tpu.dma_semaphore, #tpu.memory_space<semaphore_mem>>) src(%dma_wait3A_341 : memref<128xi32, #tpu.memory_space<hbm>>) dst(%dma_wait3A_340 : memref<128xi32, #tpu.memory_space<vmem>>)
        tpu.yield
      }) : () -> ()
      %add3A_162 = arith.constant 896 : i32
      %add3A_163 = arith.addi %mul3A_4, %add3A_162 : i32
      %run_scoped3A_164 = arith.constant 7 : i32
      "tpu.region"() ({
        %run_scoped3A_325 = tpu.sem_alloc : memref<!tpu.dma_semaphore, #tpu.memory_space<semaphore_mem>>
        %dma_start3A_326 = arith.constant 0 : i32
        %dma_start3A_327 = tpu.memref_slice %arg13[%run_scoped3A_164, %dma_start3A_326] : memref<8x128xi32, #tpu.memory_space<vmem>> -> memref<1x128xi32, #tpu.memory_space<vmem>>
        %dma_start3A_328 = tpu.memref_squeeze %dma_start3A_327 : memref<1x128xi32, #tpu.memory_space<vmem>> -> memref<128xi32, #tpu.memory_space<vmem>>
        %dma_start3A_329 = tpu.memref_slice %arg4[%add3A_163] : memref<16384xi32, #tpu.memory_space<hbm>> -> memref<128xi32, #tpu.memory_space<hbm>>
        %dma_start3A_330 = arith.constant 0 : i32
        %dma_start3A_331 = tpu.memref_slice %arg13[%run_scoped3A_164, %dma_start3A_330] : memref<8x128xi32, #tpu.memory_space<vmem>> -> memref<1x128xi32, #tpu.memory_space<vmem>>
        %dma_start3A_332 = tpu.memref_squeeze %dma_start3A_331 : memref<1x128xi32, #tpu.memory_space<vmem>> -> memref<128xi32, #tpu.memory_space<vmem>>
        %dma_start3A_333 = tpu.memref_slice %arg4[%add3A_163] : memref<16384xi32, #tpu.memory_space<hbm>> -> memref<128xi32, #tpu.memory_space<hbm>>
        tpu.enqueue_dma source(%dma_start3A_333 : memref<128xi32, #tpu.memory_space<hbm>>) target(%dma_start3A_332 : memref<128xi32, #tpu.memory_space<vmem>>) target_semaphore(%run_scoped3A_325 : memref<!tpu.dma_semaphore, #tpu.memory_space<semaphore_mem>>)
        %dma_wait3A_334 = arith.constant 0 : i32
        %dma_wait3A_335 = tpu.memref_slice %arg13[%run_scoped3A_164, %dma_wait3A_334] : memref<8x128xi32, #tpu.memory_space<vmem>> -> memref<1x128xi32, #tpu.memory_space<vmem>>
        %dma_wait3A_336 = tpu.memref_squeeze %dma_wait3A_335 : memref<1x128xi32, #tpu.memory_space<vmem>> -> memref<128xi32, #tpu.memory_space<vmem>>
        %dma_wait3A_337 = tpu.memref_slice %arg4[%add3A_163] : memref<16384xi32, #tpu.memory_space<hbm>> -> memref<128xi32, #tpu.memory_space<hbm>>
        %dma_wait3A_338 = arith.constant 0 : i32
        %dma_wait3A_339 = tpu.memref_slice %arg13[%run_scoped3A_164, %dma_wait3A_338] : memref<8x128xi32, #tpu.memory_space<vmem>> -> memref<1x128xi32, #tpu.memory_space<vmem>>
        %dma_wait3A_340 = tpu.memref_squeeze %dma_wait3A_339 : memref<1x128xi32, #tpu.memory_space<vmem>> -> memref<128xi32, #tpu.memory_space<vmem>>
        %dma_wait3A_341 = tpu.memref_slice %arg4[%add3A_163] : memref<16384xi32, #tpu.memory_space<hbm>> -> memref<128xi32, #tpu.memory_space<hbm>>
        tpu.wait_dma2 semaphore(%run_scoped3A_325 : memref<!tpu.dma_semaphore, #tpu.memory_space<semaphore_mem>>) src(%dma_wait3A_341 : memref<128xi32, #tpu.memory_space<hbm>>) dst(%dma_wait3A_340 : memref<128xi32, #tpu.memory_space<vmem>>)
        tpu.yield
      }) : () -> ()
      %dma_start3A_165 = arith.constant 0 : i32
      %dma_start3A_166 = arith.constant 0 : i32
      %dma_start3A_167 = arith.constant 0 : i32
      %dma_start3A_168 = tpu.memref_slice %arg13[%dma_start3A_165, %dma_start3A_167] : memref<8x128xi32, #tpu.memory_space<vmem>> -> memref<1x128xi32, #tpu.memory_space<vmem>>
      %dma_start3A_169 = tpu.memref_squeeze %dma_start3A_168 : memref<1x128xi32, #tpu.memory_space<vmem>> -> memref<128xi32, #tpu.memory_space<vmem>>
      %dma_start3A_170 = arith.constant 0 : i32
      %dma_start3A_171 = tpu.memref_slice %arg12[%dma_start3A_166, %dma_start3A_170] : memref<8x128xi32, #tpu.memory_space<vmem>> -> memref<1x128xi32, #tpu.memory_space<vmem>>
      %dma_start3A_172 = tpu.memref_squeeze %dma_start3A_171 : memref<1x128xi32, #tpu.memory_space<vmem>> -> memref<128xi32, #tpu.memory_space<vmem>>
      %dma_start3A_173 = arith.constant 0 : i32
      %dma_start3A_174 = tpu.memref_slice %arg17[%dma_start3A_173] : memref<100000xi32, #tpu.memory_space<vmem_shared>> -> memref<100000xi32, #tpu.memory_space<vmem_shared>>
      tpu.enqueue_indirect_dma source(%dma_start3A_169 : memref<128xi32, #tpu.memory_space<vmem>>) target(%dma_start3A_174 : memref<100000xi32, #tpu.memory_space<vmem_shared>>) offsets(%dma_start3A_172 : memref<128xi32, #tpu.memory_space<vmem>>) semaphore(%arg20 : memref<!tpu.dma_semaphore, #tpu.memory_space<semaphore_mem>>)
      %dma_start3A_175 = arith.constant 1 : i32
      %dma_start3A_176 = arith.constant 1 : i32
      %dma_start3A_177 = arith.constant 0 : i32
      %dma_start3A_178 = tpu.memref_slice %arg13[%dma_start3A_175, %dma_start3A_177] : memref<8x128xi32, #tpu.memory_space<vmem>> -> memref<1x128xi32, #tpu.memory_space<vmem>>
      %dma_start3A_179 = tpu.memref_squeeze %dma_start3A_178 : memref<1x128xi32, #tpu.memory_space<vmem>> -> memref<128xi32, #tpu.memory_space<vmem>>
      %dma_start3A_180 = arith.constant 0 : i32
      %dma_start3A_181 = tpu.memref_slice %arg12[%dma_start3A_176, %dma_start3A_180] : memref<8x128xi32, #tpu.memory_space<vmem>> -> memref<1x128xi32, #tpu.memory_space<vmem>>
      %dma_start3A_182 = tpu.memref_squeeze %dma_start3A_181 : memref<1x128xi32, #tpu.memory_space<vmem>> -> memref<128xi32, #tpu.memory_space<vmem>>
      %dma_start3A_183 = arith.constant 0 : i32
      %dma_start3A_184 = tpu.memref_slice %arg17[%dma_start3A_183] : memref<100000xi32, #tpu.memory_space<vmem_shared>> -> memref<100000xi32, #tpu.memory_space<vmem_shared>>
      tpu.enqueue_indirect_dma source(%dma_start3A_179 : memref<128xi32, #tpu.memory_space<vmem>>) target(%dma_start3A_184 : memref<100000xi32, #tpu.memory_space<vmem_shared>>) offsets(%dma_start3A_182 : memref<128xi32, #tpu.memory_space<vmem>>) semaphore(%arg20 : memref<!tpu.dma_semaphore, #tpu.memory_space<semaphore_mem>>)
      %dma_start3A_185 = arith.constant 2 : i32
      %dma_start3A_186 = arith.constant 2 : i32
      %dma_start3A_187 = arith.constant 0 : i32
      %dma_start3A_188 = tpu.memref_slice %arg13[%dma_start3A_185, %dma_start3A_187] : memref<8x128xi32, #tpu.memory_space<vmem>> -> memref<1x128xi32, #tpu.memory_space<vmem>>
      %dma_start3A_189 = tpu.memref_squeeze %dma_start3A_188 : memref<1x128xi32, #tpu.memory_space<vmem>> -> memref<128xi32, #tpu.memory_space<vmem>>
      %dma_start3A_190 = arith.constant 0 : i32
      %dma_start3A_191 = tpu.memref_slice %arg12[%dma_start3A_186, %dma_start3A_190] : memref<8x128xi32, #tpu.memory_space<vmem>> -> memref<1x128xi32, #tpu.memory_space<vmem>>
      %dma_start3A_192 = tpu.memref_squeeze %dma_start3A_191 : memref<1x128xi32, #tpu.memory_space<vmem>> -> memref<128xi32, #tpu.memory_space<vmem>>
      %dma_start3A_193 = arith.constant 0 : i32
      %dma_start3A_194 = tpu.memref_slice %arg17[%dma_start3A_193] : memref<100000xi32, #tpu.memory_space<vmem_shared>> -> memref<100000xi32, #tpu.memory_space<vmem_shared>>
      tpu.enqueue_indirect_dma source(%dma_start3A_189 : memref<128xi32, #tpu.memory_space<vmem>>) target(%dma_start3A_194 : memref<100000xi32, #tpu.memory_space<vmem_shared>>) offsets(%dma_start3A_192 : memref<128xi32, #tpu.memory_space<vmem>>) semaphore(%arg20 : memref<!tpu.dma_semaphore, #tpu.memory_space<semaphore_mem>>)
      %dma_start3A_195 = arith.constant 3 : i32
      %dma_start3A_196 = arith.constant 3 : i32
      %dma_start3A_197 = arith.constant 0 : i32
      %dma_start3A_198 = tpu.memref_slice %arg13[%dma_start3A_195, %dma_start3A_197] : memref<8x128xi32, #tpu.memory_space<vmem>> -> memref<1x128xi32, #tpu.memory_space<vmem>>
      %dma_start3A_199 = tpu.memref_squeeze %dma_start3A_198 : memref<1x128xi32, #tpu.memory_space<vmem>> -> memref<128xi32, #tpu.memory_space<vmem>>
      %dma_start3A_200 = arith.constant 0 : i32
      %dma_start3A_201 = tpu.memref_slice %arg12[%dma_start3A_196, %dma_start3A_200] : memref<8x128xi32, #tpu.memory_space<vmem>> -> memref<1x128xi32, #tpu.memory_space<vmem>>
      %dma_start3A_202 = tpu.memref_squeeze %dma_start3A_201 : memref<1x128xi32, #tpu.memory_space<vmem>> -> memref<128xi32, #tpu.memory_space<vmem>>
      %dma_start3A_203 = arith.constant 0 : i32
      %dma_start3A_204 = tpu.memref_slice %arg17[%dma_start3A_203] : memref<100000xi32, #tpu.memory_space<vmem_shared>> -> memref<100000xi32, #tpu.memory_space<vmem_shared>>
      tpu.enqueue_indirect_dma source(%dma_start3A_199 : memref<128xi32, #tpu.memory_space<vmem>>) target(%dma_start3A_204 : memref<100000xi32, #tpu.memory_space<vmem_shared>>) offsets(%dma_start3A_202 : memref<128xi32, #tpu.memory_space<vmem>>) semaphore(%arg20 : memref<!tpu.dma_semaphore, #tpu.memory_space<semaphore_mem>>)
      %dma_start3A_205 = arith.constant 4 : i32
      %dma_start3A_206 = arith.constant 4 : i32
      %dma_start3A_207 = arith.constant 0 : i32
      %dma_start3A_208 = tpu.memref_slice %arg13[%dma_start3A_205, %dma_start3A_207] : memref<8x128xi32, #tpu.memory_space<vmem>> -> memref<1x128xi32, #tpu.memory_space<vmem>>
      %dma_start3A_209 = tpu.memref_squeeze %dma_start3A_208 : memref<1x128xi32, #tpu.memory_space<vmem>> -> memref<128xi32, #tpu.memory_space<vmem>>
      %dma_start3A_210 = arith.constant 0 : i32
      %dma_start3A_211 = tpu.memref_slice %arg12[%dma_start3A_206, %dma_start3A_210] : memref<8x128xi32, #tpu.memory_space<vmem>> -> memref<1x128xi32, #tpu.memory_space<vmem>>
      %dma_start3A_212 = tpu.memref_squeeze %dma_start3A_211 : memref<1x128xi32, #tpu.memory_space<vmem>> -> memref<128xi32, #tpu.memory_space<vmem>>
      %dma_start3A_213 = arith.constant 0 : i32
      %dma_start3A_214 = tpu.memref_slice %arg17[%dma_start3A_213] : memref<100000xi32, #tpu.memory_space<vmem_shared>> -> memref<100000xi32, #tpu.memory_space<vmem_shared>>
      tpu.enqueue_indirect_dma source(%dma_start3A_209 : memref<128xi32, #tpu.memory_space<vmem>>) target(%dma_start3A_214 : memref<100000xi32, #tpu.memory_space<vmem_shared>>) offsets(%dma_start3A_212 : memref<128xi32, #tpu.memory_space<vmem>>) semaphore(%arg20 : memref<!tpu.dma_semaphore, #tpu.memory_space<semaphore_mem>>)
      %dma_start3A_215 = arith.constant 5 : i32
      %dma_start3A_216 = arith.constant 5 : i32
      %dma_start3A_217 = arith.constant 0 : i32
      %dma_start3A_218 = tpu.memref_slice %arg13[%dma_start3A_215, %dma_start3A_217] : memref<8x128xi32, #tpu.memory_space<vmem>> -> memref<1x128xi32, #tpu.memory_space<vmem>>
      %dma_start3A_219 = tpu.memref_squeeze %dma_start3A_218 : memref<1x128xi32, #tpu.memory_space<vmem>> -> memref<128xi32, #tpu.memory_space<vmem>>
      %dma_start3A_220 = arith.constant 0 : i32
      %dma_start3A_221 = tpu.memref_slice %arg12[%dma_start3A_216, %dma_start3A_220] : memref<8x128xi32, #tpu.memory_space<vmem>> -> memref<1x128xi32, #tpu.memory_space<vmem>>
      %dma_start3A_222 = tpu.memref_squeeze %dma_start3A_221 : memref<1x128xi32, #tpu.memory_space<vmem>> -> memref<128xi32, #tpu.memory_space<vmem>>
      %dma_start3A_223 = arith.constant 0 : i32
      %dma_start3A_224 = tpu.memref_slice %arg17[%dma_start3A_223] : memref<100000xi32, #tpu.memory_space<vmem_shared>> -> memref<100000xi32, #tpu.memory_space<vmem_shared>>
      tpu.enqueue_indirect_dma source(%dma_start3A_219 : memref<128xi32, #tpu.memory_space<vmem>>) target(%dma_start3A_224 : memref<100000xi32, #tpu.memory_space<vmem_shared>>) offsets(%dma_start3A_222 : memref<128xi32, #tpu.memory_space<vmem>>) semaphore(%arg20 : memref<!tpu.dma_semaphore, #tpu.memory_space<semaphore_mem>>)
      %dma_start3A_225 = arith.constant 6 : i32
      %dma_start3A_226 = arith.constant 6 : i32
      %dma_start3A_227 = arith.constant 0 : i32
      %dma_start3A_228 = tpu.memref_slice %arg13[%dma_start3A_225, %dma_start3A_227] : memref<8x128xi32, #tpu.memory_space<vmem>> -> memref<1x128xi32, #tpu.memory_space<vmem>>
      %dma_start3A_229 = tpu.memref_squeeze %dma_start3A_228 : memref<1x128xi32, #tpu.memory_space<vmem>> -> memref<128xi32, #tpu.memory_space<vmem>>
      %dma_start3A_230 = arith.constant 0 : i32
      %dma_start3A_231 = tpu.memref_slice %arg12[%dma_start3A_226, %dma_start3A_230] : memref<8x128xi32, #tpu.memory_space<vmem>> -> memref<1x128xi32, #tpu.memory_space<vmem>>
      %dma_start3A_232 = tpu.memref_squeeze %dma_start3A_231 : memref<1x128xi32, #tpu.memory_space<vmem>> -> memref<128xi32, #tpu.memory_space<vmem>>
      %dma_start3A_233 = arith.constant 0 : i32
      %dma_start3A_234 = tpu.memref_slice %arg17[%dma_start3A_233] : memref<100000xi32, #tpu.memory_space<vmem_shared>> -> memref<100000xi32, #tpu.memory_space<vmem_shared>>
      tpu.enqueue_indirect_dma source(%dma_start3A_229 : memref<128xi32, #tpu.memory_space<vmem>>) target(%dma_start3A_234 : memref<100000xi32, #tpu.memory_space<vmem_shared>>) offsets(%dma_start3A_232 : memref<128xi32, #tpu.memory_space<vmem>>) semaphore(%arg20 : memref<!tpu.dma_semaphore, #tpu.memory_space<semaphore_mem>>)
      %dma_start3A_235 = arith.constant 7 : i32
      %dma_start3A_236 = arith.constant 7 : i32
      %dma_start3A_237 = arith.constant 0 : i32
      %dma_start3A_238 = tpu.memref_slice %arg13[%dma_start3A_235, %dma_start3A_237] : memref<8x128xi32, #tpu.memory_space<vmem>> -> memref<1x128xi32, #tpu.memory_space<vmem>>
      %dma_start3A_239 = tpu.memref_squeeze %dma_start3A_238 : memref<1x128xi32, #tpu.memory_space<vmem>> -> memref<128xi32, #tpu.memory_space<vmem>>
      %dma_start3A_240 = arith.constant 0 : i32
      %dma_start3A_241 = tpu.memref_slice %arg12[%dma_start3A_236, %dma_start3A_240] : memref<8x128xi32, #tpu.memory_space<vmem>> -> memref<1x128xi32, #tpu.memory_space<vmem>>
      %dma_start3A_242 = tpu.memref_squeeze %dma_start3A_241 : memref<1x128xi32, #tpu.memory_space<vmem>> -> memref<128xi32, #tpu.memory_space<vmem>>
      %dma_start3A_243 = arith.constant 0 : i32
      %dma_start3A_244 = tpu.memref_slice %arg17[%dma_start3A_243] : memref<100000xi32, #tpu.memory_space<vmem_shared>> -> memref<100000xi32, #tpu.memory_space<vmem_shared>>
      tpu.enqueue_indirect_dma source(%dma_start3A_239 : memref<128xi32, #tpu.memory_space<vmem>>) target(%dma_start3A_244 : memref<100000xi32, #tpu.memory_space<vmem_shared>>) offsets(%dma_start3A_242 : memref<128xi32, #tpu.memory_space<vmem>>) semaphore(%arg20 : memref<!tpu.dma_semaphore, #tpu.memory_space<semaphore_mem>>)
      %dma_wait3A_245 = arith.constant 0 : i32
      %dma_wait3A_246 = arith.constant 0 : i32
      %dma_wait3A_247 = arith.constant 0 : i32
      %dma_wait3A_248 = tpu.memref_slice %arg13[%dma_wait3A_245, %dma_wait3A_247] : memref<8x128xi32, #tpu.memory_space<vmem>> -> memref<1x128xi32, #tpu.memory_space<vmem>>
      %dma_wait3A_249 = tpu.memref_squeeze %dma_wait3A_248 : memref<1x128xi32, #tpu.memory_space<vmem>> -> memref<128xi32, #tpu.memory_space<vmem>>
      %dma_wait3A_250 = arith.constant 0 : i32
      %dma_wait3A_251 = tpu.memref_slice %arg12[%dma_wait3A_246, %dma_wait3A_250] : memref<8x128xi32, #tpu.memory_space<vmem>> -> memref<1x128xi32, #tpu.memory_space<vmem>>
      %dma_wait3A_252 = tpu.memref_squeeze %dma_wait3A_251 : memref<1x128xi32, #tpu.memory_space<vmem>> -> memref<128xi32, #tpu.memory_space<vmem>>
      %dma_wait3A_253 = arith.constant 0 : i32
      %dma_wait3A_254 = tpu.memref_slice %arg17[%dma_wait3A_253] : memref<100000xi32, #tpu.memory_space<vmem_shared>> -> memref<100000xi32, #tpu.memory_space<vmem_shared>>
      tpu.wait_indirect_dma semaphore(%arg20 : memref<!tpu.dma_semaphore, #tpu.memory_space<semaphore_mem>>) src(%dma_wait3A_249 : memref<128xi32, #tpu.memory_space<vmem>>) dst(%dma_wait3A_254 : memref<100000xi32, #tpu.memory_space<vmem_shared>>)
      %dma_wait3A_255 = arith.constant 1 : i32
      %dma_wait3A_256 = arith.constant 1 : i32
      %dma_wait3A_257 = arith.constant 0 : i32
      %dma_wait3A_258 = tpu.memref_slice %arg13[%dma_wait3A_255, %dma_wait3A_257] : memref<8x128xi32, #tpu.memory_space<vmem>> -> memref<1x128xi32, #tpu.memory_space<vmem>>
      %dma_wait3A_259 = tpu.memref_squeeze %dma_wait3A_258 : memref<1x128xi32, #tpu.memory_space<vmem>> -> memref<128xi32, #tpu.memory_space<vmem>>
      %dma_wait3A_260 = arith.constant 0 : i32
      %dma_wait3A_261 = tpu.memref_slice %arg12[%dma_wait3A_256, %dma_wait3A_260] : memref<8x128xi32, #tpu.memory_space<vmem>> -> memref<1x128xi32, #tpu.memory_space<vmem>>
      %dma_wait3A_262 = tpu.memref_squeeze %dma_wait3A_261 : memref<1x128xi32, #tpu.memory_space<vmem>> -> memref<128xi32, #tpu.memory_space<vmem>>
      %dma_wait3A_263 = arith.constant 0 : i32
      %dma_wait3A_264 = tpu.memref_slice %arg17[%dma_wait3A_263] : memref<100000xi32, #tpu.memory_space<vmem_shared>> -> memref<100000xi32, #tpu.memory_space<vmem_shared>>
      tpu.wait_indirect_dma semaphore(%arg20 : memref<!tpu.dma_semaphore, #tpu.memory_space<semaphore_mem>>) src(%dma_wait3A_259 : memref<128xi32, #tpu.memory_space<vmem>>) dst(%dma_wait3A_264 : memref<100000xi32, #tpu.memory_space<vmem_shared>>)
      %dma_wait3A_265 = arith.constant 2 : i32
      %dma_wait3A_266 = arith.constant 2 : i32
      %dma_wait3A_267 = arith.constant 0 : i32
      %dma_wait3A_268 = tpu.memref_slice %arg13[%dma_wait3A_265, %dma_wait3A_267] : memref<8x128xi32, #tpu.memory_space<vmem>> -> memref<1x128xi32, #tpu.memory_space<vmem>>
      %dma_wait3A_269 = tpu.memref_squeeze %dma_wait3A_268 : memref<1x128xi32, #tpu.memory_space<vmem>> -> memref<128xi32, #tpu.memory_space<vmem>>
      %dma_wait3A_270 = arith.constant 0 : i32
      %dma_wait3A_271 = tpu.memref_slice %arg12[%dma_wait3A_266, %dma_wait3A_270] : memref<8x128xi32, #tpu.memory_space<vmem>> -> memref<1x128xi32, #tpu.memory_space<vmem>>
      %dma_wait3A_272 = tpu.memref_squeeze %dma_wait3A_271 : memref<1x128xi32, #tpu.memory_space<vmem>> -> memref<128xi32, #tpu.memory_space<vmem>>
      %dma_wait3A_273 = arith.constant 0 : i32
      %dma_wait3A_274 = tpu.memref_slice %arg17[%dma_wait3A_273] : memref<100000xi32, #tpu.memory_space<vmem_shared>> -> memref<100000xi32, #tpu.memory_space<vmem_shared>>
      tpu.wait_indirect_dma semaphore(%arg20 : memref<!tpu.dma_semaphore, #tpu.memory_space<semaphore_mem>>) src(%dma_wait3A_269 : memref<128xi32, #tpu.memory_space<vmem>>) dst(%dma_wait3A_274 : memref<100000xi32, #tpu.memory_space<vmem_shared>>)
      %dma_wait3A_275 = arith.constant 3 : i32
      %dma_wait3A_276 = arith.constant 3 : i32
      %dma_wait3A_277 = arith.constant 0 : i32
      %dma_wait3A_278 = tpu.memref_slice %arg13[%dma_wait3A_275, %dma_wait3A_277] : memref<8x128xi32, #tpu.memory_space<vmem>> -> memref<1x128xi32, #tpu.memory_space<vmem>>
      %dma_wait3A_279 = tpu.memref_squeeze %dma_wait3A_278 : memref<1x128xi32, #tpu.memory_space<vmem>> -> memref<128xi32, #tpu.memory_space<vmem>>
      %dma_wait3A_280 = arith.constant 0 : i32
      %dma_wait3A_281 = tpu.memref_slice %arg12[%dma_wait3A_276, %dma_wait3A_280] : memref<8x128xi32, #tpu.memory_space<vmem>> -> memref<1x128xi32, #tpu.memory_space<vmem>>
      %dma_wait3A_282 = tpu.memref_squeeze %dma_wait3A_281 : memref<1x128xi32, #tpu.memory_space<vmem>> -> memref<128xi32, #tpu.memory_space<vmem>>
      %dma_wait3A_283 = arith.constant 0 : i32
      %dma_wait3A_284 = tpu.memref_slice %arg17[%dma_wait3A_283] : memref<100000xi32, #tpu.memory_space<vmem_shared>> -> memref<100000xi32, #tpu.memory_space<vmem_shared>>
      tpu.wait_indirect_dma semaphore(%arg20 : memref<!tpu.dma_semaphore, #tpu.memory_space<semaphore_mem>>) src(%dma_wait3A_279 : memref<128xi32, #tpu.memory_space<vmem>>) dst(%dma_wait3A_284 : memref<100000xi32, #tpu.memory_space<vmem_shared>>)
      %dma_wait3A_285 = arith.constant 4 : i32
      %dma_wait3A_286 = arith.constant 4 : i32
      %dma_wait3A_287 = arith.constant 0 : i32
      %dma_wait3A_288 = tpu.memref_slice %arg13[%dma_wait3A_285, %dma_wait3A_287] : memref<8x128xi32, #tpu.memory_space<vmem>> -> memref<1x128xi32, #tpu.memory_space<vmem>>
      %dma_wait3A_289 = tpu.memref_squeeze %dma_wait3A_288 : memref<1x128xi32, #tpu.memory_space<vmem>> -> memref<128xi32, #tpu.memory_space<vmem>>
      %dma_wait3A_290 = arith.constant 0 : i32
      %dma_wait3A_291 = tpu.memref_slice %arg12[%dma_wait3A_286, %dma_wait3A_290] : memref<8x128xi32, #tpu.memory_space<vmem>> -> memref<1x128xi32, #tpu.memory_space<vmem>>
      %dma_wait3A_292 = tpu.memref_squeeze %dma_wait3A_291 : memref<1x128xi32, #tpu.memory_space<vmem>> -> memref<128xi32, #tpu.memory_space<vmem>>
      %dma_wait3A_293 = arith.constant 0 : i32
      %dma_wait3A_294 = tpu.memref_slice %arg17[%dma_wait3A_293] : memref<100000xi32, #tpu.memory_space<vmem_shared>> -> memref<100000xi32, #tpu.memory_space<vmem_shared>>
      tpu.wait_indirect_dma semaphore(%arg20 : memref<!tpu.dma_semaphore, #tpu.memory_space<semaphore_mem>>) src(%dma_wait3A_289 : memref<128xi32, #tpu.memory_space<vmem>>) dst(%dma_wait3A_294 : memref<100000xi32, #tpu.memory_space<vmem_shared>>)
      %dma_wait3A_295 = arith.constant 5 : i32
      %dma_wait3A_296 = arith.constant 5 : i32
      %dma_wait3A_297 = arith.constant 0 : i32
      %dma_wait3A_298 = tpu.memref_slice %arg13[%dma_wait3A_295, %dma_wait3A_297] : memref<8x128xi32, #tpu.memory_space<vmem>> -> memref<1x128xi32, #tpu.memory_space<vmem>>
      %dma_wait3A_299 = tpu.memref_squeeze %dma_wait3A_298 : memref<1x128xi32, #tpu.memory_space<vmem>> -> memref<128xi32, #tpu.memory_space<vmem>>
      %dma_wait3A_300 = arith.constant 0 : i32
      %dma_wait3A_301 = tpu.memref_slice %arg12[%dma_wait3A_296, %dma_wait3A_300] : memref<8x128xi32, #tpu.memory_space<vmem>> -> memref<1x128xi32, #tpu.memory_space<vmem>>
      %dma_wait3A_302 = tpu.memref_squeeze %dma_wait3A_301 : memref<1x128xi32, #tpu.memory_space<vmem>> -> memref<128xi32, #tpu.memory_space<vmem>>
      %dma_wait3A_303 = arith.constant 0 : i32
      %dma_wait3A_304 = tpu.memref_slice %arg17[%dma_wait3A_303] : memref<100000xi32, #tpu.memory_space<vmem_shared>> -> memref<100000xi32, #tpu.memory_space<vmem_shared>>
      tpu.wait_indirect_dma semaphore(%arg20 : memref<!tpu.dma_semaphore, #tpu.memory_space<semaphore_mem>>) src(%dma_wait3A_299 : memref<128xi32, #tpu.memory_space<vmem>>) dst(%dma_wait3A_304 : memref<100000xi32, #tpu.memory_space<vmem_shared>>)
      %dma_wait3A_305 = arith.constant 6 : i32
      %dma_wait3A_306 = arith.constant 6 : i32
      %dma_wait3A_307 = arith.constant 0 : i32
      %dma_wait3A_308 = tpu.memref_slice %arg13[%dma_wait3A_305, %dma_wait3A_307] : memref<8x128xi32, #tpu.memory_space<vmem>> -> memref<1x128xi32, #tpu.memory_space<vmem>>
      %dma_wait3A_309 = tpu.memref_squeeze %dma_wait3A_308 : memref<1x128xi32, #tpu.memory_space<vmem>> -> memref<128xi32, #tpu.memory_space<vmem>>
      %dma_wait3A_310 = arith.constant 0 : i32
      %dma_wait3A_311 = tpu.memref_slice %arg12[%dma_wait3A_306, %dma_wait3A_310] : memref<8x128xi32, #tpu.memory_space<vmem>> -> memref<1x128xi32, #tpu.memory_space<vmem>>
      %dma_wait3A_312 = tpu.memref_squeeze %dma_wait3A_311 : memref<1x128xi32, #tpu.memory_space<vmem>> -> memref<128xi32, #tpu.memory_space<vmem>>
      %dma_wait3A_313 = arith.constant 0 : i32
      %dma_wait3A_314 = tpu.memref_slice %arg17[%dma_wait3A_313] : memref<100000xi32, #tpu.memory_space<vmem_shared>> -> memref<100000xi32, #tpu.memory_space<vmem_shared>>
      tpu.wait_indirect_dma semaphore(%arg20 : memref<!tpu.dma_semaphore, #tpu.memory_space<semaphore_mem>>) src(%dma_wait3A_309 : memref<128xi32, #tpu.memory_space<vmem>>) dst(%dma_wait3A_314 : memref<100000xi32, #tpu.memory_space<vmem_shared>>)
      %dma_wait3A_315 = arith.constant 7 : i32
      %dma_wait3A_316 = arith.constant 7 : i32
      %dma_wait3A_317 = arith.constant 0 : i32
      %dma_wait3A_318 = tpu.memref_slice %arg13[%dma_wait3A_315, %dma_wait3A_317] : memref<8x128xi32, #tpu.memory_space<vmem>> -> memref<1x128xi32, #tpu.memory_space<vmem>>
      %dma_wait3A_319 = tpu.memref_squeeze %dma_wait3A_318 : memref<1x128xi32, #tpu.memory_space<vmem>> -> memref<128xi32, #tpu.memory_space<vmem>>
      %dma_wait3A_320 = arith.constant 0 : i32
      %dma_wait3A_321 = tpu.memref_slice %arg12[%dma_wait3A_316, %dma_wait3A_320] : memref<8x128xi32, #tpu.memory_space<vmem>> -> memref<1x128xi32, #tpu.memory_space<vmem>>
      %dma_wait3A_322 = tpu.memref_squeeze %dma_wait3A_321 : memref<1x128xi32, #tpu.memory_space<vmem>> -> memref<128xi32, #tpu.memory_space<vmem>>
      %dma_wait3A_323 = arith.constant 0 : i32
      %dma_wait3A_324 = tpu.memref_slice %arg17[%dma_wait3A_323] : memref<100000xi32, #tpu.memory_space<vmem_shared>> -> memref<100000xi32, #tpu.memory_space<vmem_shared>>
      tpu.wait_indirect_dma semaphore(%arg20 : memref<!tpu.dma_semaphore, #tpu.memory_space<semaphore_mem>>) src(%dma_wait3A_319 : memref<128xi32, #tpu.memory_space<vmem>>) dst(%dma_wait3A_324 : memref<100000xi32, #tpu.memory_space<vmem_shared>>)
    } else {
    }
    %eq3A_81 = arith.constant 1 : i32
    %eq3A_82 = arith.cmpi eq, %arg0, %eq3A_81 : i32
    %convert_element_type3A_83 = arith.extui %eq3A_82 : i1 to i32
    %cond3A_84 = arith.constant 0 : i32
    %cond3A_85 = arith.cmpi ne, %convert_element_type3A_83, %cond3A_84 : i32
    scf.if %cond3A_85 {
      "tpu.region"() ({
        %run_scoped3A_237 = tpu.sem_alloc : memref<!tpu.dma_semaphore, #tpu.memory_space<semaphore_mem>>
        tpu.enqueue_dma source(%arg5 : memref<128xf32, #tpu.memory_space<hbm>>) target(%arg14 : memref<128xf32, #tpu.memory_space<vmem>>) target_semaphore(%run_scoped3A_237 : memref<!tpu.dma_semaphore, #tpu.memory_space<semaphore_mem>>)
        tpu.wait_dma2 semaphore(%run_scoped3A_237 : memref<!tpu.dma_semaphore, #tpu.memory_space<semaphore_mem>>) src(%arg5 : memref<128xf32, #tpu.memory_space<hbm>>) dst(%arg14 : memref<128xf32, #tpu.memory_space<vmem>>)
        tpu.yield
      }) : () -> ()
      "tpu.region"() ({
        %run_scoped3A_237 = tpu.sem_alloc : memref<!tpu.dma_semaphore, #tpu.memory_space<semaphore_mem>>
        tpu.enqueue_dma source(%arg6 : memref<128xf32, #tpu.memory_space<hbm>>) target(%arg15 : memref<128xf32, #tpu.memory_space<vmem>>) target_semaphore(%run_scoped3A_237 : memref<!tpu.dma_semaphore, #tpu.memory_space<semaphore_mem>>)
        tpu.wait_dma2 semaphore(%run_scoped3A_237 : memref<!tpu.dma_semaphore, #tpu.memory_space<semaphore_mem>>) src(%arg6 : memref<128xf32, #tpu.memory_space<hbm>>) dst(%arg15 : memref<128xf32, #tpu.memory_space<vmem>>)
        tpu.yield
      }) : () -> ()
      %dma_start3A_141 = arith.constant 0 : i32
      %dma_start3A_142 = arith.constant 0 : i32
      %dma_start3A_143 = tpu.memref_slice %arg12[%dma_start3A_141, %dma_start3A_142] : memref<8x128xi32, #tpu.memory_space<vmem>> -> memref<1x128xi32, #tpu.memory_space<vmem>>
      %dma_start3A_144 = tpu.memref_squeeze %dma_start3A_143 : memref<1x128xi32, #tpu.memory_space<vmem>> -> memref<128xi32, #tpu.memory_space<vmem>>
      %dma_start3A_145 = arith.constant 0 : i32
      %dma_start3A_146 = tpu.memref_slice %arg18[%dma_start3A_145] : memref<100000xf32, #tpu.memory_space<vmem_shared>> -> memref<100000xf32, #tpu.memory_space<vmem_shared>>
      tpu.enqueue_indirect_dma source(%arg15 : memref<128xf32, #tpu.memory_space<vmem>>) target(%dma_start3A_146 : memref<100000xf32, #tpu.memory_space<vmem_shared>>) offsets(%dma_start3A_144 : memref<128xi32, #tpu.memory_space<vmem>>) semaphore(%arg20 : memref<!tpu.dma_semaphore, #tpu.memory_space<semaphore_mem>>)
      %dma_start3A_147 = arith.constant 1 : i32
      %dma_start3A_148 = arith.constant 0 : i32
      %dma_start3A_149 = tpu.memref_slice %arg12[%dma_start3A_147, %dma_start3A_148] : memref<8x128xi32, #tpu.memory_space<vmem>> -> memref<1x128xi32, #tpu.memory_space<vmem>>
      %dma_start3A_150 = tpu.memref_squeeze %dma_start3A_149 : memref<1x128xi32, #tpu.memory_space<vmem>> -> memref<128xi32, #tpu.memory_space<vmem>>
      %dma_start3A_151 = arith.constant 0 : i32
      %dma_start3A_152 = tpu.memref_slice %arg18[%dma_start3A_151] : memref<100000xf32, #tpu.memory_space<vmem_shared>> -> memref<100000xf32, #tpu.memory_space<vmem_shared>>
      tpu.enqueue_indirect_dma source(%arg15 : memref<128xf32, #tpu.memory_space<vmem>>) target(%dma_start3A_152 : memref<100000xf32, #tpu.memory_space<vmem_shared>>) offsets(%dma_start3A_150 : memref<128xi32, #tpu.memory_space<vmem>>) semaphore(%arg20 : memref<!tpu.dma_semaphore, #tpu.memory_space<semaphore_mem>>)
      %dma_start3A_153 = arith.constant 2 : i32
      %dma_start3A_154 = arith.constant 0 : i32
      %dma_start3A_155 = tpu.memref_slice %arg12[%dma_start3A_153, %dma_start3A_154] : memref<8x128xi32, #tpu.memory_space<vmem>> -> memref<1x128xi32, #tpu.memory_space<vmem>>
      %dma_start3A_156 = tpu.memref_squeeze %dma_start3A_155 : memref<1x128xi32, #tpu.memory_space<vmem>> -> memref<128xi32, #tpu.memory_space<vmem>>
      %dma_start3A_157 = arith.constant 0 : i32
      %dma_start3A_158 = tpu.memref_slice %arg18[%dma_start3A_157] : memref<100000xf32, #tpu.memory_space<vmem_shared>> -> memref<100000xf32, #tpu.memory_space<vmem_shared>>
      tpu.enqueue_indirect_dma source(%arg15 : memref<128xf32, #tpu.memory_space<vmem>>) target(%dma_start3A_158 : memref<100000xf32, #tpu.memory_space<vmem_shared>>) offsets(%dma_start3A_156 : memref<128xi32, #tpu.memory_space<vmem>>) semaphore(%arg20 : memref<!tpu.dma_semaphore, #tpu.memory_space<semaphore_mem>>)
      %dma_start3A_159 = arith.constant 3 : i32
      %dma_start3A_160 = arith.constant 0 : i32
      %dma_start3A_161 = tpu.memref_slice %arg12[%dma_start3A_159, %dma_start3A_160] : memref<8x128xi32, #tpu.memory_space<vmem>> -> memref<1x128xi32, #tpu.memory_space<vmem>>
      %dma_start3A_162 = tpu.memref_squeeze %dma_start3A_161 : memref<1x128xi32, #tpu.memory_space<vmem>> -> memref<128xi32, #tpu.memory_space<vmem>>
      %dma_start3A_163 = arith.constant 0 : i32
      %dma_start3A_164 = tpu.memref_slice %arg18[%dma_start3A_163] : memref<100000xf32, #tpu.memory_space<vmem_shared>> -> memref<100000xf32, #tpu.memory_space<vmem_shared>>
      tpu.enqueue_indirect_dma source(%arg15 : memref<128xf32, #tpu.memory_space<vmem>>) target(%dma_start3A_164 : memref<100000xf32, #tpu.memory_space<vmem_shared>>) offsets(%dma_start3A_162 : memref<128xi32, #tpu.memory_space<vmem>>) semaphore(%arg20 : memref<!tpu.dma_semaphore, #tpu.memory_space<semaphore_mem>>)
      %dma_start3A_165 = arith.constant 4 : i32
      %dma_start3A_166 = arith.constant 0 : i32
      %dma_start3A_167 = tpu.memref_slice %arg12[%dma_start3A_165, %dma_start3A_166] : memref<8x128xi32, #tpu.memory_space<vmem>> -> memref<1x128xi32, #tpu.memory_space<vmem>>
      %dma_start3A_168 = tpu.memref_squeeze %dma_start3A_167 : memref<1x128xi32, #tpu.memory_space<vmem>> -> memref<128xi32, #tpu.memory_space<vmem>>
      %dma_start3A_169 = arith.constant 0 : i32
      %dma_start3A_170 = tpu.memref_slice %arg18[%dma_start3A_169] : memref<100000xf32, #tpu.memory_space<vmem_shared>> -> memref<100000xf32, #tpu.memory_space<vmem_shared>>
      tpu.enqueue_indirect_dma source(%arg15 : memref<128xf32, #tpu.memory_space<vmem>>) target(%dma_start3A_170 : memref<100000xf32, #tpu.memory_space<vmem_shared>>) offsets(%dma_start3A_168 : memref<128xi32, #tpu.memory_space<vmem>>) semaphore(%arg20 : memref<!tpu.dma_semaphore, #tpu.memory_space<semaphore_mem>>)
      %dma_start3A_171 = arith.constant 5 : i32
      %dma_start3A_172 = arith.constant 0 : i32
      %dma_start3A_173 = tpu.memref_slice %arg12[%dma_start3A_171, %dma_start3A_172] : memref<8x128xi32, #tpu.memory_space<vmem>> -> memref<1x128xi32, #tpu.memory_space<vmem>>
      %dma_start3A_174 = tpu.memref_squeeze %dma_start3A_173 : memref<1x128xi32, #tpu.memory_space<vmem>> -> memref<128xi32, #tpu.memory_space<vmem>>
      %dma_start3A_175 = arith.constant 0 : i32
      %dma_start3A_176 = tpu.memref_slice %arg18[%dma_start3A_175] : memref<100000xf32, #tpu.memory_space<vmem_shared>> -> memref<100000xf32, #tpu.memory_space<vmem_shared>>
      tpu.enqueue_indirect_dma source(%arg15 : memref<128xf32, #tpu.memory_space<vmem>>) target(%dma_start3A_176 : memref<100000xf32, #tpu.memory_space<vmem_shared>>) offsets(%dma_start3A_174 : memref<128xi32, #tpu.memory_space<vmem>>) semaphore(%arg20 : memref<!tpu.dma_semaphore, #tpu.memory_space<semaphore_mem>>)
      %dma_start3A_177 = arith.constant 6 : i32
      %dma_start3A_178 = arith.constant 0 : i32
      %dma_start3A_179 = tpu.memref_slice %arg12[%dma_start3A_177, %dma_start3A_178] : memref<8x128xi32, #tpu.memory_space<vmem>> -> memref<1x128xi32, #tpu.memory_space<vmem>>
      %dma_start3A_180 = tpu.memref_squeeze %dma_start3A_179 : memref<1x128xi32, #tpu.memory_space<vmem>> -> memref<128xi32, #tpu.memory_space<vmem>>
      %dma_start3A_181 = arith.constant 0 : i32
      %dma_start3A_182 = tpu.memref_slice %arg18[%dma_start3A_181] : memref<100000xf32, #tpu.memory_space<vmem_shared>> -> memref<100000xf32, #tpu.memory_space<vmem_shared>>
      tpu.enqueue_indirect_dma source(%arg15 : memref<128xf32, #tpu.memory_space<vmem>>) target(%dma_start3A_182 : memref<100000xf32, #tpu.memory_space<vmem_shared>>) offsets(%dma_start3A_180 : memref<128xi32, #tpu.memory_space<vmem>>) semaphore(%arg20 : memref<!tpu.dma_semaphore, #tpu.memory_space<semaphore_mem>>)
      %dma_start3A_183 = arith.constant 7 : i32
      %dma_start3A_184 = arith.constant 0 : i32
      %dma_start3A_185 = tpu.memref_slice %arg12[%dma_start3A_183, %dma_start3A_184] : memref<8x128xi32, #tpu.memory_space<vmem>> -> memref<1x128xi32, #tpu.memory_space<vmem>>
      %dma_start3A_186 = tpu.memref_squeeze %dma_start3A_185 : memref<1x128xi32, #tpu.memory_space<vmem>> -> memref<128xi32, #tpu.memory_space<vmem>>
      %dma_start3A_187 = arith.constant 0 : i32
      %dma_start3A_188 = tpu.memref_slice %arg18[%dma_start3A_187] : memref<100000xf32, #tpu.memory_space<vmem_shared>> -> memref<100000xf32, #tpu.memory_space<vmem_shared>>
      tpu.enqueue_indirect_dma source(%arg15 : memref<128xf32, #tpu.memory_space<vmem>>) target(%dma_start3A_188 : memref<100000xf32, #tpu.memory_space<vmem_shared>>) offsets(%dma_start3A_186 : memref<128xi32, #tpu.memory_space<vmem>>) semaphore(%arg20 : memref<!tpu.dma_semaphore, #tpu.memory_space<semaphore_mem>>)
      %dma_wait3A_189 = arith.constant 0 : i32
      %dma_wait3A_190 = arith.constant 0 : i32
      %dma_wait3A_191 = tpu.memref_slice %arg12[%dma_wait3A_189, %dma_wait3A_190] : memref<8x128xi32, #tpu.memory_space<vmem>> -> memref<1x128xi32, #tpu.memory_space<vmem>>
      %dma_wait3A_192 = tpu.memref_squeeze %dma_wait3A_191 : memref<1x128xi32, #tpu.memory_space<vmem>> -> memref<128xi32, #tpu.memory_space<vmem>>
      %dma_wait3A_193 = arith.constant 0 : i32
      %dma_wait3A_194 = tpu.memref_slice %arg18[%dma_wait3A_193] : memref<100000xf32, #tpu.memory_space<vmem_shared>> -> memref<100000xf32, #tpu.memory_space<vmem_shared>>
      tpu.wait_indirect_dma semaphore(%arg20 : memref<!tpu.dma_semaphore, #tpu.memory_space<semaphore_mem>>) src(%arg15 : memref<128xf32, #tpu.memory_space<vmem>>) dst(%dma_wait3A_194 : memref<100000xf32, #tpu.memory_space<vmem_shared>>)
      %dma_wait3A_195 = arith.constant 1 : i32
      %dma_wait3A_196 = arith.constant 0 : i32
      %dma_wait3A_197 = tpu.memref_slice %arg12[%dma_wait3A_195, %dma_wait3A_196] : memref<8x128xi32, #tpu.memory_space<vmem>> -> memref<1x128xi32, #tpu.memory_space<vmem>>
      %dma_wait3A_198 = tpu.memref_squeeze %dma_wait3A_197 : memref<1x128xi32, #tpu.memory_space<vmem>> -> memref<128xi32, #tpu.memory_space<vmem>>
      %dma_wait3A_199 = arith.constant 0 : i32
      %dma_wait3A_200 = tpu.memref_slice %arg18[%dma_wait3A_199] : memref<100000xf32, #tpu.memory_space<vmem_shared>> -> memref<100000xf32, #tpu.memory_space<vmem_shared>>
      tpu.wait_indirect_dma semaphore(%arg20 : memref<!tpu.dma_semaphore, #tpu.memory_space<semaphore_mem>>) src(%arg15 : memref<128xf32, #tpu.memory_space<vmem>>) dst(%dma_wait3A_200 : memref<100000xf32, #tpu.memory_space<vmem_shared>>)
      %dma_wait3A_201 = arith.constant 2 : i32
      %dma_wait3A_202 = arith.constant 0 : i32
      %dma_wait3A_203 = tpu.memref_slice %arg12[%dma_wait3A_201, %dma_wait3A_202] : memref<8x128xi32, #tpu.memory_space<vmem>> -> memref<1x128xi32, #tpu.memory_space<vmem>>
      %dma_wait3A_204 = tpu.memref_squeeze %dma_wait3A_203 : memref<1x128xi32, #tpu.memory_space<vmem>> -> memref<128xi32, #tpu.memory_space<vmem>>
      %dma_wait3A_205 = arith.constant 0 : i32
      %dma_wait3A_206 = tpu.memref_slice %arg18[%dma_wait3A_205] : memref<100000xf32, #tpu.memory_space<vmem_shared>> -> memref<100000xf32, #tpu.memory_space<vmem_shared>>
      tpu.wait_indirect_dma semaphore(%arg20 : memref<!tpu.dma_semaphore, #tpu.memory_space<semaphore_mem>>) src(%arg15 : memref<128xf32, #tpu.memory_space<vmem>>) dst(%dma_wait3A_206 : memref<100000xf32, #tpu.memory_space<vmem_shared>>)
      %dma_wait3A_207 = arith.constant 3 : i32
      %dma_wait3A_208 = arith.constant 0 : i32
      %dma_wait3A_209 = tpu.memref_slice %arg12[%dma_wait3A_207, %dma_wait3A_208] : memref<8x128xi32, #tpu.memory_space<vmem>> -> memref<1x128xi32, #tpu.memory_space<vmem>>
      %dma_wait3A_210 = tpu.memref_squeeze %dma_wait3A_209 : memref<1x128xi32, #tpu.memory_space<vmem>> -> memref<128xi32, #tpu.memory_space<vmem>>
      %dma_wait3A_211 = arith.constant 0 : i32
      %dma_wait3A_212 = tpu.memref_slice %arg18[%dma_wait3A_211] : memref<100000xf32, #tpu.memory_space<vmem_shared>> -> memref<100000xf32, #tpu.memory_space<vmem_shared>>
      tpu.wait_indirect_dma semaphore(%arg20 : memref<!tpu.dma_semaphore, #tpu.memory_space<semaphore_mem>>) src(%arg15 : memref<128xf32, #tpu.memory_space<vmem>>) dst(%dma_wait3A_212 : memref<100000xf32, #tpu.memory_space<vmem_shared>>)
      %dma_wait3A_213 = arith.constant 4 : i32
      %dma_wait3A_214 = arith.constant 0 : i32
      %dma_wait3A_215 = tpu.memref_slice %arg12[%dma_wait3A_213, %dma_wait3A_214] : memref<8x128xi32, #tpu.memory_space<vmem>> -> memref<1x128xi32, #tpu.memory_space<vmem>>
      %dma_wait3A_216 = tpu.memref_squeeze %dma_wait3A_215 : memref<1x128xi32, #tpu.memory_space<vmem>> -> memref<128xi32, #tpu.memory_space<vmem>>
      %dma_wait3A_217 = arith.constant 0 : i32
      %dma_wait3A_218 = tpu.memref_slice %arg18[%dma_wait3A_217] : memref<100000xf32, #tpu.memory_space<vmem_shared>> -> memref<100000xf32, #tpu.memory_space<vmem_shared>>
      tpu.wait_indirect_dma semaphore(%arg20 : memref<!tpu.dma_semaphore, #tpu.memory_space<semaphore_mem>>) src(%arg15 : memref<128xf32, #tpu.memory_space<vmem>>) dst(%dma_wait3A_218 : memref<100000xf32, #tpu.memory_space<vmem_shared>>)
      %dma_wait3A_219 = arith.constant 5 : i32
      %dma_wait3A_220 = arith.constant 0 : i32
      %dma_wait3A_221 = tpu.memref_slice %arg12[%dma_wait3A_219, %dma_wait3A_220] : memref<8x128xi32, #tpu.memory_space<vmem>> -> memref<1x128xi32, #tpu.memory_space<vmem>>
      %dma_wait3A_222 = tpu.memref_squeeze %dma_wait3A_221 : memref<1x128xi32, #tpu.memory_space<vmem>> -> memref<128xi32, #tpu.memory_space<vmem>>
      %dma_wait3A_223 = arith.constant 0 : i32
      %dma_wait3A_224 = tpu.memref_slice %arg18[%dma_wait3A_223] : memref<100000xf32, #tpu.memory_space<vmem_shared>> -> memref<100000xf32, #tpu.memory_space<vmem_shared>>
      tpu.wait_indirect_dma semaphore(%arg20 : memref<!tpu.dma_semaphore, #tpu.memory_space<semaphore_mem>>) src(%arg15 : memref<128xf32, #tpu.memory_space<vmem>>) dst(%dma_wait3A_224 : memref<100000xf32, #tpu.memory_space<vmem_shared>>)
      %dma_wait3A_225 = arith.constant 6 : i32
      %dma_wait3A_226 = arith.constant 0 : i32
      %dma_wait3A_227 = tpu.memref_slice %arg12[%dma_wait3A_225, %dma_wait3A_226] : memref<8x128xi32, #tpu.memory_space<vmem>> -> memref<1x128xi32, #tpu.memory_space<vmem>>
      %dma_wait3A_228 = tpu.memref_squeeze %dma_wait3A_227 : memref<1x128xi32, #tpu.memory_space<vmem>> -> memref<128xi32, #tpu.memory_space<vmem>>
      %dma_wait3A_229 = arith.constant 0 : i32
      %dma_wait3A_230 = tpu.memref_slice %arg18[%dma_wait3A_229] : memref<100000xf32, #tpu.memory_space<vmem_shared>> -> memref<100000xf32, #tpu.memory_space<vmem_shared>>
      tpu.wait_indirect_dma semaphore(%arg20 : memref<!tpu.dma_semaphore, #tpu.memory_space<semaphore_mem>>) src(%arg15 : memref<128xf32, #tpu.memory_space<vmem>>) dst(%dma_wait3A_230 : memref<100000xf32, #tpu.memory_space<vmem_shared>>)
      %dma_wait3A_231 = arith.constant 7 : i32
      %dma_wait3A_232 = arith.constant 0 : i32
      %dma_wait3A_233 = tpu.memref_slice %arg12[%dma_wait3A_231, %dma_wait3A_232] : memref<8x128xi32, #tpu.memory_space<vmem>> -> memref<1x128xi32, #tpu.memory_space<vmem>>
      %dma_wait3A_234 = tpu.memref_squeeze %dma_wait3A_233 : memref<1x128xi32, #tpu.memory_space<vmem>> -> memref<128xi32, #tpu.memory_space<vmem>>
      %dma_wait3A_235 = arith.constant 0 : i32
      %dma_wait3A_236 = tpu.memref_slice %arg18[%dma_wait3A_235] : memref<100000xf32, #tpu.memory_space<vmem_shared>> -> memref<100000xf32, #tpu.memory_space<vmem_shared>>
      tpu.wait_indirect_dma semaphore(%arg20 : memref<!tpu.dma_semaphore, #tpu.memory_space<semaphore_mem>>) src(%arg15 : memref<128xf32, #tpu.memory_space<vmem>>) dst(%dma_wait3A_236 : memref<100000xf32, #tpu.memory_space<vmem_shared>>)
    } else {
    }
    %barrier3A = arith.constant 0 : index
    tpu.barrier barrier_id(%barrier3A)
    %eq3A_86 = arith.constant 1 : i32
    %eq3A_87 = arith.cmpi eq, %arg0, %eq3A_86 : i32
    %convert_element_type3A_88 = arith.extui %eq3A_87 : i1 to i32
    %cond3A_89 = arith.constant 0 : i32
    %cond3A_90 = arith.cmpi ne, %convert_element_type3A_88, %cond3A_89 : i32
    scf.if %cond3A_90 {
      %dma_start3A_141 = arith.constant 0 : i32
      %dma_start3A_142 = arith.constant 0 : i32
      %dma_start3A_143 = tpu.memref_slice %arg12[%dma_start3A_141, %dma_start3A_142] : memref<8x128xi32, #tpu.memory_space<vmem>> -> memref<1x128xi32, #tpu.memory_space<vmem>>
      %dma_start3A_144 = tpu.memref_squeeze %dma_start3A_143 : memref<1x128xi32, #tpu.memory_space<vmem>> -> memref<128xi32, #tpu.memory_space<vmem>>
      %dma_start3A_145 = arith.constant 0 : i32
      %dma_start3A_146 = tpu.memref_slice %arg18[%dma_start3A_145] : memref<100000xf32, #tpu.memory_space<vmem_shared>> -> memref<100000xf32, #tpu.memory_space<vmem_shared>>
      tpu.enqueue_indirect_dma source(%arg14 : memref<128xf32, #tpu.memory_space<vmem>>) target(%dma_start3A_146 : memref<100000xf32, #tpu.memory_space<vmem_shared>>) offsets(%dma_start3A_144 : memref<128xi32, #tpu.memory_space<vmem>>) semaphore(%arg20 : memref<!tpu.dma_semaphore, #tpu.memory_space<semaphore_mem>>) {add = true}
      %dma_start3A_147 = arith.constant 1 : i32
      %dma_start3A_148 = arith.constant 0 : i32
      %dma_start3A_149 = tpu.memref_slice %arg12[%dma_start3A_147, %dma_start3A_148] : memref<8x128xi32, #tpu.memory_space<vmem>> -> memref<1x128xi32, #tpu.memory_space<vmem>>
      %dma_start3A_150 = tpu.memref_squeeze %dma_start3A_149 : memref<1x128xi32, #tpu.memory_space<vmem>> -> memref<128xi32, #tpu.memory_space<vmem>>
      %dma_start3A_151 = arith.constant 0 : i32
      %dma_start3A_152 = tpu.memref_slice %arg18[%dma_start3A_151] : memref<100000xf32, #tpu.memory_space<vmem_shared>> -> memref<100000xf32, #tpu.memory_space<vmem_shared>>
      tpu.enqueue_indirect_dma source(%arg14 : memref<128xf32, #tpu.memory_space<vmem>>) target(%dma_start3A_152 : memref<100000xf32, #tpu.memory_space<vmem_shared>>) offsets(%dma_start3A_150 : memref<128xi32, #tpu.memory_space<vmem>>) semaphore(%arg20 : memref<!tpu.dma_semaphore, #tpu.memory_space<semaphore_mem>>) {add = true}
      %dma_start3A_153 = arith.constant 2 : i32
      %dma_start3A_154 = arith.constant 0 : i32
      %dma_start3A_155 = tpu.memref_slice %arg12[%dma_start3A_153, %dma_start3A_154] : memref<8x128xi32, #tpu.memory_space<vmem>> -> memref<1x128xi32, #tpu.memory_space<vmem>>
      %dma_start3A_156 = tpu.memref_squeeze %dma_start3A_155 : memref<1x128xi32, #tpu.memory_space<vmem>> -> memref<128xi32, #tpu.memory_space<vmem>>
      %dma_start3A_157 = arith.constant 0 : i32
      %dma_start3A_158 = tpu.memref_slice %arg18[%dma_start3A_157] : memref<100000xf32, #tpu.memory_space<vmem_shared>> -> memref<100000xf32, #tpu.memory_space<vmem_shared>>
      tpu.enqueue_indirect_dma source(%arg14 : memref<128xf32, #tpu.memory_space<vmem>>) target(%dma_start3A_158 : memref<100000xf32, #tpu.memory_space<vmem_shared>>) offsets(%dma_start3A_156 : memref<128xi32, #tpu.memory_space<vmem>>) semaphore(%arg20 : memref<!tpu.dma_semaphore, #tpu.memory_space<semaphore_mem>>) {add = true}
      %dma_start3A_159 = arith.constant 3 : i32
      %dma_start3A_160 = arith.constant 0 : i32
      %dma_start3A_161 = tpu.memref_slice %arg12[%dma_start3A_159, %dma_start3A_160] : memref<8x128xi32, #tpu.memory_space<vmem>> -> memref<1x128xi32, #tpu.memory_space<vmem>>
      %dma_start3A_162 = tpu.memref_squeeze %dma_start3A_161 : memref<1x128xi32, #tpu.memory_space<vmem>> -> memref<128xi32, #tpu.memory_space<vmem>>
      %dma_start3A_163 = arith.constant 0 : i32
      %dma_start3A_164 = tpu.memref_slice %arg18[%dma_start3A_163] : memref<100000xf32, #tpu.memory_space<vmem_shared>> -> memref<100000xf32, #tpu.memory_space<vmem_shared>>
      tpu.enqueue_indirect_dma source(%arg14 : memref<128xf32, #tpu.memory_space<vmem>>) target(%dma_start3A_164 : memref<100000xf32, #tpu.memory_space<vmem_shared>>) offsets(%dma_start3A_162 : memref<128xi32, #tpu.memory_space<vmem>>) semaphore(%arg20 : memref<!tpu.dma_semaphore, #tpu.memory_space<semaphore_mem>>) {add = true}
      %dma_start3A_165 = arith.constant 4 : i32
      %dma_start3A_166 = arith.constant 0 : i32
      %dma_start3A_167 = tpu.memref_slice %arg12[%dma_start3A_165, %dma_start3A_166] : memref<8x128xi32, #tpu.memory_space<vmem>> -> memref<1x128xi32, #tpu.memory_space<vmem>>
      %dma_start3A_168 = tpu.memref_squeeze %dma_start3A_167 : memref<1x128xi32, #tpu.memory_space<vmem>> -> memref<128xi32, #tpu.memory_space<vmem>>
      %dma_start3A_169 = arith.constant 0 : i32
      %dma_start3A_170 = tpu.memref_slice %arg18[%dma_start3A_169] : memref<100000xf32, #tpu.memory_space<vmem_shared>> -> memref<100000xf32, #tpu.memory_space<vmem_shared>>
      tpu.enqueue_indirect_dma source(%arg14 : memref<128xf32, #tpu.memory_space<vmem>>) target(%dma_start3A_170 : memref<100000xf32, #tpu.memory_space<vmem_shared>>) offsets(%dma_start3A_168 : memref<128xi32, #tpu.memory_space<vmem>>) semaphore(%arg20 : memref<!tpu.dma_semaphore, #tpu.memory_space<semaphore_mem>>) {add = true}
      %dma_start3A_171 = arith.constant 5 : i32
      %dma_start3A_172 = arith.constant 0 : i32
      %dma_start3A_173 = tpu.memref_slice %arg12[%dma_start3A_171, %dma_start3A_172] : memref<8x128xi32, #tpu.memory_space<vmem>> -> memref<1x128xi32, #tpu.memory_space<vmem>>
      %dma_start3A_174 = tpu.memref_squeeze %dma_start3A_173 : memref<1x128xi32, #tpu.memory_space<vmem>> -> memref<128xi32, #tpu.memory_space<vmem>>
      %dma_start3A_175 = arith.constant 0 : i32
      %dma_start3A_176 = tpu.memref_slice %arg18[%dma_start3A_175] : memref<100000xf32, #tpu.memory_space<vmem_shared>> -> memref<100000xf32, #tpu.memory_space<vmem_shared>>
      tpu.enqueue_indirect_dma source(%arg14 : memref<128xf32, #tpu.memory_space<vmem>>) target(%dma_start3A_176 : memref<100000xf32, #tpu.memory_space<vmem_shared>>) offsets(%dma_start3A_174 : memref<128xi32, #tpu.memory_space<vmem>>) semaphore(%arg20 : memref<!tpu.dma_semaphore, #tpu.memory_space<semaphore_mem>>) {add = true}
      %dma_start3A_177 = arith.constant 6 : i32
      %dma_start3A_178 = arith.constant 0 : i32
      %dma_start3A_179 = tpu.memref_slice %arg12[%dma_start3A_177, %dma_start3A_178] : memref<8x128xi32, #tpu.memory_space<vmem>> -> memref<1x128xi32, #tpu.memory_space<vmem>>
      %dma_start3A_180 = tpu.memref_squeeze %dma_start3A_179 : memref<1x128xi32, #tpu.memory_space<vmem>> -> memref<128xi32, #tpu.memory_space<vmem>>
      %dma_start3A_181 = arith.constant 0 : i32
      %dma_start3A_182 = tpu.memref_slice %arg18[%dma_start3A_181] : memref<100000xf32, #tpu.memory_space<vmem_shared>> -> memref<100000xf32, #tpu.memory_space<vmem_shared>>
      tpu.enqueue_indirect_dma source(%arg14 : memref<128xf32, #tpu.memory_space<vmem>>) target(%dma_start3A_182 : memref<100000xf32, #tpu.memory_space<vmem_shared>>) offsets(%dma_start3A_180 : memref<128xi32, #tpu.memory_space<vmem>>) semaphore(%arg20 : memref<!tpu.dma_semaphore, #tpu.memory_space<semaphore_mem>>) {add = true}
      %dma_start3A_183 = arith.constant 7 : i32
      %dma_start3A_184 = arith.constant 0 : i32
      %dma_start3A_185 = tpu.memref_slice %arg12[%dma_start3A_183, %dma_start3A_184] : memref<8x128xi32, #tpu.memory_space<vmem>> -> memref<1x128xi32, #tpu.memory_space<vmem>>
      %dma_start3A_186 = tpu.memref_squeeze %dma_start3A_185 : memref<1x128xi32, #tpu.memory_space<vmem>> -> memref<128xi32, #tpu.memory_space<vmem>>
      %dma_start3A_187 = arith.constant 0 : i32
      %dma_start3A_188 = tpu.memref_slice %arg18[%dma_start3A_187] : memref<100000xf32, #tpu.memory_space<vmem_shared>> -> memref<100000xf32, #tpu.memory_space<vmem_shared>>
      tpu.enqueue_indirect_dma source(%arg14 : memref<128xf32, #tpu.memory_space<vmem>>) target(%dma_start3A_188 : memref<100000xf32, #tpu.memory_space<vmem_shared>>) offsets(%dma_start3A_186 : memref<128xi32, #tpu.memory_space<vmem>>) semaphore(%arg20 : memref<!tpu.dma_semaphore, #tpu.memory_space<semaphore_mem>>) {add = true}
      %dma_wait3A_189 = arith.constant 0 : i32
      %dma_wait3A_190 = arith.constant 0 : i32
      %dma_wait3A_191 = tpu.memref_slice %arg12[%dma_wait3A_189, %dma_wait3A_190] : memref<8x128xi32, #tpu.memory_space<vmem>> -> memref<1x128xi32, #tpu.memory_space<vmem>>
      %dma_wait3A_192 = tpu.memref_squeeze %dma_wait3A_191 : memref<1x128xi32, #tpu.memory_space<vmem>> -> memref<128xi32, #tpu.memory_space<vmem>>
      %dma_wait3A_193 = arith.constant 0 : i32
      %dma_wait3A_194 = tpu.memref_slice %arg18[%dma_wait3A_193] : memref<100000xf32, #tpu.memory_space<vmem_shared>> -> memref<100000xf32, #tpu.memory_space<vmem_shared>>
      tpu.wait_indirect_dma semaphore(%arg20 : memref<!tpu.dma_semaphore, #tpu.memory_space<semaphore_mem>>) src(%arg14 : memref<128xf32, #tpu.memory_space<vmem>>) dst(%dma_wait3A_194 : memref<100000xf32, #tpu.memory_space<vmem_shared>>)
      %dma_wait3A_195 = arith.constant 1 : i32
      %dma_wait3A_196 = arith.constant 0 : i32
      %dma_wait3A_197 = tpu.memref_slice %arg12[%dma_wait3A_195, %dma_wait3A_196] : memref<8x128xi32, #tpu.memory_space<vmem>> -> memref<1x128xi32, #tpu.memory_space<vmem>>
      %dma_wait3A_198 = tpu.memref_squeeze %dma_wait3A_197 : memref<1x128xi32, #tpu.memory_space<vmem>> -> memref<128xi32, #tpu.memory_space<vmem>>
      %dma_wait3A_199 = arith.constant 0 : i32
      %dma_wait3A_200 = tpu.memref_slice %arg18[%dma_wait3A_199] : memref<100000xf32, #tpu.memory_space<vmem_shared>> -> memref<100000xf32, #tpu.memory_space<vmem_shared>>
      tpu.wait_indirect_dma semaphore(%arg20 : memref<!tpu.dma_semaphore, #tpu.memory_space<semaphore_mem>>) src(%arg14 : memref<128xf32, #tpu.memory_space<vmem>>) dst(%dma_wait3A_200 : memref<100000xf32, #tpu.memory_space<vmem_shared>>)
      %dma_wait3A_201 = arith.constant 2 : i32
      %dma_wait3A_202 = arith.constant 0 : i32
      %dma_wait3A_203 = tpu.memref_slice %arg12[%dma_wait3A_201, %dma_wait3A_202] : memref<8x128xi32, #tpu.memory_space<vmem>> -> memref<1x128xi32, #tpu.memory_space<vmem>>
      %dma_wait3A_204 = tpu.memref_squeeze %dma_wait3A_203 : memref<1x128xi32, #tpu.memory_space<vmem>> -> memref<128xi32, #tpu.memory_space<vmem>>
      %dma_wait3A_205 = arith.constant 0 : i32
      %dma_wait3A_206 = tpu.memref_slice %arg18[%dma_wait3A_205] : memref<100000xf32, #tpu.memory_space<vmem_shared>> -> memref<100000xf32, #tpu.memory_space<vmem_shared>>
      tpu.wait_indirect_dma semaphore(%arg20 : memref<!tpu.dma_semaphore, #tpu.memory_space<semaphore_mem>>) src(%arg14 : memref<128xf32, #tpu.memory_space<vmem>>) dst(%dma_wait3A_206 : memref<100000xf32, #tpu.memory_space<vmem_shared>>)
      %dma_wait3A_207 = arith.constant 3 : i32
      %dma_wait3A_208 = arith.constant 0 : i32
      %dma_wait3A_209 = tpu.memref_slice %arg12[%dma_wait3A_207, %dma_wait3A_208] : memref<8x128xi32, #tpu.memory_space<vmem>> -> memref<1x128xi32, #tpu.memory_space<vmem>>
      %dma_wait3A_210 = tpu.memref_squeeze %dma_wait3A_209 : memref<1x128xi32, #tpu.memory_space<vmem>> -> memref<128xi32, #tpu.memory_space<vmem>>
      %dma_wait3A_211 = arith.constant 0 : i32
      %dma_wait3A_212 = tpu.memref_slice %arg18[%dma_wait3A_211] : memref<100000xf32, #tpu.memory_space<vmem_shared>> -> memref<100000xf32, #tpu.memory_space<vmem_shared>>
      tpu.wait_indirect_dma semaphore(%arg20 : memref<!tpu.dma_semaphore, #tpu.memory_space<semaphore_mem>>) src(%arg14 : memref<128xf32, #tpu.memory_space<vmem>>) dst(%dma_wait3A_212 : memref<100000xf32, #tpu.memory_space<vmem_shared>>)
      %dma_wait3A_213 = arith.constant 4 : i32
      %dma_wait3A_214 = arith.constant 0 : i32
      %dma_wait3A_215 = tpu.memref_slice %arg12[%dma_wait3A_213, %dma_wait3A_214] : memref<8x128xi32, #tpu.memory_space<vmem>> -> memref<1x128xi32, #tpu.memory_space<vmem>>
      %dma_wait3A_216 = tpu.memref_squeeze %dma_wait3A_215 : memref<1x128xi32, #tpu.memory_space<vmem>> -> memref<128xi32, #tpu.memory_space<vmem>>
      %dma_wait3A_217 = arith.constant 0 : i32
      %dma_wait3A_218 = tpu.memref_slice %arg18[%dma_wait3A_217] : memref<100000xf32, #tpu.memory_space<vmem_shared>> -> memref<100000xf32, #tpu.memory_space<vmem_shared>>
      tpu.wait_indirect_dma semaphore(%arg20 : memref<!tpu.dma_semaphore, #tpu.memory_space<semaphore_mem>>) src(%arg14 : memref<128xf32, #tpu.memory_space<vmem>>) dst(%dma_wait3A_218 : memref<100000xf32, #tpu.memory_space<vmem_shared>>)
      %dma_wait3A_219 = arith.constant 5 : i32
      %dma_wait3A_220 = arith.constant 0 : i32
      %dma_wait3A_221 = tpu.memref_slice %arg12[%dma_wait3A_219, %dma_wait3A_220] : memref<8x128xi32, #tpu.memory_space<vmem>> -> memref<1x128xi32, #tpu.memory_space<vmem>>
      %dma_wait3A_222 = tpu.memref_squeeze %dma_wait3A_221 : memref<1x128xi32, #tpu.memory_space<vmem>> -> memref<128xi32, #tpu.memory_space<vmem>>
      %dma_wait3A_223 = arith.constant 0 : i32
      %dma_wait3A_224 = tpu.memref_slice %arg18[%dma_wait3A_223] : memref<100000xf32, #tpu.memory_space<vmem_shared>> -> memref<100000xf32, #tpu.memory_space<vmem_shared>>
      tpu.wait_indirect_dma semaphore(%arg20 : memref<!tpu.dma_semaphore, #tpu.memory_space<semaphore_mem>>) src(%arg14 : memref<128xf32, #tpu.memory_space<vmem>>) dst(%dma_wait3A_224 : memref<100000xf32, #tpu.memory_space<vmem_shared>>)
      %dma_wait3A_225 = arith.constant 6 : i32
      %dma_wait3A_226 = arith.constant 0 : i32
      %dma_wait3A_227 = tpu.memref_slice %arg12[%dma_wait3A_225, %dma_wait3A_226] : memref<8x128xi32, #tpu.memory_space<vmem>> -> memref<1x128xi32, #tpu.memory_space<vmem>>
      %dma_wait3A_228 = tpu.memref_squeeze %dma_wait3A_227 : memref<1x128xi32, #tpu.memory_space<vmem>> -> memref<128xi32, #tpu.memory_space<vmem>>
      %dma_wait3A_229 = arith.constant 0 : i32
      %dma_wait3A_230 = tpu.memref_slice %arg18[%dma_wait3A_229] : memref<100000xf32, #tpu.memory_space<vmem_shared>> -> memref<100000xf32, #tpu.memory_space<vmem_shared>>
      tpu.wait_indirect_dma semaphore(%arg20 : memref<!tpu.dma_semaphore, #tpu.memory_space<semaphore_mem>>) src(%arg14 : memref<128xf32, #tpu.memory_space<vmem>>) dst(%dma_wait3A_230 : memref<100000xf32, #tpu.memory_space<vmem_shared>>)
      %dma_wait3A_231 = arith.constant 7 : i32
      %dma_wait3A_232 = arith.constant 0 : i32
      %dma_wait3A_233 = tpu.memref_slice %arg12[%dma_wait3A_231, %dma_wait3A_232] : memref<8x128xi32, #tpu.memory_space<vmem>> -> memref<1x128xi32, #tpu.memory_space<vmem>>
      %dma_wait3A_234 = tpu.memref_squeeze %dma_wait3A_233 : memref<1x128xi32, #tpu.memory_space<vmem>> -> memref<128xi32, #tpu.memory_space<vmem>>
      %dma_wait3A_235 = arith.constant 0 : i32
      %dma_wait3A_236 = tpu.memref_slice %arg18[%dma_wait3A_235] : memref<100000xf32, #tpu.memory_space<vmem_shared>> -> memref<100000xf32, #tpu.memory_space<vmem_shared>>
      tpu.wait_indirect_dma semaphore(%arg20 : memref<!tpu.dma_semaphore, #tpu.memory_space<semaphore_mem>>) src(%arg14 : memref<128xf32, #tpu.memory_space<vmem>>) dst(%dma_wait3A_236 : memref<100000xf32, #tpu.memory_space<vmem_shared>>)
    } else {
    }
    %barrier3A_91 = arith.constant 0 : index
    tpu.barrier barrier_id(%barrier3A_91)
    %eq3A_92 = arith.constant 0 : i32
    %eq3A_93 = arith.cmpi eq, %arg0, %eq3A_92 : i32
    %convert_element_type3A_94 = arith.extui %eq3A_93 : i1 to i32
    %cond3A_95 = arith.constant 0 : i32
    %cond3A_96 = arith.cmpi ne, %convert_element_type3A_94, %cond3A_95 : i32
    scf.if %cond3A_96 {
      %dma_start3A_141 = arith.constant 0 : i32
      %dma_start3A_142 = arith.constant 0 : i32
      %dma_start3A_143 = arith.constant 0 : i32
      %dma_start3A_144 = tpu.memref_slice %arg13[%dma_start3A_142, %dma_start3A_143] : memref<8x128xi32, #tpu.memory_space<vmem>> -> memref<1x128xi32, #tpu.memory_space<vmem>>
      %dma_start3A_145 = tpu.memref_squeeze %dma_start3A_144 : memref<1x128xi32, #tpu.memory_space<vmem>> -> memref<128xi32, #tpu.memory_space<vmem>>
      %dma_start3A_146 = arith.constant 0 : i32
      %dma_start3A_147 = tpu.memref_slice %arg12[%dma_start3A_141, %dma_start3A_146] : memref<8x128xi32, #tpu.memory_space<vmem>> -> memref<1x128xi32, #tpu.memory_space<vmem>>
      %dma_start3A_148 = tpu.memref_squeeze %dma_start3A_147 : memref<1x128xi32, #tpu.memory_space<vmem>> -> memref<128xi32, #tpu.memory_space<vmem>>
      %dma_start3A_149 = arith.constant 0 : i32
      %dma_start3A_150 = tpu.memref_slice %arg17[%dma_start3A_149] : memref<100000xi32, #tpu.memory_space<vmem_shared>> -> memref<100000xi32, #tpu.memory_space<vmem_shared>>
      tpu.enqueue_indirect_dma source(%dma_start3A_150 : memref<100000xi32, #tpu.memory_space<vmem_shared>>) target(%dma_start3A_145 : memref<128xi32, #tpu.memory_space<vmem>>) offsets(%dma_start3A_148 : memref<128xi32, #tpu.memory_space<vmem>>) semaphore(%arg20 : memref<!tpu.dma_semaphore, #tpu.memory_space<semaphore_mem>>)
      %dma_start3A_151 = arith.constant 1 : i32
      %dma_start3A_152 = arith.constant 1 : i32
      %dma_start3A_153 = arith.constant 0 : i32
      %dma_start3A_154 = tpu.memref_slice %arg13[%dma_start3A_152, %dma_start3A_153] : memref<8x128xi32, #tpu.memory_space<vmem>> -> memref<1x128xi32, #tpu.memory_space<vmem>>
      %dma_start3A_155 = tpu.memref_squeeze %dma_start3A_154 : memref<1x128xi32, #tpu.memory_space<vmem>> -> memref<128xi32, #tpu.memory_space<vmem>>
      %dma_start3A_156 = arith.constant 0 : i32
      %dma_start3A_157 = tpu.memref_slice %arg12[%dma_start3A_151, %dma_start3A_156] : memref<8x128xi32, #tpu.memory_space<vmem>> -> memref<1x128xi32, #tpu.memory_space<vmem>>
      %dma_start3A_158 = tpu.memref_squeeze %dma_start3A_157 : memref<1x128xi32, #tpu.memory_space<vmem>> -> memref<128xi32, #tpu.memory_space<vmem>>
      %dma_start3A_159 = arith.constant 0 : i32
      %dma_start3A_160 = tpu.memref_slice %arg17[%dma_start3A_159] : memref<100000xi32, #tpu.memory_space<vmem_shared>> -> memref<100000xi32, #tpu.memory_space<vmem_shared>>
      tpu.enqueue_indirect_dma source(%dma_start3A_160 : memref<100000xi32, #tpu.memory_space<vmem_shared>>) target(%dma_start3A_155 : memref<128xi32, #tpu.memory_space<vmem>>) offsets(%dma_start3A_158 : memref<128xi32, #tpu.memory_space<vmem>>) semaphore(%arg20 : memref<!tpu.dma_semaphore, #tpu.memory_space<semaphore_mem>>)
      %dma_start3A_161 = arith.constant 2 : i32
      %dma_start3A_162 = arith.constant 2 : i32
      %dma_start3A_163 = arith.constant 0 : i32
      %dma_start3A_164 = tpu.memref_slice %arg13[%dma_start3A_162, %dma_start3A_163] : memref<8x128xi32, #tpu.memory_space<vmem>> -> memref<1x128xi32, #tpu.memory_space<vmem>>
      %dma_start3A_165 = tpu.memref_squeeze %dma_start3A_164 : memref<1x128xi32, #tpu.memory_space<vmem>> -> memref<128xi32, #tpu.memory_space<vmem>>
      %dma_start3A_166 = arith.constant 0 : i32
      %dma_start3A_167 = tpu.memref_slice %arg12[%dma_start3A_161, %dma_start3A_166] : memref<8x128xi32, #tpu.memory_space<vmem>> -> memref<1x128xi32, #tpu.memory_space<vmem>>
      %dma_start3A_168 = tpu.memref_squeeze %dma_start3A_167 : memref<1x128xi32, #tpu.memory_space<vmem>> -> memref<128xi32, #tpu.memory_space<vmem>>
      %dma_start3A_169 = arith.constant 0 : i32
      %dma_start3A_170 = tpu.memref_slice %arg17[%dma_start3A_169] : memref<100000xi32, #tpu.memory_space<vmem_shared>> -> memref<100000xi32, #tpu.memory_space<vmem_shared>>
      tpu.enqueue_indirect_dma source(%dma_start3A_170 : memref<100000xi32, #tpu.memory_space<vmem_shared>>) target(%dma_start3A_165 : memref<128xi32, #tpu.memory_space<vmem>>) offsets(%dma_start3A_168 : memref<128xi32, #tpu.memory_space<vmem>>) semaphore(%arg20 : memref<!tpu.dma_semaphore, #tpu.memory_space<semaphore_mem>>)
      %dma_start3A_171 = arith.constant 3 : i32
      %dma_start3A_172 = arith.constant 3 : i32
      %dma_start3A_173 = arith.constant 0 : i32
      %dma_start3A_174 = tpu.memref_slice %arg13[%dma_start3A_172, %dma_start3A_173] : memref<8x128xi32, #tpu.memory_space<vmem>> -> memref<1x128xi32, #tpu.memory_space<vmem>>
      %dma_start3A_175 = tpu.memref_squeeze %dma_start3A_174 : memref<1x128xi32, #tpu.memory_space<vmem>> -> memref<128xi32, #tpu.memory_space<vmem>>
      %dma_start3A_176 = arith.constant 0 : i32
      %dma_start3A_177 = tpu.memref_slice %arg12[%dma_start3A_171, %dma_start3A_176] : memref<8x128xi32, #tpu.memory_space<vmem>> -> memref<1x128xi32, #tpu.memory_space<vmem>>
      %dma_start3A_178 = tpu.memref_squeeze %dma_start3A_177 : memref<1x128xi32, #tpu.memory_space<vmem>> -> memref<128xi32, #tpu.memory_space<vmem>>
      %dma_start3A_179 = arith.constant 0 : i32
      %dma_start3A_180 = tpu.memref_slice %arg17[%dma_start3A_179] : memref<100000xi32, #tpu.memory_space<vmem_shared>> -> memref<100000xi32, #tpu.memory_space<vmem_shared>>
      tpu.enqueue_indirect_dma source(%dma_start3A_180 : memref<100000xi32, #tpu.memory_space<vmem_shared>>) target(%dma_start3A_175 : memref<128xi32, #tpu.memory_space<vmem>>) offsets(%dma_start3A_178 : memref<128xi32, #tpu.memory_space<vmem>>) semaphore(%arg20 : memref<!tpu.dma_semaphore, #tpu.memory_space<semaphore_mem>>)
      %dma_start3A_181 = arith.constant 4 : i32
      %dma_start3A_182 = arith.constant 4 : i32
      %dma_start3A_183 = arith.constant 0 : i32
      %dma_start3A_184 = tpu.memref_slice %arg13[%dma_start3A_182, %dma_start3A_183] : memref<8x128xi32, #tpu.memory_space<vmem>> -> memref<1x128xi32, #tpu.memory_space<vmem>>
      %dma_start3A_185 = tpu.memref_squeeze %dma_start3A_184 : memref<1x128xi32, #tpu.memory_space<vmem>> -> memref<128xi32, #tpu.memory_space<vmem>>
      %dma_start3A_186 = arith.constant 0 : i32
      %dma_start3A_187 = tpu.memref_slice %arg12[%dma_start3A_181, %dma_start3A_186] : memref<8x128xi32, #tpu.memory_space<vmem>> -> memref<1x128xi32, #tpu.memory_space<vmem>>
      %dma_start3A_188 = tpu.memref_squeeze %dma_start3A_187 : memref<1x128xi32, #tpu.memory_space<vmem>> -> memref<128xi32, #tpu.memory_space<vmem>>
      %dma_start3A_189 = arith.constant 0 : i32
      %dma_start3A_190 = tpu.memref_slice %arg17[%dma_start3A_189] : memref<100000xi32, #tpu.memory_space<vmem_shared>> -> memref<100000xi32, #tpu.memory_space<vmem_shared>>
      tpu.enqueue_indirect_dma source(%dma_start3A_190 : memref<100000xi32, #tpu.memory_space<vmem_shared>>) target(%dma_start3A_185 : memref<128xi32, #tpu.memory_space<vmem>>) offsets(%dma_start3A_188 : memref<128xi32, #tpu.memory_space<vmem>>) semaphore(%arg20 : memref<!tpu.dma_semaphore, #tpu.memory_space<semaphore_mem>>)
      %dma_start3A_191 = arith.constant 5 : i32
      %dma_start3A_192 = arith.constant 5 : i32
      %dma_start3A_193 = arith.constant 0 : i32
      %dma_start3A_194 = tpu.memref_slice %arg13[%dma_start3A_192, %dma_start3A_193] : memref<8x128xi32, #tpu.memory_space<vmem>> -> memref<1x128xi32, #tpu.memory_space<vmem>>
      %dma_start3A_195 = tpu.memref_squeeze %dma_start3A_194 : memref<1x128xi32, #tpu.memory_space<vmem>> -> memref<128xi32, #tpu.memory_space<vmem>>
      %dma_start3A_196 = arith.constant 0 : i32
      %dma_start3A_197 = tpu.memref_slice %arg12[%dma_start3A_191, %dma_start3A_196] : memref<8x128xi32, #tpu.memory_space<vmem>> -> memref<1x128xi32, #tpu.memory_space<vmem>>
      %dma_start3A_198 = tpu.memref_squeeze %dma_start3A_197 : memref<1x128xi32, #tpu.memory_space<vmem>> -> memref<128xi32, #tpu.memory_space<vmem>>
      %dma_start3A_199 = arith.constant 0 : i32
      %dma_start3A_200 = tpu.memref_slice %arg17[%dma_start3A_199] : memref<100000xi32, #tpu.memory_space<vmem_shared>> -> memref<100000xi32, #tpu.memory_space<vmem_shared>>
      tpu.enqueue_indirect_dma source(%dma_start3A_200 : memref<100000xi32, #tpu.memory_space<vmem_shared>>) target(%dma_start3A_195 : memref<128xi32, #tpu.memory_space<vmem>>) offsets(%dma_start3A_198 : memref<128xi32, #tpu.memory_space<vmem>>) semaphore(%arg20 : memref<!tpu.dma_semaphore, #tpu.memory_space<semaphore_mem>>)
      %dma_start3A_201 = arith.constant 6 : i32
      %dma_start3A_202 = arith.constant 6 : i32
      %dma_start3A_203 = arith.constant 0 : i32
      %dma_start3A_204 = tpu.memref_slice %arg13[%dma_start3A_202, %dma_start3A_203] : memref<8x128xi32, #tpu.memory_space<vmem>> -> memref<1x128xi32, #tpu.memory_space<vmem>>
      %dma_start3A_205 = tpu.memref_squeeze %dma_start3A_204 : memref<1x128xi32, #tpu.memory_space<vmem>> -> memref<128xi32, #tpu.memory_space<vmem>>
      %dma_start3A_206 = arith.constant 0 : i32
      %dma_start3A_207 = tpu.memref_slice %arg12[%dma_start3A_201, %dma_start3A_206] : memref<8x128xi32, #tpu.memory_space<vmem>> -> memref<1x128xi32, #tpu.memory_space<vmem>>
      %dma_start3A_208 = tpu.memref_squeeze %dma_start3A_207 : memref<1x128xi32, #tpu.memory_space<vmem>> -> memref<128xi32, #tpu.memory_space<vmem>>
      %dma_start3A_209 = arith.constant 0 : i32
      %dma_start3A_210 = tpu.memref_slice %arg17[%dma_start3A_209] : memref<100000xi32, #tpu.memory_space<vmem_shared>> -> memref<100000xi32, #tpu.memory_space<vmem_shared>>
      tpu.enqueue_indirect_dma source(%dma_start3A_210 : memref<100000xi32, #tpu.memory_space<vmem_shared>>) target(%dma_start3A_205 : memref<128xi32, #tpu.memory_space<vmem>>) offsets(%dma_start3A_208 : memref<128xi32, #tpu.memory_space<vmem>>) semaphore(%arg20 : memref<!tpu.dma_semaphore, #tpu.memory_space<semaphore_mem>>)
      %dma_start3A_211 = arith.constant 7 : i32
      %dma_start3A_212 = arith.constant 7 : i32
      %dma_start3A_213 = arith.constant 0 : i32
      %dma_start3A_214 = tpu.memref_slice %arg13[%dma_start3A_212, %dma_start3A_213] : memref<8x128xi32, #tpu.memory_space<vmem>> -> memref<1x128xi32, #tpu.memory_space<vmem>>
      %dma_start3A_215 = tpu.memref_squeeze %dma_start3A_214 : memref<1x128xi32, #tpu.memory_space<vmem>> -> memref<128xi32, #tpu.memory_space<vmem>>
      %dma_start3A_216 = arith.constant 0 : i32
      %dma_start3A_217 = tpu.memref_slice %arg12[%dma_start3A_211, %dma_start3A_216] : memref<8x128xi32, #tpu.memory_space<vmem>> -> memref<1x128xi32, #tpu.memory_space<vmem>>
      %dma_start3A_218 = tpu.memref_squeeze %dma_start3A_217 : memref<1x128xi32, #tpu.memory_space<vmem>> -> memref<128xi32, #tpu.memory_space<vmem>>
      %dma_start3A_219 = arith.constant 0 : i32
      %dma_start3A_220 = tpu.memref_slice %arg17[%dma_start3A_219] : memref<100000xi32, #tpu.memory_space<vmem_shared>> -> memref<100000xi32, #tpu.memory_space<vmem_shared>>
      tpu.enqueue_indirect_dma source(%dma_start3A_220 : memref<100000xi32, #tpu.memory_space<vmem_shared>>) target(%dma_start3A_215 : memref<128xi32, #tpu.memory_space<vmem>>) offsets(%dma_start3A_218 : memref<128xi32, #tpu.memory_space<vmem>>) semaphore(%arg20 : memref<!tpu.dma_semaphore, #tpu.memory_space<semaphore_mem>>)
      %dma_wait3A_221 = arith.constant 0 : i32
      %dma_wait3A_222 = arith.constant 0 : i32
      %dma_wait3A_223 = arith.constant 0 : i32
      %dma_wait3A_224 = tpu.memref_slice %arg13[%dma_wait3A_222, %dma_wait3A_223] : memref<8x128xi32, #tpu.memory_space<vmem>> -> memref<1x128xi32, #tpu.memory_space<vmem>>
      %dma_wait3A_225 = tpu.memref_squeeze %dma_wait3A_224 : memref<1x128xi32, #tpu.memory_space<vmem>> -> memref<128xi32, #tpu.memory_space<vmem>>
      %dma_wait3A_226 = arith.constant 0 : i32
      %dma_wait3A_227 = tpu.memref_slice %arg12[%dma_wait3A_221, %dma_wait3A_226] : memref<8x128xi32, #tpu.memory_space<vmem>> -> memref<1x128xi32, #tpu.memory_space<vmem>>
      %dma_wait3A_228 = tpu.memref_squeeze %dma_wait3A_227 : memref<1x128xi32, #tpu.memory_space<vmem>> -> memref<128xi32, #tpu.memory_space<vmem>>
      %dma_wait3A_229 = arith.constant 0 : i32
      %dma_wait3A_230 = tpu.memref_slice %arg17[%dma_wait3A_229] : memref<100000xi32, #tpu.memory_space<vmem_shared>> -> memref<100000xi32, #tpu.memory_space<vmem_shared>>
      tpu.wait_indirect_dma semaphore(%arg20 : memref<!tpu.dma_semaphore, #tpu.memory_space<semaphore_mem>>) src(%dma_wait3A_230 : memref<100000xi32, #tpu.memory_space<vmem_shared>>) dst(%dma_wait3A_225 : memref<128xi32, #tpu.memory_space<vmem>>)
      %dma_wait3A_231 = arith.constant 1 : i32
      %dma_wait3A_232 = arith.constant 1 : i32
      %dma_wait3A_233 = arith.constant 0 : i32
      %dma_wait3A_234 = tpu.memref_slice %arg13[%dma_wait3A_232, %dma_wait3A_233] : memref<8x128xi32, #tpu.memory_space<vmem>> -> memref<1x128xi32, #tpu.memory_space<vmem>>
      %dma_wait3A_235 = tpu.memref_squeeze %dma_wait3A_234 : memref<1x128xi32, #tpu.memory_space<vmem>> -> memref<128xi32, #tpu.memory_space<vmem>>
      %dma_wait3A_236 = arith.constant 0 : i32
      %dma_wait3A_237 = tpu.memref_slice %arg12[%dma_wait3A_231, %dma_wait3A_236] : memref<8x128xi32, #tpu.memory_space<vmem>> -> memref<1x128xi32, #tpu.memory_space<vmem>>
      %dma_wait3A_238 = tpu.memref_squeeze %dma_wait3A_237 : memref<1x128xi32, #tpu.memory_space<vmem>> -> memref<128xi32, #tpu.memory_space<vmem>>
      %dma_wait3A_239 = arith.constant 0 : i32
      %dma_wait3A_240 = tpu.memref_slice %arg17[%dma_wait3A_239] : memref<100000xi32, #tpu.memory_space<vmem_shared>> -> memref<100000xi32, #tpu.memory_space<vmem_shared>>
      tpu.wait_indirect_dma semaphore(%arg20 : memref<!tpu.dma_semaphore, #tpu.memory_space<semaphore_mem>>) src(%dma_wait3A_240 : memref<100000xi32, #tpu.memory_space<vmem_shared>>) dst(%dma_wait3A_235 : memref<128xi32, #tpu.memory_space<vmem>>)
      %dma_wait3A_241 = arith.constant 2 : i32
      %dma_wait3A_242 = arith.constant 2 : i32
      %dma_wait3A_243 = arith.constant 0 : i32
      %dma_wait3A_244 = tpu.memref_slice %arg13[%dma_wait3A_242, %dma_wait3A_243] : memref<8x128xi32, #tpu.memory_space<vmem>> -> memref<1x128xi32, #tpu.memory_space<vmem>>
      %dma_wait3A_245 = tpu.memref_squeeze %dma_wait3A_244 : memref<1x128xi32, #tpu.memory_space<vmem>> -> memref<128xi32, #tpu.memory_space<vmem>>
      %dma_wait3A_246 = arith.constant 0 : i32
      %dma_wait3A_247 = tpu.memref_slice %arg12[%dma_wait3A_241, %dma_wait3A_246] : memref<8x128xi32, #tpu.memory_space<vmem>> -> memref<1x128xi32, #tpu.memory_space<vmem>>
      %dma_wait3A_248 = tpu.memref_squeeze %dma_wait3A_247 : memref<1x128xi32, #tpu.memory_space<vmem>> -> memref<128xi32, #tpu.memory_space<vmem>>
      %dma_wait3A_249 = arith.constant 0 : i32
      %dma_wait3A_250 = tpu.memref_slice %arg17[%dma_wait3A_249] : memref<100000xi32, #tpu.memory_space<vmem_shared>> -> memref<100000xi32, #tpu.memory_space<vmem_shared>>
      tpu.wait_indirect_dma semaphore(%arg20 : memref<!tpu.dma_semaphore, #tpu.memory_space<semaphore_mem>>) src(%dma_wait3A_250 : memref<100000xi32, #tpu.memory_space<vmem_shared>>) dst(%dma_wait3A_245 : memref<128xi32, #tpu.memory_space<vmem>>)
      %dma_wait3A_251 = arith.constant 3 : i32
      %dma_wait3A_252 = arith.constant 3 : i32
      %dma_wait3A_253 = arith.constant 0 : i32
      %dma_wait3A_254 = tpu.memref_slice %arg13[%dma_wait3A_252, %dma_wait3A_253] : memref<8x128xi32, #tpu.memory_space<vmem>> -> memref<1x128xi32, #tpu.memory_space<vmem>>
      %dma_wait3A_255 = tpu.memref_squeeze %dma_wait3A_254 : memref<1x128xi32, #tpu.memory_space<vmem>> -> memref<128xi32, #tpu.memory_space<vmem>>
      %dma_wait3A_256 = arith.constant 0 : i32
      %dma_wait3A_257 = tpu.memref_slice %arg12[%dma_wait3A_251, %dma_wait3A_256] : memref<8x128xi32, #tpu.memory_space<vmem>> -> memref<1x128xi32, #tpu.memory_space<vmem>>
      %dma_wait3A_258 = tpu.memref_squeeze %dma_wait3A_257 : memref<1x128xi32, #tpu.memory_space<vmem>> -> memref<128xi32, #tpu.memory_space<vmem>>
      %dma_wait3A_259 = arith.constant 0 : i32
      %dma_wait3A_260 = tpu.memref_slice %arg17[%dma_wait3A_259] : memref<100000xi32, #tpu.memory_space<vmem_shared>> -> memref<100000xi32, #tpu.memory_space<vmem_shared>>
      tpu.wait_indirect_dma semaphore(%arg20 : memref<!tpu.dma_semaphore, #tpu.memory_space<semaphore_mem>>) src(%dma_wait3A_260 : memref<100000xi32, #tpu.memory_space<vmem_shared>>) dst(%dma_wait3A_255 : memref<128xi32, #tpu.memory_space<vmem>>)
      %dma_wait3A_261 = arith.constant 4 : i32
      %dma_wait3A_262 = arith.constant 4 : i32
      %dma_wait3A_263 = arith.constant 0 : i32
      %dma_wait3A_264 = tpu.memref_slice %arg13[%dma_wait3A_262, %dma_wait3A_263] : memref<8x128xi32, #tpu.memory_space<vmem>> -> memref<1x128xi32, #tpu.memory_space<vmem>>
      %dma_wait3A_265 = tpu.memref_squeeze %dma_wait3A_264 : memref<1x128xi32, #tpu.memory_space<vmem>> -> memref<128xi32, #tpu.memory_space<vmem>>
      %dma_wait3A_266 = arith.constant 0 : i32
      %dma_wait3A_267 = tpu.memref_slice %arg12[%dma_wait3A_261, %dma_wait3A_266] : memref<8x128xi32, #tpu.memory_space<vmem>> -> memref<1x128xi32, #tpu.memory_space<vmem>>
      %dma_wait3A_268 = tpu.memref_squeeze %dma_wait3A_267 : memref<1x128xi32, #tpu.memory_space<vmem>> -> memref<128xi32, #tpu.memory_space<vmem>>
      %dma_wait3A_269 = arith.constant 0 : i32
      %dma_wait3A_270 = tpu.memref_slice %arg17[%dma_wait3A_269] : memref<100000xi32, #tpu.memory_space<vmem_shared>> -> memref<100000xi32, #tpu.memory_space<vmem_shared>>
      tpu.wait_indirect_dma semaphore(%arg20 : memref<!tpu.dma_semaphore, #tpu.memory_space<semaphore_mem>>) src(%dma_wait3A_270 : memref<100000xi32, #tpu.memory_space<vmem_shared>>) dst(%dma_wait3A_265 : memref<128xi32, #tpu.memory_space<vmem>>)
      %dma_wait3A_271 = arith.constant 5 : i32
      %dma_wait3A_272 = arith.constant 5 : i32
      %dma_wait3A_273 = arith.constant 0 : i32
      %dma_wait3A_274 = tpu.memref_slice %arg13[%dma_wait3A_272, %dma_wait3A_273] : memref<8x128xi32, #tpu.memory_space<vmem>> -> memref<1x128xi32, #tpu.memory_space<vmem>>
      %dma_wait3A_275 = tpu.memref_squeeze %dma_wait3A_274 : memref<1x128xi32, #tpu.memory_space<vmem>> -> memref<128xi32, #tpu.memory_space<vmem>>
      %dma_wait3A_276 = arith.constant 0 : i32
      %dma_wait3A_277 = tpu.memref_slice %arg12[%dma_wait3A_271, %dma_wait3A_276] : memref<8x128xi32, #tpu.memory_space<vmem>> -> memref<1x128xi32, #tpu.memory_space<vmem>>
      %dma_wait3A_278 = tpu.memref_squeeze %dma_wait3A_277 : memref<1x128xi32, #tpu.memory_space<vmem>> -> memref<128xi32, #tpu.memory_space<vmem>>
      %dma_wait3A_279 = arith.constant 0 : i32
      %dma_wait3A_280 = tpu.memref_slice %arg17[%dma_wait3A_279] : memref<100000xi32, #tpu.memory_space<vmem_shared>> -> memref<100000xi32, #tpu.memory_space<vmem_shared>>
      tpu.wait_indirect_dma semaphore(%arg20 : memref<!tpu.dma_semaphore, #tpu.memory_space<semaphore_mem>>) src(%dma_wait3A_280 : memref<100000xi32, #tpu.memory_space<vmem_shared>>) dst(%dma_wait3A_275 : memref<128xi32, #tpu.memory_space<vmem>>)
      %dma_wait3A_281 = arith.constant 6 : i32
      %dma_wait3A_282 = arith.constant 6 : i32
      %dma_wait3A_283 = arith.constant 0 : i32
      %dma_wait3A_284 = tpu.memref_slice %arg13[%dma_wait3A_282, %dma_wait3A_283] : memref<8x128xi32, #tpu.memory_space<vmem>> -> memref<1x128xi32, #tpu.memory_space<vmem>>
      %dma_wait3A_285 = tpu.memref_squeeze %dma_wait3A_284 : memref<1x128xi32, #tpu.memory_space<vmem>> -> memref<128xi32, #tpu.memory_space<vmem>>
      %dma_wait3A_286 = arith.constant 0 : i32
      %dma_wait3A_287 = tpu.memref_slice %arg12[%dma_wait3A_281, %dma_wait3A_286] : memref<8x128xi32, #tpu.memory_space<vmem>> -> memref<1x128xi32, #tpu.memory_space<vmem>>
      %dma_wait3A_288 = tpu.memref_squeeze %dma_wait3A_287 : memref<1x128xi32, #tpu.memory_space<vmem>> -> memref<128xi32, #tpu.memory_space<vmem>>
      %dma_wait3A_289 = arith.constant 0 : i32
      %dma_wait3A_290 = tpu.memref_slice %arg17[%dma_wait3A_289] : memref<100000xi32, #tpu.memory_space<vmem_shared>> -> memref<100000xi32, #tpu.memory_space<vmem_shared>>
      tpu.wait_indirect_dma semaphore(%arg20 : memref<!tpu.dma_semaphore, #tpu.memory_space<semaphore_mem>>) src(%dma_wait3A_290 : memref<100000xi32, #tpu.memory_space<vmem_shared>>) dst(%dma_wait3A_285 : memref<128xi32, #tpu.memory_space<vmem>>)
      %dma_wait3A_291 = arith.constant 7 : i32
      %dma_wait3A_292 = arith.constant 7 : i32
      %dma_wait3A_293 = arith.constant 0 : i32
      %dma_wait3A_294 = tpu.memref_slice %arg13[%dma_wait3A_292, %dma_wait3A_293] : memref<8x128xi32, #tpu.memory_space<vmem>> -> memref<1x128xi32, #tpu.memory_space<vmem>>
      %dma_wait3A_295 = tpu.memref_squeeze %dma_wait3A_294 : memref<1x128xi32, #tpu.memory_space<vmem>> -> memref<128xi32, #tpu.memory_space<vmem>>
      %dma_wait3A_296 = arith.constant 0 : i32
      %dma_wait3A_297 = tpu.memref_slice %arg12[%dma_wait3A_291, %dma_wait3A_296] : memref<8x128xi32, #tpu.memory_space<vmem>> -> memref<1x128xi32, #tpu.memory_space<vmem>>
      %dma_wait3A_298 = tpu.memref_squeeze %dma_wait3A_297 : memref<1x128xi32, #tpu.memory_space<vmem>> -> memref<128xi32, #tpu.memory_space<vmem>>
      %dma_wait3A_299 = arith.constant 0 : i32
      %dma_wait3A_300 = tpu.memref_slice %arg17[%dma_wait3A_299] : memref<100000xi32, #tpu.memory_space<vmem_shared>> -> memref<100000xi32, #tpu.memory_space<vmem_shared>>
      tpu.wait_indirect_dma semaphore(%arg20 : memref<!tpu.dma_semaphore, #tpu.memory_space<semaphore_mem>>) src(%dma_wait3A_300 : memref<100000xi32, #tpu.memory_space<vmem_shared>>) dst(%dma_wait3A_295 : memref<128xi32, #tpu.memory_space<vmem>>)
      %mul3A_301 = arith.constant 8 : i32
      %mul3A_302 = arith.muli %arg1, %mul3A_301 : i32
      "tpu.region"() ({
        %run_scoped3A_303 = tpu.sem_alloc : memref<!tpu.dma_semaphore, #tpu.memory_space<semaphore_mem>>
        %dma_start3A_304 = arith.constant 0 : i32
        %dma_start3A_305 = tpu.memref_slice %arg8[%mul3A_302, %dma_start3A_304] : memref<128x128xi32, #tpu.memory_space<hbm>> -> memref<8x128xi32, #tpu.memory_space<hbm>>
        %dma_start3A_306 = arith.constant 0 : i32
        %dma_start3A_307 = tpu.memref_slice %arg8[%mul3A_302, %dma_start3A_306] : memref<128x128xi32, #tpu.memory_space<hbm>> -> memref<8x128xi32, #tpu.memory_space<hbm>>
        tpu.enqueue_dma source(%arg13 : memref<8x128xi32, #tpu.memory_space<vmem>>) target(%dma_start3A_307 : memref<8x128xi32, #tpu.memory_space<hbm>>) target_semaphore(%run_scoped3A_303 : memref<!tpu.dma_semaphore, #tpu.memory_space<semaphore_mem>>)
        %dma_wait3A_308 = arith.constant 0 : i32
        %dma_wait3A_309 = tpu.memref_slice %arg8[%mul3A_302, %dma_wait3A_308] : memref<128x128xi32, #tpu.memory_space<hbm>> -> memref<8x128xi32, #tpu.memory_space<hbm>>
        %dma_wait3A_310 = arith.constant 0 : i32
        %dma_wait3A_311 = tpu.memref_slice %arg8[%mul3A_302, %dma_wait3A_310] : memref<128x128xi32, #tpu.memory_space<hbm>> -> memref<8x128xi32, #tpu.memory_space<hbm>>
        tpu.wait_dma2 semaphore(%run_scoped3A_303 : memref<!tpu.dma_semaphore, #tpu.memory_space<semaphore_mem>>) src(%arg13 : memref<8x128xi32, #tpu.memory_space<vmem>>) dst(%dma_wait3A_311 : memref<8x128xi32, #tpu.memory_space<hbm>>)
        tpu.yield
      }) : () -> ()
    } else {
    }
    %eq3A_97 = arith.constant 1 : i32
    %eq3A_98 = arith.cmpi eq, %arg0, %eq3A_97 : i32
    %convert_element_type3A_99 = arith.extui %eq3A_98 : i1 to i32
    %cond3A_100 = arith.constant 0 : i32
    %cond3A_101 = arith.cmpi ne, %convert_element_type3A_99, %cond3A_100 : i32
    scf.if %cond3A_101 {
      %dma_start3A_141 = arith.constant 0 : i32
      %dma_start3A_142 = arith.constant 0 : i32
      %dma_start3A_143 = arith.constant 0 : i32
      %dma_start3A_144 = tpu.memref_slice %arg16[%dma_start3A_142, %dma_start3A_143] : memref<8x128xf32, #tpu.memory_space<vmem>> -> memref<1x128xf32, #tpu.memory_space<vmem>>
      %dma_start3A_145 = tpu.memref_squeeze %dma_start3A_144 : memref<1x128xf32, #tpu.memory_space<vmem>> -> memref<128xf32, #tpu.memory_space<vmem>>
      %dma_start3A_146 = arith.constant 0 : i32
      %dma_start3A_147 = tpu.memref_slice %arg12[%dma_start3A_141, %dma_start3A_146] : memref<8x128xi32, #tpu.memory_space<vmem>> -> memref<1x128xi32, #tpu.memory_space<vmem>>
      %dma_start3A_148 = tpu.memref_squeeze %dma_start3A_147 : memref<1x128xi32, #tpu.memory_space<vmem>> -> memref<128xi32, #tpu.memory_space<vmem>>
      %dma_start3A_149 = arith.constant 0 : i32
      %dma_start3A_150 = tpu.memref_slice %arg18[%dma_start3A_149] : memref<100000xf32, #tpu.memory_space<vmem_shared>> -> memref<100000xf32, #tpu.memory_space<vmem_shared>>
      tpu.enqueue_indirect_dma source(%dma_start3A_150 : memref<100000xf32, #tpu.memory_space<vmem_shared>>) target(%dma_start3A_145 : memref<128xf32, #tpu.memory_space<vmem>>) offsets(%dma_start3A_148 : memref<128xi32, #tpu.memory_space<vmem>>) semaphore(%arg20 : memref<!tpu.dma_semaphore, #tpu.memory_space<semaphore_mem>>)
      %dma_start3A_151 = arith.constant 1 : i32
      %dma_start3A_152 = arith.constant 1 : i32
      %dma_start3A_153 = arith.constant 0 : i32
      %dma_start3A_154 = tpu.memref_slice %arg16[%dma_start3A_152, %dma_start3A_153] : memref<8x128xf32, #tpu.memory_space<vmem>> -> memref<1x128xf32, #tpu.memory_space<vmem>>
      %dma_start3A_155 = tpu.memref_squeeze %dma_start3A_154 : memref<1x128xf32, #tpu.memory_space<vmem>> -> memref<128xf32, #tpu.memory_space<vmem>>
      %dma_start3A_156 = arith.constant 0 : i32
      %dma_start3A_157 = tpu.memref_slice %arg12[%dma_start3A_151, %dma_start3A_156] : memref<8x128xi32, #tpu.memory_space<vmem>> -> memref<1x128xi32, #tpu.memory_space<vmem>>
      %dma_start3A_158 = tpu.memref_squeeze %dma_start3A_157 : memref<1x128xi32, #tpu.memory_space<vmem>> -> memref<128xi32, #tpu.memory_space<vmem>>
      %dma_start3A_159 = arith.constant 0 : i32
      %dma_start3A_160 = tpu.memref_slice %arg18[%dma_start3A_159] : memref<100000xf32, #tpu.memory_space<vmem_shared>> -> memref<100000xf32, #tpu.memory_space<vmem_shared>>
      tpu.enqueue_indirect_dma source(%dma_start3A_160 : memref<100000xf32, #tpu.memory_space<vmem_shared>>) target(%dma_start3A_155 : memref<128xf32, #tpu.memory_space<vmem>>) offsets(%dma_start3A_158 : memref<128xi32, #tpu.memory_space<vmem>>) semaphore(%arg20 : memref<!tpu.dma_semaphore, #tpu.memory_space<semaphore_mem>>)
      %dma_start3A_161 = arith.constant 2 : i32
      %dma_start3A_162 = arith.constant 2 : i32
      %dma_start3A_163 = arith.constant 0 : i32
      %dma_start3A_164 = tpu.memref_slice %arg16[%dma_start3A_162, %dma_start3A_163] : memref<8x128xf32, #tpu.memory_space<vmem>> -> memref<1x128xf32, #tpu.memory_space<vmem>>
      %dma_start3A_165 = tpu.memref_squeeze %dma_start3A_164 : memref<1x128xf32, #tpu.memory_space<vmem>> -> memref<128xf32, #tpu.memory_space<vmem>>
      %dma_start3A_166 = arith.constant 0 : i32
      %dma_start3A_167 = tpu.memref_slice %arg12[%dma_start3A_161, %dma_start3A_166] : memref<8x128xi32, #tpu.memory_space<vmem>> -> memref<1x128xi32, #tpu.memory_space<vmem>>
      %dma_start3A_168 = tpu.memref_squeeze %dma_start3A_167 : memref<1x128xi32, #tpu.memory_space<vmem>> -> memref<128xi32, #tpu.memory_space<vmem>>
      %dma_start3A_169 = arith.constant 0 : i32
      %dma_start3A_170 = tpu.memref_slice %arg18[%dma_start3A_169] : memref<100000xf32, #tpu.memory_space<vmem_shared>> -> memref<100000xf32, #tpu.memory_space<vmem_shared>>
      tpu.enqueue_indirect_dma source(%dma_start3A_170 : memref<100000xf32, #tpu.memory_space<vmem_shared>>) target(%dma_start3A_165 : memref<128xf32, #tpu.memory_space<vmem>>) offsets(%dma_start3A_168 : memref<128xi32, #tpu.memory_space<vmem>>) semaphore(%arg20 : memref<!tpu.dma_semaphore, #tpu.memory_space<semaphore_mem>>)
      %dma_start3A_171 = arith.constant 3 : i32
      %dma_start3A_172 = arith.constant 3 : i32
      %dma_start3A_173 = arith.constant 0 : i32
      %dma_start3A_174 = tpu.memref_slice %arg16[%dma_start3A_172, %dma_start3A_173] : memref<8x128xf32, #tpu.memory_space<vmem>> -> memref<1x128xf32, #tpu.memory_space<vmem>>
      %dma_start3A_175 = tpu.memref_squeeze %dma_start3A_174 : memref<1x128xf32, #tpu.memory_space<vmem>> -> memref<128xf32, #tpu.memory_space<vmem>>
      %dma_start3A_176 = arith.constant 0 : i32
      %dma_start3A_177 = tpu.memref_slice %arg12[%dma_start3A_171, %dma_start3A_176] : memref<8x128xi32, #tpu.memory_space<vmem>> -> memref<1x128xi32, #tpu.memory_space<vmem>>
      %dma_start3A_178 = tpu.memref_squeeze %dma_start3A_177 : memref<1x128xi32, #tpu.memory_space<vmem>> -> memref<128xi32, #tpu.memory_space<vmem>>
      %dma_start3A_179 = arith.constant 0 : i32
      %dma_start3A_180 = tpu.memref_slice %arg18[%dma_start3A_179] : memref<100000xf32, #tpu.memory_space<vmem_shared>> -> memref<100000xf32, #tpu.memory_space<vmem_shared>>
      tpu.enqueue_indirect_dma source(%dma_start3A_180 : memref<100000xf32, #tpu.memory_space<vmem_shared>>) target(%dma_start3A_175 : memref<128xf32, #tpu.memory_space<vmem>>) offsets(%dma_start3A_178 : memref<128xi32, #tpu.memory_space<vmem>>) semaphore(%arg20 : memref<!tpu.dma_semaphore, #tpu.memory_space<semaphore_mem>>)
      %dma_start3A_181 = arith.constant 4 : i32
      %dma_start3A_182 = arith.constant 4 : i32
      %dma_start3A_183 = arith.constant 0 : i32
      %dma_start3A_184 = tpu.memref_slice %arg16[%dma_start3A_182, %dma_start3A_183] : memref<8x128xf32, #tpu.memory_space<vmem>> -> memref<1x128xf32, #tpu.memory_space<vmem>>
      %dma_start3A_185 = tpu.memref_squeeze %dma_start3A_184 : memref<1x128xf32, #tpu.memory_space<vmem>> -> memref<128xf32, #tpu.memory_space<vmem>>
      %dma_start3A_186 = arith.constant 0 : i32
      %dma_start3A_187 = tpu.memref_slice %arg12[%dma_start3A_181, %dma_start3A_186] : memref<8x128xi32, #tpu.memory_space<vmem>> -> memref<1x128xi32, #tpu.memory_space<vmem>>
      %dma_start3A_188 = tpu.memref_squeeze %dma_start3A_187 : memref<1x128xi32, #tpu.memory_space<vmem>> -> memref<128xi32, #tpu.memory_space<vmem>>
      %dma_start3A_189 = arith.constant 0 : i32
      %dma_start3A_190 = tpu.memref_slice %arg18[%dma_start3A_189] : memref<100000xf32, #tpu.memory_space<vmem_shared>> -> memref<100000xf32, #tpu.memory_space<vmem_shared>>
      tpu.enqueue_indirect_dma source(%dma_start3A_190 : memref<100000xf32, #tpu.memory_space<vmem_shared>>) target(%dma_start3A_185 : memref<128xf32, #tpu.memory_space<vmem>>) offsets(%dma_start3A_188 : memref<128xi32, #tpu.memory_space<vmem>>) semaphore(%arg20 : memref<!tpu.dma_semaphore, #tpu.memory_space<semaphore_mem>>)
      %dma_start3A_191 = arith.constant 5 : i32
      %dma_start3A_192 = arith.constant 5 : i32
      %dma_start3A_193 = arith.constant 0 : i32
      %dma_start3A_194 = tpu.memref_slice %arg16[%dma_start3A_192, %dma_start3A_193] : memref<8x128xf32, #tpu.memory_space<vmem>> -> memref<1x128xf32, #tpu.memory_space<vmem>>
      %dma_start3A_195 = tpu.memref_squeeze %dma_start3A_194 : memref<1x128xf32, #tpu.memory_space<vmem>> -> memref<128xf32, #tpu.memory_space<vmem>>
      %dma_start3A_196 = arith.constant 0 : i32
      %dma_start3A_197 = tpu.memref_slice %arg12[%dma_start3A_191, %dma_start3A_196] : memref<8x128xi32, #tpu.memory_space<vmem>> -> memref<1x128xi32, #tpu.memory_space<vmem>>
      %dma_start3A_198 = tpu.memref_squeeze %dma_start3A_197 : memref<1x128xi32, #tpu.memory_space<vmem>> -> memref<128xi32, #tpu.memory_space<vmem>>
      %dma_start3A_199 = arith.constant 0 : i32
      %dma_start3A_200 = tpu.memref_slice %arg18[%dma_start3A_199] : memref<100000xf32, #tpu.memory_space<vmem_shared>> -> memref<100000xf32, #tpu.memory_space<vmem_shared>>
      tpu.enqueue_indirect_dma source(%dma_start3A_200 : memref<100000xf32, #tpu.memory_space<vmem_shared>>) target(%dma_start3A_195 : memref<128xf32, #tpu.memory_space<vmem>>) offsets(%dma_start3A_198 : memref<128xi32, #tpu.memory_space<vmem>>) semaphore(%arg20 : memref<!tpu.dma_semaphore, #tpu.memory_space<semaphore_mem>>)
      %dma_start3A_201 = arith.constant 6 : i32
      %dma_start3A_202 = arith.constant 6 : i32
      %dma_start3A_203 = arith.constant 0 : i32
      %dma_start3A_204 = tpu.memref_slice %arg16[%dma_start3A_202, %dma_start3A_203] : memref<8x128xf32, #tpu.memory_space<vmem>> -> memref<1x128xf32, #tpu.memory_space<vmem>>
      %dma_start3A_205 = tpu.memref_squeeze %dma_start3A_204 : memref<1x128xf32, #tpu.memory_space<vmem>> -> memref<128xf32, #tpu.memory_space<vmem>>
      %dma_start3A_206 = arith.constant 0 : i32
      %dma_start3A_207 = tpu.memref_slice %arg12[%dma_start3A_201, %dma_start3A_206] : memref<8x128xi32, #tpu.memory_space<vmem>> -> memref<1x128xi32, #tpu.memory_space<vmem>>
      %dma_start3A_208 = tpu.memref_squeeze %dma_start3A_207 : memref<1x128xi32, #tpu.memory_space<vmem>> -> memref<128xi32, #tpu.memory_space<vmem>>
      %dma_start3A_209 = arith.constant 0 : i32
      %dma_start3A_210 = tpu.memref_slice %arg18[%dma_start3A_209] : memref<100000xf32, #tpu.memory_space<vmem_shared>> -> memref<100000xf32, #tpu.memory_space<vmem_shared>>
      tpu.enqueue_indirect_dma source(%dma_start3A_210 : memref<100000xf32, #tpu.memory_space<vmem_shared>>) target(%dma_start3A_205 : memref<128xf32, #tpu.memory_space<vmem>>) offsets(%dma_start3A_208 : memref<128xi32, #tpu.memory_space<vmem>>) semaphore(%arg20 : memref<!tpu.dma_semaphore, #tpu.memory_space<semaphore_mem>>)
      %dma_start3A_211 = arith.constant 7 : i32
      %dma_start3A_212 = arith.constant 7 : i32
      %dma_start3A_213 = arith.constant 0 : i32
      %dma_start3A_214 = tpu.memref_slice %arg16[%dma_start3A_212, %dma_start3A_213] : memref<8x128xf32, #tpu.memory_space<vmem>> -> memref<1x128xf32, #tpu.memory_space<vmem>>
      %dma_start3A_215 = tpu.memref_squeeze %dma_start3A_214 : memref<1x128xf32, #tpu.memory_space<vmem>> -> memref<128xf32, #tpu.memory_space<vmem>>
      %dma_start3A_216 = arith.constant 0 : i32
      %dma_start3A_217 = tpu.memref_slice %arg12[%dma_start3A_211, %dma_start3A_216] : memref<8x128xi32, #tpu.memory_space<vmem>> -> memref<1x128xi32, #tpu.memory_space<vmem>>
      %dma_start3A_218 = tpu.memref_squeeze %dma_start3A_217 : memref<1x128xi32, #tpu.memory_space<vmem>> -> memref<128xi32, #tpu.memory_space<vmem>>
      %dma_start3A_219 = arith.constant 0 : i32
      %dma_start3A_220 = tpu.memref_slice %arg18[%dma_start3A_219] : memref<100000xf32, #tpu.memory_space<vmem_shared>> -> memref<100000xf32, #tpu.memory_space<vmem_shared>>
      tpu.enqueue_indirect_dma source(%dma_start3A_220 : memref<100000xf32, #tpu.memory_space<vmem_shared>>) target(%dma_start3A_215 : memref<128xf32, #tpu.memory_space<vmem>>) offsets(%dma_start3A_218 : memref<128xi32, #tpu.memory_space<vmem>>) semaphore(%arg20 : memref<!tpu.dma_semaphore, #tpu.memory_space<semaphore_mem>>)
      %dma_wait3A_221 = arith.constant 0 : i32
      %dma_wait3A_222 = arith.constant 0 : i32
      %dma_wait3A_223 = arith.constant 0 : i32
      %dma_wait3A_224 = tpu.memref_slice %arg16[%dma_wait3A_222, %dma_wait3A_223] : memref<8x128xf32, #tpu.memory_space<vmem>> -> memref<1x128xf32, #tpu.memory_space<vmem>>
      %dma_wait3A_225 = tpu.memref_squeeze %dma_wait3A_224 : memref<1x128xf32, #tpu.memory_space<vmem>> -> memref<128xf32, #tpu.memory_space<vmem>>
      %dma_wait3A_226 = arith.constant 0 : i32
      %dma_wait3A_227 = tpu.memref_slice %arg12[%dma_wait3A_221, %dma_wait3A_226] : memref<8x128xi32, #tpu.memory_space<vmem>> -> memref<1x128xi32, #tpu.memory_space<vmem>>
      %dma_wait3A_228 = tpu.memref_squeeze %dma_wait3A_227 : memref<1x128xi32, #tpu.memory_space<vmem>> -> memref<128xi32, #tpu.memory_space<vmem>>
      %dma_wait3A_229 = arith.constant 0 : i32
      %dma_wait3A_230 = tpu.memref_slice %arg18[%dma_wait3A_229] : memref<100000xf32, #tpu.memory_space<vmem_shared>> -> memref<100000xf32, #tpu.memory_space<vmem_shared>>
      tpu.wait_indirect_dma semaphore(%arg20 : memref<!tpu.dma_semaphore, #tpu.memory_space<semaphore_mem>>) src(%dma_wait3A_230 : memref<100000xf32, #tpu.memory_space<vmem_shared>>) dst(%dma_wait3A_225 : memref<128xf32, #tpu.memory_space<vmem>>)
      %dma_wait3A_231 = arith.constant 1 : i32
      %dma_wait3A_232 = arith.constant 1 : i32
      %dma_wait3A_233 = arith.constant 0 : i32
      %dma_wait3A_234 = tpu.memref_slice %arg16[%dma_wait3A_232, %dma_wait3A_233] : memref<8x128xf32, #tpu.memory_space<vmem>> -> memref<1x128xf32, #tpu.memory_space<vmem>>
      %dma_wait3A_235 = tpu.memref_squeeze %dma_wait3A_234 : memref<1x128xf32, #tpu.memory_space<vmem>> -> memref<128xf32, #tpu.memory_space<vmem>>
      %dma_wait3A_236 = arith.constant 0 : i32
      %dma_wait3A_237 = tpu.memref_slice %arg12[%dma_wait3A_231, %dma_wait3A_236] : memref<8x128xi32, #tpu.memory_space<vmem>> -> memref<1x128xi32, #tpu.memory_space<vmem>>
      %dma_wait3A_238 = tpu.memref_squeeze %dma_wait3A_237 : memref<1x128xi32, #tpu.memory_space<vmem>> -> memref<128xi32, #tpu.memory_space<vmem>>
      %dma_wait3A_239 = arith.constant 0 : i32
      %dma_wait3A_240 = tpu.memref_slice %arg18[%dma_wait3A_239] : memref<100000xf32, #tpu.memory_space<vmem_shared>> -> memref<100000xf32, #tpu.memory_space<vmem_shared>>
      tpu.wait_indirect_dma semaphore(%arg20 : memref<!tpu.dma_semaphore, #tpu.memory_space<semaphore_mem>>) src(%dma_wait3A_240 : memref<100000xf32, #tpu.memory_space<vmem_shared>>) dst(%dma_wait3A_235 : memref<128xf32, #tpu.memory_space<vmem>>)
      %dma_wait3A_241 = arith.constant 2 : i32
      %dma_wait3A_242 = arith.constant 2 : i32
      %dma_wait3A_243 = arith.constant 0 : i32
      %dma_wait3A_244 = tpu.memref_slice %arg16[%dma_wait3A_242, %dma_wait3A_243] : memref<8x128xf32, #tpu.memory_space<vmem>> -> memref<1x128xf32, #tpu.memory_space<vmem>>
      %dma_wait3A_245 = tpu.memref_squeeze %dma_wait3A_244 : memref<1x128xf32, #tpu.memory_space<vmem>> -> memref<128xf32, #tpu.memory_space<vmem>>
      %dma_wait3A_246 = arith.constant 0 : i32
      %dma_wait3A_247 = tpu.memref_slice %arg12[%dma_wait3A_241, %dma_wait3A_246] : memref<8x128xi32, #tpu.memory_space<vmem>> -> memref<1x128xi32, #tpu.memory_space<vmem>>
      %dma_wait3A_248 = tpu.memref_squeeze %dma_wait3A_247 : memref<1x128xi32, #tpu.memory_space<vmem>> -> memref<128xi32, #tpu.memory_space<vmem>>
      %dma_wait3A_249 = arith.constant 0 : i32
      %dma_wait3A_250 = tpu.memref_slice %arg18[%dma_wait3A_249] : memref<100000xf32, #tpu.memory_space<vmem_shared>> -> memref<100000xf32, #tpu.memory_space<vmem_shared>>
      tpu.wait_indirect_dma semaphore(%arg20 : memref<!tpu.dma_semaphore, #tpu.memory_space<semaphore_mem>>) src(%dma_wait3A_250 : memref<100000xf32, #tpu.memory_space<vmem_shared>>) dst(%dma_wait3A_245 : memref<128xf32, #tpu.memory_space<vmem>>)
      %dma_wait3A_251 = arith.constant 3 : i32
      %dma_wait3A_252 = arith.constant 3 : i32
      %dma_wait3A_253 = arith.constant 0 : i32
      %dma_wait3A_254 = tpu.memref_slice %arg16[%dma_wait3A_252, %dma_wait3A_253] : memref<8x128xf32, #tpu.memory_space<vmem>> -> memref<1x128xf32, #tpu.memory_space<vmem>>
      %dma_wait3A_255 = tpu.memref_squeeze %dma_wait3A_254 : memref<1x128xf32, #tpu.memory_space<vmem>> -> memref<128xf32, #tpu.memory_space<vmem>>
      %dma_wait3A_256 = arith.constant 0 : i32
      %dma_wait3A_257 = tpu.memref_slice %arg12[%dma_wait3A_251, %dma_wait3A_256] : memref<8x128xi32, #tpu.memory_space<vmem>> -> memref<1x128xi32, #tpu.memory_space<vmem>>
      %dma_wait3A_258 = tpu.memref_squeeze %dma_wait3A_257 : memref<1x128xi32, #tpu.memory_space<vmem>> -> memref<128xi32, #tpu.memory_space<vmem>>
      %dma_wait3A_259 = arith.constant 0 : i32
      %dma_wait3A_260 = tpu.memref_slice %arg18[%dma_wait3A_259] : memref<100000xf32, #tpu.memory_space<vmem_shared>> -> memref<100000xf32, #tpu.memory_space<vmem_shared>>
      tpu.wait_indirect_dma semaphore(%arg20 : memref<!tpu.dma_semaphore, #tpu.memory_space<semaphore_mem>>) src(%dma_wait3A_260 : memref<100000xf32, #tpu.memory_space<vmem_shared>>) dst(%dma_wait3A_255 : memref<128xf32, #tpu.memory_space<vmem>>)
      %dma_wait3A_261 = arith.constant 4 : i32
      %dma_wait3A_262 = arith.constant 4 : i32
      %dma_wait3A_263 = arith.constant 0 : i32
      %dma_wait3A_264 = tpu.memref_slice %arg16[%dma_wait3A_262, %dma_wait3A_263] : memref<8x128xf32, #tpu.memory_space<vmem>> -> memref<1x128xf32, #tpu.memory_space<vmem>>
      %dma_wait3A_265 = tpu.memref_squeeze %dma_wait3A_264 : memref<1x128xf32, #tpu.memory_space<vmem>> -> memref<128xf32, #tpu.memory_space<vmem>>
      %dma_wait3A_266 = arith.constant 0 : i32
      %dma_wait3A_267 = tpu.memref_slice %arg12[%dma_wait3A_261, %dma_wait3A_266] : memref<8x128xi32, #tpu.memory_space<vmem>> -> memref<1x128xi32, #tpu.memory_space<vmem>>
      %dma_wait3A_268 = tpu.memref_squeeze %dma_wait3A_267 : memref<1x128xi32, #tpu.memory_space<vmem>> -> memref<128xi32, #tpu.memory_space<vmem>>
      %dma_wait3A_269 = arith.constant 0 : i32
      %dma_wait3A_270 = tpu.memref_slice %arg18[%dma_wait3A_269] : memref<100000xf32, #tpu.memory_space<vmem_shared>> -> memref<100000xf32, #tpu.memory_space<vmem_shared>>
      tpu.wait_indirect_dma semaphore(%arg20 : memref<!tpu.dma_semaphore, #tpu.memory_space<semaphore_mem>>) src(%dma_wait3A_270 : memref<100000xf32, #tpu.memory_space<vmem_shared>>) dst(%dma_wait3A_265 : memref<128xf32, #tpu.memory_space<vmem>>)
      %dma_wait3A_271 = arith.constant 5 : i32
      %dma_wait3A_272 = arith.constant 5 : i32
      %dma_wait3A_273 = arith.constant 0 : i32
      %dma_wait3A_274 = tpu.memref_slice %arg16[%dma_wait3A_272, %dma_wait3A_273] : memref<8x128xf32, #tpu.memory_space<vmem>> -> memref<1x128xf32, #tpu.memory_space<vmem>>
      %dma_wait3A_275 = tpu.memref_squeeze %dma_wait3A_274 : memref<1x128xf32, #tpu.memory_space<vmem>> -> memref<128xf32, #tpu.memory_space<vmem>>
      %dma_wait3A_276 = arith.constant 0 : i32
      %dma_wait3A_277 = tpu.memref_slice %arg12[%dma_wait3A_271, %dma_wait3A_276] : memref<8x128xi32, #tpu.memory_space<vmem>> -> memref<1x128xi32, #tpu.memory_space<vmem>>
      %dma_wait3A_278 = tpu.memref_squeeze %dma_wait3A_277 : memref<1x128xi32, #tpu.memory_space<vmem>> -> memref<128xi32, #tpu.memory_space<vmem>>
      %dma_wait3A_279 = arith.constant 0 : i32
      %dma_wait3A_280 = tpu.memref_slice %arg18[%dma_wait3A_279] : memref<100000xf32, #tpu.memory_space<vmem_shared>> -> memref<100000xf32, #tpu.memory_space<vmem_shared>>
      tpu.wait_indirect_dma semaphore(%arg20 : memref<!tpu.dma_semaphore, #tpu.memory_space<semaphore_mem>>) src(%dma_wait3A_280 : memref<100000xf32, #tpu.memory_space<vmem_shared>>) dst(%dma_wait3A_275 : memref<128xf32, #tpu.memory_space<vmem>>)
      %dma_wait3A_281 = arith.constant 6 : i32
      %dma_wait3A_282 = arith.constant 6 : i32
      %dma_wait3A_283 = arith.constant 0 : i32
      %dma_wait3A_284 = tpu.memref_slice %arg16[%dma_wait3A_282, %dma_wait3A_283] : memref<8x128xf32, #tpu.memory_space<vmem>> -> memref<1x128xf32, #tpu.memory_space<vmem>>
      %dma_wait3A_285 = tpu.memref_squeeze %dma_wait3A_284 : memref<1x128xf32, #tpu.memory_space<vmem>> -> memref<128xf32, #tpu.memory_space<vmem>>
      %dma_wait3A_286 = arith.constant 0 : i32
      %dma_wait3A_287 = tpu.memref_slice %arg12[%dma_wait3A_281, %dma_wait3A_286] : memref<8x128xi32, #tpu.memory_space<vmem>> -> memref<1x128xi32, #tpu.memory_space<vmem>>
      %dma_wait3A_288 = tpu.memref_squeeze %dma_wait3A_287 : memref<1x128xi32, #tpu.memory_space<vmem>> -> memref<128xi32, #tpu.memory_space<vmem>>
      %dma_wait3A_289 = arith.constant 0 : i32
      %dma_wait3A_290 = tpu.memref_slice %arg18[%dma_wait3A_289] : memref<100000xf32, #tpu.memory_space<vmem_shared>> -> memref<100000xf32, #tpu.memory_space<vmem_shared>>
      tpu.wait_indirect_dma semaphore(%arg20 : memref<!tpu.dma_semaphore, #tpu.memory_space<semaphore_mem>>) src(%dma_wait3A_290 : memref<100000xf32, #tpu.memory_space<vmem_shared>>) dst(%dma_wait3A_285 : memref<128xf32, #tpu.memory_space<vmem>>)
      %dma_wait3A_291 = arith.constant 7 : i32
      %dma_wait3A_292 = arith.constant 7 : i32
      %dma_wait3A_293 = arith.constant 0 : i32
      %dma_wait3A_294 = tpu.memref_slice %arg16[%dma_wait3A_292, %dma_wait3A_293] : memref<8x128xf32, #tpu.memory_space<vmem>> -> memref<1x128xf32, #tpu.memory_space<vmem>>
      %dma_wait3A_295 = tpu.memref_squeeze %dma_wait3A_294 : memref<1x128xf32, #tpu.memory_space<vmem>> -> memref<128xf32, #tpu.memory_space<vmem>>
      %dma_wait3A_296 = arith.constant 0 : i32
      %dma_wait3A_297 = tpu.memref_slice %arg12[%dma_wait3A_291, %dma_wait3A_296] : memref<8x128xi32, #tpu.memory_space<vmem>> -> memref<1x128xi32, #tpu.memory_space<vmem>>
      %dma_wait3A_298 = tpu.memref_squeeze %dma_wait3A_297 : memref<1x128xi32, #tpu.memory_space<vmem>> -> memref<128xi32, #tpu.memory_space<vmem>>
      %dma_wait3A_299 = arith.constant 0 : i32
      %dma_wait3A_300 = tpu.memref_slice %arg18[%dma_wait3A_299] : memref<100000xf32, #tpu.memory_space<vmem_shared>> -> memref<100000xf32, #tpu.memory_space<vmem_shared>>
      tpu.wait_indirect_dma semaphore(%arg20 : memref<!tpu.dma_semaphore, #tpu.memory_space<semaphore_mem>>) src(%dma_wait3A_300 : memref<100000xf32, #tpu.memory_space<vmem_shared>>) dst(%dma_wait3A_295 : memref<128xf32, #tpu.memory_space<vmem>>)
      %mul3A_301 = arith.constant 8 : i32
      %mul3A_302 = arith.muli %arg1, %mul3A_301 : i32
      "tpu.region"() ({
        %run_scoped3A_303 = tpu.sem_alloc : memref<!tpu.dma_semaphore, #tpu.memory_space<semaphore_mem>>
        %dma_start3A_304 = arith.constant 0 : i32
        %dma_start3A_305 = tpu.memref_slice %arg9[%mul3A_302, %dma_start3A_304] : memref<128x128xf32, #tpu.memory_space<hbm>> -> memref<8x128xf32, #tpu.memory_space<hbm>>
        %dma_start3A_306 = arith.constant 0 : i32
        %dma_start3A_307 = tpu.memref_slice %arg9[%mul3A_302, %dma_start3A_306] : memref<128x128xf32, #tpu.memory_space<hbm>> -> memref<8x128xf32, #tpu.memory_space<hbm>>
        tpu.enqueue_dma source(%arg16 : memref<8x128xf32, #tpu.memory_space<vmem>>) target(%dma_start3A_307 : memref<8x128xf32, #tpu.memory_space<hbm>>) target_semaphore(%run_scoped3A_303 : memref<!tpu.dma_semaphore, #tpu.memory_space<semaphore_mem>>)
        %dma_wait3A_308 = arith.constant 0 : i32
        %dma_wait3A_309 = tpu.memref_slice %arg9[%mul3A_302, %dma_wait3A_308] : memref<128x128xf32, #tpu.memory_space<hbm>> -> memref<8x128xf32, #tpu.memory_space<hbm>>
        %dma_wait3A_310 = arith.constant 0 : i32
        %dma_wait3A_311 = tpu.memref_slice %arg9[%mul3A_302, %dma_wait3A_310] : memref<128x128xf32, #tpu.memory_space<hbm>> -> memref<8x128xf32, #tpu.memory_space<hbm>>
        tpu.wait_dma2 semaphore(%run_scoped3A_303 : memref<!tpu.dma_semaphore, #tpu.memory_space<semaphore_mem>>) src(%arg16 : memref<8x128xf32, #tpu.memory_space<vmem>>) dst(%dma_wait3A_311 : memref<8x128xf32, #tpu.memory_space<hbm>>)
        tpu.yield
      }) : () -> ()
    } else {
    }
    %dma_wait3A = arith.constant 0 : i32
    %dma_wait3A_102 = arith.constant 0 : i32
    %dma_wait3A_103 = arith.constant 0 : i32
    %dma_wait3A_104 = tpu.memref_slice %arg11[%dma_wait3A_102, %dma_wait3A_103] : memref<512x128xf32, #tpu.memory_space<vmem>> -> memref<128x128xf32, #tpu.memory_space<vmem>>
    %dma_wait3A_105 = arith.constant 0 : i32
    %dma_wait3A_106 = tpu.memref_slice %arg10[%dma_wait3A, %dma_wait3A_105] : memref<4x128xi32, #tpu.memory_space<vmem>> -> memref<1x128xi32, #tpu.memory_space<vmem>>
    %dma_wait3A_107 = tpu.memref_squeeze %dma_wait3A_106 : memref<1x128xi32, #tpu.memory_space<vmem>> -> memref<128xi32, #tpu.memory_space<vmem>>
    %dma_wait3A_108 = arith.constant 0 : i32
    %dma_wait3A_109 = arith.constant 0 : i32
    %dma_wait3A_110 = tpu.memref_slice %arg2[%dma_wait3A_108, %dma_wait3A_109] : memref<100000x128xf32, #tpu.memory_space<hbm>> -> memref<100000x128xf32, #tpu.memory_space<hbm>>
    tpu.wait_indirect_dma semaphore(%arg19 : memref<!tpu.dma_semaphore, #tpu.memory_space<semaphore_mem>>) src(%dma_wait3A_110 : memref<100000x128xf32, #tpu.memory_space<hbm>>) dst(%dma_wait3A_104 : memref<128x128xf32, #tpu.memory_space<vmem>>)
    %dma_wait3A_111 = arith.constant 1 : i32
    %dma_wait3A_112 = arith.constant 128 : i32
    %dma_wait3A_113 = arith.constant 0 : i32
    %dma_wait3A_114 = tpu.memref_slice %arg11[%dma_wait3A_112, %dma_wait3A_113] : memref<512x128xf32, #tpu.memory_space<vmem>> -> memref<128x128xf32, #tpu.memory_space<vmem>>
    %dma_wait3A_115 = arith.constant 0 : i32
    %dma_wait3A_116 = tpu.memref_slice %arg10[%dma_wait3A_111, %dma_wait3A_115] : memref<4x128xi32, #tpu.memory_space<vmem>> -> memref<1x128xi32, #tpu.memory_space<vmem>>
    %dma_wait3A_117 = tpu.memref_squeeze %dma_wait3A_116 : memref<1x128xi32, #tpu.memory_space<vmem>> -> memref<128xi32, #tpu.memory_space<vmem>>
    %dma_wait3A_118 = arith.constant 0 : i32
    %dma_wait3A_119 = arith.constant 0 : i32
    %dma_wait3A_120 = tpu.memref_slice %arg2[%dma_wait3A_118, %dma_wait3A_119] : memref<100000x128xf32, #tpu.memory_space<hbm>> -> memref<100000x128xf32, #tpu.memory_space<hbm>>
    tpu.wait_indirect_dma semaphore(%arg19 : memref<!tpu.dma_semaphore, #tpu.memory_space<semaphore_mem>>) src(%dma_wait3A_120 : memref<100000x128xf32, #tpu.memory_space<hbm>>) dst(%dma_wait3A_114 : memref<128x128xf32, #tpu.memory_space<vmem>>)
    %dma_wait3A_121 = arith.constant 2 : i32
    %dma_wait3A_122 = arith.constant 256 : i32
    %dma_wait3A_123 = arith.constant 0 : i32
    %dma_wait3A_124 = tpu.memref_slice %arg11[%dma_wait3A_122, %dma_wait3A_123] : memref<512x128xf32, #tpu.memory_space<vmem>> -> memref<128x128xf32, #tpu.memory_space<vmem>>
    %dma_wait3A_125 = arith.constant 0 : i32
    %dma_wait3A_126 = tpu.memref_slice %arg10[%dma_wait3A_121, %dma_wait3A_125] : memref<4x128xi32, #tpu.memory_space<vmem>> -> memref<1x128xi32, #tpu.memory_space<vmem>>
    %dma_wait3A_127 = tpu.memref_squeeze %dma_wait3A_126 : memref<1x128xi32, #tpu.memory_space<vmem>> -> memref<128xi32, #tpu.memory_space<vmem>>
    %dma_wait3A_128 = arith.constant 0 : i32
    %dma_wait3A_129 = arith.constant 0 : i32
    %dma_wait3A_130 = tpu.memref_slice %arg2[%dma_wait3A_128, %dma_wait3A_129] : memref<100000x128xf32, #tpu.memory_space<hbm>> -> memref<100000x128xf32, #tpu.memory_space<hbm>>
    tpu.wait_indirect_dma semaphore(%arg19 : memref<!tpu.dma_semaphore, #tpu.memory_space<semaphore_mem>>) src(%dma_wait3A_130 : memref<100000x128xf32, #tpu.memory_space<hbm>>) dst(%dma_wait3A_124 : memref<128x128xf32, #tpu.memory_space<vmem>>)
    %dma_wait3A_131 = arith.constant 3 : i32
    %dma_wait3A_132 = arith.constant 384 : i32
    %dma_wait3A_133 = arith.constant 0 : i32
    %dma_wait3A_134 = tpu.memref_slice %arg11[%dma_wait3A_132, %dma_wait3A_133] : memref<512x128xf32, #tpu.memory_space<vmem>> -> memref<128x128xf32, #tpu.memory_space<vmem>>
    %dma_wait3A_135 = arith.constant 0 : i32
    %dma_wait3A_136 = tpu.memref_slice %arg10[%dma_wait3A_131, %dma_wait3A_135] : memref<4x128xi32, #tpu.memory_space<vmem>> -> memref<1x128xi32, #tpu.memory_space<vmem>>
    %dma_wait3A_137 = tpu.memref_squeeze %dma_wait3A_136 : memref<1x128xi32, #tpu.memory_space<vmem>> -> memref<128xi32, #tpu.memory_space<vmem>>
    %dma_wait3A_138 = arith.constant 0 : i32
    %dma_wait3A_139 = arith.constant 0 : i32
    %dma_wait3A_140 = tpu.memref_slice %arg2[%dma_wait3A_138, %dma_wait3A_139] : memref<100000x128xf32, #tpu.memory_space<hbm>> -> memref<100000x128xf32, #tpu.memory_space<hbm>>
    tpu.wait_indirect_dma semaphore(%arg19 : memref<!tpu.dma_semaphore, #tpu.memory_space<semaphore_mem>>) src(%dma_wait3A_140 : memref<100000x128xf32, #tpu.memory_space<hbm>>) dst(%dma_wait3A_134 : memref<128x128xf32, #tpu.memory_space<vmem>>)
    "tpu.region"() ({
      %run_scoped3A_141 = tpu.sem_alloc : memref<!tpu.dma_semaphore, #tpu.memory_space<semaphore_mem>>
      %dma_start3A_142 = arith.constant 0 : i32
      %dma_start3A_143 = tpu.memref_slice %arg7[%mul3A_2, %dma_start3A_142] : memref<16384x128xf32, #tpu.memory_space<hbm>> -> memref<512x128xf32, #tpu.memory_space<hbm>>
      %dma_start3A_144 = arith.constant 0 : i32
      %dma_start3A_145 = tpu.memref_slice %arg7[%mul3A_2, %dma_start3A_144] : memref<16384x128xf32, #tpu.memory_space<hbm>> -> memref<512x128xf32, #tpu.memory_space<hbm>>
      tpu.enqueue_dma source(%arg11 : memref<512x128xf32, #tpu.memory_space<vmem>>) target(%dma_start3A_145 : memref<512x128xf32, #tpu.memory_space<hbm>>) target_semaphore(%run_scoped3A_141 : memref<!tpu.dma_semaphore, #tpu.memory_space<semaphore_mem>>)
      %dma_wait3A_146 = arith.constant 0 : i32
      %dma_wait3A_147 = tpu.memref_slice %arg7[%mul3A_2, %dma_wait3A_146] : memref<16384x128xf32, #tpu.memory_space<hbm>> -> memref<512x128xf32, #tpu.memory_space<hbm>>
      %dma_wait3A_148 = arith.constant 0 : i32
      %dma_wait3A_149 = tpu.memref_slice %arg7[%mul3A_2, %dma_wait3A_148] : memref<16384x128xf32, #tpu.memory_space<hbm>> -> memref<512x128xf32, #tpu.memory_space<hbm>>
      tpu.wait_dma2 semaphore(%run_scoped3A_141 : memref<!tpu.dma_semaphore, #tpu.memory_space<semaphore_mem>>) src(%arg11 : memref<512x128xf32, #tpu.memory_space<vmem>>) dst(%dma_wait3A_149 : memref<512x128xf32, #tpu.memory_space<hbm>>)
      tpu.yield
    }) : () -> ()
    return
  }
}

#map = affine_map<(d0, d1) -> (0, 0)>
#map1 = affine_map<(d0, d1) -> (0)>
module attributes {stable_mosaic.version = 14 : i64} {
  func.func @_k3(%arg0: i32, %arg1: i32, %arg2: memref<16384x128xf32, #tpu.memory_space<hbm>>, %arg3: memref<16384xi32, #tpu.memory_space<hbm>>, %arg4: memref<128x128xf32, #tpu.memory_space<hbm>>, %arg5: memref<16384x128xf32, #tpu.memory_space<hbm>>, %arg6: memref<8x128xi32, #tpu.memory_space<vmem>>, %arg7: memref<8x128xi32, #tpu.memory_space<vmem>>, %arg8: memref<128x128xf32, #tpu.memory_space<vmem>>, %arg9: memref<2x128x128xf32, #tpu.memory_space<vmem>>, %arg10: memref<8320x128xf32, #tpu.memory_space<vmem_shared>>, %arg11: memref<!tpu.dma_semaphore, #tpu.memory_space<semaphore_mem>>, %arg12: memref<!tpu.dma_semaphore, #tpu.memory_space<semaphore_mem>>, %arg13: memref<!tpu.dma_semaphore, #tpu.memory_space<semaphore_mem>>) attributes {dimension_semantics = [#tpu.dimension_semantics<core_parallel>, #tpu.dimension_semantics<subcore_parallel>], iteration_bounds = array<i64: 2, 16>, scalar_prefetch = 0 : i64, scratch_operands = 8 : i64, tpu.core_type = #tpu.core_type<sc_vector_subcore>, window_params = [{transform_indices = #map}, {transform_indices = #map1}, {transform_indices = #map}, {transform_indices = #map}]} {
    %mul3A = arith.constant 1024 : i32
    %mul3A_0 = arith.muli %arg1, %mul3A : i32
    %mul3A_1 = arith.constant 8192 : i32
    %mul3A_2 = arith.muli %arg0, %mul3A_1 : i32
    tpu.enqueue_dma source(%arg4 : memref<128x128xf32, #tpu.memory_space<hbm>>) target(%arg8 : memref<128x128xf32, #tpu.memory_space<vmem>>) target_semaphore(%arg11 : memref<!tpu.dma_semaphore, #tpu.memory_space<semaphore_mem>>)
    %add3A = arith.constant 0 : i32
    %add3A_3 = arith.addi %mul3A_0, %add3A : i32
    %run_scoped3A = arith.constant 0 : i32
    "tpu.region"() ({
      %run_scoped3A_503 = tpu.sem_alloc : memref<!tpu.dma_semaphore, #tpu.memory_space<semaphore_mem>>
      %dma_start3A_504 = arith.constant 0 : i32
      %dma_start3A_505 = tpu.memref_slice %arg6[%run_scoped3A, %dma_start3A_504] : memref<8x128xi32, #tpu.memory_space<vmem>> -> memref<1x128xi32, #tpu.memory_space<vmem>>
      %dma_start3A_506 = tpu.memref_squeeze %dma_start3A_505 : memref<1x128xi32, #tpu.memory_space<vmem>> -> memref<128xi32, #tpu.memory_space<vmem>>
      %dma_start3A_507 = tpu.memref_slice %arg3[%add3A_3] : memref<16384xi32, #tpu.memory_space<hbm>> -> memref<128xi32, #tpu.memory_space<hbm>>
      %dma_start3A_508 = arith.constant 0 : i32
      %dma_start3A_509 = tpu.memref_slice %arg6[%run_scoped3A, %dma_start3A_508] : memref<8x128xi32, #tpu.memory_space<vmem>> -> memref<1x128xi32, #tpu.memory_space<vmem>>
      %dma_start3A_510 = tpu.memref_squeeze %dma_start3A_509 : memref<1x128xi32, #tpu.memory_space<vmem>> -> memref<128xi32, #tpu.memory_space<vmem>>
      %dma_start3A_511 = tpu.memref_slice %arg3[%add3A_3] : memref<16384xi32, #tpu.memory_space<hbm>> -> memref<128xi32, #tpu.memory_space<hbm>>
      tpu.enqueue_dma source(%dma_start3A_511 : memref<128xi32, #tpu.memory_space<hbm>>) target(%dma_start3A_510 : memref<128xi32, #tpu.memory_space<vmem>>) target_semaphore(%run_scoped3A_503 : memref<!tpu.dma_semaphore, #tpu.memory_space<semaphore_mem>>)
      %dma_wait3A_512 = arith.constant 0 : i32
      %dma_wait3A_513 = tpu.memref_slice %arg6[%run_scoped3A, %dma_wait3A_512] : memref<8x128xi32, #tpu.memory_space<vmem>> -> memref<1x128xi32, #tpu.memory_space<vmem>>
      %dma_wait3A_514 = tpu.memref_squeeze %dma_wait3A_513 : memref<1x128xi32, #tpu.memory_space<vmem>> -> memref<128xi32, #tpu.memory_space<vmem>>
      %dma_wait3A_515 = tpu.memref_slice %arg3[%add3A_3] : memref<16384xi32, #tpu.memory_space<hbm>> -> memref<128xi32, #tpu.memory_space<hbm>>
      %dma_wait3A_516 = arith.constant 0 : i32
      %dma_wait3A_517 = tpu.memref_slice %arg6[%run_scoped3A, %dma_wait3A_516] : memref<8x128xi32, #tpu.memory_space<vmem>> -> memref<1x128xi32, #tpu.memory_space<vmem>>
      %dma_wait3A_518 = tpu.memref_squeeze %dma_wait3A_517 : memref<1x128xi32, #tpu.memory_space<vmem>> -> memref<128xi32, #tpu.memory_space<vmem>>
      %dma_wait3A_519 = tpu.memref_slice %arg3[%add3A_3] : memref<16384xi32, #tpu.memory_space<hbm>> -> memref<128xi32, #tpu.memory_space<hbm>>
      tpu.wait_dma2 semaphore(%run_scoped3A_503 : memref<!tpu.dma_semaphore, #tpu.memory_space<semaphore_mem>>) src(%dma_wait3A_519 : memref<128xi32, #tpu.memory_space<hbm>>) dst(%dma_wait3A_518 : memref<128xi32, #tpu.memory_space<vmem>>)
      tpu.yield
    }) : () -> ()
    %add3A_4 = arith.constant 128 : i32
    %add3A_5 = arith.addi %mul3A_0, %add3A_4 : i32
    %run_scoped3A_6 = arith.constant 1 : i32
    "tpu.region"() ({
      %run_scoped3A_503 = tpu.sem_alloc : memref<!tpu.dma_semaphore, #tpu.memory_space<semaphore_mem>>
      %dma_start3A_504 = arith.constant 0 : i32
      %dma_start3A_505 = tpu.memref_slice %arg6[%run_scoped3A_6, %dma_start3A_504] : memref<8x128xi32, #tpu.memory_space<vmem>> -> memref<1x128xi32, #tpu.memory_space<vmem>>
      %dma_start3A_506 = tpu.memref_squeeze %dma_start3A_505 : memref<1x128xi32, #tpu.memory_space<vmem>> -> memref<128xi32, #tpu.memory_space<vmem>>
      %dma_start3A_507 = tpu.memref_slice %arg3[%add3A_5] : memref<16384xi32, #tpu.memory_space<hbm>> -> memref<128xi32, #tpu.memory_space<hbm>>
      %dma_start3A_508 = arith.constant 0 : i32
      %dma_start3A_509 = tpu.memref_slice %arg6[%run_scoped3A_6, %dma_start3A_508] : memref<8x128xi32, #tpu.memory_space<vmem>> -> memref<1x128xi32, #tpu.memory_space<vmem>>
      %dma_start3A_510 = tpu.memref_squeeze %dma_start3A_509 : memref<1x128xi32, #tpu.memory_space<vmem>> -> memref<128xi32, #tpu.memory_space<vmem>>
      %dma_start3A_511 = tpu.memref_slice %arg3[%add3A_5] : memref<16384xi32, #tpu.memory_space<hbm>> -> memref<128xi32, #tpu.memory_space<hbm>>
      tpu.enqueue_dma source(%dma_start3A_511 : memref<128xi32, #tpu.memory_space<hbm>>) target(%dma_start3A_510 : memref<128xi32, #tpu.memory_space<vmem>>) target_semaphore(%run_scoped3A_503 : memref<!tpu.dma_semaphore, #tpu.memory_space<semaphore_mem>>)
      %dma_wait3A_512 = arith.constant 0 : i32
      %dma_wait3A_513 = tpu.memref_slice %arg6[%run_scoped3A_6, %dma_wait3A_512] : memref<8x128xi32, #tpu.memory_space<vmem>> -> memref<1x128xi32, #tpu.memory_space<vmem>>
      %dma_wait3A_514 = tpu.memref_squeeze %dma_wait3A_513 : memref<1x128xi32, #tpu.memory_space<vmem>> -> memref<128xi32, #tpu.memory_space<vmem>>
      %dma_wait3A_515 = tpu.memref_slice %arg3[%add3A_5] : memref<16384xi32, #tpu.memory_space<hbm>> -> memref<128xi32, #tpu.memory_space<hbm>>
      %dma_wait3A_516 = arith.constant 0 : i32
      %dma_wait3A_517 = tpu.memref_slice %arg6[%run_scoped3A_6, %dma_wait3A_516] : memref<8x128xi32, #tpu.memory_space<vmem>> -> memref<1x128xi32, #tpu.memory_space<vmem>>
      %dma_wait3A_518 = tpu.memref_squeeze %dma_wait3A_517 : memref<1x128xi32, #tpu.memory_space<vmem>> -> memref<128xi32, #tpu.memory_space<vmem>>
      %dma_wait3A_519 = tpu.memref_slice %arg3[%add3A_5] : memref<16384xi32, #tpu.memory_space<hbm>> -> memref<128xi32, #tpu.memory_space<hbm>>
      tpu.wait_dma2 semaphore(%run_scoped3A_503 : memref<!tpu.dma_semaphore, #tpu.memory_space<semaphore_mem>>) src(%dma_wait3A_519 : memref<128xi32, #tpu.memory_space<hbm>>) dst(%dma_wait3A_518 : memref<128xi32, #tpu.memory_space<vmem>>)
      tpu.yield
    }) : () -> ()
    %add3A_7 = arith.constant 256 : i32
    %add3A_8 = arith.addi %mul3A_0, %add3A_7 : i32
    %run_scoped3A_9 = arith.constant 2 : i32
    "tpu.region"() ({
      %run_scoped3A_503 = tpu.sem_alloc : memref<!tpu.dma_semaphore, #tpu.memory_space<semaphore_mem>>
      %dma_start3A_504 = arith.constant 0 : i32
      %dma_start3A_505 = tpu.memref_slice %arg6[%run_scoped3A_9, %dma_start3A_504] : memref<8x128xi32, #tpu.memory_space<vmem>> -> memref<1x128xi32, #tpu.memory_space<vmem>>
      %dma_start3A_506 = tpu.memref_squeeze %dma_start3A_505 : memref<1x128xi32, #tpu.memory_space<vmem>> -> memref<128xi32, #tpu.memory_space<vmem>>
      %dma_start3A_507 = tpu.memref_slice %arg3[%add3A_8] : memref<16384xi32, #tpu.memory_space<hbm>> -> memref<128xi32, #tpu.memory_space<hbm>>
      %dma_start3A_508 = arith.constant 0 : i32
      %dma_start3A_509 = tpu.memref_slice %arg6[%run_scoped3A_9, %dma_start3A_508] : memref<8x128xi32, #tpu.memory_space<vmem>> -> memref<1x128xi32, #tpu.memory_space<vmem>>
      %dma_start3A_510 = tpu.memref_squeeze %dma_start3A_509 : memref<1x128xi32, #tpu.memory_space<vmem>> -> memref<128xi32, #tpu.memory_space<vmem>>
      %dma_start3A_511 = tpu.memref_slice %arg3[%add3A_8] : memref<16384xi32, #tpu.memory_space<hbm>> -> memref<128xi32, #tpu.memory_space<hbm>>
      tpu.enqueue_dma source(%dma_start3A_511 : memref<128xi32, #tpu.memory_space<hbm>>) target(%dma_start3A_510 : memref<128xi32, #tpu.memory_space<vmem>>) target_semaphore(%run_scoped3A_503 : memref<!tpu.dma_semaphore, #tpu.memory_space<semaphore_mem>>)
      %dma_wait3A_512 = arith.constant 0 : i32
      %dma_wait3A_513 = tpu.memref_slice %arg6[%run_scoped3A_9, %dma_wait3A_512] : memref<8x128xi32, #tpu.memory_space<vmem>> -> memref<1x128xi32, #tpu.memory_space<vmem>>
      %dma_wait3A_514 = tpu.memref_squeeze %dma_wait3A_513 : memref<1x128xi32, #tpu.memory_space<vmem>> -> memref<128xi32, #tpu.memory_space<vmem>>
      %dma_wait3A_515 = tpu.memref_slice %arg3[%add3A_8] : memref<16384xi32, #tpu.memory_space<hbm>> -> memref<128xi32, #tpu.memory_space<hbm>>
      %dma_wait3A_516 = arith.constant 0 : i32
      %dma_wait3A_517 = tpu.memref_slice %arg6[%run_scoped3A_9, %dma_wait3A_516] : memref<8x128xi32, #tpu.memory_space<vmem>> -> memref<1x128xi32, #tpu.memory_space<vmem>>
      %dma_wait3A_518 = tpu.memref_squeeze %dma_wait3A_517 : memref<1x128xi32, #tpu.memory_space<vmem>> -> memref<128xi32, #tpu.memory_space<vmem>>
      %dma_wait3A_519 = tpu.memref_slice %arg3[%add3A_8] : memref<16384xi32, #tpu.memory_space<hbm>> -> memref<128xi32, #tpu.memory_space<hbm>>
      tpu.wait_dma2 semaphore(%run_scoped3A_503 : memref<!tpu.dma_semaphore, #tpu.memory_space<semaphore_mem>>) src(%dma_wait3A_519 : memref<128xi32, #tpu.memory_space<hbm>>) dst(%dma_wait3A_518 : memref<128xi32, #tpu.memory_space<vmem>>)
      tpu.yield
    }) : () -> ()
    %add3A_10 = arith.constant 384 : i32
    %add3A_11 = arith.addi %mul3A_0, %add3A_10 : i32
    %run_scoped3A_12 = arith.constant 3 : i32
    "tpu.region"() ({
      %run_scoped3A_503 = tpu.sem_alloc : memref<!tpu.dma_semaphore, #tpu.memory_space<semaphore_mem>>
      %dma_start3A_504 = arith.constant 0 : i32
      %dma_start3A_505 = tpu.memref_slice %arg6[%run_scoped3A_12, %dma_start3A_504] : memref<8x128xi32, #tpu.memory_space<vmem>> -> memref<1x128xi32, #tpu.memory_space<vmem>>
      %dma_start3A_506 = tpu.memref_squeeze %dma_start3A_505 : memref<1x128xi32, #tpu.memory_space<vmem>> -> memref<128xi32, #tpu.memory_space<vmem>>
      %dma_start3A_507 = tpu.memref_slice %arg3[%add3A_11] : memref<16384xi32, #tpu.memory_space<hbm>> -> memref<128xi32, #tpu.memory_space<hbm>>
      %dma_start3A_508 = arith.constant 0 : i32
      %dma_start3A_509 = tpu.memref_slice %arg6[%run_scoped3A_12, %dma_start3A_508] : memref<8x128xi32, #tpu.memory_space<vmem>> -> memref<1x128xi32, #tpu.memory_space<vmem>>
      %dma_start3A_510 = tpu.memref_squeeze %dma_start3A_509 : memref<1x128xi32, #tpu.memory_space<vmem>> -> memref<128xi32, #tpu.memory_space<vmem>>
      %dma_start3A_511 = tpu.memref_slice %arg3[%add3A_11] : memref<16384xi32, #tpu.memory_space<hbm>> -> memref<128xi32, #tpu.memory_space<hbm>>
      tpu.enqueue_dma source(%dma_start3A_511 : memref<128xi32, #tpu.memory_space<hbm>>) target(%dma_start3A_510 : memref<128xi32, #tpu.memory_space<vmem>>) target_semaphore(%run_scoped3A_503 : memref<!tpu.dma_semaphore, #tpu.memory_space<semaphore_mem>>)
      %dma_wait3A_512 = arith.constant 0 : i32
      %dma_wait3A_513 = tpu.memref_slice %arg6[%run_scoped3A_12, %dma_wait3A_512] : memref<8x128xi32, #tpu.memory_space<vmem>> -> memref<1x128xi32, #tpu.memory_space<vmem>>
      %dma_wait3A_514 = tpu.memref_squeeze %dma_wait3A_513 : memref<1x128xi32, #tpu.memory_space<vmem>> -> memref<128xi32, #tpu.memory_space<vmem>>
      %dma_wait3A_515 = tpu.memref_slice %arg3[%add3A_11] : memref<16384xi32, #tpu.memory_space<hbm>> -> memref<128xi32, #tpu.memory_space<hbm>>
      %dma_wait3A_516 = arith.constant 0 : i32
      %dma_wait3A_517 = tpu.memref_slice %arg6[%run_scoped3A_12, %dma_wait3A_516] : memref<8x128xi32, #tpu.memory_space<vmem>> -> memref<1x128xi32, #tpu.memory_space<vmem>>
      %dma_wait3A_518 = tpu.memref_squeeze %dma_wait3A_517 : memref<1x128xi32, #tpu.memory_space<vmem>> -> memref<128xi32, #tpu.memory_space<vmem>>
      %dma_wait3A_519 = tpu.memref_slice %arg3[%add3A_11] : memref<16384xi32, #tpu.memory_space<hbm>> -> memref<128xi32, #tpu.memory_space<hbm>>
      tpu.wait_dma2 semaphore(%run_scoped3A_503 : memref<!tpu.dma_semaphore, #tpu.memory_space<semaphore_mem>>) src(%dma_wait3A_519 : memref<128xi32, #tpu.memory_space<hbm>>) dst(%dma_wait3A_518 : memref<128xi32, #tpu.memory_space<vmem>>)
      tpu.yield
    }) : () -> ()
    %add3A_13 = arith.constant 512 : i32
    %add3A_14 = arith.addi %mul3A_0, %add3A_13 : i32
    %run_scoped3A_15 = arith.constant 4 : i32
    "tpu.region"() ({
      %run_scoped3A_503 = tpu.sem_alloc : memref<!tpu.dma_semaphore, #tpu.memory_space<semaphore_mem>>
      %dma_start3A_504 = arith.constant 0 : i32
      %dma_start3A_505 = tpu.memref_slice %arg6[%run_scoped3A_15, %dma_start3A_504] : memref<8x128xi32, #tpu.memory_space<vmem>> -> memref<1x128xi32, #tpu.memory_space<vmem>>
      %dma_start3A_506 = tpu.memref_squeeze %dma_start3A_505 : memref<1x128xi32, #tpu.memory_space<vmem>> -> memref<128xi32, #tpu.memory_space<vmem>>
      %dma_start3A_507 = tpu.memref_slice %arg3[%add3A_14] : memref<16384xi32, #tpu.memory_space<hbm>> -> memref<128xi32, #tpu.memory_space<hbm>>
      %dma_start3A_508 = arith.constant 0 : i32
      %dma_start3A_509 = tpu.memref_slice %arg6[%run_scoped3A_15, %dma_start3A_508] : memref<8x128xi32, #tpu.memory_space<vmem>> -> memref<1x128xi32, #tpu.memory_space<vmem>>
      %dma_start3A_510 = tpu.memref_squeeze %dma_start3A_509 : memref<1x128xi32, #tpu.memory_space<vmem>> -> memref<128xi32, #tpu.memory_space<vmem>>
      %dma_start3A_511 = tpu.memref_slice %arg3[%add3A_14] : memref<16384xi32, #tpu.memory_space<hbm>> -> memref<128xi32, #tpu.memory_space<hbm>>
      tpu.enqueue_dma source(%dma_start3A_511 : memref<128xi32, #tpu.memory_space<hbm>>) target(%dma_start3A_510 : memref<128xi32, #tpu.memory_space<vmem>>) target_semaphore(%run_scoped3A_503 : memref<!tpu.dma_semaphore, #tpu.memory_space<semaphore_mem>>)
      %dma_wait3A_512 = arith.constant 0 : i32
      %dma_wait3A_513 = tpu.memref_slice %arg6[%run_scoped3A_15, %dma_wait3A_512] : memref<8x128xi32, #tpu.memory_space<vmem>> -> memref<1x128xi32, #tpu.memory_space<vmem>>
      %dma_wait3A_514 = tpu.memref_squeeze %dma_wait3A_513 : memref<1x128xi32, #tpu.memory_space<vmem>> -> memref<128xi32, #tpu.memory_space<vmem>>
      %dma_wait3A_515 = tpu.memref_slice %arg3[%add3A_14] : memref<16384xi32, #tpu.memory_space<hbm>> -> memref<128xi32, #tpu.memory_space<hbm>>
      %dma_wait3A_516 = arith.constant 0 : i32
      %dma_wait3A_517 = tpu.memref_slice %arg6[%run_scoped3A_15, %dma_wait3A_516] : memref<8x128xi32, #tpu.memory_space<vmem>> -> memref<1x128xi32, #tpu.memory_space<vmem>>
      %dma_wait3A_518 = tpu.memref_squeeze %dma_wait3A_517 : memref<1x128xi32, #tpu.memory_space<vmem>> -> memref<128xi32, #tpu.memory_space<vmem>>
      %dma_wait3A_519 = tpu.memref_slice %arg3[%add3A_14] : memref<16384xi32, #tpu.memory_space<hbm>> -> memref<128xi32, #tpu.memory_space<hbm>>
      tpu.wait_dma2 semaphore(%run_scoped3A_503 : memref<!tpu.dma_semaphore, #tpu.memory_space<semaphore_mem>>) src(%dma_wait3A_519 : memref<128xi32, #tpu.memory_space<hbm>>) dst(%dma_wait3A_518 : memref<128xi32, #tpu.memory_space<vmem>>)
      tpu.yield
    }) : () -> ()
    %add3A_16 = arith.constant 640 : i32
    %add3A_17 = arith.addi %mul3A_0, %add3A_16 : i32
    %run_scoped3A_18 = arith.constant 5 : i32
    "tpu.region"() ({
      %run_scoped3A_503 = tpu.sem_alloc : memref<!tpu.dma_semaphore, #tpu.memory_space<semaphore_mem>>
      %dma_start3A_504 = arith.constant 0 : i32
      %dma_start3A_505 = tpu.memref_slice %arg6[%run_scoped3A_18, %dma_start3A_504] : memref<8x128xi32, #tpu.memory_space<vmem>> -> memref<1x128xi32, #tpu.memory_space<vmem>>
      %dma_start3A_506 = tpu.memref_squeeze %dma_start3A_505 : memref<1x128xi32, #tpu.memory_space<vmem>> -> memref<128xi32, #tpu.memory_space<vmem>>
      %dma_start3A_507 = tpu.memref_slice %arg3[%add3A_17] : memref<16384xi32, #tpu.memory_space<hbm>> -> memref<128xi32, #tpu.memory_space<hbm>>
      %dma_start3A_508 = arith.constant 0 : i32
      %dma_start3A_509 = tpu.memref_slice %arg6[%run_scoped3A_18, %dma_start3A_508] : memref<8x128xi32, #tpu.memory_space<vmem>> -> memref<1x128xi32, #tpu.memory_space<vmem>>
      %dma_start3A_510 = tpu.memref_squeeze %dma_start3A_509 : memref<1x128xi32, #tpu.memory_space<vmem>> -> memref<128xi32, #tpu.memory_space<vmem>>
      %dma_start3A_511 = tpu.memref_slice %arg3[%add3A_17] : memref<16384xi32, #tpu.memory_space<hbm>> -> memref<128xi32, #tpu.memory_space<hbm>>
      tpu.enqueue_dma source(%dma_start3A_511 : memref<128xi32, #tpu.memory_space<hbm>>) target(%dma_start3A_510 : memref<128xi32, #tpu.memory_space<vmem>>) target_semaphore(%run_scoped3A_503 : memref<!tpu.dma_semaphore, #tpu.memory_space<semaphore_mem>>)
      %dma_wait3A_512 = arith.constant 0 : i32
      %dma_wait3A_513 = tpu.memref_slice %arg6[%run_scoped3A_18, %dma_wait3A_512] : memref<8x128xi32, #tpu.memory_space<vmem>> -> memref<1x128xi32, #tpu.memory_space<vmem>>
      %dma_wait3A_514 = tpu.memref_squeeze %dma_wait3A_513 : memref<1x128xi32, #tpu.memory_space<vmem>> -> memref<128xi32, #tpu.memory_space<vmem>>
      %dma_wait3A_515 = tpu.memref_slice %arg3[%add3A_17] : memref<16384xi32, #tpu.memory_space<hbm>> -> memref<128xi32, #tpu.memory_space<hbm>>
      %dma_wait3A_516 = arith.constant 0 : i32
      %dma_wait3A_517 = tpu.memref_slice %arg6[%run_scoped3A_18, %dma_wait3A_516] : memref<8x128xi32, #tpu.memory_space<vmem>> -> memref<1x128xi32, #tpu.memory_space<vmem>>
      %dma_wait3A_518 = tpu.memref_squeeze %dma_wait3A_517 : memref<1x128xi32, #tpu.memory_space<vmem>> -> memref<128xi32, #tpu.memory_space<vmem>>
      %dma_wait3A_519 = tpu.memref_slice %arg3[%add3A_17] : memref<16384xi32, #tpu.memory_space<hbm>> -> memref<128xi32, #tpu.memory_space<hbm>>
      tpu.wait_dma2 semaphore(%run_scoped3A_503 : memref<!tpu.dma_semaphore, #tpu.memory_space<semaphore_mem>>) src(%dma_wait3A_519 : memref<128xi32, #tpu.memory_space<hbm>>) dst(%dma_wait3A_518 : memref<128xi32, #tpu.memory_space<vmem>>)
      tpu.yield
    }) : () -> ()
    %add3A_19 = arith.constant 768 : i32
    %add3A_20 = arith.addi %mul3A_0, %add3A_19 : i32
    %run_scoped3A_21 = arith.constant 6 : i32
    "tpu.region"() ({
      %run_scoped3A_503 = tpu.sem_alloc : memref<!tpu.dma_semaphore, #tpu.memory_space<semaphore_mem>>
      %dma_start3A_504 = arith.constant 0 : i32
      %dma_start3A_505 = tpu.memref_slice %arg6[%run_scoped3A_21, %dma_start3A_504] : memref<8x128xi32, #tpu.memory_space<vmem>> -> memref<1x128xi32, #tpu.memory_space<vmem>>
      %dma_start3A_506 = tpu.memref_squeeze %dma_start3A_505 : memref<1x128xi32, #tpu.memory_space<vmem>> -> memref<128xi32, #tpu.memory_space<vmem>>
      %dma_start3A_507 = tpu.memref_slice %arg3[%add3A_20] : memref<16384xi32, #tpu.memory_space<hbm>> -> memref<128xi32, #tpu.memory_space<hbm>>
      %dma_start3A_508 = arith.constant 0 : i32
      %dma_start3A_509 = tpu.memref_slice %arg6[%run_scoped3A_21, %dma_start3A_508] : memref<8x128xi32, #tpu.memory_space<vmem>> -> memref<1x128xi32, #tpu.memory_space<vmem>>
      %dma_start3A_510 = tpu.memref_squeeze %dma_start3A_509 : memref<1x128xi32, #tpu.memory_space<vmem>> -> memref<128xi32, #tpu.memory_space<vmem>>
      %dma_start3A_511 = tpu.memref_slice %arg3[%add3A_20] : memref<16384xi32, #tpu.memory_space<hbm>> -> memref<128xi32, #tpu.memory_space<hbm>>
      tpu.enqueue_dma source(%dma_start3A_511 : memref<128xi32, #tpu.memory_space<hbm>>) target(%dma_start3A_510 : memref<128xi32, #tpu.memory_space<vmem>>) target_semaphore(%run_scoped3A_503 : memref<!tpu.dma_semaphore, #tpu.memory_space<semaphore_mem>>)
      %dma_wait3A_512 = arith.constant 0 : i32
      %dma_wait3A_513 = tpu.memref_slice %arg6[%run_scoped3A_21, %dma_wait3A_512] : memref<8x128xi32, #tpu.memory_space<vmem>> -> memref<1x128xi32, #tpu.memory_space<vmem>>
      %dma_wait3A_514 = tpu.memref_squeeze %dma_wait3A_513 : memref<1x128xi32, #tpu.memory_space<vmem>> -> memref<128xi32, #tpu.memory_space<vmem>>
      %dma_wait3A_515 = tpu.memref_slice %arg3[%add3A_20] : memref<16384xi32, #tpu.memory_space<hbm>> -> memref<128xi32, #tpu.memory_space<hbm>>
      %dma_wait3A_516 = arith.constant 0 : i32
      %dma_wait3A_517 = tpu.memref_slice %arg6[%run_scoped3A_21, %dma_wait3A_516] : memref<8x128xi32, #tpu.memory_space<vmem>> -> memref<1x128xi32, #tpu.memory_space<vmem>>
      %dma_wait3A_518 = tpu.memref_squeeze %dma_wait3A_517 : memref<1x128xi32, #tpu.memory_space<vmem>> -> memref<128xi32, #tpu.memory_space<vmem>>
      %dma_wait3A_519 = tpu.memref_slice %arg3[%add3A_20] : memref<16384xi32, #tpu.memory_space<hbm>> -> memref<128xi32, #tpu.memory_space<hbm>>
      tpu.wait_dma2 semaphore(%run_scoped3A_503 : memref<!tpu.dma_semaphore, #tpu.memory_space<semaphore_mem>>) src(%dma_wait3A_519 : memref<128xi32, #tpu.memory_space<hbm>>) dst(%dma_wait3A_518 : memref<128xi32, #tpu.memory_space<vmem>>)
      tpu.yield
    }) : () -> ()
    %add3A_22 = arith.constant 896 : i32
    %add3A_23 = arith.addi %mul3A_0, %add3A_22 : i32
    %run_scoped3A_24 = arith.constant 7 : i32
    "tpu.region"() ({
      %run_scoped3A_503 = tpu.sem_alloc : memref<!tpu.dma_semaphore, #tpu.memory_space<semaphore_mem>>
      %dma_start3A_504 = arith.constant 0 : i32
      %dma_start3A_505 = tpu.memref_slice %arg6[%run_scoped3A_24, %dma_start3A_504] : memref<8x128xi32, #tpu.memory_space<vmem>> -> memref<1x128xi32, #tpu.memory_space<vmem>>
      %dma_start3A_506 = tpu.memref_squeeze %dma_start3A_505 : memref<1x128xi32, #tpu.memory_space<vmem>> -> memref<128xi32, #tpu.memory_space<vmem>>
      %dma_start3A_507 = tpu.memref_slice %arg3[%add3A_23] : memref<16384xi32, #tpu.memory_space<hbm>> -> memref<128xi32, #tpu.memory_space<hbm>>
      %dma_start3A_508 = arith.constant 0 : i32
      %dma_start3A_509 = tpu.memref_slice %arg6[%run_scoped3A_24, %dma_start3A_508] : memref<8x128xi32, #tpu.memory_space<vmem>> -> memref<1x128xi32, #tpu.memory_space<vmem>>
      %dma_start3A_510 = tpu.memref_squeeze %dma_start3A_509 : memref<1x128xi32, #tpu.memory_space<vmem>> -> memref<128xi32, #tpu.memory_space<vmem>>
      %dma_start3A_511 = tpu.memref_slice %arg3[%add3A_23] : memref<16384xi32, #tpu.memory_space<hbm>> -> memref<128xi32, #tpu.memory_space<hbm>>
      tpu.enqueue_dma source(%dma_start3A_511 : memref<128xi32, #tpu.memory_space<hbm>>) target(%dma_start3A_510 : memref<128xi32, #tpu.memory_space<vmem>>) target_semaphore(%run_scoped3A_503 : memref<!tpu.dma_semaphore, #tpu.memory_space<semaphore_mem>>)
      %dma_wait3A_512 = arith.constant 0 : i32
      %dma_wait3A_513 = tpu.memref_slice %arg6[%run_scoped3A_24, %dma_wait3A_512] : memref<8x128xi32, #tpu.memory_space<vmem>> -> memref<1x128xi32, #tpu.memory_space<vmem>>
      %dma_wait3A_514 = tpu.memref_squeeze %dma_wait3A_513 : memref<1x128xi32, #tpu.memory_space<vmem>> -> memref<128xi32, #tpu.memory_space<vmem>>
      %dma_wait3A_515 = tpu.memref_slice %arg3[%add3A_23] : memref<16384xi32, #tpu.memory_space<hbm>> -> memref<128xi32, #tpu.memory_space<hbm>>
      %dma_wait3A_516 = arith.constant 0 : i32
      %dma_wait3A_517 = tpu.memref_slice %arg6[%run_scoped3A_24, %dma_wait3A_516] : memref<8x128xi32, #tpu.memory_space<vmem>> -> memref<1x128xi32, #tpu.memory_space<vmem>>
      %dma_wait3A_518 = tpu.memref_squeeze %dma_wait3A_517 : memref<1x128xi32, #tpu.memory_space<vmem>> -> memref<128xi32, #tpu.memory_space<vmem>>
      %dma_wait3A_519 = tpu.memref_slice %arg3[%add3A_23] : memref<16384xi32, #tpu.memory_space<hbm>> -> memref<128xi32, #tpu.memory_space<hbm>>
      tpu.wait_dma2 semaphore(%run_scoped3A_503 : memref<!tpu.dma_semaphore, #tpu.memory_space<semaphore_mem>>) src(%dma_wait3A_519 : memref<128xi32, #tpu.memory_space<hbm>>) dst(%dma_wait3A_518 : memref<128xi32, #tpu.memory_space<vmem>>)
      tpu.yield
    }) : () -> ()
    %iota3A = tpu.iota {dimensions = array<i32: 0>} : vector<16xi32>
    %mul3A_25 = arith.constant 8 : i32
    %mul3A_26 = vector.broadcast %mul3A_25 : i32 to vector<16xi32>
    %mul3A_27 = arith.muli %iota3A, %mul3A_26 : vector<16xi32>
    %add3A_28 = arith.constant 8192 : i32
    %add3A_29 = vector.broadcast %add3A_28 : i32 to vector<16xi32>
    %add3A_30 = arith.addi %add3A_29, %mul3A_27 : vector<16xi32>
    %scan3A = arith.constant 0 : i32
    %scan3A_31 = arith.constant 8 : i32
    %scan3A_32 = arith.addi %scan3A, %scan3A_31 : i32
    %scan3A_33 = arith.constant 1 : i32
    scf.for %scan3A_503 = %scan3A to %scan3A_32 step %scan3A_33  : i32 {
      %mul3A_504 = arith.constant 1 : i32
      %mul3A_505 = arith.muli %scan3A_503, %mul3A_504 : i32
      %add3A_506 = arith.constant 0 : i32
      %add3A_507 = arith.addi %add3A_506, %mul3A_505 : i32
      %scan3A_508 = arith.constant 0 : i32
      %scan3A_509 = arith.constant 8 : i32
      %scan3A_510 = arith.addi %scan3A_508, %scan3A_509 : i32
      %scan3A_511 = arith.constant 1 : i32
      scf.for %scan3A_513 = %scan3A_508 to %scan3A_510 step %scan3A_511  : i32 {
        %mul3A_514 = arith.constant 1 : i32
        %mul3A_515 = arith.muli %scan3A_513, %mul3A_514 : i32
        %add3A_516 = arith.constant 0 : i32
        %add3A_517 = arith.addi %add3A_516, %mul3A_515 : i32
        %mul3A_518 = arith.constant 16 : i32
        %mul3A_519 = arith.muli %add3A_517, %mul3A_518 : i32
        %get3A = arith.index_cast %add3A_507 : i32 to index
        %get3A_520 = arith.index_cast %mul3A_519 : i32 to index
        %get3A_521 = tpu.vector_load %arg6[%get3A, %get3A_520] {strides = array<i32>} : memref<8x128xi32, #tpu.memory_space<vmem>>, vector<1x16xi32>,
        %get3A_522 = vector.shape_cast %get3A_521 : vector<1x16xi32> to vector<16xi32>
        %sub3A = vector.broadcast %mul3A_2 : i32 to vector<16xi32>
        %sub3A_523 = arith.subi %get3A_522, %sub3A : vector<16xi32>
        %ge3A = arith.constant 0 : i32
        %ge3A_524 = vector.broadcast %ge3A : i32 to vector<16xi32>
        %ge3A_525 = arith.cmpi sge, %sub3A_523, %ge3A_524 : vector<16xi32>
        %lt3A = arith.constant 8192 : i32
        %lt3A_526 = vector.broadcast %lt3A : i32 to vector<16xi32>
        %lt3A_527 = arith.cmpi slt, %sub3A_523, %lt3A_526 : vector<16xi32>
        %and3A = arith.andi %ge3A_525, %lt3A_527 : vector<16xi1>
        %select_n3A = arith.select %and3A, %sub3A_523, %add3A_30 : vector<16xi1>, vector<16xi32>
        %mul3A_528 = arith.constant 16 : i32
        %mul3A_529 = arith.muli %add3A_517, %mul3A_528 : i32
        %swap3A = arith.index_cast %add3A_507 : i32 to index
        %swap3A_530 = arith.index_cast %mul3A_529 : i32 to index
        %swap3A_531 = tpu.vector_load %arg7[%swap3A, %swap3A_530] {strides = array<i32>} : memref<8x128xi32, #tpu.memory_space<vmem>>, vector<1x16xi32>,
        %swap3A_532 = vector.shape_cast %swap3A_531 : vector<1x16xi32> to vector<16xi32>
        %swap3A_533 = vector.shape_cast %select_n3A : vector<16xi32> to vector<1x16xi32>
        tpu.vector_store %arg7[%swap3A, %swap3A_530], %swap3A_533 {strides = array<i32>} : memref<8x128xi32, #tpu.memory_space<vmem>>, vector<1x16xi32>,
      }
      %scan3A_512 = arith.constant 8 : i32
    }
    %scan3A_34 = arith.constant 8 : i32
    tpu.wait_dma2 semaphore(%arg11 : memref<!tpu.dma_semaphore, #tpu.memory_space<semaphore_mem>>) src(%arg4 : memref<128x128xf32, #tpu.memory_space<hbm>>) dst(%arg8 : memref<128x128xf32, #tpu.memory_space<vmem>>)
    %add3A_35 = arith.constant 0 : i32
    %add3A_36 = arith.addi %mul3A_0, %add3A_35 : i32
    %dma_start3A = arith.constant 0 : i32
    %dma_start3A_37 = arith.constant 0 : i32
    %dma_start3A_38 = arith.constant 0 : i32
    %dma_start3A_39 = tpu.memref_slice %arg9[%dma_start3A, %dma_start3A_37, %dma_start3A_38] : memref<2x128x128xf32, #tpu.memory_space<vmem>> -> memref<1x128x128xf32, #tpu.memory_space<vmem>>
    %dma_start3A_40 = tpu.memref_squeeze %dma_start3A_39 : memref<1x128x128xf32, #tpu.memory_space<vmem>> -> memref<128x128xf32, #tpu.memory_space<vmem>>
    %dma_start3A_41 = arith.constant 0 : i32
    %dma_start3A_42 = tpu.memref_slice %arg2[%add3A_36, %dma_start3A_41] : memref<16384x128xf32, #tpu.memory_space<hbm>> -> memref<128x128xf32, #tpu.memory_space<hbm>>
    %dma_start3A_43 = arith.constant 0 : i32
    %dma_start3A_44 = arith.constant 0 : i32
    %dma_start3A_45 = tpu.memref_slice %arg9[%dma_start3A, %dma_start3A_43, %dma_start3A_44] : memref<2x128x128xf32, #tpu.memory_space<vmem>> -> memref<1x128x128xf32, #tpu.memory_space<vmem>>
    %dma_start3A_46 = tpu.memref_squeeze %dma_start3A_45 : memref<1x128x128xf32, #tpu.memory_space<vmem>> -> memref<128x128xf32, #tpu.memory_space<vmem>>
    %dma_start3A_47 = arith.constant 0 : i32
    %dma_start3A_48 = tpu.memref_slice %arg2[%add3A_36, %dma_start3A_47] : memref<16384x128xf32, #tpu.memory_space<hbm>> -> memref<128x128xf32, #tpu.memory_space<hbm>>
    tpu.enqueue_dma source(%dma_start3A_48 : memref<128x128xf32, #tpu.memory_space<hbm>>) target(%dma_start3A_46 : memref<128x128xf32, #tpu.memory_space<vmem>>) target_semaphore(%arg12 : memref<!tpu.dma_semaphore, #tpu.memory_space<semaphore_mem>>)
    %add3A_49 = arith.constant 128 : i32
    %add3A_50 = arith.addi %mul3A_0, %add3A_49 : i32
    %dma_start3A_51 = arith.constant 1 : i32
    %dma_start3A_52 = arith.constant 0 : i32
    %dma_start3A_53 = arith.constant 0 : i32
    %dma_start3A_54 = tpu.memref_slice %arg9[%dma_start3A_51, %dma_start3A_52, %dma_start3A_53] : memref<2x128x128xf32, #tpu.memory_space<vmem>> -> memref<1x128x128xf32, #tpu.memory_space<vmem>>
    %dma_start3A_55 = tpu.memref_squeeze %dma_start3A_54 : memref<1x128x128xf32, #tpu.memory_space<vmem>> -> memref<128x128xf32, #tpu.memory_space<vmem>>
    %dma_start3A_56 = arith.constant 0 : i32
    %dma_start3A_57 = tpu.memref_slice %arg2[%add3A_50, %dma_start3A_56] : memref<16384x128xf32, #tpu.memory_space<hbm>> -> memref<128x128xf32, #tpu.memory_space<hbm>>
    %dma_start3A_58 = arith.constant 0 : i32
    %dma_start3A_59 = arith.constant 0 : i32
    %dma_start3A_60 = tpu.memref_slice %arg9[%dma_start3A_51, %dma_start3A_58, %dma_start3A_59] : memref<2x128x128xf32, #tpu.memory_space<vmem>> -> memref<1x128x128xf32, #tpu.memory_space<vmem>>
    %dma_start3A_61 = tpu.memref_squeeze %dma_start3A_60 : memref<1x128x128xf32, #tpu.memory_space<vmem>> -> memref<128x128xf32, #tpu.memory_space<vmem>>
    %dma_start3A_62 = arith.constant 0 : i32
    %dma_start3A_63 = tpu.memref_slice %arg2[%add3A_50, %dma_start3A_62] : memref<16384x128xf32, #tpu.memory_space<hbm>> -> memref<128x128xf32, #tpu.memory_space<hbm>>
    tpu.enqueue_dma source(%dma_start3A_63 : memref<128x128xf32, #tpu.memory_space<hbm>>) target(%dma_start3A_61 : memref<128x128xf32, #tpu.memory_space<vmem>>) target_semaphore(%arg12 : memref<!tpu.dma_semaphore, #tpu.memory_space<semaphore_mem>>)
    %mul3A_64 = arith.constant 512 : i32
    %mul3A_65 = arith.muli %arg1, %mul3A_64 : i32
    %add3A_66 = arith.constant 0 : i32
    %add3A_67 = arith.addi %mul3A_65, %add3A_66 : i32
    %dma_start3A_68 = arith.constant 0 : i32
    %dma_start3A_69 = tpu.memref_slice %arg10[%add3A_67, %dma_start3A_68] : memref<8320x128xf32, #tpu.memory_space<vmem_shared>> -> memref<128x128xf32, #tpu.memory_space<vmem_shared>>
    %dma_start3A_70 = arith.constant 0 : i32
    %dma_start3A_71 = tpu.memref_slice %arg10[%add3A_67, %dma_start3A_70] : memref<8320x128xf32, #tpu.memory_space<vmem_shared>> -> memref<128x128xf32, #tpu.memory_space<vmem_shared>>
    tpu.enqueue_dma source(%arg8 : memref<128x128xf32, #tpu.memory_space<vmem>>) target(%dma_start3A_71 : memref<128x128xf32, #tpu.memory_space<vmem_shared>>) target_semaphore(%arg11 : memref<!tpu.dma_semaphore, #tpu.memory_space<semaphore_mem>>)
    %mul3A_72 = arith.constant 512 : i32
    %mul3A_73 = arith.muli %arg1, %mul3A_72 : i32
    %add3A_74 = arith.constant 128 : i32
    %add3A_75 = arith.addi %mul3A_73, %add3A_74 : i32
    %dma_start3A_76 = arith.constant 0 : i32
    %dma_start3A_77 = tpu.memref_slice %arg10[%add3A_75, %dma_start3A_76] : memref<8320x128xf32, #tpu.memory_space<vmem_shared>> -> memref<128x128xf32, #tpu.memory_space<vmem_shared>>
    %dma_start3A_78 = arith.constant 0 : i32
    %dma_start3A_79 = tpu.memref_slice %arg10[%add3A_75, %dma_start3A_78] : memref<8320x128xf32, #tpu.memory_space<vmem_shared>> -> memref<128x128xf32, #tpu.memory_space<vmem_shared>>
    tpu.enqueue_dma source(%arg8 : memref<128x128xf32, #tpu.memory_space<vmem>>) target(%dma_start3A_79 : memref<128x128xf32, #tpu.memory_space<vmem_shared>>) target_semaphore(%arg11 : memref<!tpu.dma_semaphore, #tpu.memory_space<semaphore_mem>>)
    %mul3A_80 = arith.constant 512 : i32
    %mul3A_81 = arith.muli %arg1, %mul3A_80 : i32
    %add3A_82 = arith.constant 256 : i32
    %add3A_83 = arith.addi %mul3A_81, %add3A_82 : i32
    %dma_start3A_84 = arith.constant 0 : i32
    %dma_start3A_85 = tpu.memref_slice %arg10[%add3A_83, %dma_start3A_84] : memref<8320x128xf32, #tpu.memory_space<vmem_shared>> -> memref<128x128xf32, #tpu.memory_space<vmem_shared>>
    %dma_start3A_86 = arith.constant 0 : i32
    %dma_start3A_87 = tpu.memref_slice %arg10[%add3A_83, %dma_start3A_86] : memref<8320x128xf32, #tpu.memory_space<vmem_shared>> -> memref<128x128xf32, #tpu.memory_space<vmem_shared>>
    tpu.enqueue_dma source(%arg8 : memref<128x128xf32, #tpu.memory_space<vmem>>) target(%dma_start3A_87 : memref<128x128xf32, #tpu.memory_space<vmem_shared>>) target_semaphore(%arg11 : memref<!tpu.dma_semaphore, #tpu.memory_space<semaphore_mem>>)
    %mul3A_88 = arith.constant 512 : i32
    %mul3A_89 = arith.muli %arg1, %mul3A_88 : i32
    %add3A_90 = arith.constant 384 : i32
    %add3A_91 = arith.addi %mul3A_89, %add3A_90 : i32
    %dma_start3A_92 = arith.constant 0 : i32
    %dma_start3A_93 = tpu.memref_slice %arg10[%add3A_91, %dma_start3A_92] : memref<8320x128xf32, #tpu.memory_space<vmem_shared>> -> memref<128x128xf32, #tpu.memory_space<vmem_shared>>
    %dma_start3A_94 = arith.constant 0 : i32
    %dma_start3A_95 = tpu.memref_slice %arg10[%add3A_91, %dma_start3A_94] : memref<8320x128xf32, #tpu.memory_space<vmem_shared>> -> memref<128x128xf32, #tpu.memory_space<vmem_shared>>
    tpu.enqueue_dma source(%arg8 : memref<128x128xf32, #tpu.memory_space<vmem>>) target(%dma_start3A_95 : memref<128x128xf32, #tpu.memory_space<vmem_shared>>) target_semaphore(%arg11 : memref<!tpu.dma_semaphore, #tpu.memory_space<semaphore_mem>>)
    %dma_wait3A = arith.constant 0 : i32
    %dma_wait3A_96 = tpu.memref_slice %arg10[%add3A_67, %dma_wait3A] : memref<8320x128xf32, #tpu.memory_space<vmem_shared>> -> memref<128x128xf32, #tpu.memory_space<vmem_shared>>
    %dma_wait3A_97 = arith.constant 0 : i32
    %dma_wait3A_98 = tpu.memref_slice %arg10[%add3A_67, %dma_wait3A_97] : memref<8320x128xf32, #tpu.memory_space<vmem_shared>> -> memref<128x128xf32, #tpu.memory_space<vmem_shared>>
    tpu.wait_dma2 semaphore(%arg11 : memref<!tpu.dma_semaphore, #tpu.memory_space<semaphore_mem>>) src(%arg8 : memref<128x128xf32, #tpu.memory_space<vmem>>) dst(%dma_wait3A_98 : memref<128x128xf32, #tpu.memory_space<vmem_shared>>)
    %dma_wait3A_99 = arith.constant 0 : i32
    %dma_wait3A_100 = tpu.memref_slice %arg10[%add3A_75, %dma_wait3A_99] : memref<8320x128xf32, #tpu.memory_space<vmem_shared>> -> memref<128x128xf32, #tpu.memory_space<vmem_shared>>
    %dma_wait3A_101 = arith.constant 0 : i32
    %dma_wait3A_102 = tpu.memref_slice %arg10[%add3A_75, %dma_wait3A_101] : memref<8320x128xf32, #tpu.memory_space<vmem_shared>> -> memref<128x128xf32, #tpu.memory_space<vmem_shared>>
    tpu.wait_dma2 semaphore(%arg11 : memref<!tpu.dma_semaphore, #tpu.memory_space<semaphore_mem>>) src(%arg8 : memref<128x128xf32, #tpu.memory_space<vmem>>) dst(%dma_wait3A_102 : memref<128x128xf32, #tpu.memory_space<vmem_shared>>)
    %dma_wait3A_103 = arith.constant 0 : i32
    %dma_wait3A_104 = tpu.memref_slice %arg10[%add3A_83, %dma_wait3A_103] : memref<8320x128xf32, #tpu.memory_space<vmem_shared>> -> memref<128x128xf32, #tpu.memory_space<vmem_shared>>
    %dma_wait3A_105 = arith.constant 0 : i32
    %dma_wait3A_106 = tpu.memref_slice %arg10[%add3A_83, %dma_wait3A_105] : memref<8320x128xf32, #tpu.memory_space<vmem_shared>> -> memref<128x128xf32, #tpu.memory_space<vmem_shared>>
    tpu.wait_dma2 semaphore(%arg11 : memref<!tpu.dma_semaphore, #tpu.memory_space<semaphore_mem>>) src(%arg8 : memref<128x128xf32, #tpu.memory_space<vmem>>) dst(%dma_wait3A_106 : memref<128x128xf32, #tpu.memory_space<vmem_shared>>)
    %dma_wait3A_107 = arith.constant 0 : i32
    %dma_wait3A_108 = tpu.memref_slice %arg10[%add3A_91, %dma_wait3A_107] : memref<8320x128xf32, #tpu.memory_space<vmem_shared>> -> memref<128x128xf32, #tpu.memory_space<vmem_shared>>
    %dma_wait3A_109 = arith.constant 0 : i32
    %dma_wait3A_110 = tpu.memref_slice %arg10[%add3A_91, %dma_wait3A_109] : memref<8320x128xf32, #tpu.memory_space<vmem_shared>> -> memref<128x128xf32, #tpu.memory_space<vmem_shared>>
    tpu.wait_dma2 semaphore(%arg11 : memref<!tpu.dma_semaphore, #tpu.memory_space<semaphore_mem>>) src(%arg8 : memref<128x128xf32, #tpu.memory_space<vmem>>) dst(%dma_wait3A_110 : memref<128x128xf32, #tpu.memory_space<vmem_shared>>)
    %barrier3A = arith.constant 0 : index
    tpu.barrier barrier_id(%barrier3A)
    %dma_wait3A_111 = arith.constant 0 : i32
    %dma_wait3A_112 = arith.constant 0 : i32
    %dma_wait3A_113 = arith.constant 0 : i32
    %dma_wait3A_114 = tpu.memref_slice %arg9[%dma_wait3A_111, %dma_wait3A_112, %dma_wait3A_113] : memref<2x128x128xf32, #tpu.memory_space<vmem>> -> memref<1x128x128xf32, #tpu.memory_space<vmem>>
    %dma_wait3A_115 = tpu.memref_squeeze %dma_wait3A_114 : memref<1x128x128xf32, #tpu.memory_space<vmem>> -> memref<128x128xf32, #tpu.memory_space<vmem>>
    %dma_wait3A_116 = arith.constant 0 : i32
    %dma_wait3A_117 = tpu.memref_slice %arg2[%add3A_36, %dma_wait3A_116] : memref<16384x128xf32, #tpu.memory_space<hbm>> -> memref<128x128xf32, #tpu.memory_space<hbm>>
    %dma_wait3A_118 = arith.constant 0 : i32
    %dma_wait3A_119 = arith.constant 0 : i32
    %dma_wait3A_120 = tpu.memref_slice %arg9[%dma_wait3A_111, %dma_wait3A_118, %dma_wait3A_119] : memref<2x128x128xf32, #tpu.memory_space<vmem>> -> memref<1x128x128xf32, #tpu.memory_space<vmem>>
    %dma_wait3A_121 = tpu.memref_squeeze %dma_wait3A_120 : memref<1x128x128xf32, #tpu.memory_space<vmem>> -> memref<128x128xf32, #tpu.memory_space<vmem>>
    %dma_wait3A_122 = arith.constant 0 : i32
    %dma_wait3A_123 = tpu.memref_slice %arg2[%add3A_36, %dma_wait3A_122] : memref<16384x128xf32, #tpu.memory_space<hbm>> -> memref<128x128xf32, #tpu.memory_space<hbm>>
    tpu.wait_dma2 semaphore(%arg12 : memref<!tpu.dma_semaphore, #tpu.memory_space<semaphore_mem>>) src(%dma_wait3A_123 : memref<128x128xf32, #tpu.memory_space<hbm>>) dst(%dma_wait3A_121 : memref<128x128xf32, #tpu.memory_space<vmem>>)
    %dma_start3A_124 = arith.constant 0 : i32
    %dma_start3A_125 = arith.constant 0 : i32
    %dma_start3A_126 = arith.constant 0 : i32
    %dma_start3A_127 = arith.constant 0 : i32
    %dma_start3A_128 = tpu.memref_slice %arg9[%dma_start3A_124, %dma_start3A_126, %dma_start3A_127] : memref<2x128x128xf32, #tpu.memory_space<vmem>> -> memref<1x128x128xf32, #tpu.memory_space<vmem>>
    %dma_start3A_129 = tpu.memref_squeeze %dma_start3A_128 : memref<1x128x128xf32, #tpu.memory_space<vmem>> -> memref<128x128xf32, #tpu.memory_space<vmem>>
    %dma_start3A_130 = arith.constant 0 : i32
    %dma_start3A_131 = tpu.memref_slice %arg7[%dma_start3A_125, %dma_start3A_130] : memref<8x128xi32, #tpu.memory_space<vmem>> -> memref<1x128xi32, #tpu.memory_space<vmem>>
    %dma_start3A_132 = tpu.memref_squeeze %dma_start3A_131 : memref<1x128xi32, #tpu.memory_space<vmem>> -> memref<128xi32, #tpu.memory_space<vmem>>
    %dma_start3A_133 = arith.constant 0 : i32
    %dma_start3A_134 = arith.constant 0 : i32
    %dma_start3A_135 = tpu.memref_slice %arg10[%dma_start3A_133, %dma_start3A_134] : memref<8320x128xf32, #tpu.memory_space<vmem_shared>> -> memref<8320x128xf32, #tpu.memory_space<vmem_shared>>
    tpu.enqueue_indirect_dma source(%dma_start3A_129 : memref<128x128xf32, #tpu.memory_space<vmem>>) target(%dma_start3A_135 : memref<8320x128xf32, #tpu.memory_space<vmem_shared>>) offsets(%dma_start3A_132 : memref<128xi32, #tpu.memory_space<vmem>>) semaphore(%arg13 : memref<!tpu.dma_semaphore, #tpu.memory_space<semaphore_mem>>) {add = true}
    %dma_wait3A_136 = arith.constant 0 : i32
    %dma_wait3A_137 = arith.constant 0 : i32
    %dma_wait3A_138 = arith.constant 0 : i32
    %dma_wait3A_139 = arith.constant 0 : i32
    %dma_wait3A_140 = tpu.memref_slice %arg9[%dma_wait3A_136, %dma_wait3A_138, %dma_wait3A_139] : memref<2x128x128xf32, #tpu.memory_space<vmem>> -> memref<1x128x128xf32, #tpu.memory_space<vmem>>
    %dma_wait3A_141 = tpu.memref_squeeze %dma_wait3A_140 : memref<1x128x128xf32, #tpu.memory_space<vmem>> -> memref<128x128xf32, #tpu.memory_space<vmem>>
    %dma_wait3A_142 = arith.constant 0 : i32
    %dma_wait3A_143 = tpu.memref_slice %arg7[%dma_wait3A_137, %dma_wait3A_142] : memref<8x128xi32, #tpu.memory_space<vmem>> -> memref<1x128xi32, #tpu.memory_space<vmem>>
    %dma_wait3A_144 = tpu.memref_squeeze %dma_wait3A_143 : memref<1x128xi32, #tpu.memory_space<vmem>> -> memref<128xi32, #tpu.memory_space<vmem>>
    %dma_wait3A_145 = arith.constant 0 : i32
    %dma_wait3A_146 = arith.constant 0 : i32
    %dma_wait3A_147 = tpu.memref_slice %arg10[%dma_wait3A_145, %dma_wait3A_146] : memref<8320x128xf32, #tpu.memory_space<vmem_shared>> -> memref<8320x128xf32, #tpu.memory_space<vmem_shared>>
    tpu.wait_indirect_dma semaphore(%arg13 : memref<!tpu.dma_semaphore, #tpu.memory_space<semaphore_mem>>) src(%dma_wait3A_141 : memref<128x128xf32, #tpu.memory_space<vmem>>) dst(%dma_wait3A_147 : memref<8320x128xf32, #tpu.memory_space<vmem_shared>>)
    %add3A_148 = arith.constant 256 : i32
    %add3A_149 = arith.addi %mul3A_0, %add3A_148 : i32
    %dma_start3A_150 = arith.constant 0 : i32
    %dma_start3A_151 = arith.constant 0 : i32
    %dma_start3A_152 = arith.constant 0 : i32
    %dma_start3A_153 = tpu.memref_slice %arg9[%dma_start3A_150, %dma_start3A_151, %dma_start3A_152] : memref<2x128x128xf32, #tpu.memory_space<vmem>> -> memref<1x128x128xf32, #tpu.memory_space<vmem>>
    %dma_start3A_154 = tpu.memref_squeeze %dma_start3A_153 : memref<1x128x128xf32, #tpu.memory_space<vmem>> -> memref<128x128xf32, #tpu.memory_space<vmem>>
    %dma_start3A_155 = arith.constant 0 : i32
    %dma_start3A_156 = tpu.memref_slice %arg2[%add3A_149, %dma_start3A_155] : memref<16384x128xf32, #tpu.memory_space<hbm>> -> memref<128x128xf32, #tpu.memory_space<hbm>>
    %dma_start3A_157 = arith.constant 0 : i32
    %dma_start3A_158 = arith.constant 0 : i32
    %dma_start3A_159 = tpu.memref_slice %arg9[%dma_start3A_150, %dma_start3A_157, %dma_start3A_158] : memref<2x128x128xf32, #tpu.memory_space<vmem>> -> memref<1x128x128xf32, #tpu.memory_space<vmem>>
    %dma_start3A_160 = tpu.memref_squeeze %dma_start3A_159 : memref<1x128x128xf32, #tpu.memory_space<vmem>> -> memref<128x128xf32, #tpu.memory_space<vmem>>
    %dma_start3A_161 = arith.constant 0 : i32
    %dma_start3A_162 = tpu.memref_slice %arg2[%add3A_149, %dma_start3A_161] : memref<16384x128xf32, #tpu.memory_space<hbm>> -> memref<128x128xf32, #tpu.memory_space<hbm>>
    tpu.enqueue_dma source(%dma_start3A_162 : memref<128x128xf32, #tpu.memory_space<hbm>>) target(%dma_start3A_160 : memref<128x128xf32, #tpu.memory_space<vmem>>) target_semaphore(%arg12 : memref<!tpu.dma_semaphore, #tpu.memory_space<semaphore_mem>>)
    %dma_wait3A_163 = arith.constant 1 : i32
    %dma_wait3A_164 = arith.constant 0 : i32
    %dma_wait3A_165 = arith.constant 0 : i32
    %dma_wait3A_166 = tpu.memref_slice %arg9[%dma_wait3A_163, %dma_wait3A_164, %dma_wait3A_165] : memref<2x128x128xf32, #tpu.memory_space<vmem>> -> memref<1x128x128xf32, #tpu.memory_space<vmem>>
    %dma_wait3A_167 = tpu.memref_squeeze %dma_wait3A_166 : memref<1x128x128xf32, #tpu.memory_space<vmem>> -> memref<128x128xf32, #tpu.memory_space<vmem>>
    %dma_wait3A_168 = arith.constant 0 : i32
    %dma_wait3A_169 = tpu.memref_slice %arg2[%add3A_50, %dma_wait3A_168] : memref<16384x128xf32, #tpu.memory_space<hbm>> -> memref<128x128xf32, #tpu.memory_space<hbm>>
    %dma_wait3A_170 = arith.constant 0 : i32
    %dma_wait3A_171 = arith.constant 0 : i32
    %dma_wait3A_172 = tpu.memref_slice %arg9[%dma_wait3A_163, %dma_wait3A_170, %dma_wait3A_171] : memref<2x128x128xf32, #tpu.memory_space<vmem>> -> memref<1x128x128xf32, #tpu.memory_space<vmem>>
    %dma_wait3A_173 = tpu.memref_squeeze %dma_wait3A_172 : memref<1x128x128xf32, #tpu.memory_space<vmem>> -> memref<128x128xf32, #tpu.memory_space<vmem>>
    %dma_wait3A_174 = arith.constant 0 : i32
    %dma_wait3A_175 = tpu.memref_slice %arg2[%add3A_50, %dma_wait3A_174] : memref<16384x128xf32, #tpu.memory_space<hbm>> -> memref<128x128xf32, #tpu.memory_space<hbm>>
    tpu.wait_dma2 semaphore(%arg12 : memref<!tpu.dma_semaphore, #tpu.memory_space<semaphore_mem>>) src(%dma_wait3A_175 : memref<128x128xf32, #tpu.memory_space<hbm>>) dst(%dma_wait3A_173 : memref<128x128xf32, #tpu.memory_space<vmem>>)
    %dma_start3A_176 = arith.constant 1 : i32
    %dma_start3A_177 = arith.constant 1 : i32
    %dma_start3A_178 = arith.constant 0 : i32
    %dma_start3A_179 = arith.constant 0 : i32
    %dma_start3A_180 = tpu.memref_slice %arg9[%dma_start3A_176, %dma_start3A_178, %dma_start3A_179] : memref<2x128x128xf32, #tpu.memory_space<vmem>> -> memref<1x128x128xf32, #tpu.memory_space<vmem>>
    %dma_start3A_181 = tpu.memref_squeeze %dma_start3A_180 : memref<1x128x128xf32, #tpu.memory_space<vmem>> -> memref<128x128xf32, #tpu.memory_space<vmem>>
    %dma_start3A_182 = arith.constant 0 : i32
    %dma_start3A_183 = tpu.memref_slice %arg7[%dma_start3A_177, %dma_start3A_182] : memref<8x128xi32, #tpu.memory_space<vmem>> -> memref<1x128xi32, #tpu.memory_space<vmem>>
    %dma_start3A_184 = tpu.memref_squeeze %dma_start3A_183 : memref<1x128xi32, #tpu.memory_space<vmem>> -> memref<128xi32, #tpu.memory_space<vmem>>
    %dma_start3A_185 = arith.constant 0 : i32
    %dma_start3A_186 = arith.constant 0 : i32
    %dma_start3A_187 = tpu.memref_slice %arg10[%dma_start3A_185, %dma_start3A_186] : memref<8320x128xf32, #tpu.memory_space<vmem_shared>> -> memref<8320x128xf32, #tpu.memory_space<vmem_shared>>
    tpu.enqueue_indirect_dma source(%dma_start3A_181 : memref<128x128xf32, #tpu.memory_space<vmem>>) target(%dma_start3A_187 : memref<8320x128xf32, #tpu.memory_space<vmem_shared>>) offsets(%dma_start3A_184 : memref<128xi32, #tpu.memory_space<vmem>>) semaphore(%arg13 : memref<!tpu.dma_semaphore, #tpu.memory_space<semaphore_mem>>) {add = true}
    %dma_wait3A_188 = arith.constant 1 : i32
    %dma_wait3A_189 = arith.constant 1 : i32
    %dma_wait3A_190 = arith.constant 0 : i32
    %dma_wait3A_191 = arith.constant 0 : i32
    %dma_wait3A_192 = tpu.memref_slice %arg9[%dma_wait3A_188, %dma_wait3A_190, %dma_wait3A_191] : memref<2x128x128xf32, #tpu.memory_space<vmem>> -> memref<1x128x128xf32, #tpu.memory_space<vmem>>
    %dma_wait3A_193 = tpu.memref_squeeze %dma_wait3A_192 : memref<1x128x128xf32, #tpu.memory_space<vmem>> -> memref<128x128xf32, #tpu.memory_space<vmem>>
    %dma_wait3A_194 = arith.constant 0 : i32
    %dma_wait3A_195 = tpu.memref_slice %arg7[%dma_wait3A_189, %dma_wait3A_194] : memref<8x128xi32, #tpu.memory_space<vmem>> -> memref<1x128xi32, #tpu.memory_space<vmem>>
    %dma_wait3A_196 = tpu.memref_squeeze %dma_wait3A_195 : memref<1x128xi32, #tpu.memory_space<vmem>> -> memref<128xi32, #tpu.memory_space<vmem>>
    %dma_wait3A_197 = arith.constant 0 : i32
    %dma_wait3A_198 = arith.constant 0 : i32
    %dma_wait3A_199 = tpu.memref_slice %arg10[%dma_wait3A_197, %dma_wait3A_198] : memref<8320x128xf32, #tpu.memory_space<vmem_shared>> -> memref<8320x128xf32, #tpu.memory_space<vmem_shared>>
    tpu.wait_indirect_dma semaphore(%arg13 : memref<!tpu.dma_semaphore, #tpu.memory_space<semaphore_mem>>) src(%dma_wait3A_193 : memref<128x128xf32, #tpu.memory_space<vmem>>) dst(%dma_wait3A_199 : memref<8320x128xf32, #tpu.memory_space<vmem_shared>>)
    %add3A_200 = arith.constant 384 : i32
    %add3A_201 = arith.addi %mul3A_0, %add3A_200 : i32
    %dma_start3A_202 = arith.constant 1 : i32
    %dma_start3A_203 = arith.constant 0 : i32
    %dma_start3A_204 = arith.constant 0 : i32
    %dma_start3A_205 = tpu.memref_slice %arg9[%dma_start3A_202, %dma_start3A_203, %dma_start3A_204] : memref<2x128x128xf32, #tpu.memory_space<vmem>> -> memref<1x128x128xf32, #tpu.memory_space<vmem>>
    %dma_start3A_206 = tpu.memref_squeeze %dma_start3A_205 : memref<1x128x128xf32, #tpu.memory_space<vmem>> -> memref<128x128xf32, #tpu.memory_space<vmem>>
    %dma_start3A_207 = arith.constant 0 : i32
    %dma_start3A_208 = tpu.memref_slice %arg2[%add3A_201, %dma_start3A_207] : memref<16384x128xf32, #tpu.memory_space<hbm>> -> memref<128x128xf32, #tpu.memory_space<hbm>>
    %dma_start3A_209 = arith.constant 0 : i32
    %dma_start3A_210 = arith.constant 0 : i32
    %dma_start3A_211 = tpu.memref_slice %arg9[%dma_start3A_202, %dma_start3A_209, %dma_start3A_210] : memref<2x128x128xf32, #tpu.memory_space<vmem>> -> memref<1x128x128xf32, #tpu.memory_space<vmem>>
    %dma_start3A_212 = tpu.memref_squeeze %dma_start3A_211 : memref<1x128x128xf32, #tpu.memory_space<vmem>> -> memref<128x128xf32, #tpu.memory_space<vmem>>
    %dma_start3A_213 = arith.constant 0 : i32
    %dma_start3A_214 = tpu.memref_slice %arg2[%add3A_201, %dma_start3A_213] : memref<16384x128xf32, #tpu.memory_space<hbm>> -> memref<128x128xf32, #tpu.memory_space<hbm>>
    tpu.enqueue_dma source(%dma_start3A_214 : memref<128x128xf32, #tpu.memory_space<hbm>>) target(%dma_start3A_212 : memref<128x128xf32, #tpu.memory_space<vmem>>) target_semaphore(%arg12 : memref<!tpu.dma_semaphore, #tpu.memory_space<semaphore_mem>>)
    %dma_wait3A_215 = arith.constant 0 : i32
    %dma_wait3A_216 = arith.constant 0 : i32
    %dma_wait3A_217 = arith.constant 0 : i32
    %dma_wait3A_218 = tpu.memref_slice %arg9[%dma_wait3A_215, %dma_wait3A_216, %dma_wait3A_217] : memref<2x128x128xf32, #tpu.memory_space<vmem>> -> memref<1x128x128xf32, #tpu.memory_space<vmem>>
    %dma_wait3A_219 = tpu.memref_squeeze %dma_wait3A_218 : memref<1x128x128xf32, #tpu.memory_space<vmem>> -> memref<128x128xf32, #tpu.memory_space<vmem>>
    %dma_wait3A_220 = arith.constant 0 : i32
    %dma_wait3A_221 = tpu.memref_slice %arg2[%add3A_149, %dma_wait3A_220] : memref<16384x128xf32, #tpu.memory_space<hbm>> -> memref<128x128xf32, #tpu.memory_space<hbm>>
    %dma_wait3A_222 = arith.constant 0 : i32
    %dma_wait3A_223 = arith.constant 0 : i32
    %dma_wait3A_224 = tpu.memref_slice %arg9[%dma_wait3A_215, %dma_wait3A_222, %dma_wait3A_223] : memref<2x128x128xf32, #tpu.memory_space<vmem>> -> memref<1x128x128xf32, #tpu.memory_space<vmem>>
    %dma_wait3A_225 = tpu.memref_squeeze %dma_wait3A_224 : memref<1x128x128xf32, #tpu.memory_space<vmem>> -> memref<128x128xf32, #tpu.memory_space<vmem>>
    %dma_wait3A_226 = arith.constant 0 : i32
    %dma_wait3A_227 = tpu.memref_slice %arg2[%add3A_149, %dma_wait3A_226] : memref<16384x128xf32, #tpu.memory_space<hbm>> -> memref<128x128xf32, #tpu.memory_space<hbm>>
    tpu.wait_dma2 semaphore(%arg12 : memref<!tpu.dma_semaphore, #tpu.memory_space<semaphore_mem>>) src(%dma_wait3A_227 : memref<128x128xf32, #tpu.memory_space<hbm>>) dst(%dma_wait3A_225 : memref<128x128xf32, #tpu.memory_space<vmem>>)
    %dma_start3A_228 = arith.constant 0 : i32
    %dma_start3A_229 = arith.constant 2 : i32
    %dma_start3A_230 = arith.constant 0 : i32
    %dma_start3A_231 = arith.constant 0 : i32
    %dma_start3A_232 = tpu.memref_slice %arg9[%dma_start3A_228, %dma_start3A_230, %dma_start3A_231] : memref<2x128x128xf32, #tpu.memory_space<vmem>> -> memref<1x128x128xf32, #tpu.memory_space<vmem>>
    %dma_start3A_233 = tpu.memref_squeeze %dma_start3A_232 : memref<1x128x128xf32, #tpu.memory_space<vmem>> -> memref<128x128xf32, #tpu.memory_space<vmem>>
    %dma_start3A_234 = arith.constant 0 : i32
    %dma_start3A_235 = tpu.memref_slice %arg7[%dma_start3A_229, %dma_start3A_234] : memref<8x128xi32, #tpu.memory_space<vmem>> -> memref<1x128xi32, #tpu.memory_space<vmem>>
    %dma_start3A_236 = tpu.memref_squeeze %dma_start3A_235 : memref<1x128xi32, #tpu.memory_space<vmem>> -> memref<128xi32, #tpu.memory_space<vmem>>
    %dma_start3A_237 = arith.constant 0 : i32
    %dma_start3A_238 = arith.constant 0 : i32
    %dma_start3A_239 = tpu.memref_slice %arg10[%dma_start3A_237, %dma_start3A_238] : memref<8320x128xf32, #tpu.memory_space<vmem_shared>> -> memref<8320x128xf32, #tpu.memory_space<vmem_shared>>
    tpu.enqueue_indirect_dma source(%dma_start3A_233 : memref<128x128xf32, #tpu.memory_space<vmem>>) target(%dma_start3A_239 : memref<8320x128xf32, #tpu.memory_space<vmem_shared>>) offsets(%dma_start3A_236 : memref<128xi32, #tpu.memory_space<vmem>>) semaphore(%arg13 : memref<!tpu.dma_semaphore, #tpu.memory_space<semaphore_mem>>) {add = true}
    %dma_wait3A_240 = arith.constant 0 : i32
    %dma_wait3A_241 = arith.constant 2 : i32
    %dma_wait3A_242 = arith.constant 0 : i32
    %dma_wait3A_243 = arith.constant 0 : i32
    %dma_wait3A_244 = tpu.memref_slice %arg9[%dma_wait3A_240, %dma_wait3A_242, %dma_wait3A_243] : memref<2x128x128xf32, #tpu.memory_space<vmem>> -> memref<1x128x128xf32, #tpu.memory_space<vmem>>
    %dma_wait3A_245 = tpu.memref_squeeze %dma_wait3A_244 : memref<1x128x128xf32, #tpu.memory_space<vmem>> -> memref<128x128xf32, #tpu.memory_space<vmem>>
    %dma_wait3A_246 = arith.constant 0 : i32
    %dma_wait3A_247 = tpu.memref_slice %arg7[%dma_wait3A_241, %dma_wait3A_246] : memref<8x128xi32, #tpu.memory_space<vmem>> -> memref<1x128xi32, #tpu.memory_space<vmem>>
    %dma_wait3A_248 = tpu.memref_squeeze %dma_wait3A_247 : memref<1x128xi32, #tpu.memory_space<vmem>> -> memref<128xi32, #tpu.memory_space<vmem>>
    %dma_wait3A_249 = arith.constant 0 : i32
    %dma_wait3A_250 = arith.constant 0 : i32
    %dma_wait3A_251 = tpu.memref_slice %arg10[%dma_wait3A_249, %dma_wait3A_250] : memref<8320x128xf32, #tpu.memory_space<vmem_shared>> -> memref<8320x128xf32, #tpu.memory_space<vmem_shared>>
    tpu.wait_indirect_dma semaphore(%arg13 : memref<!tpu.dma_semaphore, #tpu.memory_space<semaphore_mem>>) src(%dma_wait3A_245 : memref<128x128xf32, #tpu.memory_space<vmem>>) dst(%dma_wait3A_251 : memref<8320x128xf32, #tpu.memory_space<vmem_shared>>)
    %add3A_252 = arith.constant 512 : i32
    %add3A_253 = arith.addi %mul3A_0, %add3A_252 : i32
    %dma_start3A_254 = arith.constant 0 : i32
    %dma_start3A_255 = arith.constant 0 : i32
    %dma_start3A_256 = arith.constant 0 : i32
    %dma_start3A_257 = tpu.memref_slice %arg9[%dma_start3A_254, %dma_start3A_255, %dma_start3A_256] : memref<2x128x128xf32, #tpu.memory_space<vmem>> -> memref<1x128x128xf32, #tpu.memory_space<vmem>>
    %dma_start3A_258 = tpu.memref_squeeze %dma_start3A_257 : memref<1x128x128xf32, #tpu.memory_space<vmem>> -> memref<128x128xf32, #tpu.memory_space<vmem>>
    %dma_start3A_259 = arith.constant 0 : i32
    %dma_start3A_260 = tpu.memref_slice %arg2[%add3A_253, %dma_start3A_259] : memref<16384x128xf32, #tpu.memory_space<hbm>> -> memref<128x128xf32, #tpu.memory_space<hbm>>
    %dma_start3A_261 = arith.constant 0 : i32
    %dma_start3A_262 = arith.constant 0 : i32
    %dma_start3A_263 = tpu.memref_slice %arg9[%dma_start3A_254, %dma_start3A_261, %dma_start3A_262] : memref<2x128x128xf32, #tpu.memory_space<vmem>> -> memref<1x128x128xf32, #tpu.memory_space<vmem>>
    %dma_start3A_264 = tpu.memref_squeeze %dma_start3A_263 : memref<1x128x128xf32, #tpu.memory_space<vmem>> -> memref<128x128xf32, #tpu.memory_space<vmem>>
    %dma_start3A_265 = arith.constant 0 : i32
    %dma_start3A_266 = tpu.memref_slice %arg2[%add3A_253, %dma_start3A_265] : memref<16384x128xf32, #tpu.memory_space<hbm>> -> memref<128x128xf32, #tpu.memory_space<hbm>>
    tpu.enqueue_dma source(%dma_start3A_266 : memref<128x128xf32, #tpu.memory_space<hbm>>) target(%dma_start3A_264 : memref<128x128xf32, #tpu.memory_space<vmem>>) target_semaphore(%arg12 : memref<!tpu.dma_semaphore, #tpu.memory_space<semaphore_mem>>)
    %dma_wait3A_267 = arith.constant 1 : i32
    %dma_wait3A_268 = arith.constant 0 : i32
    %dma_wait3A_269 = arith.constant 0 : i32
    %dma_wait3A_270 = tpu.memref_slice %arg9[%dma_wait3A_267, %dma_wait3A_268, %dma_wait3A_269] : memref<2x128x128xf32, #tpu.memory_space<vmem>> -> memref<1x128x128xf32, #tpu.memory_space<vmem>>
    %dma_wait3A_271 = tpu.memref_squeeze %dma_wait3A_270 : memref<1x128x128xf32, #tpu.memory_space<vmem>> -> memref<128x128xf32, #tpu.memory_space<vmem>>
    %dma_wait3A_272 = arith.constant 0 : i32
    %dma_wait3A_273 = tpu.memref_slice %arg2[%add3A_201, %dma_wait3A_272] : memref<16384x128xf32, #tpu.memory_space<hbm>> -> memref<128x128xf32, #tpu.memory_space<hbm>>
    %dma_wait3A_274 = arith.constant 0 : i32
    %dma_wait3A_275 = arith.constant 0 : i32
    %dma_wait3A_276 = tpu.memref_slice %arg9[%dma_wait3A_267, %dma_wait3A_274, %dma_wait3A_275] : memref<2x128x128xf32, #tpu.memory_space<vmem>> -> memref<1x128x128xf32, #tpu.memory_space<vmem>>
    %dma_wait3A_277 = tpu.memref_squeeze %dma_wait3A_276 : memref<1x128x128xf32, #tpu.memory_space<vmem>> -> memref<128x128xf32, #tpu.memory_space<vmem>>
    %dma_wait3A_278 = arith.constant 0 : i32
    %dma_wait3A_279 = tpu.memref_slice %arg2[%add3A_201, %dma_wait3A_278] : memref<16384x128xf32, #tpu.memory_space<hbm>> -> memref<128x128xf32, #tpu.memory_space<hbm>>
    tpu.wait_dma2 semaphore(%arg12 : memref<!tpu.dma_semaphore, #tpu.memory_space<semaphore_mem>>) src(%dma_wait3A_279 : memref<128x128xf32, #tpu.memory_space<hbm>>) dst(%dma_wait3A_277 : memref<128x128xf32, #tpu.memory_space<vmem>>)
    %dma_start3A_280 = arith.constant 1 : i32
    %dma_start3A_281 = arith.constant 3 : i32
    %dma_start3A_282 = arith.constant 0 : i32
    %dma_start3A_283 = arith.constant 0 : i32
    %dma_start3A_284 = tpu.memref_slice %arg9[%dma_start3A_280, %dma_start3A_282, %dma_start3A_283] : memref<2x128x128xf32, #tpu.memory_space<vmem>> -> memref<1x128x128xf32, #tpu.memory_space<vmem>>
    %dma_start3A_285 = tpu.memref_squeeze %dma_start3A_284 : memref<1x128x128xf32, #tpu.memory_space<vmem>> -> memref<128x128xf32, #tpu.memory_space<vmem>>
    %dma_start3A_286 = arith.constant 0 : i32
    %dma_start3A_287 = tpu.memref_slice %arg7[%dma_start3A_281, %dma_start3A_286] : memref<8x128xi32, #tpu.memory_space<vmem>> -> memref<1x128xi32, #tpu.memory_space<vmem>>
    %dma_start3A_288 = tpu.memref_squeeze %dma_start3A_287 : memref<1x128xi32, #tpu.memory_space<vmem>> -> memref<128xi32, #tpu.memory_space<vmem>>
    %dma_start3A_289 = arith.constant 0 : i32
    %dma_start3A_290 = arith.constant 0 : i32
    %dma_start3A_291 = tpu.memref_slice %arg10[%dma_start3A_289, %dma_start3A_290] : memref<8320x128xf32, #tpu.memory_space<vmem_shared>> -> memref<8320x128xf32, #tpu.memory_space<vmem_shared>>
    tpu.enqueue_indirect_dma source(%dma_start3A_285 : memref<128x128xf32, #tpu.memory_space<vmem>>) target(%dma_start3A_291 : memref<8320x128xf32, #tpu.memory_space<vmem_shared>>) offsets(%dma_start3A_288 : memref<128xi32, #tpu.memory_space<vmem>>) semaphore(%arg13 : memref<!tpu.dma_semaphore, #tpu.memory_space<semaphore_mem>>) {add = true}
    %dma_wait3A_292 = arith.constant 1 : i32
    %dma_wait3A_293 = arith.constant 3 : i32
    %dma_wait3A_294 = arith.constant 0 : i32
    %dma_wait3A_295 = arith.constant 0 : i32
    %dma_wait3A_296 = tpu.memref_slice %arg9[%dma_wait3A_292, %dma_wait3A_294, %dma_wait3A_295] : memref<2x128x128xf32, #tpu.memory_space<vmem>> -> memref<1x128x128xf32, #tpu.memory_space<vmem>>
    %dma_wait3A_297 = tpu.memref_squeeze %dma_wait3A_296 : memref<1x128x128xf32, #tpu.memory_space<vmem>> -> memref<128x128xf32, #tpu.memory_space<vmem>>
    %dma_wait3A_298 = arith.constant 0 : i32
    %dma_wait3A_299 = tpu.memref_slice %arg7[%dma_wait3A_293, %dma_wait3A_298] : memref<8x128xi32, #tpu.memory_space<vmem>> -> memref<1x128xi32, #tpu.memory_space<vmem>>
    %dma_wait3A_300 = tpu.memref_squeeze %dma_wait3A_299 : memref<1x128xi32, #tpu.memory_space<vmem>> -> memref<128xi32, #tpu.memory_space<vmem>>
    %dma_wait3A_301 = arith.constant 0 : i32
    %dma_wait3A_302 = arith.constant 0 : i32
    %dma_wait3A_303 = tpu.memref_slice %arg10[%dma_wait3A_301, %dma_wait3A_302] : memref<8320x128xf32, #tpu.memory_space<vmem_shared>> -> memref<8320x128xf32, #tpu.memory_space<vmem_shared>>
    tpu.wait_indirect_dma semaphore(%arg13 : memref<!tpu.dma_semaphore, #tpu.memory_space<semaphore_mem>>) src(%dma_wait3A_297 : memref<128x128xf32, #tpu.memory_space<vmem>>) dst(%dma_wait3A_303 : memref<8320x128xf32, #tpu.memory_space<vmem_shared>>)
    %add3A_304 = arith.constant 640 : i32
    %add3A_305 = arith.addi %mul3A_0, %add3A_304 : i32
    %dma_start3A_306 = arith.constant 1 : i32
    %dma_start3A_307 = arith.constant 0 : i32
    %dma_start3A_308 = arith.constant 0 : i32
    %dma_start3A_309 = tpu.memref_slice %arg9[%dma_start3A_306, %dma_start3A_307, %dma_start3A_308] : memref<2x128x128xf32, #tpu.memory_space<vmem>> -> memref<1x128x128xf32, #tpu.memory_space<vmem>>
    %dma_start3A_310 = tpu.memref_squeeze %dma_start3A_309 : memref<1x128x128xf32, #tpu.memory_space<vmem>> -> memref<128x128xf32, #tpu.memory_space<vmem>>
    %dma_start3A_311 = arith.constant 0 : i32
    %dma_start3A_312 = tpu.memref_slice %arg2[%add3A_305, %dma_start3A_311] : memref<16384x128xf32, #tpu.memory_space<hbm>> -> memref<128x128xf32, #tpu.memory_space<hbm>>
    %dma_start3A_313 = arith.constant 0 : i32
    %dma_start3A_314 = arith.constant 0 : i32
    %dma_start3A_315 = tpu.memref_slice %arg9[%dma_start3A_306, %dma_start3A_313, %dma_start3A_314] : memref<2x128x128xf32, #tpu.memory_space<vmem>> -> memref<1x128x128xf32, #tpu.memory_space<vmem>>
    %dma_start3A_316 = tpu.memref_squeeze %dma_start3A_315 : memref<1x128x128xf32, #tpu.memory_space<vmem>> -> memref<128x128xf32, #tpu.memory_space<vmem>>
    %dma_start3A_317 = arith.constant 0 : i32
    %dma_start3A_318 = tpu.memref_slice %arg2[%add3A_305, %dma_start3A_317] : memref<16384x128xf32, #tpu.memory_space<hbm>> -> memref<128x128xf32, #tpu.memory_space<hbm>>
    tpu.enqueue_dma source(%dma_start3A_318 : memref<128x128xf32, #tpu.memory_space<hbm>>) target(%dma_start3A_316 : memref<128x128xf32, #tpu.memory_space<vmem>>) target_semaphore(%arg12 : memref<!tpu.dma_semaphore, #tpu.memory_space<semaphore_mem>>)
    %dma_wait3A_319 = arith.constant 0 : i32
    %dma_wait3A_320 = arith.constant 0 : i32
    %dma_wait3A_321 = arith.constant 0 : i32
    %dma_wait3A_322 = tpu.memref_slice %arg9[%dma_wait3A_319, %dma_wait3A_320, %dma_wait3A_321] : memref<2x128x128xf32, #tpu.memory_space<vmem>> -> memref<1x128x128xf32, #tpu.memory_space<vmem>>
    %dma_wait3A_323 = tpu.memref_squeeze %dma_wait3A_322 : memref<1x128x128xf32, #tpu.memory_space<vmem>> -> memref<128x128xf32, #tpu.memory_space<vmem>>
    %dma_wait3A_324 = arith.constant 0 : i32
    %dma_wait3A_325 = tpu.memref_slice %arg2[%add3A_253, %dma_wait3A_324] : memref<16384x128xf32, #tpu.memory_space<hbm>> -> memref<128x128xf32, #tpu.memory_space<hbm>>
    %dma_wait3A_326 = arith.constant 0 : i32
    %dma_wait3A_327 = arith.constant 0 : i32
    %dma_wait3A_328 = tpu.memref_slice %arg9[%dma_wait3A_319, %dma_wait3A_326, %dma_wait3A_327] : memref<2x128x128xf32, #tpu.memory_space<vmem>> -> memref<1x128x128xf32, #tpu.memory_space<vmem>>
    %dma_wait3A_329 = tpu.memref_squeeze %dma_wait3A_328 : memref<1x128x128xf32, #tpu.memory_space<vmem>> -> memref<128x128xf32, #tpu.memory_space<vmem>>
    %dma_wait3A_330 = arith.constant 0 : i32
    %dma_wait3A_331 = tpu.memref_slice %arg2[%add3A_253, %dma_wait3A_330] : memref<16384x128xf32, #tpu.memory_space<hbm>> -> memref<128x128xf32, #tpu.memory_space<hbm>>
    tpu.wait_dma2 semaphore(%arg12 : memref<!tpu.dma_semaphore, #tpu.memory_space<semaphore_mem>>) src(%dma_wait3A_331 : memref<128x128xf32, #tpu.memory_space<hbm>>) dst(%dma_wait3A_329 : memref<128x128xf32, #tpu.memory_space<vmem>>)
    %dma_start3A_332 = arith.constant 0 : i32
    %dma_start3A_333 = arith.constant 4 : i32
    %dma_start3A_334 = arith.constant 0 : i32
    %dma_start3A_335 = arith.constant 0 : i32
    %dma_start3A_336 = tpu.memref_slice %arg9[%dma_start3A_332, %dma_start3A_334, %dma_start3A_335] : memref<2x128x128xf32, #tpu.memory_space<vmem>> -> memref<1x128x128xf32, #tpu.memory_space<vmem>>
    %dma_start3A_337 = tpu.memref_squeeze %dma_start3A_336 : memref<1x128x128xf32, #tpu.memory_space<vmem>> -> memref<128x128xf32, #tpu.memory_space<vmem>>
    %dma_start3A_338 = arith.constant 0 : i32
    %dma_start3A_339 = tpu.memref_slice %arg7[%dma_start3A_333, %dma_start3A_338] : memref<8x128xi32, #tpu.memory_space<vmem>> -> memref<1x128xi32, #tpu.memory_space<vmem>>
    %dma_start3A_340 = tpu.memref_squeeze %dma_start3A_339 : memref<1x128xi32, #tpu.memory_space<vmem>> -> memref<128xi32, #tpu.memory_space<vmem>>
    %dma_start3A_341 = arith.constant 0 : i32
    %dma_start3A_342 = arith.constant 0 : i32
    %dma_start3A_343 = tpu.memref_slice %arg10[%dma_start3A_341, %dma_start3A_342] : memref<8320x128xf32, #tpu.memory_space<vmem_shared>> -> memref<8320x128xf32, #tpu.memory_space<vmem_shared>>
    tpu.enqueue_indirect_dma source(%dma_start3A_337 : memref<128x128xf32, #tpu.memory_space<vmem>>) target(%dma_start3A_343 : memref<8320x128xf32, #tpu.memory_space<vmem_shared>>) offsets(%dma_start3A_340 : memref<128xi32, #tpu.memory_space<vmem>>) semaphore(%arg13 : memref<!tpu.dma_semaphore, #tpu.memory_space<semaphore_mem>>) {add = true}
    %dma_wait3A_344 = arith.constant 0 : i32
    %dma_wait3A_345 = arith.constant 4 : i32
    %dma_wait3A_346 = arith.constant 0 : i32
    %dma_wait3A_347 = arith.constant 0 : i32
    %dma_wait3A_348 = tpu.memref_slice %arg9[%dma_wait3A_344, %dma_wait3A_346, %dma_wait3A_347] : memref<2x128x128xf32, #tpu.memory_space<vmem>> -> memref<1x128x128xf32, #tpu.memory_space<vmem>>
    %dma_wait3A_349 = tpu.memref_squeeze %dma_wait3A_348 : memref<1x128x128xf32, #tpu.memory_space<vmem>> -> memref<128x128xf32, #tpu.memory_space<vmem>>
    %dma_wait3A_350 = arith.constant 0 : i32
    %dma_wait3A_351 = tpu.memref_slice %arg7[%dma_wait3A_345, %dma_wait3A_350] : memref<8x128xi32, #tpu.memory_space<vmem>> -> memref<1x128xi32, #tpu.memory_space<vmem>>
    %dma_wait3A_352 = tpu.memref_squeeze %dma_wait3A_351 : memref<1x128xi32, #tpu.memory_space<vmem>> -> memref<128xi32, #tpu.memory_space<vmem>>
    %dma_wait3A_353 = arith.constant 0 : i32
    %dma_wait3A_354 = arith.constant 0 : i32
    %dma_wait3A_355 = tpu.memref_slice %arg10[%dma_wait3A_353, %dma_wait3A_354] : memref<8320x128xf32, #tpu.memory_space<vmem_shared>> -> memref<8320x128xf32, #tpu.memory_space<vmem_shared>>
    tpu.wait_indirect_dma semaphore(%arg13 : memref<!tpu.dma_semaphore, #tpu.memory_space<semaphore_mem>>) src(%dma_wait3A_349 : memref<128x128xf32, #tpu.memory_space<vmem>>) dst(%dma_wait3A_355 : memref<8320x128xf32, #tpu.memory_space<vmem_shared>>)
    %add3A_356 = arith.constant 768 : i32
    %add3A_357 = arith.addi %mul3A_0, %add3A_356 : i32
    %dma_start3A_358 = arith.constant 0 : i32
    %dma_start3A_359 = arith.constant 0 : i32
    %dma_start3A_360 = arith.constant 0 : i32
    %dma_start3A_361 = tpu.memref_slice %arg9[%dma_start3A_358, %dma_start3A_359, %dma_start3A_360] : memref<2x128x128xf32, #tpu.memory_space<vmem>> -> memref<1x128x128xf32, #tpu.memory_space<vmem>>
    %dma_start3A_362 = tpu.memref_squeeze %dma_start3A_361 : memref<1x128x128xf32, #tpu.memory_space<vmem>> -> memref<128x128xf32, #tpu.memory_space<vmem>>
    %dma_start3A_363 = arith.constant 0 : i32
    %dma_start3A_364 = tpu.memref_slice %arg2[%add3A_357, %dma_start3A_363] : memref<16384x128xf32, #tpu.memory_space<hbm>> -> memref<128x128xf32, #tpu.memory_space<hbm>>
    %dma_start3A_365 = arith.constant 0 : i32
    %dma_start3A_366 = arith.constant 0 : i32
    %dma_start3A_367 = tpu.memref_slice %arg9[%dma_start3A_358, %dma_start3A_365, %dma_start3A_366] : memref<2x128x128xf32, #tpu.memory_space<vmem>> -> memref<1x128x128xf32, #tpu.memory_space<vmem>>
    %dma_start3A_368 = tpu.memref_squeeze %dma_start3A_367 : memref<1x128x128xf32, #tpu.memory_space<vmem>> -> memref<128x128xf32, #tpu.memory_space<vmem>>
    %dma_start3A_369 = arith.constant 0 : i32
    %dma_start3A_370 = tpu.memref_slice %arg2[%add3A_357, %dma_start3A_369] : memref<16384x128xf32, #tpu.memory_space<hbm>> -> memref<128x128xf32, #tpu.memory_space<hbm>>
    tpu.enqueue_dma source(%dma_start3A_370 : memref<128x128xf32, #tpu.memory_space<hbm>>) target(%dma_start3A_368 : memref<128x128xf32, #tpu.memory_space<vmem>>) target_semaphore(%arg12 : memref<!tpu.dma_semaphore, #tpu.memory_space<semaphore_mem>>)
    %dma_wait3A_371 = arith.constant 1 : i32
    %dma_wait3A_372 = arith.constant 0 : i32
    %dma_wait3A_373 = arith.constant 0 : i32
    %dma_wait3A_374 = tpu.memref_slice %arg9[%dma_wait3A_371, %dma_wait3A_372, %dma_wait3A_373] : memref<2x128x128xf32, #tpu.memory_space<vmem>> -> memref<1x128x128xf32, #tpu.memory_space<vmem>>
    %dma_wait3A_375 = tpu.memref_squeeze %dma_wait3A_374 : memref<1x128x128xf32, #tpu.memory_space<vmem>> -> memref<128x128xf32, #tpu.memory_space<vmem>>
    %dma_wait3A_376 = arith.constant 0 : i32
    %dma_wait3A_377 = tpu.memref_slice %arg2[%add3A_305, %dma_wait3A_376] : memref<16384x128xf32, #tpu.memory_space<hbm>> -> memref<128x128xf32, #tpu.memory_space<hbm>>
    %dma_wait3A_378 = arith.constant 0 : i32
    %dma_wait3A_379 = arith.constant 0 : i32
    %dma_wait3A_380 = tpu.memref_slice %arg9[%dma_wait3A_371, %dma_wait3A_378, %dma_wait3A_379] : memref<2x128x128xf32, #tpu.memory_space<vmem>> -> memref<1x128x128xf32, #tpu.memory_space<vmem>>
    %dma_wait3A_381 = tpu.memref_squeeze %dma_wait3A_380 : memref<1x128x128xf32, #tpu.memory_space<vmem>> -> memref<128x128xf32, #tpu.memory_space<vmem>>
    %dma_wait3A_382 = arith.constant 0 : i32
    %dma_wait3A_383 = tpu.memref_slice %arg2[%add3A_305, %dma_wait3A_382] : memref<16384x128xf32, #tpu.memory_space<hbm>> -> memref<128x128xf32, #tpu.memory_space<hbm>>
    tpu.wait_dma2 semaphore(%arg12 : memref<!tpu.dma_semaphore, #tpu.memory_space<semaphore_mem>>) src(%dma_wait3A_383 : memref<128x128xf32, #tpu.memory_space<hbm>>) dst(%dma_wait3A_381 : memref<128x128xf32, #tpu.memory_space<vmem>>)
    %dma_start3A_384 = arith.constant 1 : i32
    %dma_start3A_385 = arith.constant 5 : i32
    %dma_start3A_386 = arith.constant 0 : i32
    %dma_start3A_387 = arith.constant 0 : i32
    %dma_start3A_388 = tpu.memref_slice %arg9[%dma_start3A_384, %dma_start3A_386, %dma_start3A_387] : memref<2x128x128xf32, #tpu.memory_space<vmem>> -> memref<1x128x128xf32, #tpu.memory_space<vmem>>
    %dma_start3A_389 = tpu.memref_squeeze %dma_start3A_388 : memref<1x128x128xf32, #tpu.memory_space<vmem>> -> memref<128x128xf32, #tpu.memory_space<vmem>>
    %dma_start3A_390 = arith.constant 0 : i32
    %dma_start3A_391 = tpu.memref_slice %arg7[%dma_start3A_385, %dma_start3A_390] : memref<8x128xi32, #tpu.memory_space<vmem>> -> memref<1x128xi32, #tpu.memory_space<vmem>>
    %dma_start3A_392 = tpu.memref_squeeze %dma_start3A_391 : memref<1x128xi32, #tpu.memory_space<vmem>> -> memref<128xi32, #tpu.memory_space<vmem>>
    %dma_start3A_393 = arith.constant 0 : i32
    %dma_start3A_394 = arith.constant 0 : i32
    %dma_start3A_395 = tpu.memref_slice %arg10[%dma_start3A_393, %dma_start3A_394] : memref<8320x128xf32, #tpu.memory_space<vmem_shared>> -> memref<8320x128xf32, #tpu.memory_space<vmem_shared>>
    tpu.enqueue_indirect_dma source(%dma_start3A_389 : memref<128x128xf32, #tpu.memory_space<vmem>>) target(%dma_start3A_395 : memref<8320x128xf32, #tpu.memory_space<vmem_shared>>) offsets(%dma_start3A_392 : memref<128xi32, #tpu.memory_space<vmem>>) semaphore(%arg13 : memref<!tpu.dma_semaphore, #tpu.memory_space<semaphore_mem>>) {add = true}
    %dma_wait3A_396 = arith.constant 1 : i32
    %dma_wait3A_397 = arith.constant 5 : i32
    %dma_wait3A_398 = arith.constant 0 : i32
    %dma_wait3A_399 = arith.constant 0 : i32
    %dma_wait3A_400 = tpu.memref_slice %arg9[%dma_wait3A_396, %dma_wait3A_398, %dma_wait3A_399] : memref<2x128x128xf32, #tpu.memory_space<vmem>> -> memref<1x128x128xf32, #tpu.memory_space<vmem>>
    %dma_wait3A_401 = tpu.memref_squeeze %dma_wait3A_400 : memref<1x128x128xf32, #tpu.memory_space<vmem>> -> memref<128x128xf32, #tpu.memory_space<vmem>>
    %dma_wait3A_402 = arith.constant 0 : i32
    %dma_wait3A_403 = tpu.memref_slice %arg7[%dma_wait3A_397, %dma_wait3A_402] : memref<8x128xi32, #tpu.memory_space<vmem>> -> memref<1x128xi32, #tpu.memory_space<vmem>>
    %dma_wait3A_404 = tpu.memref_squeeze %dma_wait3A_403 : memref<1x128xi32, #tpu.memory_space<vmem>> -> memref<128xi32, #tpu.memory_space<vmem>>
    %dma_wait3A_405 = arith.constant 0 : i32
    %dma_wait3A_406 = arith.constant 0 : i32
    %dma_wait3A_407 = tpu.memref_slice %arg10[%dma_wait3A_405, %dma_wait3A_406] : memref<8320x128xf32, #tpu.memory_space<vmem_shared>> -> memref<8320x128xf32, #tpu.memory_space<vmem_shared>>
    tpu.wait_indirect_dma semaphore(%arg13 : memref<!tpu.dma_semaphore, #tpu.memory_space<semaphore_mem>>) src(%dma_wait3A_401 : memref<128x128xf32, #tpu.memory_space<vmem>>) dst(%dma_wait3A_407 : memref<8320x128xf32, #tpu.memory_space<vmem_shared>>)
    %add3A_408 = arith.constant 896 : i32
    %add3A_409 = arith.addi %mul3A_0, %add3A_408 : i32
    %dma_start3A_410 = arith.constant 1 : i32
    %dma_start3A_411 = arith.constant 0 : i32
    %dma_start3A_412 = arith.constant 0 : i32
    %dma_start3A_413 = tpu.memref_slice %arg9[%dma_start3A_410, %dma_start3A_411, %dma_start3A_412] : memref<2x128x128xf32, #tpu.memory_space<vmem>> -> memref<1x128x128xf32, #tpu.memory_space<vmem>>
    %dma_start3A_414 = tpu.memref_squeeze %dma_start3A_413 : memref<1x128x128xf32, #tpu.memory_space<vmem>> -> memref<128x128xf32, #tpu.memory_space<vmem>>
    %dma_start3A_415 = arith.constant 0 : i32
    %dma_start3A_416 = tpu.memref_slice %arg2[%add3A_409, %dma_start3A_415] : memref<16384x128xf32, #tpu.memory_space<hbm>> -> memref<128x128xf32, #tpu.memory_space<hbm>>
    %dma_start3A_417 = arith.constant 0 : i32
    %dma_start3A_418 = arith.constant 0 : i32
    %dma_start3A_419 = tpu.memref_slice %arg9[%dma_start3A_410, %dma_start3A_417, %dma_start3A_418] : memref<2x128x128xf32, #tpu.memory_space<vmem>> -> memref<1x128x128xf32, #tpu.memory_space<vmem>>
    %dma_start3A_420 = tpu.memref_squeeze %dma_start3A_419 : memref<1x128x128xf32, #tpu.memory_space<vmem>> -> memref<128x128xf32, #tpu.memory_space<vmem>>
    %dma_start3A_421 = arith.constant 0 : i32
    %dma_start3A_422 = tpu.memref_slice %arg2[%add3A_409, %dma_start3A_421] : memref<16384x128xf32, #tpu.memory_space<hbm>> -> memref<128x128xf32, #tpu.memory_space<hbm>>
    tpu.enqueue_dma source(%dma_start3A_422 : memref<128x128xf32, #tpu.memory_space<hbm>>) target(%dma_start3A_420 : memref<128x128xf32, #tpu.memory_space<vmem>>) target_semaphore(%arg12 : memref<!tpu.dma_semaphore, #tpu.memory_space<semaphore_mem>>)
    %dma_wait3A_423 = arith.constant 0 : i32
    %dma_wait3A_424 = arith.constant 0 : i32
    %dma_wait3A_425 = arith.constant 0 : i32
    %dma_wait3A_426 = tpu.memref_slice %arg9[%dma_wait3A_423, %dma_wait3A_424, %dma_wait3A_425] : memref<2x128x128xf32, #tpu.memory_space<vmem>> -> memref<1x128x128xf32, #tpu.memory_space<vmem>>
    %dma_wait3A_427 = tpu.memref_squeeze %dma_wait3A_426 : memref<1x128x128xf32, #tpu.memory_space<vmem>> -> memref<128x128xf32, #tpu.memory_space<vmem>>
    %dma_wait3A_428 = arith.constant 0 : i32
    %dma_wait3A_429 = tpu.memref_slice %arg2[%add3A_357, %dma_wait3A_428] : memref<16384x128xf32, #tpu.memory_space<hbm>> -> memref<128x128xf32, #tpu.memory_space<hbm>>
    %dma_wait3A_430 = arith.constant 0 : i32
    %dma_wait3A_431 = arith.constant 0 : i32
    %dma_wait3A_432 = tpu.memref_slice %arg9[%dma_wait3A_423, %dma_wait3A_430, %dma_wait3A_431] : memref<2x128x128xf32, #tpu.memory_space<vmem>> -> memref<1x128x128xf32, #tpu.memory_space<vmem>>
    %dma_wait3A_433 = tpu.memref_squeeze %dma_wait3A_432 : memref<1x128x128xf32, #tpu.memory_space<vmem>> -> memref<128x128xf32, #tpu.memory_space<vmem>>
    %dma_wait3A_434 = arith.constant 0 : i32
    %dma_wait3A_435 = tpu.memref_slice %arg2[%add3A_357, %dma_wait3A_434] : memref<16384x128xf32, #tpu.memory_space<hbm>> -> memref<128x128xf32, #tpu.memory_space<hbm>>
    tpu.wait_dma2 semaphore(%arg12 : memref<!tpu.dma_semaphore, #tpu.memory_space<semaphore_mem>>) src(%dma_wait3A_435 : memref<128x128xf32, #tpu.memory_space<hbm>>) dst(%dma_wait3A_433 : memref<128x128xf32, #tpu.memory_space<vmem>>)
    %dma_start3A_436 = arith.constant 0 : i32
    %dma_start3A_437 = arith.constant 6 : i32
    %dma_start3A_438 = arith.constant 0 : i32
    %dma_start3A_439 = arith.constant 0 : i32
    %dma_start3A_440 = tpu.memref_slice %arg9[%dma_start3A_436, %dma_start3A_438, %dma_start3A_439] : memref<2x128x128xf32, #tpu.memory_space<vmem>> -> memref<1x128x128xf32, #tpu.memory_space<vmem>>
    %dma_start3A_441 = tpu.memref_squeeze %dma_start3A_440 : memref<1x128x128xf32, #tpu.memory_space<vmem>> -> memref<128x128xf32, #tpu.memory_space<vmem>>
    %dma_start3A_442 = arith.constant 0 : i32
    %dma_start3A_443 = tpu.memref_slice %arg7[%dma_start3A_437, %dma_start3A_442] : memref<8x128xi32, #tpu.memory_space<vmem>> -> memref<1x128xi32, #tpu.memory_space<vmem>>
    %dma_start3A_444 = tpu.memref_squeeze %dma_start3A_443 : memref<1x128xi32, #tpu.memory_space<vmem>> -> memref<128xi32, #tpu.memory_space<vmem>>
    %dma_start3A_445 = arith.constant 0 : i32
    %dma_start3A_446 = arith.constant 0 : i32
    %dma_start3A_447 = tpu.memref_slice %arg10[%dma_start3A_445, %dma_start3A_446] : memref<8320x128xf32, #tpu.memory_space<vmem_shared>> -> memref<8320x128xf32, #tpu.memory_space<vmem_shared>>
    tpu.enqueue_indirect_dma source(%dma_start3A_441 : memref<128x128xf32, #tpu.memory_space<vmem>>) target(%dma_start3A_447 : memref<8320x128xf32, #tpu.memory_space<vmem_shared>>) offsets(%dma_start3A_444 : memref<128xi32, #tpu.memory_space<vmem>>) semaphore(%arg13 : memref<!tpu.dma_semaphore, #tpu.memory_space<semaphore_mem>>) {add = true}
    %dma_wait3A_448 = arith.constant 1 : i32
    %dma_wait3A_449 = arith.constant 0 : i32
    %dma_wait3A_450 = arith.constant 0 : i32
    %dma_wait3A_451 = tpu.memref_slice %arg9[%dma_wait3A_448, %dma_wait3A_449, %dma_wait3A_450] : memref<2x128x128xf32, #tpu.memory_space<vmem>> -> memref<1x128x128xf32, #tpu.memory_space<vmem>>
    %dma_wait3A_452 = tpu.memref_squeeze %dma_wait3A_451 : memref<1x128x128xf32, #tpu.memory_space<vmem>> -> memref<128x128xf32, #tpu.memory_space<vmem>>
    %dma_wait3A_453 = arith.constant 0 : i32
    %dma_wait3A_454 = tpu.memref_slice %arg2[%add3A_409, %dma_wait3A_453] : memref<16384x128xf32, #tpu.memory_space<hbm>> -> memref<128x128xf32, #tpu.memory_space<hbm>>
    %dma_wait3A_455 = arith.constant 0 : i32
    %dma_wait3A_456 = arith.constant 0 : i32
    %dma_wait3A_457 = tpu.memref_slice %arg9[%dma_wait3A_448, %dma_wait3A_455, %dma_wait3A_456] : memref<2x128x128xf32, #tpu.memory_space<vmem>> -> memref<1x128x128xf32, #tpu.memory_space<vmem>>
    %dma_wait3A_458 = tpu.memref_squeeze %dma_wait3A_457 : memref<1x128x128xf32, #tpu.memory_space<vmem>> -> memref<128x128xf32, #tpu.memory_space<vmem>>
    %dma_wait3A_459 = arith.constant 0 : i32
    %dma_wait3A_460 = tpu.memref_slice %arg2[%add3A_409, %dma_wait3A_459] : memref<16384x128xf32, #tpu.memory_space<hbm>> -> memref<128x128xf32, #tpu.memory_space<hbm>>
    tpu.wait_dma2 semaphore(%arg12 : memref<!tpu.dma_semaphore, #tpu.memory_space<semaphore_mem>>) src(%dma_wait3A_460 : memref<128x128xf32, #tpu.memory_space<hbm>>) dst(%dma_wait3A_458 : memref<128x128xf32, #tpu.memory_space<vmem>>)
    %dma_start3A_461 = arith.constant 1 : i32
    %dma_start3A_462 = arith.constant 7 : i32
    %dma_start3A_463 = arith.constant 0 : i32
    %dma_start3A_464 = arith.constant 0 : i32
    %dma_start3A_465 = tpu.memref_slice %arg9[%dma_start3A_461, %dma_start3A_463, %dma_start3A_464] : memref<2x128x128xf32, #tpu.memory_space<vmem>> -> memref<1x128x128xf32, #tpu.memory_space<vmem>>
    %dma_start3A_466 = tpu.memref_squeeze %dma_start3A_465 : memref<1x128x128xf32, #tpu.memory_space<vmem>> -> memref<128x128xf32, #tpu.memory_space<vmem>>
    %dma_start3A_467 = arith.constant 0 : i32
    %dma_start3A_468 = tpu.memref_slice %arg7[%dma_start3A_462, %dma_start3A_467] : memref<8x128xi32, #tpu.memory_space<vmem>> -> memref<1x128xi32, #tpu.memory_space<vmem>>
    %dma_start3A_469 = tpu.memref_squeeze %dma_start3A_468 : memref<1x128xi32, #tpu.memory_space<vmem>> -> memref<128xi32, #tpu.memory_space<vmem>>
    %dma_start3A_470 = arith.constant 0 : i32
    %dma_start3A_471 = arith.constant 0 : i32
    %dma_start3A_472 = tpu.memref_slice %arg10[%dma_start3A_470, %dma_start3A_471] : memref<8320x128xf32, #tpu.memory_space<vmem_shared>> -> memref<8320x128xf32, #tpu.memory_space<vmem_shared>>
    tpu.enqueue_indirect_dma source(%dma_start3A_466 : memref<128x128xf32, #tpu.memory_space<vmem>>) target(%dma_start3A_472 : memref<8320x128xf32, #tpu.memory_space<vmem_shared>>) offsets(%dma_start3A_469 : memref<128xi32, #tpu.memory_space<vmem>>) semaphore(%arg13 : memref<!tpu.dma_semaphore, #tpu.memory_space<semaphore_mem>>) {add = true}
    %dma_wait3A_473 = arith.constant 0 : i32
    %dma_wait3A_474 = arith.constant 6 : i32
    %dma_wait3A_475 = arith.constant 0 : i32
    %dma_wait3A_476 = arith.constant 0 : i32
    %dma_wait3A_477 = tpu.memref_slice %arg9[%dma_wait3A_473, %dma_wait3A_475, %dma_wait3A_476] : memref<2x128x128xf32, #tpu.memory_space<vmem>> -> memref<1x128x128xf32, #tpu.memory_space<vmem>>
    %dma_wait3A_478 = tpu.memref_squeeze %dma_wait3A_477 : memref<1x128x128xf32, #tpu.memory_space<vmem>> -> memref<128x128xf32, #tpu.memory_space<vmem>>
    %dma_wait3A_479 = arith.constant 0 : i32
    %dma_wait3A_480 = tpu.memref_slice %arg7[%dma_wait3A_474, %dma_wait3A_479] : memref<8x128xi32, #tpu.memory_space<vmem>> -> memref<1x128xi32, #tpu.memory_space<vmem>>
    %dma_wait3A_481 = tpu.memref_squeeze %dma_wait3A_480 : memref<1x128xi32, #tpu.memory_space<vmem>> -> memref<128xi32, #tpu.memory_space<vmem>>
    %dma_wait3A_482 = arith.constant 0 : i32
    %dma_wait3A_483 = arith.constant 0 : i32
    %dma_wait3A_484 = tpu.memref_slice %arg10[%dma_wait3A_482, %dma_wait3A_483] : memref<8320x128xf32, #tpu.memory_space<vmem_shared>> -> memref<8320x128xf32, #tpu.memory_space<vmem_shared>>
    tpu.wait_indirect_dma semaphore(%arg13 : memref<!tpu.dma_semaphore, #tpu.memory_space<semaphore_mem>>) src(%dma_wait3A_478 : memref<128x128xf32, #tpu.memory_space<vmem>>) dst(%dma_wait3A_484 : memref<8320x128xf32, #tpu.memory_space<vmem_shared>>)
    %dma_wait3A_485 = arith.constant 1 : i32
    %dma_wait3A_486 = arith.constant 7 : i32
    %dma_wait3A_487 = arith.constant 0 : i32
    %dma_wait3A_488 = arith.constant 0 : i32
    %dma_wait3A_489 = tpu.memref_slice %arg9[%dma_wait3A_485, %dma_wait3A_487, %dma_wait3A_488] : memref<2x128x128xf32, #tpu.memory_space<vmem>> -> memref<1x128x128xf32, #tpu.memory_space<vmem>>
    %dma_wait3A_490 = tpu.memref_squeeze %dma_wait3A_489 : memref<1x128x128xf32, #tpu.memory_space<vmem>> -> memref<128x128xf32, #tpu.memory_space<vmem>>
    %dma_wait3A_491 = arith.constant 0 : i32
    %dma_wait3A_492 = tpu.memref_slice %arg7[%dma_wait3A_486, %dma_wait3A_491] : memref<8x128xi32, #tpu.memory_space<vmem>> -> memref<1x128xi32, #tpu.memory_space<vmem>>
    %dma_wait3A_493 = tpu.memref_squeeze %dma_wait3A_492 : memref<1x128xi32, #tpu.memory_space<vmem>> -> memref<128xi32, #tpu.memory_space<vmem>>
    %dma_wait3A_494 = arith.constant 0 : i32
    %dma_wait3A_495 = arith.constant 0 : i32
    %dma_wait3A_496 = tpu.memref_slice %arg10[%dma_wait3A_494, %dma_wait3A_495] : memref<8320x128xf32, #tpu.memory_space<vmem_shared>> -> memref<8320x128xf32, #tpu.memory_space<vmem_shared>>
    tpu.wait_indirect_dma semaphore(%arg13 : memref<!tpu.dma_semaphore, #tpu.memory_space<semaphore_mem>>) src(%dma_wait3A_490 : memref<128x128xf32, #tpu.memory_space<vmem>>) dst(%dma_wait3A_496 : memref<8320x128xf32, #tpu.memory_space<vmem_shared>>)
    %barrier3A_497 = arith.constant 0 : index
    tpu.barrier barrier_id(%barrier3A_497)
    %mul3A_498 = arith.constant 512 : i32
    %mul3A_499 = arith.muli %arg1, %mul3A_498 : i32
    %mul3A_500 = arith.constant 512 : i32
    %mul3A_501 = arith.muli %arg1, %mul3A_500 : i32
    %add3A_502 = arith.addi %mul3A_2, %mul3A_501 : i32
    "tpu.region"() ({
      %run_scoped3A_503 = tpu.sem_alloc : memref<!tpu.dma_semaphore, #tpu.memory_space<semaphore_mem>>
      %dma_start3A_504 = arith.constant 0 : i32
      %dma_start3A_505 = tpu.memref_slice %arg5[%add3A_502, %dma_start3A_504] : memref<16384x128xf32, #tpu.memory_space<hbm>> -> memref<512x128xf32, #tpu.memory_space<hbm>>
      %dma_start3A_506 = arith.constant 0 : i32
      %dma_start3A_507 = tpu.memref_slice %arg10[%mul3A_499, %dma_start3A_506] : memref<8320x128xf32, #tpu.memory_space<vmem_shared>> -> memref<512x128xf32, #tpu.memory_space<vmem_shared>>
      tpu.enqueue_dma source(%dma_start3A_507 : memref<512x128xf32, #tpu.memory_space<vmem_shared>>) target(%dma_start3A_505 : memref<512x128xf32, #tpu.memory_space<hbm>>) target_semaphore(%run_scoped3A_503 : memref<!tpu.dma_semaphore, #tpu.memory_space<semaphore_mem>>)
      %dma_wait3A_508 = arith.constant 0 : i32
      %dma_wait3A_509 = tpu.memref_slice %arg5[%add3A_502, %dma_wait3A_508] : memref<16384x128xf32, #tpu.memory_space<hbm>> -> memref<512x128xf32, #tpu.memory_space<hbm>>
      %dma_wait3A_510 = arith.constant 0 : i32
      %dma_wait3A_511 = tpu.memref_slice %arg10[%mul3A_499, %dma_wait3A_510] : memref<8320x128xf32, #tpu.memory_space<vmem_shared>> -> memref<512x128xf32, #tpu.memory_space<vmem_shared>>
      tpu.wait_dma2 semaphore(%run_scoped3A_503 : memref<!tpu.dma_semaphore, #tpu.memory_space<semaphore_mem>>) src(%dma_wait3A_511 : memref<512x128xf32, #tpu.memory_space<vmem_shared>>) dst(%dma_wait3A_509 : memref<512x128xf32, #tpu.memory_space<hbm>>)
      tpu.yield
    }) : () -> ()
    return
  }
}

module attributes {stable_mosaic.version = 14 : i64} {
  func.func @_k2_body(%arg0: i32, %arg1: memref<2048x128xf32, #tpu.memory_space<vmem>>, %arg2: memref<2048x128xf32, #tpu.memory_space<vmem>>, %arg3: memref<2048x1xf32, #tpu.memory_space<vmem>>, %arg4: memref<2048x128xf32, #tpu.memory_space<vmem>>, %arg5: memref<1x1xf32, #tpu.memory_space<smem>>) attributes {dimension_semantics = [#tpu.dimension_semantics<arbitrary>], iteration_bounds = array<i64: 8>, scalar_prefetch = 0 : i64, scratch_operands = 0 : i64, tpu.core_type = #tpu.core_type<tc>, window_params = [{transform_indices = @transform_0, window_bounds = array<i64: 2048, 128>}, {transform_indices = @transform_1, window_bounds = array<i64: 2048, 128>}, {transform_indices = @transform_2, window_bounds = array<i64: 2048, 1>}, {transform_indices = @transform_3, window_bounds = array<i64: 2048, 128>}, {transform_indices = @transform_4, window_bounds = array<i64: 1, 1>}]} {
    %get3A = arith.constant 0 : index
    %get3A_0 = arith.constant 0 : index
    %get3A_1 = vector.load %arg1[%get3A, %get3A_0] : memref<2048x128xf32, #tpu.memory_space<vmem>>, vector<2048x128xf32>
    %get3A_2 = arith.constant 0 : index
    %get3A_3 = arith.constant 0 : index
    %get3A_4 = vector.load %arg2[%get3A_2, %get3A_3] : memref<2048x128xf32, #tpu.memory_space<vmem>>, vector<2048x128xf32>
    %sub3A = arith.subf %get3A_1, %get3A_4 : vector<2048x128xf32>
    %mul3A = arith.constant 5.000000e-02 : f32
    %mul3A_5 = vector.broadcast %mul3A : f32 to vector<2048x128xf32>
    %mul3A_6 = arith.mulf %mul3A_5, %sub3A : vector<2048x128xf32>
    %get3A_7 = arith.constant 0 : index
    %get3A_8 = arith.constant 0 : index
    %get3A_9 = vector.load %arg3[%get3A_7, %get3A_8] : memref<2048x1xf32, #tpu.memory_space<vmem>>, vector<2048x1xf32>
    %add3A = arith.constant 9.99999997E-7 : f32
    %add3A_10 = vector.broadcast %add3A : f32 to vector<2048x1xf32>
    %add3A_11 = arith.addf %get3A_9, %add3A_10 : vector<2048x1xf32>
    %div3A = vector.broadcast %add3A_11 : vector<2048x1xf32> to vector<2048x128xf32>
    %div3A_12 = arith.divf %mul3A_6, %div3A : vector<2048x128xf32>
    %swap3A = arith.constant 0 : index
    %swap3A_13 = arith.constant 0 : index
    %swap3A_14 = vector.load %arg4[%swap3A, %swap3A_13] : memref<2048x128xf32, #tpu.memory_space<vmem>>, vector<2048x128xf32>
    tpu.vector_store %arg4[%swap3A, %swap3A_13], %div3A_12 {strides = array<i32>} : memref<2048x128xf32, #tpu.memory_space<vmem>>, vector<2048x128xf32>,
    %mul3A_15 = arith.mulf %sub3A, %sub3A : vector<2048x128xf32>
    %reduce_sum3A = vector.shape_cast %mul3A_15 : vector<2048x128xf32> to vector<1x2048x128xf32>
    %reduce_sum3A_16 = arith.constant dense<0.000000e+00> : vector<1xf32>
    %reduce_sum3A_17 = vector.multi_reduction <add>, %reduce_sum3A, %reduce_sum3A_16 [1, 2] : vector<1x2048x128xf32> to vector<1xf32>
    %reduce_sum3A_18 = vector.shape_cast %reduce_sum3A_17 : vector<1xf32> to vector<1x1x1xf32>
    %reduce_sum3A_19 = vector.extract %reduce_sum3A_18[0, 0, 0] : f32 from vector<1x1x1xf32>
    %eq3A = arith.constant 0 : i32
    %eq3A_20 = arith.cmpi eq, %arg0, %eq3A : i32
    %convert_element_type3A = arith.extui %eq3A_20 : i1 to i32
    %cond3A = arith.constant 0 : i32
    %cond3A_21 = arith.cmpi ne, %convert_element_type3A, %cond3A : i32
    scf.if %cond3A_21 {
      %swap3A_31 = arith.constant 0.000000e+00 : f32
      %swap3A_32 = arith.constant 0 : index
      %swap3A_33 = arith.constant 0 : index
      %swap3A_34 = memref.load %arg5[%swap3A_32, %swap3A_33] : memref<1x1xf32, #tpu.memory_space<smem>>
      memref.store %swap3A_31, %arg5[%swap3A_32, %swap3A_33] : memref<1x1xf32, #tpu.memory_space<smem>>
    } else {
    }
    %get3A_22 = arith.constant 0 : index
    %get3A_23 = arith.constant 0 : index
    %get3A_24 = memref.load %arg5[%get3A_22, %get3A_23] : memref<1x1xf32, #tpu.memory_space<smem>>
    %mul3A_25 = arith.constant 4.76837148E-9 : f32
    %mul3A_26 = arith.mulf %reduce_sum3A_19, %mul3A_25 : f32
    %add3A_27 = arith.addf %get3A_24, %mul3A_26 : f32
    %swap3A_28 = arith.constant 0 : index
    %swap3A_29 = arith.constant 0 : index
    %swap3A_30 = memref.load %arg5[%swap3A_28, %swap3A_29] : memref<1x1xf32, #tpu.memory_space<smem>>
    memref.store %add3A_27, %arg5[%swap3A_28, %swap3A_29] : memref<1x1xf32, #tpu.memory_space<smem>>
    return
  }
  func.func @transform_0(%arg0: i32) -> (i32, i32) {
    %c0_i32 = arith.constant 0 : i32
    %c0_i32_0 = arith.constant 0 : i32
    return %arg0, %c0_i32 : i32, i32
  }
  func.func @transform_1(%arg0: i32) -> (i32, i32) {
    %c0_i32 = arith.constant 0 : i32
    %c0_i32_0 = arith.constant 0 : i32
    return %arg0, %c0_i32 : i32, i32
  }
  func.func @transform_2(%arg0: i32) -> (i32, i32) {
    %c0_i32 = arith.constant 0 : i32
    %c0_i32_0 = arith.constant 0 : i32
    return %arg0, %c0_i32 : i32, i32
  }
  func.func @transform_3(%arg0: i32) -> (i32, i32) {
    %c0_i32 = arith.constant 0 : i32
    %c0_i32_0 = arith.constant 0 : i32
    return %arg0, %c0_i32 : i32, i32
  }
  func.func @transform_4(%arg0: i32) -> (i32, i32) {
    %c0_i32 = arith.constant 0 : i32
    %c0_i32_0 = arith.constant 0 : i32
    %c0_i32_1 = arith.constant 0 : i32
    return %c0_i32, %c0_i32_0 : i32, i32
  }
}

module attributes {stable_mosaic.version = 14 : i64} {
  func.func @_copy_body(%arg0: i32, %arg1: memref<4000x128xf32, #tpu.memory_space<vmem>>, %arg2: memref<4000x128xf32, #tpu.memory_space<vmem>>) attributes {dimension_semantics = [#tpu.dimension_semantics<arbitrary>], iteration_bounds = array<i64: 25>, scalar_prefetch = 0 : i64, scratch_operands = 0 : i64, tpu.core_type = #tpu.core_type<tc>, window_params = [{transform_indices = @transform_0, window_bounds = array<i64: 4000, 128>}, {transform_indices = @transform_1, window_bounds = array<i64: 4000, 128>}]} {
    %get3A = arith.constant 0 : index
    %get3A_0 = arith.constant 0 : index
    %get3A_1 = vector.load %arg1[%get3A, %get3A_0] : memref<4000x128xf32, #tpu.memory_space<vmem>>, vector<4000x128xf32>
    %swap3A = arith.constant 0 : index
    %swap3A_2 = arith.constant 0 : index
    %swap3A_3 = vector.load %arg2[%swap3A, %swap3A_2] : memref<4000x128xf32, #tpu.memory_space<vmem>>, vector<4000x128xf32>
    tpu.vector_store %arg2[%swap3A, %swap3A_2], %get3A_1 {strides = array<i32>} : memref<4000x128xf32, #tpu.memory_space<vmem>>, vector<4000x128xf32>,
    return
  }
  func.func @transform_0(%arg0: i32) -> (i32, i32) {
    %c0_i32 = arith.constant 0 : i32
    %c0_i32_0 = arith.constant 0 : i32
    return %arg0, %c0_i32 : i32, i32
  }
  func.func @transform_1(%arg0: i32) -> (i32, i32) {
    %c0_i32 = arith.constant 0 : i32
    %c0_i32_0 = arith.constant 0 : i32
    return %arg0, %c0_i32 : i32, i32
  }
}

</mosaic_0001>

<sc_bundles>
// kernel: _.3.cloned.1.call-start
scs
__scs_entry_jumppad:
0x0: {  	(pc) =	sbr.rel $0x88, $3  }
0x1: {  	(tag) =	ssettag $0x0;
	lr =	simm.s32 $0x1  }
0x2: {  	[smem:$0x3F9E] =	sst lr;
	_ =	strace $0xD0000000  }
0x3: {  	_ = 	snop  }
0x4: {  	_ = 	snop  }
0x5: {  	_ = 	snop  }
0x6: {  	_ = 	snop  }
0x7: {  	_ = 	snop  }
__scs_overlays_trampoline_lowered:
0x8: {  	[smem:$0x3FAD] =	sst s0  }
0x9: {  	[smem:$0x3FAE] =	sst s1  }
0xa: {  	[smem:$0x3FAF] =	sst s2  }
0xb: {  	[smem:$0x3FB0] =	sst s3  }
0xc: {  	[smem:$0x3FB1] =	sst s4  }
0xd: {  	[smem:$0x3FB2] =	sst s5  }
0xe: {  	[smem:$0x3FB3] =	sst s6  }
0xf: {  	[smem:$0x3FB4] =	sst s7  }
0x10: {  	[smem:$0x3FB5] =	sst s8  }
0x11: {  	[smem:$0x3FB6] =	sst s9;
	s0 =	simm.s32 @!p0 $0x0  }
0x12: {  	s1 =	sld [smem:$0x3F9C];
	s0 =	simm.s32 @p0 $0x1  }
0x13: {  	[smem:$0x3FB7] =	sst s0;
	s0 =	simm.s32 @!p1 $0x0  }
0x14: {  	s2 =	sld [smem:$0x3F9B];
	s0 =	simm.s32 @p1 $0x1  }
0x15: {  	[smem:$0x3FB8] =	sst s0;
	s0 =	simm.s32 @!p2 $0x0  }
0x16: {  	s3 =	sld [smem:$0x3FDB];
	s0 =	simm.s32 @p2 $0x1  }
0x17: {  	s4 =	simm.s32 $0x1BF5;
	[smem:$0x3FBA] =	sst s0  }
0x18: {  	s0 =	sld [smem:$0x3F9D];
	_ =	swait.ge [sflag:s4], $0x0  }
0x19: {  	s7 =	sld [smem:$0x3F9E]  }
0x1a: {  	s8 =	sadd.s32 $0xFFFFE003, lr  }
0x1b: {  	s9 =	sadd.s32 $0xFFFFFEF7, lr;
	s5 =	simm.s32 $0xFFFFFFFF;
	p2 =	slt.u32 s8, $0xFFFFF086  }
0x1c: {  	p1 =	slt.u32 s9, $0xF7A;
	s5 =	simm.s32 @!p2 $0x0  }
0x1d: {  	s5 =	simm.s32 @p1 $0x1;
	p0 =	seq.s32 s7, s2  }
0x1e: {  	s7 =	smul.u32 @!p0 $0xF7A, s2;
	p2 =	seq.s32 @!p0 s5, $0x0  }
0x1f: {  	s9 =	smul.u32 $0xF7A, s1;
	s8 =	simm.s32 @!p0 $0x1BF5;
	p2 =	por !p2, p0  }
0x20: {  	[sflag:s8] =	ssyncset.s32 @!p0 $0xFFFFF086;
	s6 =	sadd.s32 @!p0 s3, s7;
	s7 =	simm.s32 @!p0 $0x108  }
0x21: {  	s3 =	sadd.s32 s3, s9;
	s6 =	sadd.s32 @!p0 $0x88, s6;
	s7 =	simm.s32 @p2 $0x1082  }
0x22: {  	[simem:s7], [sflag:s8] =	dma.local @!p0 [hbm:s6], $0xF7A  }
0x23: {  	s9 =	sor.u32 $0xD0000000, s2;
	s6 =	simm.s32 $0x108;
	_ =	swait.ge @!p0 [sflag:s8], $0x0  }
0x24: {  	s3 =	sadd.s32 $0x88, s3;
	s6 =	simm.s32 @!p1 $0x1082;
	[sflag:s4] =	ssyncset.s32 $0xFFFFF086  }
0x25: {  	[simem:s6], [sflag:s4] =	dma.local [hbm:s3], $0xF7A  }
0x26: {  	[smem:$0x3F9E] =	sst s1;
	(tag) =	ssettag s2;
	_ =	strace s9  }
0x27: {  	s1 =	sld [smem:$0x3FAE]  }
0x28: {  	s2 =	sld [smem:$0x3FAF]  }
0x29: {  	s4 =	sld [smem:$0x3FB1]  }
0x2a: {  	p0 =	seq.s32 s5, $0x0;
	s5 =	sld [smem:$0x3FB2]  }
0x2b: {  	s6 =	sld [smem:$0x3FB3]  }
0x2c: {  	s7 =	sld [smem:$0x3FB4]  }
0x2d: {  	s3 =	simm.s32 $0x108;
	s8 =	sld [smem:$0x3FB5]  }
0x2e: {  	s3 =	simm.s32 @!p0 $0x1082;
	s9 =	sld [smem:$0x3FB6]  }
0x2f: {  	lr =	sadd.s32 s0, s3;
	s0 =	sld [smem:$0x3FAD]  }
0x30: {  	s3 =	sld [smem:$0x3FB0]  }
0x31: {  	[smem:$0x3FB9] =	sst s10  }
0x32: {  	s10 =	sld [smem:$0x3FB7];
	_ =	sdelay $0x3  }
0x33: {  	p0 =	seq.s32 s10, $0x1;
	s10 =	sld [smem:$0x3FB9];
	_ =	sdelay $0x3  }
0x34: {  	[smem:$0x3FB9] =	sst s10  }
0x35: {  	s10 =	sld [smem:$0x3FB8];
	_ =	sdelay $0x3  }
0x36: {  	p1 =	seq.s32 s10, $0x1;
	s10 =	sld [smem:$0x3FB9];
	_ =	sdelay $0x3  }
0x37: {  	[smem:$0x3FB9] =	sst s10  }
0x38: {  	s10 =	sld [smem:$0x3FBA]  }
0x39: {  	_ = 	snop;
	(pc) =	sbr.ind lr, $3  }
0x3a: {  	_ = 	snop  }
0x3b: {  	_ = 	snop  }
0x3c: {  	p2 =	seq.s32 s10, $0x1;
	s10 =	sld [smem:$0x3FB9]  }
0x3d: {  	_ =	shalt  }
0x3e: {  	_ =	shalt  }
0x3f: {  	_ =	shalt  }
0x40: {  	_ =	shalt  }
0x41: {  	_ =	shalt  }
0x42: {  	_ =	shalt  }
0x43: {  	_ =	shalt  }
0x44: {  	_ =	shalt  }
0x45: {  	_ =	shalt  }
0x46: {  	_ =	shalt  }
0x47: {  	_ =	shalt  }
0x48: {  	_ =	shalt  }
0x49: {  	_ =	shalt  }
0x4a: {  	_ =	shalt  }
0x4b: {  	_ =	shalt  }
0x4c: {  	_ =	shalt  }
0x4d: {  	_ =	shalt  }
0x4e: {  	_ =	shalt  }
0x4f: {  	_ =	shalt  }
0x50: {  	_ =	shalt  }
0x51: {  	_ =	shalt  }
0x52: {  	_ =	shalt  }
0x53: {  	_ =	shalt  }
0x54: {  	_ =	shalt  }
0x55: {  	_ =	shalt  }
0x56: {  	_ =	shalt  }
0x57: {  	_ =	shalt  }
0x58: {  	_ =	shalt  }
0x59: {  	_ =	shalt  }
0x5a: {  	_ =	shalt  }
0x5b: {  	_ =	shalt  }
0x5c: {  	_ =	shalt  }
0x5d: {  	_ =	shalt  }
0x5e: {  	_ =	shalt  }
0x5f: {  	_ =	shalt  }
0x60: {  	_ =	shalt  }
0x61: {  	_ =	shalt  }
0x62: {  	_ =	shalt  }
0x63: {  	_ =	shalt  }
0x64: {  	_ =	shalt  }
0x65: {  	_ =	shalt  }
0x66: {  	_ =	shalt  }
0x67: {  	_ =	shalt  }
0x68: {  	_ =	shalt  }
0x69: {  	_ =	shalt  }
0x6a: {  	_ =	shalt  }
0x6b: {  	_ =	shalt  }
0x6c: {  	_ =	shalt  }
0x6d: {  	_ =	shalt  }
0x6e: {  	_ =	shalt  }
0x6f: {  	_ =	shalt  }
0x70: {  	_ =	shalt  }
0x71: {  	_ =	shalt  }
0x72: {  	_ =	shalt  }
0x73: {  	_ =	shalt  }
0x74: {  	_ =	shalt  }
0x75: {  	_ =	shalt  }
0x76: {  	_ =	shalt  }
0x77: {  	_ =	shalt  }
0x78: {  	_ =	shalt  }
0x79: {  	_ =	shalt  }
0x7a: {  	_ =	shalt  }
0x7b: {  	_ =	shalt  }
0x7c: {  	_ =	shalt  }
0x7d: {  	_ =	shalt  }
0x7e: {  	_ =	shalt  }
0x7f: {  	_ =	shalt  }
0x80: {  	_ =	shalt  }
0x81: {  	_ =	shalt  }
0x82: {  	_ =	shalt  }
0x83: {  	_ =	shalt  }
0x84: {  	_ =	shalt  }
0x85: {  	_ =	shalt  }
0x86: {  	_ =	shalt  }
0x87: {  	_ =	shalt  }
.Lfunc_end0:
.L_simem_size_0:
called_computation.2_lowered:
.L_overlay_start_0:
0x88: {  	s2 =	sld [smem:$0x3FD9]  }
0x89: {  	s3 =	sld [smem:$0x3FFE];
	_ =	sdelay $0x1  }
0x8a: {  	s1 =	srdreg.scid  }
0x8b: {  	s0 =	sand.u32 $0x1, s1  }
0x8c: {  	s14 =	sshll.u32 s0, $0xA;
	s2 =	sadd.s32 s3, s2  }
0x8d: {  	s2 =	sadd.s32 s2, s14  }
0x8e: {  	[smem:$0x3FC5] =	sst s2  }
0x8f: {  	_ = 	snop  }
0x90: {  	s2 =	sld [smem:$0x3FD0];
	_ =	sdelay $0x2  }
0x91: {  	s4 =	simm.s32 $0xA;
	s5 =	simm.s32 $0x10;
	s15 =	sld [smem:$0x3FC8]  }
0x92: {  	[smem:s5], [sflag:s4] =	dma.local [hbm:s2], $0x1  }
0x93: {  	_ =	swait.eq [sflag:s4], $0x1  }
0x94: {  	[sflag:s4] =	ssyncset.done $0x0  }
0x95: {  	[sflag:s4] =	ssyncadd.s32 $0xFFFFFFFF  }
0x96: {  	s16 =	sld [smem:$0x11];
	(tm) =	ssettm $0x1  }
0x97: {  	s17 =	sld [smem:$0x3FFB];
	_ =	sdelay $0x3  }
0x98: {  	_ =	strace s17  }
0x99: {  	s4 =	sld [smem:$0x3FFC];
	_ =	sdelay $0x3  }
0x9a: {  	_ =	strace s4  }
0x9b: {  	s4 =	sld [smem:$0x3FFD];
	_ =	sdelay $0x3  }
0x9c: {  	_ =	strace s4  }
0x9d: {  	_ =	strace $0x8FFFFFFF  }
0x9e: {  	s18 =	sld [smem:$0x3FDB];
	_ =	sdelay $0x1  }
0x9f: {  	s19 =	simm.s32 $_scs_section_size  }
0xa0: {  	s6 =	simm.s32 $_size__tile_overlayer_lowered;
	s7 =	simm.s32 $_tile_overlayer_lowered  }
0xa1: {  	s22 =	simm.s32 $0x1BFF;
	s21 =	sshll.u32 s7, $0x1;
	s4 =	sadd.s32 s19, s18  }
0xa2: {  	s8 =	simm.s32 $0x0;
	s20 =	sshll.u32 s6, $0x1;
	s6 =	sadd.s32 s21, s4  }
0xa3: {  	[timem:s8], [sflag:s22] =	dma.local [hbm:s6], s20  }
0xa4: {  	_ =	swait.ge [sflag:s22], s20  }
0xa5: {  	s5 =	ssub.s32 $0x0, s20;
	[sflag:s22] =	ssyncset.done $0x0  }
0xa6: {  	[sflag:s22] =	ssyncadd.s32 s5;
	_ =	sdelay $0x1  }
0xa7: {  	s23 =	simm.s32 $0x1B8B  }
0xa8: {  	_ =	swait.ge [sflag:s23], $0x1  }
0xa9: {  	[sflag:s23] =	ssyncset.done $0x0  }
0xaa: {  	s25 =	simm.s32 $0x1B8E;
	s24 =	sld [smem:$0x3FFE];
	[sflag:s23] =	ssyncadd.s32 $0xFFFFFFFF  }
0xab: {  	s26 =	simm.s32 $execute0_lowered;
	[smem:$0x3FD2] =	sst s25  }
0xac: {  	s6 =	sshll.u32 s26, $0x1;
	_ =	strace $0x8000004C;
	[dreg:$0x1] =	wrdreg $0xFFFFFFFF  }
0xad: {  	s28 =	simm.s32 $_size_execute0_lowered;
	s4 =	sadd.s32 s4, s6;
	[dreg:$0x0] =	wrdreg $0x0  }
0xae: {  	s6 =	sshll.u32 s28, $0x1;
	[dreg:$0x2] =	wrdreg s4  }
0xaf: {  	[dreg:$0x3] =	wrdreg s6  }
0xb0: {  	[dreg:$0x4] =	wrdreg $0xC0  }
0xb1: {  	_ =	task [dreg:s8], $0x5FFFF  }
0xb2: {  	[dreg:$0x1] =	wrdreg $0xFFFFFFFF  }
0xb3: {  	[dreg:$0x0] =	wrdreg $0x60  }
0xb4: {  	[dreg:$0x2] =	wrdreg s24  }
0xb5: {  	[dreg:$0x3] =	wrdreg s15  }
0xb6: {  	[dreg:$0x4] =	wrdreg s16  }
0xb7: {  	[dreg:$0x5] =	wrdreg $0x9  }
0xb8: {  	_ =	task.clear_ibuf [dreg:s8], $0x6FFFF;
	_ =	strace $0x9000004C  }
0xb9: {  	s29 =	simm.s32 $0x9;
	_ =	strace $0x8000004E  }
0xba: {  	_ =	swait.ge [sflag:s29], $0x1  }
0xbb: {  	[sflag:s29] =	ssyncadd.s32 $0xFFFFFFFF  }
0xbc: {  	_ =	strace $0x9000004E  }
0xbd: {  	_ =	sfence  }
0xbe: {  	s30 =	sld [smem:$0x0];
	_ =	sdelay $0x2  }
0xbf: {  	s31 =	sshll.u32 s1, $0xD;
	s1 =	sshrl.u32 s1, $0x2  }
0xc0: {  	s3 =	sand.u32 $0x4000, s31;
	s1 =	sadd.s32 s1, s30  }
0xc1: {  	s0 =	sor.u32 s3, s0;
	s1 =	sshll.u32 s1, $0x11  }
0xc2: {  	s0 =	sor.u32 s1, s0  }
0xc3: {  	s0 =	sadd.s32 $0x8F2B, s0  }
0xc4: {  	[sflag:s0] =	ssyncadd.remote.s32 $0x1  }
0xc5: {  	_ =	sfence.sel $0xFFFF  }
0xc6: {  	[dreg:$0x0] =	wrdreg $0xFFFFFFFF;
	(pc) =	sbr.abs _section_cstart, $3  }
0xc7: {  	[dreg:$0x1] =	wrdreg $0xFFFFFFFF  }
0xc8: {  	_ =	task.clear_ibuf [dreg:s8], $0x2FFFF;
	_ =	strace $0x9FFFFFFF  }
0xc9: {  	(tm) =	ssettm $0x7FFFFFFF  }
tec
execute0_lowered:
.L_overlay_start_1:
0x0: {  	(tag) =	ssettag $0x1  }
0x1: {  	s0 =	rddreg [dreg:$0x0]  }
0x2: {  	s2 =	rddreg [dreg:$0x1]  }
0x3: {  	s1 =	rddreg [dreg:$0x2]  }
0x4: {  	s3 =	simm.s32 $0x0;
	s4 =	srdreg.scid;
	s6 =	stileid.u32  }
0x5: {  	s18 =	simm.s32 $0x3;
	s28 =	simm.s32 $0x8400;
	s29 =	simm.s32 $0x4400  }
0x6: {  	s30 =	simm.s32 $0xC400;
	s31 =	simm.s32 $0x1;
	[smem:$0x7FF] =	sst s3  }
0x7: {  	s4 =	sand.u32 $0x1, s4;
	s5 =	sadd.s32 $0x42600, s0;
	s6 =	sshll.u32 s6, $0xA  }
0x8: {  	s16 =	sadd.s32 $0x2600, s0;
	s7 =	sshll.u32 s4, $0x9;
	s8 =	ssub.s32 $0x2, s4  }
0x9: {  	_ =	strace $0x8000004D;
	s6 =	sor.u32 s7, s6;
	s19 =	sshrl.u32 s8, $0x1  }
0xa: {  	s4 =	sadd.s32 $0x82E00, s0;
	s7 =	sshrl.u32 s6, $0x3;
	s0 =	ssub.s32 s8, s19  }
0xb: {  	s14 =	sor.u32 $0x80, s6;
	s15 =	sor.u32 $0x100, s6;
	s17 =	sor.u32 $0x180, s6  }
0xc: {  	s23 =	sshll.u32 s6, $0x4;
	s19 =	simm.s32 $0x200;
	s20 =	sadd.s32 s5, s7  }
0xd: {  	s7 =	sadd.s32 s2, s7;
	s21 =	sshrl.u32 s14, $0x3;
	s10 =	sshrl.u32 s15, $0x3  }
0xe: {  	s12 =	sshrl.u32 s17, $0x3;
	s13 =	sadd.s32 s16, s23;
	s24 =	sshll.u32 s14, $0x4  }
0xf: {  	s25 =	sshll.u32 s15, $0x4;
	s26 =	sshll.u32 s17, $0x4;
	s17 =	smax.u32 s0, $0x1  }
0x10: {  	s23 =	simm.s32 $0x300;
	s0 =	simm.s32 $0x2;
	[dreg:$0x4] =	wrdreg s20  }
0x11: {  	[dreg:$0x5] =	wrdreg s7;
	s22 =	sadd.s32 s5, s21;
	s8 =	sadd.s32 s2, s21  }
0x12: {  	s9 =	sadd.s32 s5, s10;
	s10 =	sadd.s32 s2, s10;
	s11 =	sadd.s32 s5, s12  }
0x13: {  	s12 =	sadd.s32 s2, s12;
	s14 =	sadd.s32 s16, s24;
	s15 =	sadd.s32 s16, s25  }
0x14: {  	s16 =	sadd.s32 s16, s26;
	s20 =	simm.s32 $0x80;
	s21 =	simm.s32 $0x280  }
0x15: {  	s24 =	simm.s32 $0x180;
	s25 =	simm.s32 $0x380;
	s26 =	simm.s32 $0x400  }
0x16: {  	s2 =	simm.s32 $0x0;
	[dreg:$0x6] =	wrdreg s22;
	s22 =	simm.s32 $0x100  }
.LBB2_1:
0x17: {  	s5 =	rddreg [dreg:$0x4]  }
0x18: {  	[tilespmem:s3], [sflag:$0x3] =	stream.linear.gather [hbm4b:s5+s3], $0x80, $0x38;
	[tilespmem:$0x10400] =	vst v63  }
0x19: {  	_ =	swait.ge [sflag:s18], $0x80  }
0x1a: {  	[sflag:s18] =	ssyncset.done $0x0  }
0x1b: {  	s6 =	rddreg [dreg:$0x5];
	[sflag:s18] =	ssyncadd.s32 $0xFFFFFF80  }
0x1c: {  	[tilespmem:s19], [sflag:$0x3] =	stream.linear.gather [hbm4b:s6+s3], $0x80, $0x38;
	[tilespmem:$0x10400] =	vst v63  }
0x1d: {  	_ =	swait.ge [sflag:s18], $0x80  }
0x1e: {  	[sflag:s18] =	ssyncset.done $0x0  }
0x1f: {  	s7 =	rddreg [dreg:$0x6];
	[sflag:s18] =	ssyncadd.s32 $0xFFFFFF80  }
0x20: {  	[tilespmem:s20], [sflag:$0x3] =	stream.linear.gather [hbm4b:s7+s3], $0x80, $0x38;
	[tilespmem:$0x10400] =	vst v63  }
0x21: {  	_ =	swait.ge [sflag:s18], $0x80  }
0x22: {  	[sflag:s18] =	ssyncset.done $0x0  }
0x23: {  	[sflag:s18] =	ssyncadd.s32 $0xFFFFFF80  }
0x24: {  	[tilespmem:s21], [sflag:$0x3] =	stream.linear.gather [hbm4b:s8+s3], $0x80, $0x38;
	[tilespmem:$0x10400] =	vst v63  }
0x25: {  	_ =	swait.ge [sflag:s18], $0x80  }
0x26: {  	[sflag:s18] =	ssyncset.done $0x0  }
0x27: {  	[sflag:s18] =	ssyncadd.s32 $0xFFFFFF80  }
0x28: {  	[tilespmem:s22], [sflag:$0x3] =	stream.linear.gather [hbm4b:s9+s3], $0x80, $0x38;
	[tilespmem:$0x10400] =	vst v63  }
0x29: {  	_ =	swait.ge [sflag:s18], $0x80  }
0x2a: {  	[sflag:s18] =	ssyncset.done $0x0  }
0x2b: {  	[sflag:s18] =	ssyncadd.s32 $0xFFFFFF80  }
0x2c: {  	[tilespmem:s23], [sflag:$0x3] =	stream.linear.gather [hbm4b:s10+s3], $0x80, $0x38;
	[tilespmem:$0x10400] =	vst v63  }
0x2d: {  	_ =	swait.ge [sflag:s18], $0x80  }
0x2e: {  	[sflag:s18] =	ssyncset.done $0x0  }
0x2f: {  	[sflag:s18] =	ssyncadd.s32 $0xFFFFFF80  }
0x30: {  	[tilespmem:s24], [sflag:$0x3] =	stream.linear.gather [hbm4b:s11+s3], $0x80, $0x38;
	[tilespmem:$0x10400] =	vst v63  }
0x31: {  	_ =	swait.ge [sflag:s18], $0x80  }
0x32: {  	[sflag:s18] =	ssyncset.done $0x0  }
0x33: {  	[sflag:s18] =	ssyncadd.s32 $0xFFFFFF80  }
0x34: {  	[tilespmem:s25], [sflag:$0x3] =	stream.linear.gather [hbm4b:s12+s3], $0x80, $0x38;
	[tilespmem:$0x10400] =	vst v63  }
0x35: {  	_ =	swait.ge [sflag:s18], $0x80  }
0x36: {  	[sflag:s18] =	ssyncset.done $0x0  }
0x37: {  	[sflag:s18] =	ssyncadd.s32 $0xFFFFFF80  }
0x38: {  	[tilespmem:s26], [sflag:$0x1] =	stream.linear.gather [hbm4b:s13+s3], $0x4000, $0x38;
	[tilespmem:$0x10400] =	vst v63  }
0x39: {  	_ = 	snop  }
0x3a: {  	[tilespmem:s28], [sflag:$0x1] =	stream.indirect.gather [hbm4b:s4+s20], $0x80, s3, s20, $0xb8;
	[tilespmem:$0x10400] =	vst v63  }
0x3b: {  	_ = 	snop  }
0x3c: {  	[tilespmem:s29], [sflag:$0x1] =	stream.linear.gather [hbm4b:s14+s3], $0x4000, $0x38;
	[tilespmem:$0x10400] =	vst v63  }
0x3d: {  	_ = 	snop  }
0x3e: {  	[tilespmem:s30], [sflag:$0x1] =	stream.indirect.gather [hbm4b:s4+s20], $0x80, s20, s20, $0xb8;
	[tilespmem:$0x10400] =	vst v63  }
0x3f: {  	_ =	swait.ge [sflag:s31], $0x4000  }
0x40: {  	[sflag:s31] =	ssyncset.done $0x0  }
0x41: {  	[sflag:s31] =	ssyncadd.s32 $0xFFFFC000  }
0x42: {  	_ =	swait.ge [sflag:s31], $0x4000  }
0x43: {  	[sflag:s31] =	ssyncset.done $0x0  }
0x44: {  	s5 =	simm.s32 $0x0;
	[sflag:s31] =	ssyncadd.s32 $0xFFFFC000  }
0x45: {  	v7 =	vld [tilespmem:s5+$0x400]  }
0x46: {  	v11 =	vld [tilespmem:s5+$0x410]  }
0x47: {  	v5 =	vld [tilespmem:s5+$0x420]  }
0x48: {  	v4 =	vld [tilespmem:s5+$0x430]  }
0x49: {  	v3 =	vld [tilespmem:s5+$0x440]  }
0x4a: {  	v2 =	vld [tilespmem:s5+$0x450]  }
0x4b: {  	v1 =	vld [tilespmem:s5+$0x460]  }
0x4c: {  	v0 =	vld [tilespmem:s5+$0x470]  }
0x4d: {  	v12 =	vld [tilespmem:s5+$0x8400]  }
0x4e: {  	v13 =	vld [tilespmem:s5+$0x8410]  }
0x4f: {  	v10 =	vld [tilespmem:s5+$0x8420]  }
0x50: {  	v9 =	vld [tilespmem:s5+$0x8430]  }
0x51: {  	v8 =	vld [tilespmem:s5+$0x8440]  }
0x52: {  	v6 =	vld [tilespmem:s5+$0x8450];
	v12 =	vadd.f32 v7, v12  }
0x53: {  	s6 =	simm.s32 $0x200;
	v11 =	vadd.f32 v11, v13;
	v7 =	vld [tilespmem:s5+$0x8460]  }
.LBB2_2:
0x54: {  	s7 =	sshra.s32 s6, $0x2;
	p0 =	sne.s32 s6, $0xFE00;
	[tilespmem:s5+$0x8400] =	vst v12;
	v5 =	vadd.f32 v5, v10;
	v10 =	vld [tilespmem:s5+$0x8470]  }
0x55: {  	v12 =	vld [tilespmem:s7+$0x400];
	[tilespmem:s5+$0x8410] =	vst v11;
	v4 =	vadd.f32 v4, v9  }
0x56: {  	v11 =	vld [tilespmem:s7+$0x410];
	[tilespmem:s5+$0x8420] =	vst v5;
	v3 =	vadd.f32 v3, v8  }
0x57: {  	v5 =	vld [tilespmem:s7+$0x420];
	[tilespmem:s5+$0x8430] =	vst v4;
	v2 =	vadd.f32 v2, v6  }
0x58: {  	v4 =	vld [tilespmem:s7+$0x430];
	[tilespmem:s5+$0x8440] =	vst v3;
	v1 =	vadd.f32 v1, v7  }
0x59: {  	v3 =	vld [tilespmem:s7+$0x440];
	[tilespmem:s5+$0x8450] =	vst v2;
	v0 =	vadd.f32 v0, v10  }
0x5a: {  	v2 =	vld [tilespmem:s7+$0x450];
	[tilespmem:s5+$0x8460] =	vst v1  }
0x5b: {  	v1 =	vld [tilespmem:s7+$0x460];
	[tilespmem:s5+$0x8470] =	vst v0;
	s5 =	smov.u32 s7  }
0x5c: {  	v0 =	vld [tilespmem:s5+$0x470]  }
0x5d: {  	v6 =	vld [tilespmem:s5+$0x8400]  }
0x5e: {  	v7 =	vld [tilespmem:s5+$0x8410]  }
.Ltmp0:
0x5f: {  	v10 =	vld [tilespmem:s5+$0x8420];
	(pc) =	sbr.rel @p0 .LBB2_2-.Ltmp0, $4  }
0x60: {  	v9 =	vld [tilespmem:s5+$0x8430]  }
0x61: {  	v8 =	vld [tilespmem:s5+$0x8440]  }
0x62: {  	v12 =	vadd.f32 v12, v6;
	v6 =	vld [tilespmem:s5+$0x8450]  }
0x63: {  	s6 =	sadd.s32 $0x200, s6;
	v11 =	vadd.f32 v11, v7;
	v7 =	vld [tilespmem:s5+$0x8460]  }
0x64: {  	[tilespmem:s5+$0x8400] =	vst v12;
	v5 =	vadd.f32 v5, v10;
	v10 =	vld [tilespmem:s5+$0x8470]  }
0x65: {  	[tilespmem:s5+$0x8410] =	vst v11;
	v4 =	vadd.f32 v4, v9  }
0x66: {  	[tilespmem:s5+$0x8420] =	vst v5;
	v3 =	vadd.f32 v3, v8  }
0x67: {  	[tilespmem:s5+$0x8430] =	vst v4;
	v2 =	vadd.f32 v2, v6  }
0x68: {  	[tilespmem:s5+$0x8440] =	vst v3;
	v1 =	vadd.f32 v1, v7  }
0x69: {  	[tilespmem:s5+$0x8450] =	vst v2;
	v0 =	vadd.f32 v0, v10  }
0x6a: {  	[tilespmem:s5+$0x8460] =	vst v1  }
0x6b: {  	[tilespmem:s5+$0x8470] =	vst v0  }
0x6c: {  	[hbm4b:s1+s20] =	stream.indirect.scatter [tilespmem:s28], [sflag:$0x2], $0x80, s19, s20, $0xb8;
	[tilespmem:$0x10400] =	vst v63  }
0x6d: {  	_ =	swait.ge [sflag:s0], $0x4000  }
0x6e: {  	[sflag:s0] =	ssyncset.done $0x0  }
0x6f: {  	s7 =	simm.s32 $0x0;
	[sflag:s0] =	ssyncadd.s32 $0xFFFFC000  }
0x70: {  	[tilespmem:s26], [sflag:$0x1] =	stream.linear.gather [hbm4b:s15+s7], $0x4000, $0x38;
	[tilespmem:$0x10400] =	vst v63  }
0x71: {  	_ = 	snop  }
0x72: {  	[tilespmem:s28], [sflag:$0x1] =	stream.indirect.gather [hbm4b:s4+s20], $0x80, s22, s20, $0xb8;
	[tilespmem:$0x10400] =	vst v63  }
0x73: {  	_ =	swait.ge [sflag:s31], $0x4000  }
0x74: {  	[sflag:s31] =	ssyncset.done $0x0  }
0x75: {  	[sflag:s31] =	ssyncadd.s32 $0xFFFFC000  }
0x76: {  	_ =	swait.ge [sflag:s31], $0x4000  }
0x77: {  	[sflag:s31] =	ssyncset.done $0x0  }
0x78: {  	s5 =	simm.s32 $0x0;
	[sflag:s31] =	ssyncadd.s32 $0xFFFFC000  }
0x79: {  	v7 =	vld [tilespmem:s5+$0x4400]  }
0x7a: {  	v11 =	vld [tilespmem:s5+$0x4410]  }
0x7b: {  	v5 =	vld [tilespmem:s5+$0x4420]  }
0x7c: {  	v4 =	vld [tilespmem:s5+$0x4430]  }
0x7d: {  	v3 =	vld [tilespmem:s5+$0x4440]  }
0x7e: {  	v2 =	vld [tilespmem:s5+$0x4450]  }
0x7f: {  	v1 =	vld [tilespmem:s5+$0x4460]  }
0x80: {  	v0 =	vld [tilespmem:s5+$0x4470]  }
0x81: {  	v12 =	vld [tilespmem:s5+$0xC400]  }
0x82: {  	v13 =	vld [tilespmem:s5+$0xC410]  }
0x83: {  	v10 =	vld [tilespmem:s5+$0xC420]  }
0x84: {  	v9 =	vld [tilespmem:s5+$0xC430]  }
0x85: {  	v8 =	vld [tilespmem:s5+$0xC440]  }
0x86: {  	v6 =	vld [tilespmem:s5+$0xC450];
	v12 =	vadd.f32 v7, v12  }
0x87: {  	s6 =	simm.s32 $0x200;
	v11 =	vadd.f32 v11, v13;
	v7 =	vld [tilespmem:s5+$0xC460]  }
.LBB2_4:
0x88: {  	s7 =	sshra.s32 s6, $0x2;
	p0 =	sne.s32 s6, $0xFE00;
	[tilespmem:s5+$0xC400] =	vst v12;
	v5 =	vadd.f32 v5, v10;
	v10 =	vld [tilespmem:s5+$0xC470]  }
0x89: {  	v12 =	vld [tilespmem:s7+$0x4400];
	[tilespmem:s5+$0xC410] =	vst v11;
	v4 =	vadd.f32 v4, v9  }
0x8a: {  	v11 =	vld [tilespmem:s7+$0x4410];
	[tilespmem:s5+$0xC420] =	vst v5;
	v3 =	vadd.f32 v3, v8  }
0x8b: {  	v5 =	vld [tilespmem:s7+$0x4420];
	[tilespmem:s5+$0xC430] =	vst v4;
	v2 =	vadd.f32 v2, v6  }
0x8c: {  	v4 =	vld [tilespmem:s7+$0x4430];
	[tilespmem:s5+$0xC440] =	vst v3;
	v1 =	vadd.f32 v1, v7  }
0x8d: {  	v3 =	vld [tilespmem:s7+$0x4440];
	[tilespmem:s5+$0xC450] =	vst v2;
	v0 =	vadd.f32 v0, v10  }
0x8e: {  	v2 =	vld [tilespmem:s7+$0x4450];
	[tilespmem:s5+$0xC460] =	vst v1  }
0x8f: {  	v1 =	vld [tilespmem:s7+$0x4460];
	[tilespmem:s5+$0xC470] =	vst v0;
	s5 =	smov.u32 s7  }
0x90: {  	v0 =	vld [tilespmem:s5+$0x4470]  }
0x91: {  	v6 =	vld [tilespmem:s5+$0xC400]  }
0x92: {  	v7 =	vld [tilespmem:s5+$0xC410]  }
.Ltmp1:
0x93: {  	v10 =	vld [tilespmem:s5+$0xC420];
	(pc) =	sbr.rel @p0 .LBB2_4-.Ltmp1, $4  }
0x94: {  	v9 =	vld [tilespmem:s5+$0xC430]  }
0x95: {  	v8 =	vld [tilespmem:s5+$0xC440]  }
0x96: {  	v12 =	vadd.f32 v12, v6;
	v6 =	vld [tilespmem:s5+$0xC450]  }
0x97: {  	s6 =	sadd.s32 $0x200, s6;
	v11 =	vadd.f32 v11, v7;
	v7 =	vld [tilespmem:s5+$0xC460]  }
0x98: {  	[tilespmem:s5+$0xC400] =	vst v12;
	v5 =	vadd.f32 v5, v10;
	v10 =	vld [tilespmem:s5+$0xC470]  }
0x99: {  	[tilespmem:s5+$0xC410] =	vst v11;
	v4 =	vadd.f32 v4, v9  }
0x9a: {  	[tilespmem:s5+$0xC420] =	vst v5;
	v3 =	vadd.f32 v3, v8  }
0x9b: {  	[tilespmem:s5+$0xC430] =	vst v4;
	v2 =	vadd.f32 v2, v6  }
0x9c: {  	[tilespmem:s5+$0xC440] =	vst v3;
	v1 =	vadd.f32 v1, v7  }
0x9d: {  	[tilespmem:s5+$0xC450] =	vst v2;
	v0 =	vadd.f32 v0, v10  }
0x9e: {  	[tilespmem:s5+$0xC460] =	vst v1  }
0x9f: {  	[tilespmem:s5+$0xC470] =	vst v0  }
0xa0: {  	[hbm4b:s1+s20] =	stream.indirect.scatter [tilespmem:s30], [sflag:$0x2], $0x80, s21, s20, $0xb8;
	[tilespmem:$0x10400] =	vst v63  }
0xa1: {  	_ =	swait.ge [sflag:s0], $0x4000  }
0xa2: {  	[sflag:s0] =	ssyncset.done $0x0  }
0xa3: {  	s7 =	simm.s32 $0x0;
	[sflag:s0] =	ssyncadd.s32 $0xFFFFC000  }
0xa4: {  	[tilespmem:s29], [sflag:$0x1] =	stream.linear.gather [hbm4b:s16+s7], $0x4000, $0x38;
	[tilespmem:$0x10400] =	vst v63  }
0xa5: {  	_ = 	snop  }
0xa6: {  	[tilespmem:s30], [sflag:$0x1] =	stream.indirect.gather [hbm4b:s4+s20], $0x80, s24, s20, $0xb8;
	[tilespmem:$0x10400] =	vst v63  }
0xa7: {  	_ =	swait.ge [sflag:s31], $0x4000  }
0xa8: {  	[sflag:s31] =	ssyncset.done $0x0  }
0xa9: {  	[sflag:s31] =	ssyncadd.s32 $0xFFFFC000  }
0xaa: {  	_ =	swait.ge [sflag:s31], $0x4000  }
0xab: {  	[sflag:s31] =	ssyncset.done $0x0  }
0xac: {  	s5 =	simm.s32 $0x0;
	[sflag:s31] =	ssyncadd.s32 $0xFFFFC000  }
0xad: {  	v7 =	vld [tilespmem:s5+$0x400]  }
0xae: {  	v11 =	vld [tilespmem:s5+$0x410]  }
0xaf: {  	v5 =	vld [tilespmem:s5+$0x420]  }
0xb0: {  	v4 =	vld [tilespmem:s5+$0x430]  }
0xb1: {  	v3 =	vld [tilespmem:s5+$0x440]  }
0xb2: {  	v2 =	vld [tilespmem:s5+$0x450]  }
0xb3: {  	v1 =	vld [tilespmem:s5+$0x460]  }
0xb4: {  	v0 =	vld [tilespmem:s5+$0x470]  }
0xb5: {  	v12 =	vld [tilespmem:s5+$0x8400]  }
0xb6: {  	v13 =	vld [tilespmem:s5+$0x8410]  }
0xb7: {  	v10 =	vld [tilespmem:s5+$0x8420]  }
0xb8: {  	v9 =	vld [tilespmem:s5+$0x8430]  }
0xb9: {  	v8 =	vld [tilespmem:s5+$0x8440]  }
0xba: {  	v6 =	vld [tilespmem:s5+$0x8450];
	v12 =	vadd.f32 v7, v12  }
0xbb: {  	s6 =	simm.s32 $0x200;
	v11 =	vadd.f32 v11, v13;
	v7 =	vld [tilespmem:s5+$0x8460]  }
.LBB2_6:
0xbc: {  	s7 =	sshra.s32 s6, $0x2;
	p0 =	sne.s32 s6, $0xFE00;
	[tilespmem:s5+$0x8400] =	vst v12;
	v5 =	vadd.f32 v5, v10;
	v10 =	vld [tilespmem:s5+$0x8470]  }
0xbd: {  	v12 =	vld [tilespmem:s7+$0x400];
	[tilespmem:s5+$0x8410] =	vst v11;
	v4 =	vadd.f32 v4, v9  }
0xbe: {  	v11 =	vld [tilespmem:s7+$0x410];
	[tilespmem:s5+$0x8420] =	vst v5;
	v3 =	vadd.f32 v3, v8  }
0xbf: {  	v5 =	vld [tilespmem:s7+$0x420];
	[tilespmem:s5+$0x8430] =	vst v4;
	v2 =	vadd.f32 v2, v6  }
0xc0: {  	v4 =	vld [tilespmem:s7+$0x430];
	[tilespmem:s5+$0x8440] =	vst v3;
	v1 =	vadd.f32 v1, v7  }
0xc1: {  	v3 =	vld [tilespmem:s7+$0x440];
	[tilespmem:s5+$0x8450] =	vst v2;
	v0 =	vadd.f32 v0, v10  }
0xc2: {  	v2 =	vld [tilespmem:s7+$0x450];
	[tilespmem:s5+$0x8460] =	vst v1  }
0xc3: {  	v1 =	vld [tilespmem:s7+$0x460];
	[tilespmem:s5+$0x8470] =	vst v0;
	s5 =	smov.u32 s7  }
0xc4: {  	v0 =	vld [tilespmem:s5+$0x470]  }
0xc5: {  	v6 =	vld [tilespmem:s5+$0x8400]  }
0xc6: {  	v7 =	vld [tilespmem:s5+$0x8410]  }
.Ltmp2:
0xc7: {  	v10 =	vld [tilespmem:s5+$0x8420];
	(pc) =	sbr.rel @p0 .LBB2_6-.Ltmp2, $4  }
0xc8: {  	v9 =	vld [tilespmem:s5+$0x8430]  }
0xc9: {  	v8 =	vld [tilespmem:s5+$0x8440]  }
0xca: {  	v12 =	vadd.f32 v12, v6;
	v6 =	vld [tilespmem:s5+$0x8450]  }
0xcb: {  	s6 =	sadd.s32 $0x200, s6;
	v11 =	vadd.f32 v11, v7;
	v7 =	vld [tilespmem:s5+$0x8460]  }
0xcc: {  	[tilespmem:s5+$0x8400] =	vst v12;
	v5 =	vadd.f32 v5, v10;
	v10 =	vld [tilespmem:s5+$0x8470]  }
0xcd: {  	[tilespmem:s5+$0x8410] =	vst v11;
	v4 =	vadd.f32 v4, v9  }
0xce: {  	[tilespmem:s5+$0x8420] =	vst v5;
	v3 =	vadd.f32 v3, v8  }
0xcf: {  	[tilespmem:s5+$0x8430] =	vst v4;
	v2 =	vadd.f32 v2, v6  }
0xd0: {  	[tilespmem:s5+$0x8440] =	vst v3;
	v1 =	vadd.f32 v1, v7  }
0xd1: {  	[tilespmem:s5+$0x8450] =	vst v2;
	v0 =	vadd.f32 v0, v10  }
0xd2: {  	[tilespmem:s5+$0x8460] =	vst v1  }
0xd3: {  	[tilespmem:s5+$0x8470] =	vst v0  }
0xd4: {  	[hbm4b:s1+s20] =	stream.indirect.scatter [tilespmem:s28], [sflag:$0x2], $0x80, s23, s20, $0xb8;
	[tilespmem:$0x10400] =	vst v63  }
0xd5: {  	_ =	swait.ge [sflag:s31], $0x4000  }
0xd6: {  	[sflag:s31] =	ssyncset.done $0x0  }
0xd7: {  	[sflag:s31] =	ssyncadd.s32 $0xFFFFC000  }
0xd8: {  	_ =	swait.ge [sflag:s31], $0x4000  }
0xd9: {  	[sflag:s31] =	ssyncset.done $0x0  }
0xda: {  	s5 =	simm.s32 $0x0;
	[sflag:s31] =	ssyncadd.s32 $0xFFFFC000  }
0xdb: {  	v7 =	vld [tilespmem:s5+$0x4400]  }
0xdc: {  	v11 =	vld [tilespmem:s5+$0x4410]  }
0xdd: {  	v5 =	vld [tilespmem:s5+$0x4420]  }
0xde: {  	v4 =	vld [tilespmem:s5+$0x4430]  }
0xdf: {  	v3 =	vld [tilespmem:s5+$0x4440]  }
0xe0: {  	v2 =	vld [tilespmem:s5+$0x4450]  }
0xe1: {  	v1 =	vld [tilespmem:s5+$0x4460]  }
0xe2: {  	v0 =	vld [tilespmem:s5+$0x4470]  }
0xe3: {  	v12 =	vld [tilespmem:s5+$0xC400]  }
0xe4: {  	v13 =	vld [tilespmem:s5+$0xC410]  }
0xe5: {  	v10 =	vld [tilespmem:s5+$0xC420]  }
0xe6: {  	v9 =	vld [tilespmem:s5+$0xC430]  }
0xe7: {  	v8 =	vld [tilespmem:s5+$0xC440]  }
0xe8: {  	v6 =	vld [tilespmem:s5+$0xC450];
	v12 =	vadd.f32 v7, v12  }
0xe9: {  	s6 =	simm.s32 $0x200;
	v11 =	vadd.f32 v11, v13;
	v7 =	vld [tilespmem:s5+$0xC460]  }
.LBB2_8:
0xea: {  	s7 =	sshra.s32 s6, $0x2;
	p0 =	sne.s32 s6, $0xFE00;
	[tilespmem:s5+$0xC400] =	vst v12;
	v5 =	vadd.f32 v5, v10;
	v10 =	vld [tilespmem:s5+$0xC470]  }
0xeb: {  	v12 =	vld [tilespmem:s7+$0x4400];
	[tilespmem:s5+$0xC410] =	vst v11;
	v4 =	vadd.f32 v4, v9  }
0xec: {  	v11 =	vld [tilespmem:s7+$0x4410];
	[tilespmem:s5+$0xC420] =	vst v5;
	v3 =	vadd.f32 v3, v8  }
0xed: {  	v5 =	vld [tilespmem:s7+$0x4420];
	[tilespmem:s5+$0xC430] =	vst v4;
	v2 =	vadd.f32 v2, v6  }
0xee: {  	v4 =	vld [tilespmem:s7+$0x4430];
	[tilespmem:s5+$0xC440] =	vst v3;
	v1 =	vadd.f32 v1, v7  }
0xef: {  	v3 =	vld [tilespmem:s7+$0x4440];
	[tilespmem:s5+$0xC450] =	vst v2;
	v0 =	vadd.f32 v0, v10  }
0xf0: {  	v2 =	vld [tilespmem:s7+$0x4450];
	[tilespmem:s5+$0xC460] =	vst v1  }
0xf1: {  	v1 =	vld [tilespmem:s7+$0x4460];
	[tilespmem:s5+$0xC470] =	vst v0;
	s5 =	smov.u32 s7  }
0xf2: {  	v0 =	vld [tilespmem:s5+$0x4470]  }
0xf3: {  	v6 =	vld [tilespmem:s5+$0xC400]  }
0xf4: {  	v7 =	vld [tilespmem:s5+$0xC410]  }
.Ltmp3:
0xf5: {  	v10 =	vld [tilespmem:s5+$0xC420];
	(pc) =	sbr.rel @p0 .LBB2_8-.Ltmp3, $4  }
0xf6: {  	v9 =	vld [tilespmem:s5+$0xC430]  }
0xf7: {  	v8 =	vld [tilespmem:s5+$0xC440]  }
0xf8: {  	v12 =	vadd.f32 v12, v6;
	v6 =	vld [tilespmem:s5+$0xC450]  }
0xf9: {  	s6 =	sadd.s32 $0x200, s6;
	v11 =	vadd.f32 v11, v7;
	v7 =	vld [tilespmem:s5+$0xC460]  }
0xfa: {  	[tilespmem:s5+$0xC400] =	vst v12;
	v5 =	vadd.f32 v5, v10;
	v63 =	vld [tilespmem:s5+$0xC470]  }
0xfb: {  	[tilespmem:s5+$0xC410] =	vst v11;
	v4 =	vadd.f32 v4, v9  }
0xfc: {  	[tilespmem:s5+$0xC420] =	vst v5;
	v3 =	vadd.f32 v3, v8  }
0xfd: {  	[tilespmem:s5+$0xC430] =	vst v4;
	v2 =	vadd.f32 v2, v6  }
0xfe: {  	[tilespmem:s5+$0xC440] =	vst v3;
	v1 =	vadd.f32 v1, v7  }
0xff: {  	[tilespmem:s5+$0xC450] =	vst v2;
	v0 =	vadd.f32 v0, v63  }
0x100: {  	[tilespmem:s5+$0xC460] =	vst v1  }
0x101: {  	s2 =	sadd.s32 $0x1, s2;
	[tilespmem:s5+$0xC470] =	vst v0  }
0x102: {  	[hbm4b:s1+s20] =	stream.indirect.scatter [tilespmem:s30], [sflag:$0x2], $0x80, s25, s20, $0xb8;
	[tilespmem:$0x10400] =	vst v63  }
0x103: {  	p0 =	sne.s32 s2, s17;
	_ =	swait.ge [sflag:s0], $0x4000  }
.Ltmp4:
0x104: {  	[sflag:s0] =	ssyncset.done $0x0;
	(pc) =	sbr.rel @p0 .LBB2_1-.Ltmp4, $4  }
0x105: {  	[sflag:s0] =	ssyncadd.s32 $0xFFFFC000  }
0x106: {  	_ =	swait.ge [sflag:s0], $0x4000  }
0x107: {  	[sflag:s0] =	ssyncset.done $0x0  }
0x108: {  	[sflag:s0] =	ssyncadd.s32 $0xFFFFC000  }
0x109: {  	_ =	sfence.sel $0x180000  }
0x10a: {  	[bflag:$0x0] =	sbarrier.arrive $0xFFFF  }
0x10b: {  	_ =	strace $0x9000004D  }
0x10c: {  	s0 =	stileid.u32;
	[bflag:$0x2] =	sbarrier.arrive $0xFFFF  }
0x10d: {  	p0 =	sne.s32 s0, $0x0;
	s0 =	rddreg [dreg:$0x3]  }
0x10e: {  	s0 =	sadd.s32 @!p0 $0x100000, s0  }
0x10f: {  	[sflag:s0] =	ssyncadd.tile.s32 @!p0 $0x1;
	_ =	shalt  }
.Lfunc_end2:
_tile_overlayer_lowered:
.L_overlay_start_2:
0x110: {  	(tag) =	ssettag $0x2  }
0x111: {  	s0 =	rddreg [dreg:$0x0];
	s2 =	stileid.u32  }
0x112: {  	s1 =	rddreg [dreg:$0x1];
	p0 =	sne.s32 s2, $0x0  }
0x113: {  	s3 =	rddreg [dreg:$0x2];
	[bflag:$0x3] =	sbarrier.arrive $0xFFFF;
	s2 =	simm.s32 @!p0 $0x1C03  }
0x114: {  	[timem:s3], [sflag:s2] =	dma.local @!p0 [hbm:s0], s1  }
0x115: {  	s0 =	simm.s32 @!p0 $0x3  }
0x116: {  	_ =	swait.ge @!p0 [sflag:s0], s1  }
0x117: {  	s1 =	ssub.s32 @!p0 $0x0, s1;
	[sflag:s0] =	ssyncset.done @!p0 $0x0  }
0x118: {  	[sflag:s0] =	ssyncadd.s32 @!p0 s1  }
0x119: {  	[bflag:$0x3] =	sbarrier.arrive $0xFFFF  }
0x11a: {  	_ =	shalt  }

// kernel: kernel.6.cloned.1.call-start
scs
__scs_entry_jumppad:
0x0: {  	(pc) =	sbr.rel $0x88, $3  }
0x1: {  	(tag) =	ssettag $0x0;
	lr =	simm.s32 $0x1  }
0x2: {  	[smem:$0x3F9E] =	sst lr;
	_ =	strace $0xD0000000  }
0x3: {  	_ = 	snop  }
0x4: {  	_ = 	snop  }
0x5: {  	_ = 	snop  }
0x6: {  	_ = 	snop  }
0x7: {  	_ = 	snop  }
__scs_overlays_trampoline_lowered:
0x8: {  	[smem:$0x3FAD] =	sst s0  }
0x9: {  	[smem:$0x3FAE] =	sst s1  }
0xa: {  	[smem:$0x3FAF] =	sst s2  }
0xb: {  	[smem:$0x3FB0] =	sst s3  }
0xc: {  	[smem:$0x3FB1] =	sst s4  }
0xd: {  	[smem:$0x3FB2] =	sst s5  }
0xe: {  	[smem:$0x3FB3] =	sst s6  }
0xf: {  	[smem:$0x3FB4] =	sst s7  }
0x10: {  	[smem:$0x3FB5] =	sst s8  }
0x11: {  	[smem:$0x3FB6] =	sst s9;
	s0 =	simm.s32 @!p0 $0x0  }
0x12: {  	s1 =	sld [smem:$0x3F9C];
	s0 =	simm.s32 @p0 $0x1  }
0x13: {  	[smem:$0x3FB7] =	sst s0;
	s0 =	simm.s32 @!p1 $0x0  }
0x14: {  	s2 =	sld [smem:$0x3F9B];
	s0 =	simm.s32 @p1 $0x1  }
0x15: {  	[smem:$0x3FB8] =	sst s0;
	s0 =	simm.s32 @!p2 $0x0  }
0x16: {  	s3 =	sld [smem:$0x3FDB];
	s0 =	simm.s32 @p2 $0x1  }
0x17: {  	s4 =	simm.s32 $0x1BF5;
	[smem:$0x3FBA] =	sst s0  }
0x18: {  	s0 =	sld [smem:$0x3F9D];
	_ =	swait.ge [sflag:s4], $0x0  }
0x19: {  	s7 =	sld [smem:$0x3F9E]  }
0x1a: {  	s8 =	sadd.s32 $0xFFFFE003, lr  }
0x1b: {  	s9 =	sadd.s32 $0xFFFFFEF7, lr;
	s5 =	simm.s32 $0xFFFFFFFF;
	p2 =	slt.u32 s8, $0xFFFFF086  }
0x1c: {  	p1 =	slt.u32 s9, $0xF7A;
	s5 =	simm.s32 @!p2 $0x0  }
0x1d: {  	s5 =	simm.s32 @p1 $0x1;
	p0 =	seq.s32 s7, s2  }
0x1e: {  	s7 =	smul.u32 @!p0 $0xF7A, s2;
	p2 =	seq.s32 @!p0 s5, $0x0  }
0x1f: {  	s9 =	smul.u32 $0xF7A, s1;
	s8 =	simm.s32 @!p0 $0x1BF5;
	p2 =	por !p2, p0  }
0x20: {  	[sflag:s8] =	ssyncset.s32 @!p0 $0xFFFFF086;
	s6 =	sadd.s32 @!p0 s3, s7;
	s7 =	simm.s32 @!p0 $0x108  }
0x21: {  	s3 =	sadd.s32 s3, s9;
	s6 =	sadd.s32 @!p0 $0x88, s6;
	s7 =	simm.s32 @p2 $0x1082  }
0x22: {  	[simem:s7], [sflag:s8] =	dma.local @!p0 [hbm:s6], $0xF7A  }
0x23: {  	s9 =	sor.u32 $0xD0000000, s2;
	s6 =	simm.s32 $0x108;
	_ =	swait.ge @!p0 [sflag:s8], $0x0  }
0x24: {  	s3 =	sadd.s32 $0x88, s3;
	s6 =	simm.s32 @!p1 $0x1082;
	[sflag:s4] =	ssyncset.s32 $0xFFFFF086  }
0x25: {  	[simem:s6], [sflag:s4] =	dma.local [hbm:s3], $0xF7A  }
0x26: {  	[smem:$0x3F9E] =	sst s1;
	(tag) =	ssettag s2;
	_ =	strace s9  }
0x27: {  	s1 =	sld [smem:$0x3FAE]  }
0x28: {  	s2 =	sld [smem:$0x3FAF]  }
0x29: {  	s4 =	sld [smem:$0x3FB1]  }
0x2a: {  	p0 =	seq.s32 s5, $0x0;
	s5 =	sld [smem:$0x3FB2]  }
0x2b: {  	s6 =	sld [smem:$0x3FB3]  }
0x2c: {  	s7 =	sld [smem:$0x3FB4]  }
0x2d: {  	s3 =	simm.s32 $0x108;
	s8 =	sld [smem:$0x3FB5]  }
0x2e: {  	s3 =	simm.s32 @!p0 $0x1082;
	s9 =	sld [smem:$0x3FB6]  }
0x2f: {  	lr =	sadd.s32 s0, s3;
	s0 =	sld [smem:$0x3FAD]  }
0x30: {  	s3 =	sld [smem:$0x3FB0]  }
0x31: {  	[smem:$0x3FB9] =	sst s10  }
0x32: {  	s10 =	sld [smem:$0x3FB7];
	_ =	sdelay $0x3  }
0x33: {  	p0 =	seq.s32 s10, $0x1;
	s10 =	sld [smem:$0x3FB9];
	_ =	sdelay $0x3  }
0x34: {  	[smem:$0x3FB9] =	sst s10  }
0x35: {  	s10 =	sld [smem:$0x3FB8];
	_ =	sdelay $0x3  }
0x36: {  	p1 =	seq.s32 s10, $0x1;
	s10 =	sld [smem:$0x3FB9];
	_ =	sdelay $0x3  }
0x37: {  	[smem:$0x3FB9] =	sst s10  }
0x38: {  	s10 =	sld [smem:$0x3FBA]  }
0x39: {  	_ = 	snop;
	(pc) =	sbr.ind lr, $3  }
0x3a: {  	_ = 	snop  }
0x3b: {  	_ = 	snop  }
0x3c: {  	p2 =	seq.s32 s10, $0x1;
	s10 =	sld [smem:$0x3FB9]  }
0x3d: {  	_ =	shalt  }
0x3e: {  	_ =	shalt  }
0x3f: {  	_ =	shalt  }
0x40: {  	_ =	shalt  }
0x41: {  	_ =	shalt  }
0x42: {  	_ =	shalt  }
0x43: {  	_ =	shalt  }
0x44: {  	_ =	shalt  }
0x45: {  	_ =	shalt  }
0x46: {  	_ =	shalt  }
0x47: {  	_ =	shalt  }
0x48: {  	_ =	shalt  }
0x49: {  	_ =	shalt  }
0x4a: {  	_ =	shalt  }
0x4b: {  	_ =	shalt  }
0x4c: {  	_ =	shalt  }
0x4d: {  	_ =	shalt  }
0x4e: {  	_ =	shalt  }
0x4f: {  	_ =	shalt  }
0x50: {  	_ =	shalt  }
0x51: {  	_ =	shalt  }
0x52: {  	_ =	shalt  }
0x53: {  	_ =	shalt  }
0x54: {  	_ =	shalt  }
0x55: {  	_ =	shalt  }
0x56: {  	_ =	shalt  }
0x57: {  	_ =	shalt  }
0x58: {  	_ =	shalt  }
0x59: {  	_ =	shalt  }
0x5a: {  	_ =	shalt  }
0x5b: {  	_ =	shalt  }
0x5c: {  	_ =	shalt  }
0x5d: {  	_ =	shalt  }
0x5e: {  	_ =	shalt  }
0x5f: {  	_ =	shalt  }
0x60: {  	_ =	shalt  }
0x61: {  	_ =	shalt  }
0x62: {  	_ =	shalt  }
0x63: {  	_ =	shalt  }
0x64: {  	_ =	shalt  }
0x65: {  	_ =	shalt  }
0x66: {  	_ =	shalt  }
0x67: {  	_ =	shalt  }
0x68: {  	_ =	shalt  }
0x69: {  	_ =	shalt  }
0x6a: {  	_ =	shalt  }
0x6b: {  	_ =	shalt  }
0x6c: {  	_ =	shalt  }
0x6d: {  	_ =	shalt  }
0x6e: {  	_ =	shalt  }
0x6f: {  	_ =	shalt  }
0x70: {  	_ =	shalt  }
0x71: {  	_ =	shalt  }
0x72: {  	_ =	shalt  }
0x73: {  	_ =	shalt  }
0x74: {  	_ =	shalt  }
0x75: {  	_ =	shalt  }
0x76: {  	_ =	shalt  }
0x77: {  	_ =	shalt  }
0x78: {  	_ =	shalt  }
0x79: {  	_ =	shalt  }
0x7a: {  	_ =	shalt  }
0x7b: {  	_ =	shalt  }
0x7c: {  	_ =	shalt  }
0x7d: {  	_ =	shalt  }
0x7e: {  	_ =	shalt  }
0x7f: {  	_ =	shalt  }
0x80: {  	_ =	shalt  }
0x81: {  	_ =	shalt  }
0x82: {  	_ =	shalt  }
0x83: {  	_ =	shalt  }
0x84: {  	_ =	shalt  }
0x85: {  	_ =	shalt  }
0x86: {  	_ =	shalt  }
0x87: {  	_ =	shalt  }
.Lfunc_end0:
.L_simem_size_0:
called_computation_lowered:
.L_overlay_start_0:
0x88: {  	s2 =	sld [smem:$0x3FD9]  }
0x89: {  	s3 =	sld [smem:$0x3FFE];
	_ =	sdelay $0x1  }
0x8a: {  	s1 =	srdreg.scid  }
0x8b: {  	s0 =	sand.u32 $0x1, s1  }
0x8c: {  	s14 =	sshll.u32 s0, $0xA;
	s2 =	sadd.s32 s3, s2  }
0x8d: {  	s2 =	sadd.s32 s2, s14  }
0x8e: {  	[smem:$0x3FC5] =	sst s2  }
0x8f: {  	_ = 	snop  }
0x90: {  	s2 =	sld [smem:$0x3FD0];
	_ =	sdelay $0x1  }
0x91: {  	s15 =	sld [smem:$0x3FC8]  }
0x92: {  	s5 =	simm.s32 $0xA;
	s6 =	simm.s32 $0x10;
	s4 =	sld [smem:$0x3FC7]  }
0x93: {  	[smem:s6], [sflag:s5] =	dma.local [hbm:s2], $0x1  }
0x94: {  	_ =	swait.eq [sflag:s5], $0x1  }
0x95: {  	[sflag:s5] =	ssyncset.done $0x0  }
0x96: {  	s16 =	sld [smem:$0x10];
	[sflag:s5] =	ssyncadd.s32 $0xFFFFFFFF  }
0x97: {  	s17 =	sld [smem:$0x11];
	(tm) =	ssettm $0x1  }
0x98: {  	s18 =	sld [smem:$0x3FFB];
	_ =	sdelay $0x3  }
0x99: {  	_ =	strace s18  }
0x9a: {  	s6 =	sld [smem:$0x3FFC];
	_ =	sdelay $0x3  }
0x9b: {  	_ =	strace s6  }
0x9c: {  	s6 =	sld [smem:$0x3FFD];
	_ =	sdelay $0x3  }
0x9d: {  	_ =	strace s6  }
0x9e: {  	_ =	strace $0x8FFFFFFF  }
0x9f: {  	s19 =	sld [smem:$0x3FDB];
	_ =	sdelay $0x1  }
0xa0: {  	s7 =	simm.s32 $_scs_section_size  }
0xa1: {  	s8 =	simm.s32 $_size__tile_overlayer_lowered;
	s9 =	simm.s32 $_tile_overlayer_lowered  }
0xa2: {  	s22 =	simm.s32 $0x1BFF;
	s21 =	sshll.u32 s9, $0x1;
	s6 =	sadd.s32 s7, s19  }
0xa3: {  	s10 =	simm.s32 $0x0;
	s20 =	sshll.u32 s8, $0x1;
	s8 =	sadd.s32 s21, s6  }
0xa4: {  	[timem:s10], [sflag:s22] =	dma.local [hbm:s8], s20  }
0xa5: {  	_ =	swait.ge [sflag:s22], s20  }
0xa6: {  	s7 =	ssub.s32 $0x0, s20;
	[sflag:s22] =	ssyncset.done $0x0  }
0xa7: {  	[sflag:s22] =	ssyncadd.s32 s7;
	_ =	sdelay $0x1  }
0xa8: {  	s23 =	simm.s32 $0x1B8B  }
0xa9: {  	_ =	swait.ge [sflag:s23], $0x1  }
0xaa: {  	[sflag:s23] =	ssyncset.done $0x0  }
0xab: {  	s25 =	simm.s32 $0x1B8E;
	s24 =	sld [smem:$0x3FFE];
	[sflag:s23] =	ssyncadd.s32 $0xFFFFFFFF  }
0xac: {  	s26 =	simm.s32 $execute0_lowered;
	[smem:$0x3FD2] =	sst s25  }
0xad: {  	s8 =	sshll.u32 s26, $0x1;
	_ =	strace $0x80000046;
	[dreg:$0x1] =	wrdreg $0xFFFFFFFF  }
0xae: {  	s28 =	simm.s32 $_size_execute0_lowered;
	s6 =	sadd.s32 s6, s8;
	[dreg:$0x0] =	wrdreg $0x0  }
0xaf: {  	s8 =	sshll.u32 s28, $0x1;
	[dreg:$0x2] =	wrdreg s6  }
0xb0: {  	[dreg:$0x3] =	wrdreg s8  }
0xb1: {  	[dreg:$0x4] =	wrdreg $0xC0  }
0xb2: {  	_ =	task [dreg:s10], $0x5FFFF  }
0xb3: {  	[dreg:$0x1] =	wrdreg $0xFFFFFFFF  }
0xb4: {  	[dreg:$0x0] =	wrdreg $0x60  }
0xb5: {  	[dreg:$0x2] =	wrdreg s4  }
0xb6: {  	[dreg:$0x3] =	wrdreg s15  }
0xb7: {  	[dreg:$0x4] =	wrdreg s17  }
0xb8: {  	[dreg:$0x5] =	wrdreg s16  }
0xb9: {  	[dreg:$0x6] =	wrdreg s24  }
0xba: {  	[dreg:$0x7] =	wrdreg $0x10F000  }
0xbb: {  	[dreg:$0x8] =	wrdreg $0x127700  }
0xbc: {  	[dreg:$0x9] =	wrdreg $0x9  }
0xbd: {  	_ =	task.clear_ibuf [dreg:s10], $0xAFFFF;
	_ =	strace $0x90000046  }
0xbe: {  	s29 =	simm.s32 $0x9;
	_ =	strace $0x80000048  }
0xbf: {  	_ =	swait.ge [sflag:s29], $0x1  }
0xc0: {  	[sflag:s29] =	ssyncadd.s32 $0xFFFFFFFF  }
0xc1: {  	_ =	strace $0x90000048  }
0xc2: {  	_ =	sfence  }
0xc3: {  	s30 =	sld [smem:$0x0];
	_ =	sdelay $0x2  }
0xc4: {  	s31 =	sshll.u32 s1, $0xD;
	s1 =	sshrl.u32 s1, $0x2  }
0xc5: {  	s3 =	sand.u32 $0x4000, s31;
	s1 =	sadd.s32 s1, s30  }
0xc6: {  	s0 =	sor.u32 s3, s0;
	s1 =	sshll.u32 s1, $0x11  }
0xc7: {  	s0 =	sor.u32 s1, s0  }
0xc8: {  	s0 =	sadd.s32 $0x8F2B, s0  }
0xc9: {  	[sflag:s0] =	ssyncadd.remote.s32 $0x1  }
0xca: {  	_ =	sfence.sel $0xFFFF  }
0xcb: {  	[dreg:$0x0] =	wrdreg $0xFFFFFFFF;
	(pc) =	sbr.abs _section_cstart, $3  }
0xcc: {  	[dreg:$0x1] =	wrdreg $0xFFFFFFFF  }
0xcd: {  	_ =	task.clear_ibuf [dreg:s10], $0x2FFFF;
	_ =	strace $0x9FFFFFFF  }
0xce: {  	(tm) =	ssettm $0x7FFFFFFF  }
0xcf: {  	_ =	shalt  }
tec
execute0_lowered:
.L_overlay_start_1:
0x0: {  	(tag) =	ssettag $0x1  }
0x1: {  	s0 =	rddreg [dreg:$0x0]  }
0x2: {  	s1 =	rddreg [dreg:$0x1]  }
0x3: {  	s2 =	rddreg [dreg:$0x2]  }
0x4: {  	s3 =	rddreg [dreg:$0x4]  }
0x5: {  	s4 =	rddreg [dreg:$0x5]  }
0x6: {  	s5 =	rddreg [dreg:$0x6]  }
0x7: {  	s6 =	srdreg.scid;
	s10 =	stileid.u32  }
0x8: {  	s28 =	simm.s32 $0x10380;
	s7 =	sand.u32 $0x1, s6;
	s6 =	simm.s32 $0x0  }
0x9: {  	s8 =	sshll.u32 s10, $0xA;
	s15 =	sadd.s32 $0x1C00, s3;
	s11 =	sadd.s32 $0x42600, s3  }
0xa: {  	s10 =	sshll.u32 s10, $0x7;
	s9 =	sshll.u32 s7, $0x9;
	[smem:$0x7FF] =	sst s6  }
0xb: {  	s17 =	ssub.s32 $0x2, s7;
	s12 =	sor.u32 $0x10, s10;
	s19 =	sadd.s32 s1, s10  }
0xc: {  	s21 =	sor.u32 $0x20, s10;
	s13 =	sor.u32 $0x30, s10;
	s14 =	sor.u32 $0x40, s10  }
0xd: {  	p0 =	sne.s32 s7, $0x0;
	_ =	strace $0x80000047;
	[dreg:$0x8] =	wrdreg s15  }
0xe: {  	s24 =	sor.u32 $0x50, s10;
	s25 =	sor.u32 $0x60, s10;
	[dreg:$0x9] =	wrdreg s11  }
0xf: {  	s7 =	simm.s32 $0x80;
	[dreg:$0xb] =	wrdreg s19;
	s20 =	sadd.s32 s1, s12  }
0x10: {  	s8 =	sor.u32 s9, s8;
	s15 =	sadd.s32 s1, s21;
	[dreg:$0xc] =	wrdreg s20  }
0x11: {  	s18 =	sshrl.u32 s17, $0x1;
	s22 =	sadd.s32 s1, s13;
	[dreg:$0xd] =	wrdreg s15  }
0x12: {  	s23 =	sadd.s32 s1, s14;
	s26 =	sadd.s32 s1, s25;
	[dreg:$0xe] =	wrdreg s22  }
0x13: {  	s16 =	sshll.u32 s8, $0x4;
	s8 =	sshrl.u32 s8, $0x3;
	[dreg:$0xf] =	wrdreg s23  }
0x14: {  	[dreg:$0x11] =	wrdreg s26;
	s20 =	sadd.s32 s2, s21;
	s21 =	sadd.s32 s2, s13  }
0x15: {  	s22 =	sadd.s32 s2, s14;
	s23 =	sadd.s32 s2, s24;
	[dreg:$0x13] =	wrdreg s20  }
0x16: {  	s26 =	sadd.s32 s2, s10;
	s13 =	simm.s32 $0x2;
	[dreg:$0x14] =	wrdreg s21  }
0x17: {  	s14 =	simm.s32 $0x1;
	s9 =	sadd.s32 s16, s3;
	[dreg:$0x15] =	wrdreg s22  }
0x18: {  	s3 =	sadd.s32 $0x1E00, s3;
	s11 =	sadd.s32 s1, s8;
	[dreg:$0x16] =	wrdreg s23  }
0x19: {  	s16 =	sadd.s32 s1, s24;
	s24 =	sadd.s32 s2, s25;
	[dreg:$0x19] =	wrdreg s26  }
0x1a: {  	s8 =	simm.s32 $0x100;
	s20 =	simm.s32 $0x200;
	s26 =	simm.s32 $0x10300  }
0x1b: {  	s21 =	simm.s32 $0x10400;
	s22 =	simm.s32 $0x10480;
	[dreg:$0xa] =	wrdreg s3  }
0x1c: {  	s23 =	simm.s32 $0x10500;
	s3 =	ssub.s32 s17, s18;
	[dreg:$0x10] =	wrdreg s16  }
0x1d: {  	s17 =	sor.u32 $0x70, s10;
	s18 =	sadd.s32 s2, s12;
	[dreg:$0x17] =	wrdreg s24  }
.Ltmp0:
0x1e: {  	s29 =	sadd.s32 $0x2600, s9;
	s31 =	sadd.s32 $0x10, s11;
	(pc) =	sbr.rel .LBB2_1-.Ltmp0, $4  }
0x1f: {  	s9 =	simm.s32 $0x180;
	s24 =	simm.s32 $0x10200;
	s12 =	simm.s32 $0x10580  }
0x20: {  	s19 =	sadd.s32 s1, s17;
	[dreg:$0x12] =	wrdreg s18;
	s25 =	sadd.s32 s2, s17  }
0x21: {  	s30 =	smax.u32 s3, $0x1;
	s1 =	sadd.s32 $0x20, s11;
	s3 =	sadd.s32 $0x30, s11  }
0x22: {  	s2 =	simm.s32 $0x3;
	[dreg:$0x18] =	wrdreg s25;
	s25 =	simm.s32 $0x10280  }
.LBB2_3:
0x23: {  	s17 =	rddreg [dreg:$0x3];
	s15 =	simm.s32 $0x10A00  }
0x24: {  	[tilespmem:s15], [sflag:$0x3] =	stream.linear.gather [hbm4b:s17+s6], $0x80, $0x38;
	[tilespmem:$0x13FE0] =	vst v63  }
0x25: {  	_ =	swait.ge [sflag:s2], $0x80  }
0x26: {  	[sflag:s2] =	ssyncset.done $0x0  }
0x27: {  	s16 =	simm.s32 $0x10A80;
	s18 =	rddreg [dreg:$0x8];
	[sflag:s2] =	ssyncadd.s32 $0xFFFFFF80  }
0x28: {  	[tilespmem:s16], [sflag:$0x3] =	stream.linear.gather [hbm4b:s18+s6], $0x80, $0x38;
	[tilespmem:$0x13FE0] =	vst v63  }
0x29: {  	_ =	swait.ge [sflag:s2], $0x80  }
0x2a: {  	[sflag:s2] =	ssyncset.done $0x0  }
0x2b: {  	[sflag:s2] =	ssyncadd.s32 $0xFFFFFF80  }
0x2c: {  	[spmem:s5] =	stream.indirect.scatter [tilespmem:s16], [sflag:$0x2], $0x1, s24, s7, $0xb8;
	[tilespmem:$0x13FE0] =	vst v63  }
0x2d: {  	_ = 	snop  }
0x2e: {  	[spmem:s5] =	stream.indirect.scatter [tilespmem:s16], [sflag:$0x2], $0x1, s25, s7, $0xb8;
	[tilespmem:$0x13FE0] =	vst v63  }
0x2f: {  	_ = 	snop  }
0x30: {  	[spmem:s5] =	stream.indirect.scatter [tilespmem:s16], [sflag:$0x2], $0x1, s26, s7, $0xb8;
	[tilespmem:$0x13FE0] =	vst v63  }
0x31: {  	_ = 	snop  }
0x32: {  	[spmem:s5] =	stream.indirect.scatter [tilespmem:s16], [sflag:$0x2], $0x1, s28, s7, $0xb8;
	[tilespmem:$0x13FE0] =	vst v63  }
0x33: {  	_ = 	snop  }
0x34: {  	[spmem:s5] =	stream.indirect.scatter [tilespmem:s16], [sflag:$0x2], $0x1, s21, s7, $0xb8;
	[tilespmem:$0x13FE0] =	vst v63  }
0x35: {  	_ = 	snop  }
0x36: {  	[spmem:s5] =	stream.indirect.scatter [tilespmem:s16], [sflag:$0x2], $0x1, s22, s7, $0xb8;
	[tilespmem:$0x13FE0] =	vst v63  }
0x37: {  	_ = 	snop  }
0x38: {  	[spmem:s5] =	stream.indirect.scatter [tilespmem:s16], [sflag:$0x2], $0x1, s23, s7, $0xb8;
	[tilespmem:$0x13FE0] =	vst v63  }
0x39: {  	_ = 	snop  }
0x3a: {  	[spmem:s5] =	stream.indirect.scatter [tilespmem:s16], [sflag:$0x2], $0x1, s12, s7, $0xb8;
	[tilespmem:$0x13FE0] =	vst v63  }
0x3b: {  	_ =	swait.ge [sflag:s13], $0x80  }
0x3c: {  	[sflag:s13] =	ssyncset.done $0x0  }
0x3d: {  	[sflag:s13] =	ssyncadd.s32 $0xFFFFFF80  }
0x3e: {  	_ =	swait.ge [sflag:s13], $0x80  }
0x3f: {  	[sflag:s13] =	ssyncset.done $0x0  }
0x40: {  	[sflag:s13] =	ssyncadd.s32 $0xFFFFFF80  }
0x41: {  	_ =	swait.ge [sflag:s13], $0x80  }
0x42: {  	[sflag:s13] =	ssyncset.done $0x0  }
0x43: {  	[sflag:s13] =	ssyncadd.s32 $0xFFFFFF80  }
0x44: {  	_ =	swait.ge [sflag:s13], $0x80  }
0x45: {  	[sflag:s13] =	ssyncset.done $0x0  }
0x46: {  	[sflag:s13] =	ssyncadd.s32 $0xFFFFFF80  }
0x47: {  	_ =	swait.ge [sflag:s13], $0x80  }
0x48: {  	[sflag:s13] =	ssyncset.done $0x0  }
0x49: {  	[sflag:s13] =	ssyncadd.s32 $0xFFFFFF80  }
0x4a: {  	_ =	swait.ge [sflag:s13], $0x80  }
0x4b: {  	[sflag:s13] =	ssyncset.done $0x0  }
0x4c: {  	[sflag:s13] =	ssyncadd.s32 $0xFFFFFF80  }
0x4d: {  	_ =	swait.ge [sflag:s13], $0x80  }
0x4e: {  	[sflag:s13] =	ssyncset.done $0x0  }
0x4f: {  	[sflag:s13] =	ssyncadd.s32 $0xFFFFFF80  }
0x50: {  	_ =	swait.ge [sflag:s13], $0x80  }
0x51: {  	[sflag:s13] =	ssyncset.done $0x0  }
0x52: {  	[sflag:s13] =	ssyncadd.s32 $0xFFFFFF80  }
0x53: {  	[bflag:$0x0] =	sbarrier.arrive $0xFFFF  }
0x54: {  	[spmem:s5] =	stream.indirect.scatter.add.f32 [tilespmem:s15], [sflag:$0x2], $0x1, s24, s7, $0xb8;
	[tilespmem:$0x13FE0] =	vst v63  }
0x55: {  	_ = 	snop  }
0x56: {  	[spmem:s5] =	stream.indirect.scatter.add.f32 [tilespmem:s15], [sflag:$0x2], $0x1, s25, s7, $0xb8;
	[tilespmem:$0x13FE0] =	vst v63  }
0x57: {  	_ = 	snop  }
0x58: {  	[spmem:s5] =	stream.indirect.scatter.add.f32 [tilespmem:s15], [sflag:$0x2], $0x1, s26, s7, $0xb8;
	[tilespmem:$0x13FE0] =	vst v63  }
0x59: {  	_ = 	snop  }
0x5a: {  	[spmem:s5] =	stream.indirect.scatter.add.f32 [tilespmem:s15], [sflag:$0x2], $0x1, s28, s7, $0xb8;
	[tilespmem:$0x13FE0] =	vst v63  }
0x5b: {  	_ = 	snop  }
0x5c: {  	[spmem:s5] =	stream.indirect.scatter.add.f32 [tilespmem:s15], [sflag:$0x2], $0x1, s21, s7, $0xb8;
	[tilespmem:$0x13FE0] =	vst v63  }
0x5d: {  	_ = 	snop  }
0x5e: {  	[spmem:s5] =	stream.indirect.scatter.add.f32 [tilespmem:s15], [sflag:$0x2], $0x1, s22, s7, $0xb8;
	[tilespmem:$0x13FE0] =	vst v63  }
0x5f: {  	_ = 	snop  }
0x60: {  	[spmem:s5] =	stream.indirect.scatter.add.f32 [tilespmem:s15], [sflag:$0x2], $0x1, s23, s7, $0xb8;
	[tilespmem:$0x13FE0] =	vst v63  }
0x61: {  	_ = 	snop  }
0x62: {  	[spmem:s5] =	stream.indirect.scatter.add.f32 [tilespmem:s15], [sflag:$0x2], $0x1, s12, s7, $0xb8;
	[tilespmem:$0x13FE0] =	vst v63  }
0x63: {  	_ =	swait.ge [sflag:s13], $0x80  }
0x64: {  	[sflag:s13] =	ssyncset.done $0x0  }
0x65: {  	[sflag:s13] =	ssyncadd.s32 $0xFFFFFF80  }
0x66: {  	_ =	swait.ge [sflag:s13], $0x80  }
0x67: {  	[sflag:s13] =	ssyncset.done $0x0  }
0x68: {  	[sflag:s13] =	ssyncadd.s32 $0xFFFFFF80  }
0x69: {  	_ =	swait.ge [sflag:s13], $0x80  }
0x6a: {  	[sflag:s13] =	ssyncset.done $0x0  }
0x6b: {  	[sflag:s13] =	ssyncadd.s32 $0xFFFFFF80  }
0x6c: {  	_ =	swait.ge [sflag:s13], $0x80  }
0x6d: {  	[sflag:s13] =	ssyncset.done $0x0  }
0x6e: {  	[sflag:s13] =	ssyncadd.s32 $0xFFFFFF80  }
0x6f: {  	_ =	swait.ge [sflag:s13], $0x80  }
0x70: {  	[sflag:s13] =	ssyncset.done $0x0  }
0x71: {  	[sflag:s13] =	ssyncadd.s32 $0xFFFFFF80  }
0x72: {  	_ =	swait.ge [sflag:s13], $0x80  }
0x73: {  	[sflag:s13] =	ssyncset.done $0x0  }
0x74: {  	[sflag:s13] =	ssyncadd.s32 $0xFFFFFF80  }
0x75: {  	_ =	swait.ge [sflag:s13], $0x80  }
0x76: {  	[sflag:s13] =	ssyncset.done $0x0  }
0x77: {  	[sflag:s13] =	ssyncadd.s32 $0xFFFFFF80  }
0x78: {  	_ =	swait.ge [sflag:s13], $0x80  }
0x79: {  	[sflag:s13] =	ssyncset.done $0x0  }
0x7a: {  	[sflag:s13] =	ssyncadd.s32 $0xFFFFFF80  }
0x7b: {  	s17 =	simm.s32 $0x10B00;
	[bflag:$0x0] =	sbarrier.arrive $0xFFFF  }
0x7c: {  	[tilespmem:s17], [sflag:$0x2] =	stream.indirect.gather [spmem:s5], $0x1, s24, s7, $0xb8;
	[tilespmem:$0x13FE0] =	vst v63  }
0x7d: {  	s18 =	simm.s32 $0x10B80  }
0x7e: {  	[tilespmem:s18], [sflag:$0x2] =	stream.indirect.gather [spmem:s5], $0x1, s25, s7, $0xb8;
	[tilespmem:$0x13FE0] =	vst v63  }
0x7f: {  	s16 =	simm.s32 $0x10C00  }
0x80: {  	[tilespmem:s16], [sflag:$0x2] =	stream.indirect.gather [spmem:s5], $0x1, s26, s7, $0xb8;
	[tilespmem:$0x13FE0] =	vst v63  }
0x81: {  	s18 =	simm.s32 $0x10C80  }
0x82: {  	[tilespmem:s18], [sflag:$0x2] =	stream.indirect.gather [spmem:s5], $0x1, s28, s7, $0xb8;
	[tilespmem:$0x13FE0] =	vst v63  }
0x83: {  	s16 =	simm.s32 $0x10D00  }
0x84: {  	[tilespmem:s16], [sflag:$0x2] =	stream.indirect.gather [spmem:s5], $0x1, s21, s7, $0xb8;
	[tilespmem:$0x13FE0] =	vst v63  }
0x85: {  	s18 =	simm.s32 $0x10D80  }
0x86: {  	[tilespmem:s18], [sflag:$0x2] =	stream.indirect.gather [spmem:s5], $0x1, s22, s7, $0xb8;
	[tilespmem:$0x13FE0] =	vst v63  }
0x87: {  	s16 =	simm.s32 $0x10E00  }
0x88: {  	[tilespmem:s16], [sflag:$0x2] =	stream.indirect.gather [spmem:s5], $0x1, s23, s7, $0xb8;
	[tilespmem:$0x13FE0] =	vst v63  }
0x89: {  	s18 =	simm.s32 $0x10E80  }
0x8a: {  	[tilespmem:s18], [sflag:$0x2] =	stream.indirect.gather [spmem:s5], $0x1, s12, s7, $0xb8;
	[tilespmem:$0x13FE0] =	vst v63  }
0x8b: {  	s18 =	rddreg [dreg:$0xa]  }
.LBB2_4:
0x8c: {  	_ =	swait.ge [sflag:s13], $0x80  }
0x8d: {  	[sflag:s13] =	ssyncset.done $0x0  }
0x8e: {  	[sflag:s13] =	ssyncadd.s32 $0xFFFFFF80  }
0x8f: {  	_ =	swait.ge [sflag:s13], $0x80  }
0x90: {  	[sflag:s13] =	ssyncset.done $0x0  }
0x91: {  	[sflag:s13] =	ssyncadd.s32 $0xFFFFFF80  }
0x92: {  	_ =	swait.ge [sflag:s13], $0x80  }
0x93: {  	[sflag:s13] =	ssyncset.done $0x0  }
0x94: {  	[sflag:s13] =	ssyncadd.s32 $0xFFFFFF80  }
0x95: {  	_ =	swait.ge [sflag:s13], $0x80  }
0x96: {  	[sflag:s13] =	ssyncset.done $0x0  }
0x97: {  	[sflag:s13] =	ssyncadd.s32 $0xFFFFFF80  }
0x98: {  	_ =	swait.ge [sflag:s13], $0x80  }
0x99: {  	[sflag:s13] =	ssyncset.done $0x0  }
0x9a: {  	[sflag:s13] =	ssyncadd.s32 $0xFFFFFF80  }
0x9b: {  	_ =	swait.ge [sflag:s13], $0x80  }
0x9c: {  	[sflag:s13] =	ssyncset.done $0x0  }
0x9d: {  	[sflag:s13] =	ssyncadd.s32 $0xFFFFFF80  }
0x9e: {  	_ =	swait.ge [sflag:s13], $0x80  }
0x9f: {  	[sflag:s13] =	ssyncset.done $0x0  }
0xa0: {  	[sflag:s13] =	ssyncadd.s32 $0xFFFFFF80  }
0xa1: {  	_ =	swait.ge [sflag:s13], $0x80  }
0xa2: {  	[sflag:s13] =	ssyncset.done $0x0  }
0xa3: {  	s18 =	sadd.s32 s18, s10;
	[sflag:s13] =	ssyncadd.s32 $0xFFFFFF80  }
0xa4: {  	[hbm4b:s18+s6] =	stream.linear.scatter [tilespmem:s17], [sflag:$0x3], $0x400, $0x38;
	[tilespmem:$0x13FE0] =	vst v63  }
0xa5: {  	_ =	swait.ge [sflag:s2], $0x400  }
0xa6: {  	[sflag:s2] =	ssyncset.done $0x0  }
0xa7: {  	[sflag:s2] =	ssyncadd.s32 $0xFFFFFC00  }
0xa8: {  	_ =	swait.ge [sflag:s14], $0x4000  }
0xa9: {  	[sflag:s14] =	ssyncset.done $0x0  }
0xaa: {  	[sflag:s14] =	ssyncadd.s32 $0xFFFFC000  }
0xab: {  	_ =	swait.ge [sflag:s14], $0x4000  }
0xac: {  	[sflag:s14] =	ssyncset.done $0x0  }
0xad: {  	[sflag:s14] =	ssyncadd.s32 $0xFFFFC000  }
0xae: {  	_ =	swait.ge [sflag:s14], $0x4000  }
0xaf: {  	[sflag:s14] =	ssyncset.done $0x0  }
0xb0: {  	[sflag:s14] =	ssyncadd.s32 $0xFFFFC000  }
0xb1: {  	s30 =	sadd.s32 $0xFFFFFFFF, s30;
	_ =	swait.ge [sflag:s14], $0x4000  }
0xb2: {  	p1 =	sne.s32 s30, $0x0;
	[sflag:s14] =	ssyncset.done $0x0  }
.Ltmp1:
0xb3: {  	[sflag:s14] =	ssyncadd.s32 $0xFFFFC000;
	(pc) =	sbr.rel @!p1 .LBB2_5-.Ltmp1, $4  }
0xb4: {  	[hbm4b:s29+s6] =	stream.linear.scatter [tilespmem:s20], [sflag:$0x3], $0x10000, $0x38;
	[tilespmem:$0x13FE0] =	vst v63  }
0xb5: {  	_ =	swait.ge [sflag:s2], $0x10000  }
0xb6: {  	[sflag:s2] =	ssyncset.done $0x0  }
0xb7: {  	[sflag:s2] =	ssyncadd.s32 $0xFFFF0000  }
.LBB2_1:
0xb8: {  	[tilespmem:s6], [sflag:$0x3] =	stream.linear.gather [hbm4b:s11+s6], $0x80, $0x38;
	[tilespmem:$0x13FE0] =	vst v63  }
0xb9: {  	_ =	swait.ge [sflag:s2], $0x80  }
0xba: {  	[sflag:s2] =	ssyncset.done $0x0  }
0xbb: {  	[sflag:s2] =	ssyncadd.s32 $0xFFFFFF80  }
0xbc: {  	[tilespmem:s7], [sflag:$0x3] =	stream.linear.gather [hbm4b:s31+s6], $0x80, $0x38;
	[tilespmem:$0x13FE0] =	vst v63  }
0xbd: {  	_ =	swait.ge [sflag:s2], $0x80  }
0xbe: {  	[sflag:s2] =	ssyncset.done $0x0  }
0xbf: {  	[sflag:s2] =	ssyncadd.s32 $0xFFFFFF80  }
0xc0: {  	[tilespmem:s8], [sflag:$0x3] =	stream.linear.gather [hbm4b:s1+s6], $0x80, $0x38;
	[tilespmem:$0x13FE0] =	vst v63  }
0xc1: {  	_ =	swait.ge [sflag:s2], $0x80  }
0xc2: {  	[sflag:s2] =	ssyncset.done $0x0  }
0xc3: {  	[sflag:s2] =	ssyncadd.s32 $0xFFFFFF80  }
0xc4: {  	[tilespmem:s9], [sflag:$0x3] =	stream.linear.gather [hbm4b:s3+s6], $0x80, $0x38;
	[tilespmem:$0x13FE0] =	vst v63  }
0xc5: {  	_ =	swait.ge [sflag:s2], $0x80  }
0xc6: {  	[sflag:s2] =	ssyncset.done $0x0  }
0xc7: {  	[sflag:s2] =	ssyncadd.s32 $0xFFFFFF80  }
0xc8: {  	[tilespmem:s20], [sflag:$0x1] =	stream.indirect.gather [hbm4b:s0+s7], $0x80, s6, s7, $0xb8;
	[tilespmem:$0x13FE0] =	vst v63  }
0xc9: {  	s17 =	simm.s32 $0x4200  }
0xca: {  	[tilespmem:s17], [sflag:$0x1] =	stream.indirect.gather [hbm4b:s0+s7], $0x80, s7, s7, $0xb8;
	[tilespmem:$0x13FE0] =	vst v63  }
0xcb: {  	s15 =	simm.s32 $0x8200  }
0xcc: {  	[tilespmem:s15], [sflag:$0x1] =	stream.indirect.gather [hbm4b:s0+s7], $0x80, s8, s7, $0xb8;
	[tilespmem:$0x13FE0] =	vst v63  }
0xcd: {  	s16 =	simm.s32 $0xC200  }
0xce: {  	[tilespmem:s16], [sflag:$0x1] =	stream.indirect.gather [hbm4b:s0+s7], $0x80, s9, s7, $0xb8;
	[tilespmem:$0x13FE0] =	vst v63  }
0xcf: {  	s18 =	rddreg [dreg:$0xb]  }
0xd0: {  	[tilespmem:s24], [sflag:$0x3] =	stream.linear.gather [hbm4b:s18+s6], $0x80, $0x38;
	[tilespmem:$0x13FE0] =	vst v63  }
0xd1: {  	_ =	swait.ge [sflag:s2], $0x80  }
0xd2: {  	[sflag:s2] =	ssyncset.done $0x0  }
0xd3: {  	s15 =	rddreg [dreg:$0xc];
	[sflag:s2] =	ssyncadd.s32 $0xFFFFFF80  }
0xd4: {  	[tilespmem:s25], [sflag:$0x3] =	stream.linear.gather [hbm4b:s15+s6], $0x80, $0x38;
	[tilespmem:$0x13FE0] =	vst v63  }
0xd5: {  	_ =	swait.ge [sflag:s2], $0x80  }
0xd6: {  	[sflag:s2] =	ssyncset.done $0x0  }
0xd7: {  	s16 =	rddreg [dreg:$0xd];
	[sflag:s2] =	ssyncadd.s32 $0xFFFFFF80  }
0xd8: {  	[tilespmem:s26], [sflag:$0x3] =	stream.linear.gather [hbm4b:s16+s6], $0x80, $0x38;
	[tilespmem:$0x13FE0] =	vst v63  }
0xd9: {  	_ =	swait.ge [sflag:s2], $0x80  }
0xda: {  	[sflag:s2] =	ssyncset.done $0x0  }
0xdb: {  	s18 =	rddreg [dreg:$0xe];
	[sflag:s2] =	ssyncadd.s32 $0xFFFFFF80  }
0xdc: {  	[tilespmem:s28], [sflag:$0x3] =	stream.linear.gather [hbm4b:s18+s6], $0x80, $0x38;
	[tilespmem:$0x13FE0] =	vst v63  }
0xdd: {  	_ =	swait.ge [sflag:s2], $0x80  }
0xde: {  	[sflag:s2] =	ssyncset.done $0x0  }
0xdf: {  	s15 =	rddreg [dreg:$0xf];
	[sflag:s2] =	ssyncadd.s32 $0xFFFFFF80  }
0xe0: {  	[tilespmem:s21], [sflag:$0x3] =	stream.linear.gather [hbm4b:s15+s6], $0x80, $0x38;
	[tilespmem:$0x13FE0] =	vst v63  }
0xe1: {  	_ =	swait.ge [sflag:s2], $0x80  }
0xe2: {  	[sflag:s2] =	ssyncset.done $0x0  }
0xe3: {  	s16 =	rddreg [dreg:$0x10];
	[sflag:s2] =	ssyncadd.s32 $0xFFFFFF80  }
0xe4: {  	[tilespmem:s22], [sflag:$0x3] =	stream.linear.gather [hbm4b:s16+s6], $0x80, $0x38;
	[tilespmem:$0x13FE0] =	vst v63  }
0xe5: {  	_ =	swait.ge [sflag:s2], $0x80  }
0xe6: {  	[sflag:s2] =	ssyncset.done $0x0  }
0xe7: {  	s18 =	rddreg [dreg:$0x11];
	[sflag:s2] =	ssyncadd.s32 $0xFFFFFF80  }
0xe8: {  	[tilespmem:s23], [sflag:$0x3] =	stream.linear.gather [hbm4b:s18+s6], $0x80, $0x38;
	[tilespmem:$0x13FE0] =	vst v63  }
0xe9: {  	_ =	swait.ge [sflag:s2], $0x80  }
0xea: {  	[sflag:s2] =	ssyncset.done $0x0  }
.Ltmp2:
0xeb: {  	[sflag:s2] =	ssyncadd.s32 $0xFFFFFF80;
	(pc) =	sbr.rel @p0 .LBB2_3-.Ltmp2, $4  }
0xec: {  	[tilespmem:s12], [sflag:$0x3] =	stream.linear.gather [hbm4b:s19+s6], $0x80, $0x38;
	[tilespmem:$0x13FE0] =	vst v63  }
0xed: {  	_ =	swait.ge [sflag:s2], $0x80  }
0xee: {  	[sflag:s2] =	ssyncset.done $0x0  }
0xef: {  	[sflag:s2] =	ssyncadd.s32 $0xFFFFFF80  }
0xf0: {  	s17 =	simm.s32 $0x10600;
	s18 =	rddreg [dreg:$0x19]  }
0xf1: {  	[tilespmem:s17], [sflag:$0x3] =	stream.linear.gather [hbm4b:s18+s6], $0x80, $0x38;
	[tilespmem:$0x13FE0] =	vst v63  }
0xf2: {  	_ =	swait.ge [sflag:s2], $0x80  }
0xf3: {  	[sflag:s2] =	ssyncset.done $0x0  }
0xf4: {  	s8 =	simm.s32 $0x10680;
	s24 =	rddreg [dreg:$0x12];
	[sflag:s2] =	ssyncadd.s32 $0xFFFFFF80  }
0xf5: {  	[tilespmem:s8], [sflag:$0x3] =	stream.linear.gather [hbm4b:s24+s6], $0x80, $0x38;
	[tilespmem:$0x13FE0] =	vst v63  }
0xf6: {  	_ =	swait.ge [sflag:s2], $0x80  }
0xf7: {  	[sflag:s2] =	ssyncset.done $0x0  }
0xf8: {  	s9 =	simm.s32 $0x10700;
	s25 =	rddreg [dreg:$0x13];
	[sflag:s2] =	ssyncadd.s32 $0xFFFFFF80  }
0xf9: {  	[tilespmem:s9], [sflag:$0x3] =	stream.linear.gather [hbm4b:s25+s6], $0x80, $0x38;
	[tilespmem:$0x13FE0] =	vst v63  }
0xfa: {  	_ =	swait.ge [sflag:s2], $0x80  }
0xfb: {  	[sflag:s2] =	ssyncset.done $0x0  }
0xfc: {  	s20 =	simm.s32 $0x10780;
	s26 =	rddreg [dreg:$0x14];
	[sflag:s2] =	ssyncadd.s32 $0xFFFFFF80  }
0xfd: {  	[tilespmem:s20], [sflag:$0x3] =	stream.linear.gather [hbm4b:s26+s6], $0x80, $0x38;
	[tilespmem:$0x13FE0] =	vst v63  }
0xfe: {  	_ =	swait.ge [sflag:s2], $0x80  }
0xff: {  	[sflag:s2] =	ssyncset.done $0x0  }
0x100: {  	s24 =	simm.s32 $0x10800;
	s12 =	rddreg [dreg:$0x15];
	[sflag:s2] =	ssyncadd.s32 $0xFFFFFF80  }
0x101: {  	[tilespmem:s24], [sflag:$0x3] =	stream.linear.gather [hbm4b:s12+s6], $0x80, $0x38;
	[tilespmem:$0x13FE0] =	vst v63  }
0x102: {  	_ =	swait.ge [sflag:s2], $0x80  }
0x103: {  	[sflag:s2] =	ssyncset.done $0x0  }
0x104: {  	s28 =	simm.s32 $0x10880;
	s15 =	rddreg [dreg:$0x16];
	[sflag:s2] =	ssyncadd.s32 $0xFFFFFF80  }
0x105: {  	[tilespmem:s28], [sflag:$0x3] =	stream.linear.gather [hbm4b:s15+s6], $0x80, $0x38;
	[tilespmem:$0x13FE0] =	vst v63  }
0x106: {  	_ =	swait.ge [sflag:s2], $0x80  }
0x107: {  	[sflag:s2] =	ssyncset.done $0x0  }
0x108: {  	s23 =	simm.s32 $0x10900;
	s16 =	rddreg [dreg:$0x17];
	[sflag:s2] =	ssyncadd.s32 $0xFFFFFF80  }
0x109: {  	[tilespmem:s23], [sflag:$0x3] =	stream.linear.gather [hbm4b:s16+s6], $0x80, $0x38;
	[tilespmem:$0x13FE0] =	vst v63  }
0x10a: {  	_ =	swait.ge [sflag:s2], $0x80  }
0x10b: {  	[sflag:s2] =	ssyncset.done $0x0  }
0x10c: {  	s16 =	simm.s32 $0x10980;
	s18 =	rddreg [dreg:$0x18];
	[sflag:s2] =	ssyncadd.s32 $0xFFFFFF80  }
0x10d: {  	[tilespmem:s16], [sflag:$0x3] =	stream.linear.gather [hbm4b:s18+s6], $0x80, $0x38;
	[tilespmem:$0x13FE0] =	vst v63  }
0x10e: {  	_ =	swait.ge [sflag:s2], $0x80  }
0x10f: {  	[sflag:s2] =	ssyncset.done $0x0  }
0x110: {  	s25 =	simm.s32 $0x10200;
	[sflag:s2] =	ssyncadd.s32 $0xFFFFFF80  }
0x111: {  	[spmem:s4] =	stream.indirect.scatter [tilespmem:s17], [sflag:$0x2], $0x1, s25, s7, $0xb8;
	[tilespmem:$0x13FE0] =	vst v63  }
0x112: {  	s26 =	simm.s32 $0x10280  }
0x113: {  	[spmem:s4] =	stream.indirect.scatter [tilespmem:s8], [sflag:$0x2], $0x1, s26, s7, $0xb8;
	[tilespmem:$0x13FE0] =	vst v63  }
0x114: {  	s26 =	simm.s32 $0x10300  }
0x115: {  	[spmem:s4] =	stream.indirect.scatter [tilespmem:s9], [sflag:$0x2], $0x1, s26, s7, $0xb8;
	[tilespmem:$0x13FE0] =	vst v63  }
0x116: {  	s21 =	simm.s32 $0x10380  }
0x117: {  	[spmem:s4] =	stream.indirect.scatter [tilespmem:s20], [sflag:$0x2], $0x1, s21, s7, $0xb8;
	[tilespmem:$0x13FE0] =	vst v63  }
0x118: {  	s22 =	simm.s32 $0x10400  }
0x119: {  	[spmem:s4] =	stream.indirect.scatter [tilespmem:s24], [sflag:$0x2], $0x1, s22, s7, $0xb8;
	[tilespmem:$0x13FE0] =	vst v63  }
0x11a: {  	s22 =	simm.s32 $0x10480  }
0x11b: {  	[spmem:s4] =	stream.indirect.scatter [tilespmem:s28], [sflag:$0x2], $0x1, s22, s7, $0xb8;
	[tilespmem:$0x13FE0] =	vst v63  }
0x11c: {  	s12 =	simm.s32 $0x10500  }
0x11d: {  	[spmem:s4] =	stream.indirect.scatter [tilespmem:s23], [sflag:$0x2], $0x1, s12, s7, $0xb8;
	[tilespmem:$0x13FE0] =	vst v63  }
0x11e: {  	s15 =	simm.s32 $0x10580  }
0x11f: {  	[spmem:s4] =	stream.indirect.scatter [tilespmem:s16], [sflag:$0x2], $0x1, s15, s7, $0xb8;
	[tilespmem:$0x13FE0] =	vst v63  }
0x120: {  	_ =	swait.ge [sflag:s13], $0x80  }
0x121: {  	[sflag:s13] =	ssyncset.done $0x0  }
0x122: {  	[sflag:s13] =	ssyncadd.s32 $0xFFFFFF80  }
0x123: {  	_ =	swait.ge [sflag:s13], $0x80  }
0x124: {  	[sflag:s13] =	ssyncset.done $0x0  }
0x125: {  	[sflag:s13] =	ssyncadd.s32 $0xFFFFFF80  }
0x126: {  	_ =	swait.ge [sflag:s13], $0x80  }
0x127: {  	[sflag:s13] =	ssyncset.done $0x0  }
0x128: {  	[sflag:s13] =	ssyncadd.s32 $0xFFFFFF80  }
0x129: {  	_ =	swait.ge [sflag:s13], $0x80  }
0x12a: {  	[sflag:s13] =	ssyncset.done $0x0  }
0x12b: {  	[sflag:s13] =	ssyncadd.s32 $0xFFFFFF80  }
0x12c: {  	_ =	swait.ge [sflag:s13], $0x80  }
0x12d: {  	[sflag:s13] =	ssyncset.done $0x0  }
0x12e: {  	[sflag:s13] =	ssyncadd.s32 $0xFFFFFF80  }
0x12f: {  	_ =	swait.ge [sflag:s13], $0x80  }
0x130: {  	[sflag:s13] =	ssyncset.done $0x0  }
0x131: {  	[sflag:s13] =	ssyncadd.s32 $0xFFFFFF80  }
0x132: {  	_ =	swait.ge [sflag:s13], $0x80  }
0x133: {  	[sflag:s13] =	ssyncset.done $0x0  }
0x134: {  	[sflag:s13] =	ssyncadd.s32 $0xFFFFFF80  }
0x135: {  	_ =	swait.ge [sflag:s13], $0x80  }
0x136: {  	[sflag:s13] =	ssyncset.done $0x0  }
0x137: {  	[sflag:s13] =	ssyncadd.s32 $0xFFFFFF80  }
0x138: {  	[bflag:$0x0] =	sbarrier.arrive $0xFFFF  }
0x139: {  	[bflag:$0x0] =	sbarrier.arrive $0xFFFF  }
0x13a: {  	[tilespmem:s17], [sflag:$0x2] =	stream.indirect.gather [spmem:s4], $0x1, s25, s7, $0xb8;
	[tilespmem:$0x13FE0] =	vst v63  }
0x13b: {  	s25 =	simm.s32 $0x10280  }
0x13c: {  	[tilespmem:s8], [sflag:$0x2] =	stream.indirect.gather [spmem:s4], $0x1, s25, s7, $0xb8;
	[tilespmem:$0x13FE0] =	vst v63  }
0x13d: {  	_ = 	snop  }
0x13e: {  	[tilespmem:s9], [sflag:$0x2] =	stream.indirect.gather [spmem:s4], $0x1, s26, s7, $0xb8;
	[tilespmem:$0x13FE0] =	vst v63  }
0x13f: {  	_ = 	snop  }
0x140: {  	[tilespmem:s20], [sflag:$0x2] =	stream.indirect.gather [spmem:s4], $0x1, s21, s7, $0xb8;
	[tilespmem:$0x13FE0] =	vst v63  }
0x141: {  	s21 =	simm.s32 $0x10400  }
0x142: {  	[tilespmem:s24], [sflag:$0x2] =	stream.indirect.gather [spmem:s4], $0x1, s21, s7, $0xb8;
	[tilespmem:$0x13FE0] =	vst v63  }
0x143: {  	_ = 	snop  }
0x144: {  	[tilespmem:s28], [sflag:$0x2] =	stream.indirect.gather [spmem:s4], $0x1, s22, s7, $0xb8;
	[tilespmem:$0x13FE0] =	vst v63  }
.Ltmp3:
0x145: {  	s18 =	rddreg [dreg:$0x9];
	s8 =	simm.s32 $0x100;
	(pc) =	sbr.rel .LBB2_4-.Ltmp3, $4  }
0x146: {  	s9 =	simm.s32 $0x180;
	s20 =	simm.s32 $0x200;
	s24 =	simm.s32 $0x10200  }
0x147: {  	[tilespmem:s23], [sflag:$0x2] =	stream.indirect.gather [spmem:s4], $0x1, s12, s7, $0xb8;
	[tilespmem:$0x13FE0] =	vst v63  }
0x148: {  	s28 =	simm.s32 $0x10380;
	s12 =	simm.s32 $0x10580;
	s23 =	simm.s32 $0x10500  }
0x149: {  	[tilespmem:s16], [sflag:$0x2] =	stream.indirect.gather [spmem:s4], $0x1, s12, s7, $0xb8;
	[tilespmem:$0x13FE0] =	vst v63  }
.LBB2_5:
0x14a: {  	_ =	sfence.sel $0x180000  }
0x14b: {  	[bflag:$0x0] =	sbarrier.arrive $0xFFFF  }
0x14c: {  	_ =	strace $0x90000047  }
0x14d: {  	s0 =	stileid.u32;
	[bflag:$0x2] =	sbarrier.arrive $0xFFFF  }
0x14e: {  	p0 =	sne.s32 s0, $0x0;
	s0 =	rddreg [dreg:$0x7]  }
0x14f: {  	s0 =	sadd.s32 @!p0 $0x100000, s0  }
0x150: {  	[sflag:s0] =	ssyncadd.tile.s32 @!p0 $0x1;
	_ =	shalt  }
.Lfunc_end2:
_tile_overlayer_lowered:
.L_overlay_start_2:
0x151: {  	(tag) =	ssettag $0x2  }
0x152: {  	s0 =	rddreg [dreg:$0x0];
	s2 =	stileid.u32  }
0x153: {  	s1 =	rddreg [dreg:$0x1];
	p0 =	sne.s32 s2, $0x0  }
0x154: {  	s3 =	rddreg [dreg:$0x2];
	[bflag:$0x3] =	sbarrier.arrive $0xFFFF;
	s2 =	simm.s32 @!p0 $0x1C03  }
0x155: {  	[timem:s3], [sflag:s2] =	dma.local @!p0 [hbm:s0], s1  }
0x156: {  	s0 =	simm.s32 @!p0 $0x3  }
0x157: {  	_ =	swait.ge @!p0 [sflag:s0], s1  }
0x158: {  	s1 =	ssub.s32 @!p0 $0x0, s1;
	[sflag:s0] =	ssyncset.done @!p0 $0x0  }
0x159: {  	[sflag:s0] =	ssyncadd.s32 @!p0 s1  }
0x15a: {  	[bflag:$0x3] =	sbarrier.arrive $0xFFFF  }
0x15b: {  	_ =	shalt  }

// kernel: kernel.9.cloned.1.call-start
scs
__scs_entry_jumppad:
0x0: {  	(pc) =	sbr.rel $0x88, $3  }
0x1: {  	(tag) =	ssettag $0x0;
	lr =	simm.s32 $0x1  }
0x2: {  	[smem:$0x3F9E] =	sst lr;
	_ =	strace $0xD0000000  }
0x3: {  	_ = 	snop  }
0x4: {  	_ = 	snop  }
0x5: {  	_ = 	snop  }
0x6: {  	_ = 	snop  }
0x7: {  	_ = 	snop  }
__scs_overlays_trampoline_lowered:
0x8: {  	[smem:$0x3FAD] =	sst s0  }
0x9: {  	[smem:$0x3FAE] =	sst s1  }
0xa: {  	[smem:$0x3FAF] =	sst s2  }
0xb: {  	[smem:$0x3FB0] =	sst s3  }
0xc: {  	[smem:$0x3FB1] =	sst s4  }
0xd: {  	[smem:$0x3FB2] =	sst s5  }
0xe: {  	[smem:$0x3FB3] =	sst s6  }
0xf: {  	[smem:$0x3FB4] =	sst s7  }
0x10: {  	[smem:$0x3FB5] =	sst s8  }
0x11: {  	[smem:$0x3FB6] =	sst s9;
	s0 =	simm.s32 @!p0 $0x0  }
0x12: {  	s1 =	sld [smem:$0x3F9C];
	s0 =	simm.s32 @p0 $0x1  }
0x13: {  	[smem:$0x3FB7] =	sst s0;
	s0 =	simm.s32 @!p1 $0x0  }
0x14: {  	s2 =	sld [smem:$0x3F9B];
	s0 =	simm.s32 @p1 $0x1  }
0x15: {  	[smem:$0x3FB8] =	sst s0;
	s0 =	simm.s32 @!p2 $0x0  }
0x16: {  	s3 =	sld [smem:$0x3FDB];
	s0 =	simm.s32 @p2 $0x1  }
0x17: {  	s4 =	simm.s32 $0x1BF5;
	[smem:$0x3FBA] =	sst s0  }
0x18: {  	s0 =	sld [smem:$0x3F9D];
	_ =	swait.ge [sflag:s4], $0x0  }
0x19: {  	s7 =	sld [smem:$0x3F9E]  }
0x1a: {  	s8 =	sadd.s32 $0xFFFFE003, lr  }
0x1b: {  	s9 =	sadd.s32 $0xFFFFFEF7, lr;
	s5 =	simm.s32 $0xFFFFFFFF;
	p2 =	slt.u32 s8, $0xFFFFF086  }
0x1c: {  	p1 =	slt.u32 s9, $0xF7A;
	s5 =	simm.s32 @!p2 $0x0  }
0x1d: {  	s5 =	simm.s32 @p1 $0x1;
	p0 =	seq.s32 s7, s2  }
0x1e: {  	s7 =	smul.u32 @!p0 $0xF7A, s2;
	p2 =	seq.s32 @!p0 s5, $0x0  }
0x1f: {  	s9 =	smul.u32 $0xF7A, s1;
	s8 =	simm.s32 @!p0 $0x1BF5;
	p2 =	por !p2, p0  }
0x20: {  	[sflag:s8] =	ssyncset.s32 @!p0 $0xFFFFF086;
	s6 =	sadd.s32 @!p0 s3, s7;
	s7 =	simm.s32 @!p0 $0x108  }
0x21: {  	s3 =	sadd.s32 s3, s9;
	s6 =	sadd.s32 @!p0 $0x88, s6;
	s7 =	simm.s32 @p2 $0x1082  }
0x22: {  	[simem:s7], [sflag:s8] =	dma.local @!p0 [hbm:s6], $0xF7A  }
0x23: {  	s9 =	sor.u32 $0xD0000000, s2;
	s6 =	simm.s32 $0x108;
	_ =	swait.ge @!p0 [sflag:s8], $0x0  }
0x24: {  	s3 =	sadd.s32 $0x88, s3;
	s6 =	simm.s32 @!p1 $0x1082;
	[sflag:s4] =	ssyncset.s32 $0xFFFFF086  }
0x25: {  	[simem:s6], [sflag:s4] =	dma.local [hbm:s3], $0xF7A  }
0x26: {  	[smem:$0x3F9E] =	sst s1;
	(tag) =	ssettag s2;
	_ =	strace s9  }
0x27: {  	s1 =	sld [smem:$0x3FAE]  }
0x28: {  	s2 =	sld [smem:$0x3FAF]  }
0x29: {  	s4 =	sld [smem:$0x3FB1]  }
0x2a: {  	p0 =	seq.s32 s5, $0x0;
	s5 =	sld [smem:$0x3FB2]  }
0x2b: {  	s6 =	sld [smem:$0x3FB3]  }
0x2c: {  	s7 =	sld [smem:$0x3FB4]  }
0x2d: {  	s3 =	simm.s32 $0x108;
	s8 =	sld [smem:$0x3FB5]  }
0x2e: {  	s3 =	simm.s32 @!p0 $0x1082;
	s9 =	sld [smem:$0x3FB6]  }
0x2f: {  	lr =	sadd.s32 s0, s3;
	s0 =	sld [smem:$0x3FAD]  }
0x30: {  	s3 =	sld [smem:$0x3FB0]  }
0x31: {  	[smem:$0x3FB9] =	sst s10  }
0x32: {  	s10 =	sld [smem:$0x3FB7];
	_ =	sdelay $0x3  }
0x33: {  	p0 =	seq.s32 s10, $0x1;
	s10 =	sld [smem:$0x3FB9];
	_ =	sdelay $0x3  }
0x34: {  	[smem:$0x3FB9] =	sst s10  }
0x35: {  	s10 =	sld [smem:$0x3FB8];
	_ =	sdelay $0x3  }
0x36: {  	p1 =	seq.s32 s10, $0x1;
	s10 =	sld [smem:$0x3FB9];
	_ =	sdelay $0x3  }
0x37: {  	[smem:$0x3FB9] =	sst s10  }
0x38: {  	s10 =	sld [smem:$0x3FBA]  }
0x39: {  	_ = 	snop;
	(pc) =	sbr.ind lr, $3  }
0x3a: {  	_ = 	snop  }
0x3b: {  	_ = 	snop  }
0x3c: {  	p2 =	seq.s32 s10, $0x1;
	s10 =	sld [smem:$0x3FB9]  }
0x3d: {  	_ =	shalt  }
0x3e: {  	_ =	shalt  }
0x3f: {  	_ =	shalt  }
0x40: {  	_ =	shalt  }
0x41: {  	_ =	shalt  }
0x42: {  	_ =	shalt  }
0x43: {  	_ =	shalt  }
0x44: {  	_ =	shalt  }
0x45: {  	_ =	shalt  }
0x46: {  	_ =	shalt  }
0x47: {  	_ =	shalt  }
0x48: {  	_ =	shalt  }
0x49: {  	_ =	shalt  }
0x4a: {  	_ =	shalt  }
0x4b: {  	_ =	shalt  }
0x4c: {  	_ =	shalt  }
0x4d: {  	_ =	shalt  }
0x4e: {  	_ =	shalt  }
0x4f: {  	_ =	shalt  }
0x50: {  	_ =	shalt  }
0x51: {  	_ =	shalt  }
0x52: {  	_ =	shalt  }
0x53: {  	_ =	shalt  }
0x54: {  	_ =	shalt  }
0x55: {  	_ =	shalt  }
0x56: {  	_ =	shalt  }
0x57: {  	_ =	shalt  }
0x58: {  	_ =	shalt  }
0x59: {  	_ =	shalt  }
0x5a: {  	_ =	shalt  }
0x5b: {  	_ =	shalt  }
0x5c: {  	_ =	shalt  }
0x5d: {  	_ =	shalt  }
0x5e: {  	_ =	shalt  }
0x5f: {  	_ =	shalt  }
0x60: {  	_ =	shalt  }
0x61: {  	_ =	shalt  }
0x62: {  	_ =	shalt  }
0x63: {  	_ =	shalt  }
0x64: {  	_ =	shalt  }
0x65: {  	_ =	shalt  }
0x66: {  	_ =	shalt  }
0x67: {  	_ =	shalt  }
0x68: {  	_ =	shalt  }
0x69: {  	_ =	shalt  }
0x6a: {  	_ =	shalt  }
0x6b: {  	_ =	shalt  }
0x6c: {  	_ =	shalt  }
0x6d: {  	_ =	shalt  }
0x6e: {  	_ =	shalt  }
0x6f: {  	_ =	shalt  }
0x70: {  	_ =	shalt  }
0x71: {  	_ =	shalt  }
0x72: {  	_ =	shalt  }
0x73: {  	_ =	shalt  }
0x74: {  	_ =	shalt  }
0x75: {  	_ =	shalt  }
0x76: {  	_ =	shalt  }
0x77: {  	_ =	shalt  }
0x78: {  	_ =	shalt  }
0x79: {  	_ =	shalt  }
0x7a: {  	_ =	shalt  }
0x7b: {  	_ =	shalt  }
0x7c: {  	_ =	shalt  }
0x7d: {  	_ =	shalt  }
0x7e: {  	_ =	shalt  }
0x7f: {  	_ =	shalt  }
0x80: {  	_ =	shalt  }
0x81: {  	_ =	shalt  }
0x82: {  	_ =	shalt  }
0x83: {  	_ =	shalt  }
0x84: {  	_ =	shalt  }
0x85: {  	_ =	shalt  }
0x86: {  	_ =	shalt  }
0x87: {  	_ =	shalt  }
.Lfunc_end0:
.L_simem_size_0:
called_computation.1_lowered:
.L_overlay_start_0:
0x88: {  	s2 =	sld [smem:$0x3FD9]  }
0x89: {  	s3 =	sld [smem:$0x3FFE];
	_ =	sdelay $0x1  }
0x8a: {  	s1 =	srdreg.scid  }
0x8b: {  	s0 =	sand.u32 $0x1, s1  }
0x8c: {  	s16 =	sshll.u32 s0, $0xA;
	s2 =	sadd.s32 s3, s2  }
0x8d: {  	s2 =	sadd.s32 s2, s16  }
0x8e: {  	[smem:$0x3FC5] =	sst s2  }
0x8f: {  	_ = 	snop  }
0x90: {  	(tm) =	ssettm $0x1  }
0x91: {  	s17 =	sld [smem:$0x3FFB];
	_ =	sdelay $0x3  }
0x92: {  	_ =	strace s17  }
0x93: {  	s2 =	sld [smem:$0x3FFC];
	_ =	sdelay $0x3  }
0x94: {  	_ =	strace s2  }
0x95: {  	s2 =	sld [smem:$0x3FFD];
	_ =	sdelay $0x3  }
0x96: {  	_ =	strace s2  }
0x97: {  	_ =	strace $0x8FFFFFFF  }
0x98: {  	s18 =	sld [smem:$0x3FDB];
	_ =	sdelay $0x1  }
0x99: {  	s19 =	simm.s32 $_scs_section_size  }
0x9a: {  	s4 =	simm.s32 $_size__tile_overlayer_lowered;
	s5 =	simm.s32 $_tile_overlayer_lowered  }
0x9b: {  	s22 =	simm.s32 $0x1BFF;
	s21 =	sshll.u32 s5, $0x1;
	s2 =	sadd.s32 s19, s18  }
0x9c: {  	s6 =	simm.s32 $0x0;
	s20 =	sshll.u32 s4, $0x1;
	s4 =	sadd.s32 s21, s2  }
0x9d: {  	[timem:s6], [sflag:s22] =	dma.local [hbm:s4], s20  }
0x9e: {  	_ =	swait.ge [sflag:s22], s20  }
0x9f: {  	s3 =	ssub.s32 $0x0, s20;
	[sflag:s22] =	ssyncset.done $0x0  }
0xa0: {  	[sflag:s22] =	ssyncadd.s32 s3;
	_ =	sdelay $0x1  }
0xa1: {  	s23 =	simm.s32 $0x1B8B  }
0xa2: {  	_ =	swait.ge [sflag:s23], $0x1  }
0xa3: {  	[sflag:s23] =	ssyncset.done $0x0  }
0xa4: {  	s25 =	simm.s32 $0x1B8E;
	s24 =	sld [smem:$0x3FFE];
	[sflag:s23] =	ssyncadd.s32 $0xFFFFFFFF  }
0xa5: {  	s26 =	simm.s32 $execute0_lowered;
	[smem:$0x3FD2] =	sst s25  }
0xa6: {  	s4 =	sshll.u32 s26, $0x1;
	_ =	strace $0x80000049;
	[dreg:$0x1] =	wrdreg $0xFFFFFFFF  }
0xa7: {  	s28 =	simm.s32 $_size_execute0_lowered;
	s2 =	sadd.s32 s2, s4;
	[dreg:$0x0] =	wrdreg $0x0  }
0xa8: {  	s4 =	sshll.u32 s28, $0x1;
	[dreg:$0x2] =	wrdreg s2  }
0xa9: {  	[dreg:$0x3] =	wrdreg s4  }
0xaa: {  	[dreg:$0x4] =	wrdreg $0xC0  }
0xab: {  	_ =	task [dreg:s6], $0x5FFFF  }
0xac: {  	[dreg:$0x1] =	wrdreg $0xFFFFFFFF  }
0xad: {  	[dreg:$0x0] =	wrdreg $0x60  }
0xae: {  	[dreg:$0x2] =	wrdreg s24  }
0xaf: {  	[dreg:$0x3] =	wrdreg $0xC8000  }
0xb0: {  	[dreg:$0x4] =	wrdreg $0x9  }
0xb1: {  	_ =	task.clear_ibuf [dreg:s6], $0x5FFFF;
	_ =	strace $0x90000049  }
0xb2: {  	s29 =	simm.s32 $0x9;
	_ =	strace $0x8000004B  }
0xb3: {  	_ =	swait.ge [sflag:s29], $0x1  }
0xb4: {  	[sflag:s29] =	ssyncadd.s32 $0xFFFFFFFF  }
0xb5: {  	_ =	strace $0x9000004B  }
0xb6: {  	_ =	sfence  }
0xb7: {  	s30 =	sld [smem:$0x0];
	_ =	sdelay $0x2  }
0xb8: {  	s31 =	sshll.u32 s1, $0xD;
	s1 =	sshrl.u32 s1, $0x2  }
0xb9: {  	s3 =	sand.u32 $0x4000, s31;
	s1 =	sadd.s32 s1, s30  }
0xba: {  	s0 =	sor.u32 s3, s0;
	s1 =	sshll.u32 s1, $0x11  }
0xbb: {  	s0 =	sor.u32 s1, s0  }
0xbc: {  	s0 =	sadd.s32 $0x8F2B, s0  }
0xbd: {  	[sflag:s0] =	ssyncadd.remote.s32 $0x1  }
0xbe: {  	_ =	sfence.sel $0xFFFF  }
0xbf: {  	[dreg:$0x0] =	wrdreg $0xFFFFFFFF;
	(pc) =	sbr.abs _section_cstart, $3  }
0xc0: {  	[dreg:$0x1] =	wrdreg $0xFFFFFFFF  }
0xc1: {  	_ =	task.clear_ibuf [dreg:s6], $0x2FFFF;
	_ =	strace $0x9FFFFFFF  }
0xc2: {  	(tm) =	ssettm $0x7FFFFFFF  }
0xc3: {  	_ =	shalt  }
tec
execute0_lowered:
.L_overlay_start_1:
0x0: {  	(tag) =	ssettag $0x1  }
0x1: {  	s0 =	rddreg [dreg:$0x0]  }
0x2: {  	s1 =	rddreg [dreg:$0x1];
	s2 =	simm.s32 $0x0  }
0x3: {  	s5 =	srdreg.scid;
	s22 =	stileid.u32;
	s28 =	simm.s32 $0x800  }
0x4: {  	s29 =	simm.s32 $0x4;
	s30 =	simm.s32 $0x80;
	s31 =	simm.s32 $0x1  }
0x5: {  	[smem:$0x7FF] =	sst s2;
	s3 =	sadd.s32 $0x42E00, s0;
	s4 =	sadd.s32 $0x42600, s0  }
0x6: {  	s6 =	sadd.s32 $0x1C00, s0;
	s5 =	sand.u32 $0x1, s5;
	s8 =	sshll.u32 s22, $0xA  }
0x7: {  	s14 =	sshll.u32 s22, $0x7;
	_ =	strace $0x8000004A;
	[dreg:$0x3] =	wrdreg s6  }
0x8: {  	s12 =	sshll.u32 s5, $0x11;
	s7 =	ssub.s32 $0x2, s5;
	s9 =	sor.u32 $0x80, s8  }
0x9: {  	s16 =	sor.u32 $0x100, s8;
	s17 =	sor.u32 $0x180, s8;
	s18 =	sor.u32 $0x200, s8  }
0xa: {  	s19 =	sor.u32 $0x280, s8;
	s20 =	sor.u32 $0x300, s8;
	s8 =	sor.u32 $0x380, s8  }
0xb: {  	s0 =	sadd.s32 s12, s0;
	s13 =	sshrl.u32 s7, $0x1;
	s10 =	sshrl.u32 s9, $0x3  }
0xc: {  	s21 =	sshrl.u32 s16, $0x3;
	s23 =	sshrl.u32 s17, $0x3;
	s11 =	sshrl.u32 s18, $0x3  }
0xd: {  	s25 =	sshrl.u32 s19, $0x3;
	s26 =	sshrl.u32 s20, $0x3;
	s12 =	sshrl.u32 s8, $0x3  }
0xe: {  	s16 =	sshll.u32 s16, $0x4;
	s6 =	ssub.s32 s7, s13;
	s7 =	sadd.s32 s4, s14  }
0xf: {  	s15 =	sadd.s32 s4, s10;
	s10 =	sadd.s32 s4, s21;
	s24 =	sadd.s32 s4, s11  }
0x10: {  	s11 =	sadd.s32 s4, s26;
	s12 =	sadd.s32 s4, s12;
	s13 =	sshll.u32 s22, $0xE  }
0x11: {  	s14 =	sshll.u32 s9, $0x4;
	s16 =	sadd.s32 s3, s16;
	[dreg:$0x4] =	wrdreg s7  }
0x12: {  	s21 =	sshll.u32 s17, $0x4;
	s26 =	sshll.u32 s8, $0x4;
	[dreg:$0x5] =	wrdreg s15  }
0x13: {  	s8 =	sshll.u32 s22, $0xD;
	s9 =	sshll.u32 s5, $0xD;
	[dreg:$0x6] =	wrdreg s10  }
0x14: {  	s5 =	simm.s32 $0x3;
	s10 =	sadd.s32 s4, s23;
	[dreg:$0x8] =	wrdreg s24  }
0x15: {  	s13 =	sadd.s32 s3, s13;
	s15 =	sshll.u32 s22, $0x10;
	s14 =	sadd.s32 s3, s14  }
0x16: {  	s23 =	sshll.u32 s18, $0x4;
	s17 =	sadd.s32 s3, s21;
	s24 =	sshll.u32 s19, $0x4  }
0x17: {  	s21 =	sadd.s32 s3, s26;
	s0 =	sadd.s32 s8, s0;
	[dreg:$0x7] =	wrdreg s10  }
0x18: {  	s10 =	sadd.s32 s4, s25;
	s15 =	sadd.s32 s15, s1;
	s18 =	sadd.s32 s3, s23  }
0x19: {  	v0 =	vlaneseq.u32;
	s19 =	sadd.s32 s3, s24;
	s25 =	sshll.u32 s20, $0x4;
	s23 =	sadd.s32 $0x82E00, s0  }
0x1a: {  	v1 =	vmul.u32 $0x8, v0;
	s24 =	smax.u32 s6, $0x1;
	s0 =	simm.s32 $0x4800;
	s4 =	simm.s32 $0x2  }
0x1b: {  	s6 =	simm.s32 $0x0;
	s20 =	sadd.s32 s3, s25;
	s22 =	sadd.s32 $0x4000, s15  }
0x1c: {  	v1 =	vor.u32 $0x2000, v1;
	v0 =	vmov s9;
	s25 =	sadd.s32 $0x8000, s15;
	s26 =	sadd.s32 $0xC000, s15;
	s3 =	simm.s32 $0x8800  }
.LBB2_1:
0x1d: {  	s7 =	rddreg [dreg:$0x3]  }
0x1e: {  	[tilespmem:s28], [sflag:$0x1] =	stream.linear.gather [hbm4b:s7+s2], $0x4000, $0x38;
	[tilespmem:$0x1CC00] =	vst v63  }
0x1f: {  	s9 =	rddreg [dreg:$0x4]  }
0x20: {  	[tilespmem:s2], [sflag:$0x4] =	stream.linear.gather [hbm4b:s9+s2], $0x80, $0x38;
	[tilespmem:$0x1CC00] =	vst v63  }
0x21: {  	_ =	swait.ge [sflag:s29], $0x80  }
0x22: {  	[sflag:s29] =	ssyncset.done $0x0  }
0x23: {  	s8 =	rddreg [dreg:$0x5];
	[sflag:s29] =	ssyncadd.s32 $0xFFFFFF80  }
0x24: {  	[tilespmem:s30], [sflag:$0x4] =	stream.linear.gather [hbm4b:s8+s2], $0x80, $0x38;
	[tilespmem:$0x1CC00] =	vst v63  }
0x25: {  	_ =	swait.ge [sflag:s29], $0x80  }
0x26: {  	[sflag:s29] =	ssyncset.done $0x0  }
0x27: {  	s8 =	simm.s32 $0x100;
	s9 =	rddreg [dreg:$0x6];
	[sflag:s29] =	ssyncadd.s32 $0xFFFFFF80  }
0x28: {  	[tilespmem:s8], [sflag:$0x4] =	stream.linear.gather [hbm4b:s9+s2], $0x80, $0x38;
	[tilespmem:$0x1CC00] =	vst v63  }
0x29: {  	_ =	swait.ge [sflag:s29], $0x80  }
0x2a: {  	[sflag:s29] =	ssyncset.done $0x0  }
0x2b: {  	s9 =	simm.s32 $0x180;
	s8 =	rddreg [dreg:$0x7];
	[sflag:s29] =	ssyncadd.s32 $0xFFFFFF80  }
0x2c: {  	[tilespmem:s9], [sflag:$0x4] =	stream.linear.gather [hbm4b:s8+s2], $0x80, $0x38;
	[tilespmem:$0x1CC00] =	vst v63  }
0x2d: {  	_ =	swait.ge [sflag:s29], $0x80  }
0x2e: {  	[sflag:s29] =	ssyncset.done $0x0  }
0x2f: {  	s9 =	simm.s32 $0x200;
	s8 =	rddreg [dreg:$0x8];
	[sflag:s29] =	ssyncadd.s32 $0xFFFFFF80  }
0x30: {  	[tilespmem:s9], [sflag:$0x4] =	stream.linear.gather [hbm4b:s8+s2], $0x80, $0x38;
	[tilespmem:$0x1CC00] =	vst v63  }
0x31: {  	_ =	swait.ge [sflag:s29], $0x80  }
0x32: {  	[sflag:s29] =	ssyncset.done $0x0  }
0x33: {  	s9 =	simm.s32 $0x280;
	[sflag:s29] =	ssyncadd.s32 $0xFFFFFF80  }
0x34: {  	[tilespmem:s9], [sflag:$0x4] =	stream.linear.gather [hbm4b:s10+s2], $0x80, $0x38;
	[tilespmem:$0x1CC00] =	vst v63  }
0x35: {  	_ =	swait.ge [sflag:s29], $0x80  }
0x36: {  	[sflag:s29] =	ssyncset.done $0x0  }
0x37: {  	s8 =	simm.s32 $0x300;
	[sflag:s29] =	ssyncadd.s32 $0xFFFFFF80  }
0x38: {  	[tilespmem:s8], [sflag:$0x4] =	stream.linear.gather [hbm4b:s11+s2], $0x80, $0x38;
	[tilespmem:$0x1CC00] =	vst v63  }
0x39: {  	_ =	swait.ge [sflag:s29], $0x80  }
0x3a: {  	[sflag:s29] =	ssyncset.done $0x0  }
0x3b: {  	s9 =	simm.s32 $0x380;
	[sflag:s29] =	ssyncadd.s32 $0xFFFFFF80  }
0x3c: {  	[tilespmem:s9], [sflag:$0x4] =	stream.linear.gather [hbm4b:s12+s2], $0x80, $0x38;
	[tilespmem:$0x1CC00] =	vst v63  }
0x3d: {  	_ =	swait.ge [sflag:s29], $0x80  }
0x3e: {  	[sflag:s29] =	ssyncset.done $0x0  }
0x3f: {  	s8 =	simm.s32 $0x0;
	[sflag:s29] =	ssyncadd.s32 $0xFFFFFF80  }
0x40: {  	v2 =	vld [tilespmem:s8+$0x70]  }
0x41: {  	v4 =	vld [tilespmem:s8+$0x0]  }
0x42: {  	v8 =	vld [tilespmem:s8+$0x10]  }
0x43: {  	v6 =	vld [tilespmem:s8+$0x20]  }
0x44: {  	v5 =	vld [tilespmem:s8+$0x30]  }
0x45: {  	v3 =	vld [tilespmem:s8+$0x40];
	v9 =	vsub.s32 v2, v0  }
0x46: {  	v7 =	vsub.s32 v4, v0;
	v2 =	vld [tilespmem:s8+$0x50];
	vm1 =	vlt.u32 v9, $0x2000  }
0x47: {  	s7 =	simm.s32 $0x80;
	s9 =	simm.s32 $0x400;
	v8 =	vsub.s32 v8, v0;
	v4 =	vld [tilespmem:s8+$0x60];
	vm0 =	vlt.u32 v7, $0x2000;
	v9 =	vsel vm1, v9, v1  }
.LBB2_2:
0x48: {  	p0 =	sne.s32 s9, $0xE00;
	v10 =	vld [tilespmem:s7+$0x70];
	v7 =	vsel vm0, v7, v1;
	vm0 =	vlt.u32 v8, $0x2000;
	v6 =	vsub.s32 v6, v0;
	[tilespmem:s8+$0x470] =	vst v9  }
0x49: {  	v9 =	vld [tilespmem:s7+$0x0];
	[tilespmem:s8+$0x400] =	vst v7;
	v7 =	vsel vm0, v8, v1;
	vm0 =	vlt.u32 v6, $0x2000;
	v5 =	vsub.s32 v5, v0  }
0x4a: {  	v8 =	vld [tilespmem:s7+$0x10];
	[tilespmem:s8+$0x410] =	vst v7;
	v7 =	vsel vm0, v6, v1;
	vm0 =	vlt.u32 v5, $0x2000;
	v3 =	vsub.s32 v3, v0  }
.Ltmp0:
0x4b: {  	v6 =	vld [tilespmem:s7+$0x20];
	[tilespmem:s8+$0x420] =	vst v7;
	v7 =	vsel vm0, v5, v1;
	vm0 =	vlt.u32 v3, $0x2000;
	v2 =	vsub.s32 v2, v0;
	(pc) =	sbr.rel @p0 .LBB2_2-.Ltmp0, $4  }
0x4c: {  	v5 =	vld [tilespmem:s7+$0x30];
	[tilespmem:s8+$0x430] =	vst v7;
	v7 =	vsel vm0, v3, v1;
	vm0 =	vlt.u32 v2, $0x2000;
	v4 =	vsub.s32 v4, v0  }
0x4d: {  	v3 =	vld [tilespmem:s7+$0x40];
	v10 =	vsub.s32 v10, v0;
	[tilespmem:s8+$0x440] =	vst v7;
	v11 =	vsel vm0, v2, v1;
	vm0 =	vlt.u32 v4, $0x2000  }
0x4e: {  	v7 =	vsub.s32 v9, v0;
	v2 =	vld [tilespmem:s7+$0x50];
	vm1 =	vlt.u32 v10, $0x2000;
	[tilespmem:s8+$0x450] =	vst v11;
	v11 =	vsel vm0, v4, v1  }
0x4f: {  	vm0 =	vlt.u32 v7, $0x2000;
	v8 =	vsub.s32 v8, v0;
	v4 =	vld [tilespmem:s7+$0x60];
	v9 =	vsel vm1, v10, v1;
	[tilespmem:s8+$0x460] =	vst v11;
	s8 =	smov.u32 s7;
	s7 =	sshra.s32 s9, $0x2;
	s9 =	sadd.s32 $0x200, s9  }
0x50: {  	v10 =	vld [tilespmem:s7+$0x70];
	[tilespmem:s8+$0x470] =	vst v9;
	v7 =	vsel vm0, v7, v1;
	vm15 =	vlt.u32 v8, $0x2000;
	v6 =	vsub.s32 v6, v0  }
0x51: {  	v9 =	vld [tilespmem:s7+$0x0];
	[tilespmem:s8+$0x400] =	vst v7;
	v60 =	vsel vm15, v8, v1;
	vm4 =	vlt.u32 v6, $0x2000;
	v5 =	vsub.s32 v5, v0  }
0x52: {  	v61 =	vld [tilespmem:s7+$0x10];
	[tilespmem:s8+$0x410] =	vst v60;
	v6 =	vsel vm4, v6, v1;
	vm5 =	vlt.u32 v5, $0x2000;
	v3 =	vsub.s32 v3, v0  }
0x53: {  	v7 =	vld [tilespmem:s7+$0x20];
	[tilespmem:s8+$0x420] =	vst v6;
	v5 =	vsel vm5, v5, v1;
	vm6 =	vlt.u32 v3, $0x2000  }
0x54: {  	v2 =	vsub.s32 v2, v0;
	v6 =	vld [tilespmem:s7+$0x30];
	[tilespmem:s8+$0x430] =	vst v5;
	v3 =	vsel vm6, v3, v1  }
0x55: {  	vm7 =	vlt.u32 v2, $0x2000;
	v5 =	vld [tilespmem:s7+$0x40];
	[tilespmem:s8+$0x440] =	vst v3;
	v3 =	vsub.s32 v4, v0  }
0x56: {  	v2 =	vsel vm7, v2, v1;
	v10 =	vsub.s32 v10, v0;
	vm8 =	vlt.u32 v3, $0x2000  }
0x57: {  	v62 =	vld [tilespmem:s7+$0x50];
	[tilespmem:s8+$0x450] =	vst v2;
	v2 =	vsub.s32 v9, v0;
	vm1 =	vlt.u32 v10, $0x2000;
	v3 =	vsel vm8, v3, v1  }
0x58: {  	v63 =	vld [tilespmem:s7+$0x60];
	vm9 =	vlt.u32 v2, $0x2000;
	v8 =	vsub.s32 v61, v0;
	v10 =	vsel vm1, v10, v1;
	[tilespmem:s8+$0x460] =	vst v3  }
0x59: {  	v2 =	vsel vm9, v2, v1;
	vm10 =	vlt.u32 v8, $0x2000;
	v3 =	vsub.s32 v7, v0;
	[tilespmem:s7+$0x470] =	vst v10  }
0x5a: {  	[tilespmem:s7+$0x400] =	vst v2;
	v2 =	vsel vm10, v8, v1;
	vm11 =	vlt.u32 v3, $0x2000;
	v6 =	vsub.s32 v6, v0  }
0x5b: {  	[tilespmem:s7+$0x410] =	vst v2;
	v2 =	vsel vm11, v3, v1;
	vm12 =	vlt.u32 v6, $0x2000;
	v3 =	vsub.s32 v5, v0  }
0x5c: {  	[tilespmem:s7+$0x420] =	vst v2;
	v2 =	vsel vm12, v6, v1;
	vm13 =	vlt.u32 v3, $0x2000;
	v4 =	vsub.s32 v62, v0  }
0x5d: {  	[tilespmem:s7+$0x430] =	vst v2;
	v2 =	vsel vm13, v3, v1;
	vm14 =	vlt.u32 v4, $0x2000;
	v3 =	vsub.s32 v63, v0  }
0x5e: {  	[tilespmem:s7+$0x440] =	vst v2;
	v2 =	vsel vm14, v4, v1;
	vm15 =	vlt.u32 v3, $0x2000  }
0x5f: {  	[tilespmem:s7+$0x450] =	vst v2;
	v2 =	vsel vm15, v3, v1  }
0x60: {  	[tilespmem:s7+$0x460] =	vst v2  }
0x61: {  	_ =	swait.ge [sflag:s31], $0x4000  }
0x62: {  	[sflag:s31] =	ssyncset.done $0x0  }
0x63: {  	[sflag:s31] =	ssyncadd.s32 $0xFFFFC000  }
0x64: {  	[tilespmem:s0], [sflag:$0x2] =	stream.linear.gather [hbm4b:s13+s2], $0x4000, $0x38;
	[tilespmem:$0x1CC00] =	vst v63  }
0x65: {  	_ = 	snop  }
0x66: {  	[tilespmem:s3], [sflag:$0x2] =	stream.linear.gather [hbm4b:s14+s2], $0x4000, $0x38;
	[tilespmem:$0x1CC00] =	vst v63  }
0x67: {  	_ = 	snop  }
0x68: {  	[spmem:s15] =	stream.linear.scatter [tilespmem:s28], [sflag:$0x1], $0x4000, $0x38;
	[tilespmem:$0x1CC00] =	vst v63  }
0x69: {  	_ = 	snop  }
0x6a: {  	[spmem:s22] =	stream.linear.scatter [tilespmem:s28], [sflag:$0x1], $0x4000, $0x38;
	[tilespmem:$0x1CC00] =	vst v63  }
0x6b: {  	_ = 	snop  }
0x6c: {  	[spmem:s25] =	stream.linear.scatter [tilespmem:s28], [sflag:$0x1], $0x4000, $0x38;
	[tilespmem:$0x1CC00] =	vst v63  }
0x6d: {  	_ = 	snop  }
0x6e: {  	[spmem:s26] =	stream.linear.scatter [tilespmem:s28], [sflag:$0x1], $0x4000, $0x38;
	[tilespmem:$0x1CC00] =	vst v63  }
0x6f: {  	_ =	swait.ge [sflag:s31], $0x4000  }
0x70: {  	[sflag:s31] =	ssyncset.done $0x0  }
0x71: {  	[sflag:s31] =	ssyncadd.s32 $0xFFFFC000  }
0x72: {  	_ =	swait.ge [sflag:s31], $0x4000  }
0x73: {  	[sflag:s31] =	ssyncset.done $0x0  }
0x74: {  	[sflag:s31] =	ssyncadd.s32 $0xFFFFC000  }
0x75: {  	_ =	swait.ge [sflag:s31], $0x4000  }
0x76: {  	[sflag:s31] =	ssyncset.done $0x0  }
0x77: {  	[sflag:s31] =	ssyncadd.s32 $0xFFFFC000  }
0x78: {  	_ =	swait.ge [sflag:s31], $0x4000  }
0x79: {  	[sflag:s31] =	ssyncset.done $0x0  }
0x7a: {  	[sflag:s31] =	ssyncadd.s32 $0xFFFFC000  }
0x7b: {  	[bflag:$0x0] =	sbarrier.arrive $0xFFFF  }
0x7c: {  	_ =	swait.ge [sflag:s4], $0x4000  }
0x7d: {  	[sflag:s4] =	ssyncset.done $0x0  }
0x7e: {  	s8 =	simm.s32 $0x400;
	[sflag:s4] =	ssyncadd.s32 $0xFFFFC000  }
0x7f: {  	[spmem:s1] =	stream.indirect.scatter.add.f32 [tilespmem:s0], [sflag:$0x3], $0x80, s8, s30, $0xb8;
	[tilespmem:$0x1CC00] =	vst v63  }
0x80: {  	_ =	swait.ge [sflag:s5], $0x4000  }
0x81: {  	[sflag:s5] =	ssyncset.done $0x0  }
0x82: {  	[sflag:s5] =	ssyncadd.s32 $0xFFFFC000  }
0x83: {  	[tilespmem:s0], [sflag:$0x2] =	stream.linear.gather [hbm4b:s16+s2], $0x4000, $0x38;
	[tilespmem:$0x1CC00] =	vst v63  }
0x84: {  	_ =	swait.ge [sflag:s4], $0x4000  }
0x85: {  	[sflag:s4] =	ssyncset.done $0x0  }
0x86: {  	s9 =	simm.s32 $0x480;
	[sflag:s4] =	ssyncadd.s32 $0xFFFFC000  }
0x87: {  	[spmem:s1] =	stream.indirect.scatter.add.f32 [tilespmem:s3], [sflag:$0x3], $0x80, s9, s30, $0xb8;
	[tilespmem:$0x1CC00] =	vst v63  }
0x88: {  	_ =	swait.ge [sflag:s5], $0x4000  }
0x89: {  	[sflag:s5] =	ssyncset.done $0x0  }
0x8a: {  	[sflag:s5] =	ssyncadd.s32 $0xFFFFC000  }
0x8b: {  	[tilespmem:s3], [sflag:$0x2] =	stream.linear.gather [hbm4b:s17+s2], $0x4000, $0x38;
	[tilespmem:$0x1CC00] =	vst v63  }
0x8c: {  	_ =	swait.ge [sflag:s4], $0x4000  }
0x8d: {  	[sflag:s4] =	ssyncset.done $0x0  }
0x8e: {  	s8 =	simm.s32 $0x500;
	[sflag:s4] =	ssyncadd.s32 $0xFFFFC000  }
0x8f: {  	[spmem:s1] =	stream.indirect.scatter.add.f32 [tilespmem:s0], [sflag:$0x3], $0x80, s8, s30, $0xb8;
	[tilespmem:$0x1CC00] =	vst v63  }
0x90: {  	_ =	swait.ge [sflag:s5], $0x4000  }
0x91: {  	[sflag:s5] =	ssyncset.done $0x0  }
0x92: {  	[sflag:s5] =	ssyncadd.s32 $0xFFFFC000  }
0x93: {  	[tilespmem:s0], [sflag:$0x2] =	stream.linear.gather [hbm4b:s18+s2], $0x4000, $0x38;
	[tilespmem:$0x1CC00] =	vst v63  }
0x94: {  	_ =	swait.ge [sflag:s4], $0x4000  }
0x95: {  	[sflag:s4] =	ssyncset.done $0x0  }
0x96: {  	s9 =	simm.s32 $0x580;
	[sflag:s4] =	ssyncadd.s32 $0xFFFFC000  }
0x97: {  	[spmem:s1] =	stream.indirect.scatter.add.f32 [tilespmem:s3], [sflag:$0x3], $0x80, s9, s30, $0xb8;
	[tilespmem:$0x1CC00] =	vst v63  }
0x98: {  	_ =	swait.ge [sflag:s5], $0x4000  }
0x99: {  	[sflag:s5] =	ssyncset.done $0x0  }
0x9a: {  	[sflag:s5] =	ssyncadd.s32 $0xFFFFC000  }
0x9b: {  	[tilespmem:s3], [sflag:$0x2] =	stream.linear.gather [hbm4b:s19+s2], $0x4000, $0x38;
	[tilespmem:$0x1CC00] =	vst v63  }
0x9c: {  	_ =	swait.ge [sflag:s4], $0x4000  }
0x9d: {  	[sflag:s4] =	ssyncset.done $0x0  }
0x9e: {  	s8 =	simm.s32 $0x600;
	[sflag:s4] =	ssyncadd.s32 $0xFFFFC000  }
0x9f: {  	[spmem:s1] =	stream.indirect.scatter.add.f32 [tilespmem:s0], [sflag:$0x3], $0x80, s8, s30, $0xb8;
	[tilespmem:$0x1CC00] =	vst v63  }
0xa0: {  	_ =	swait.ge [sflag:s5], $0x4000  }
0xa1: {  	[sflag:s5] =	ssyncset.done $0x0  }
0xa2: {  	[sflag:s5] =	ssyncadd.s32 $0xFFFFC000  }
0xa3: {  	[tilespmem:s0], [sflag:$0x2] =	stream.linear.gather [hbm4b:s20+s2], $0x4000, $0x38;
	[tilespmem:$0x1CC00] =	vst v63  }
0xa4: {  	_ =	swait.ge [sflag:s4], $0x4000  }
0xa5: {  	[sflag:s4] =	ssyncset.done $0x0  }
0xa6: {  	s9 =	simm.s32 $0x680;
	[sflag:s4] =	ssyncadd.s32 $0xFFFFC000  }
0xa7: {  	[spmem:s1] =	stream.indirect.scatter.add.f32 [tilespmem:s3], [sflag:$0x3], $0x80, s9, s30, $0xb8;
	[tilespmem:$0x1CC00] =	vst v63  }
0xa8: {  	_ =	swait.ge [sflag:s5], $0x4000  }
0xa9: {  	[sflag:s5] =	ssyncset.done $0x0  }
0xaa: {  	[sflag:s5] =	ssyncadd.s32 $0xFFFFC000  }
0xab: {  	[tilespmem:s3], [sflag:$0x2] =	stream.linear.gather [hbm4b:s21+s2], $0x4000, $0x38;
	[tilespmem:$0x1CC00] =	vst v63  }
0xac: {  	_ =	swait.ge [sflag:s4], $0x4000  }
0xad: {  	[sflag:s4] =	ssyncset.done $0x0  }
0xae: {  	s8 =	simm.s32 $0x700;
	[sflag:s4] =	ssyncadd.s32 $0xFFFFC000  }
0xaf: {  	[spmem:s1] =	stream.indirect.scatter.add.f32 [tilespmem:s0], [sflag:$0x3], $0x80, s8, s30, $0xb8;
	[tilespmem:$0x1CC00] =	vst v63  }
0xb0: {  	_ =	swait.ge [sflag:s4], $0x4000  }
0xb1: {  	[sflag:s4] =	ssyncset.done $0x0  }
0xb2: {  	s9 =	simm.s32 $0x780;
	[sflag:s4] =	ssyncadd.s32 $0xFFFFC000  }
0xb3: {  	[spmem:s1] =	stream.indirect.scatter.add.f32 [tilespmem:s3], [sflag:$0x3], $0x80, s9, s30, $0xb8;
	[tilespmem:$0x1CC00] =	vst v63  }
0xb4: {  	_ =	swait.ge [sflag:s5], $0x4000  }
0xb5: {  	[sflag:s5] =	ssyncset.done $0x0  }
0xb6: {  	[sflag:s5] =	ssyncadd.s32 $0xFFFFC000  }
0xb7: {  	s8 =	stileid.u32;
	_ =	swait.ge [sflag:s5], $0x4000  }
0xb8: {  	s6 =	sadd.s32 $0x1, s6;
	s7 =	sshll.u32 s8, $0x6;
	[sflag:s5] =	ssyncset.done $0x0  }
0xb9: {  	p0 =	sne.s32 s6, s24;
	s7 =	sor.u32 $0x1C04, s7;
	[sflag:s5] =	ssyncadd.s32 $0xFFFFC000  }
.Ltmp1:
0xba: {  	s9 =	sshrl.u32 s15, $0x3;
	[bflag:$0x0] =	sbarrier.arrive $0xFFFF;
	(pc) =	sbr.rel @p0 .LBB2_1-.Ltmp1, $4  }
0xbb: {  	[hbm:s23], [sflag:s7] =	dma.local [spmem:s9], $0x2000  }
0xbc: {  	_ =	swait.ge [sflag:s29], $0x2000  }
0xbd: {  	[sflag:s29] =	ssyncset.done $0x0  }
0xbe: {  	[sflag:s29] =	ssyncadd.s32 $0xFFFFE000  }
0xbf: {  	_ =	sfence.sel $0x180000  }
0xc0: {  	[bflag:$0x0] =	sbarrier.arrive $0xFFFF  }
0xc1: {  	_ =	strace $0x9000004A  }
0xc2: {  	s0 =	stileid.u32;
	[bflag:$0x2] =	sbarrier.arrive $0xFFFF  }
0xc3: {  	p0 =	sne.s32 s0, $0x0;
	s0 =	rddreg [dreg:$0x2]  }
0xc4: {  	s0 =	sadd.s32 @!p0 $0x100000, s0  }
0xc5: {  	[sflag:s0] =	ssyncadd.tile.s32 @!p0 $0x1;
	_ =	shalt  }
.Lfunc_end2:
_tile_overlayer_lowered:
.L_overlay_start_2:
0xc6: {  	(tag) =	ssettag $0x2  }
0xc7: {  	s0 =	rddreg [dreg:$0x0];
	s2 =	stileid.u32  }
0xc8: {  	s1 =	rddreg [dreg:$0x1];
	p0 =	sne.s32 s2, $0x0  }
0xc9: {  	s3 =	rddreg [dreg:$0x2];
	[bflag:$0x3] =	sbarrier.arrive $0xFFFF;
	s2 =	simm.s32 @!p0 $0x1C04  }
0xca: {  	[timem:s3], [sflag:s2] =	dma.local @!p0 [hbm:s0], s1  }
0xcb: {  	s0 =	simm.s32 @!p0 $0x4  }
0xcc: {  	_ =	swait.ge @!p0 [sflag:s0], s1  }
0xcd: {  	s1 =	ssub.s32 @!p0 $0x0, s1;
	[sflag:s0] =	ssyncset.done @!p0 $0x0  }
0xce: {  	[sflag:s0] =	ssyncadd.s32 @!p0 s1  }
0xcf: {  	[bflag:$0x3] =	sbarrier.arrive $0xFFFF  }
0xd0: {  	_ =	shalt  }

</sc_bundles>
